<compile_context>
chip_gen: v7x
topology: tpu7x:2x2x1
jax: 0.10.2.dev20260603
libtpu: 0.0.44.dev20260713+nightly
codegen_flags: <defaults>
</compile_context>

<pallas_src>
import functools

import jax
import jax.numpy as jnp
from jax import lax
from jax.experimental import pallas as pl
from jax.experimental.pallas import tpu as pltpu
from jax.experimental.pallas import tpu_sc as plsc

N = 10000
E = 320000
H = 128
C = 10
G = 128
BN_EPS = 1e-5

NC = 2
NS = 16
NW = NC * NS

CHUNK = 128
TOTAL_CHUNKS = E // CHUNK
MAIN_ITERS = TOTAL_CHUNKS // NW
TAIL_CHUNKS = TOTAL_CHUNKS - MAIN_ITERS * NW
ROWS_PER_TILE = 624
TAIL_ROWS = N - NS * ROWS_PER_TILE


UNROLL = 3
RING = 3
DPRE = 2


def _segsum_body(h_hbm, src_hbm, dst_hbm, zeros_hbm,
                 out_hbm, src_v, dst_v, rows_v, acc_sh,
                 g_sems, s_sems, si_sems, di_sems, z_sem):
    cid = lax.axis_index("c")
    sid = lax.axis_index("s")
    wid = sid * NC + cid

    def fire_src(i, q):
        base = (wid * MAIN_ITERS + i) * CHUNK
        pltpu.async_copy(src_hbm.at[pl.ds(base, CHUNK)], src_v.at[q],
                         si_sems.at[q])

    def wait_src(i, q):
        base = (wid * MAIN_ITERS + i) * CHUNK
        pltpu.make_async_copy(src_hbm.at[pl.ds(base, CHUNK)], src_v.at[q],
                              si_sems.at[q]).wait()

    def fire_dst(i, q):
        base = (wid * MAIN_ITERS + i) * CHUNK
        pltpu.async_copy(dst_hbm.at[pl.ds(base, CHUNK)], dst_v.at[q],
                         di_sems.at[q])

    def wait_dst(i, q):
        base = (wid * MAIN_ITERS + i) * CHUNK
        pltpu.make_async_copy(dst_hbm.at[pl.ds(base, CHUNK)], dst_v.at[q],
                              di_sems.at[q]).wait()

    def fire_gather(b, q):
        pltpu.async_copy(h_hbm.at[src_v.at[q]], rows_v.at[b], g_sems.at[b])

    def wait_gather(b, q):
        pltpu.make_async_copy(h_hbm.at[src_v.at[q]], rows_v.at[b],
                              g_sems.at[b]).wait()

    def fire_scatter(b, q):
        pltpu.async_copy(rows_v.at[b], acc_sh.at[dst_v.at[q]], s_sems.at[b],
                         add=True)

    def wait_scatter(b, q):
        pltpu.make_async_copy(rows_v.at[b], acc_sh.at[dst_v.at[q]],
                              s_sems.at[b]).wait()

    for q in range(DPRE):
        fire_src(q, q)
        fire_dst(q, q)

    row0 = sid * ROWS_PER_TILE
    pltpu.async_copy(zeros_hbm.at[pl.ds(row0, ROWS_PER_TILE)],
                     acc_sh.at[pl.ds(row0, ROWS_PER_TILE)], z_sem)

    @pl.when(sid == NS - 1)
    def _():
        pltpu.sync_copy(zeros_hbm.at[pl.ds(NS * ROWS_PER_TILE, TAIL_ROWS)],
                        acc_sh.at[pl.ds(NS * ROWS_PER_TILE, TAIL_ROWS)])

    wait_src(0, 0)
    fire_gather(0, 0)
    pltpu.make_async_copy(zeros_hbm.at[pl.ds(row0, ROWS_PER_TILE)],
                          acc_sh.at[pl.ds(row0, ROWS_PER_TILE)], z_sem).wait()
    plsc.subcore_barrier()

    def body(it, _):
        for k in range(UNROLL):
            i = it * UNROLL + k
            nk = (k + 1) % RING

            if k == 0:
                @pl.when(it > 0)
                def _():
                    wait_scatter((k - 1) % RING, (k - 1) % RING)
            else:
                wait_scatter(k - 1, k - 1)

            @pl.when(i + DPRE < MAIN_ITERS)
            def _():
                fire_src(i + DPRE, (k + DPRE) % RING)
                fire_dst(i + DPRE, (k + DPRE) % RING)

            @pl.when(i + 1 < MAIN_ITERS)
            def _():
                wait_src(i + 1, nk)
                fire_gather(nk, nk)

            wait_gather(k, k)
            wait_dst(i, k)
            fire_scatter(k, k)
        return ()

    lax.fori_loop(0, MAIN_ITERS // UNROLL, body, (), unroll=False)
    wait_scatter((MAIN_ITERS - 1) % RING, (MAIN_ITERS - 1) % RING)

    @pl.when(wid < TAIL_CHUNKS)
    def _():
        base = (MAIN_ITERS * NW + wid) * CHUNK
        pltpu.sync_copy(src_hbm.at[pl.ds(base, CHUNK)], src_v.at[0])
        pltpu.sync_copy(dst_hbm.at[pl.ds(base, CHUNK)], dst_v.at[0])
        pltpu.async_copy(h_hbm.at[src_v.at[0]], rows_v.at[0], g_sems.at[0]).wait()
        pltpu.sync_copy(rows_v.at[0], acc_sh.at[dst_v.at[0]], add=True)

    plsc.subcore_barrier()

    pltpu.sync_copy(acc_sh.at[pl.ds(row0, ROWS_PER_TILE)],
                    out_hbm.at[cid].at[pl.ds(row0, ROWS_PER_TILE)])

    @pl.when(sid == NS - 1)
    def _():
        pltpu.sync_copy(acc_sh.at[pl.ds(NS * ROWS_PER_TILE, TAIL_ROWS)],
                        out_hbm.at[cid].at[pl.ds(NS * ROWS_PER_TILE, TAIL_ROWS)])


@functools.cache
def _get_segsum():
    return functools.partial(
        pl.kernel,
        out_type=jax.ShapeDtypeStruct((NC, N, H), jnp.float32),
        mesh=plsc.VectorSubcoreMesh(core_axis_name="c", subcore_axis_name="s",
                                    num_cores=NC, num_subcores=NS),
        scratch_types=[
            pltpu.VMEM((RING, CHUNK), jnp.int32),
            pltpu.VMEM((RING, CHUNK), jnp.int32),
            pltpu.VMEM((RING, CHUNK, H), jnp.float32),
            pltpu.VMEM_SHARED((N, H), jnp.float32),
            pltpu.SemaphoreType.DMA((RING,)),
            pltpu.SemaphoreType.DMA((RING,)),
            pltpu.SemaphoreType.DMA((RING,)),
            pltpu.SemaphoreType.DMA((RING,)),
            pltpu.SemaphoreType.DMA,
        ],
    )(_segsum_body)


def _bn(z, g, b):
    m = jnp.mean(z, axis=0, keepdims=True)
    v = jnp.mean((z - m) * (z - m), axis=0, keepdims=True)
    return (z - m) * lax.rsqrt(v + BN_EPS) * g + b


def _dense_body(h_ref, a_ref, eps_ref, w1_ref, b1_ref, w2_ref, b2_ref,
                g1_ref, be1_ref, g2_ref, be2_ref, out_ref):
    h = h_ref[...]
    aggr = a_ref[0] + a_ref[1]
    z = (1.0 + eps_ref[0, 0]) * h + aggr
    z = jnp.maximum(
        jnp.dot(z, w1_ref[...], preferred_element_type=jnp.float32)
        + b1_ref[...], 0.0)
    z = jnp.maximum(
        jnp.dot(z, w2_ref[...], preferred_element_type=jnp.float32)
        + b2_ref[...], 0.0)
    z = _bn(z, g1_ref[...], be1_ref[...])
    z = _bn(z, g2_ref[...], be2_ref[...])
    out_ref[...] = z


_dense = pl.pallas_call(
    _dense_body,
    out_shape=jax.ShapeDtypeStruct((N, H), jnp.float32),
)


def _dense_head_body(h_ref, a_ref, eps_ref, w1_ref, b1_ref, w2_ref, b2_ref,
                     g1_ref, be1_ref, g2_ref, be2_ref, batch_ref,
                     l1w_ref, l1b_ref, l2w_ref, l2b_ref, out_ref):
    h = h_ref[...]
    aggr = a_ref[0] + a_ref[1]
    z = (1.0 + eps_ref[0, 0]) * h + aggr
    z = jnp.maximum(
        jnp.dot(z, w1_ref[...], preferred_element_type=jnp.float32)
        + b1_ref[...], 0.0)
    z = jnp.maximum(
        jnp.dot(z, w2_ref[...], preferred_element_type=jnp.float32)
        + b2_ref[...], 0.0)
    z = _bn(z, g1_ref[...], be1_ref[...])
    h3 = _bn(z, g2_ref[...], be2_ref[...])

    b = batch_ref[...]
    gids = lax.broadcasted_iota(jnp.int32, (N, G), 1)
    onehot = jnp.where(b == gids, 1.0, 0.0)
    sums = lax.dot_general(onehot, h3, (((0,), (0,)), ((), ())),
                           preferred_element_type=jnp.float32)
    counts = jnp.sum(onehot, axis=0)[:, None]
    pooled = sums / jnp.maximum(counts, 1.0)
    z = jnp.maximum(
        jnp.dot(pooled, l1w_ref[...], preferred_element_type=jnp.float32)
        + l1b_ref[...], 0.0)
    z = (jnp.dot(z, l2w_ref[...], preferred_element_type=jnp.float32)
         + l2b_ref[...])
    m = jnp.max(z, axis=-1, keepdims=True)
    lse = jnp.log(jnp.sum(jnp.exp(z - m), axis=-1, keepdims=True))
    out_ref[...] = z - m - lse


_dense_head = pl.pallas_call(
    _dense_head_body,
    out_shape=jax.ShapeDtypeStruct((G, C), jnp.float32),
)


def kernel(x, edge_index, batch, params):
    src = edge_index[0].astype(jnp.int32)
    dst = edge_index[1].astype(jnp.int32)
    zeros = jnp.zeros((N, H), jnp.float32)
    batch2d = batch.astype(jnp.int32).reshape(N, 1)

    h = x
    for l in range(2):
        p = params['convs'][l]
        bn = params['bns'][l]
        partials = _get_segsum()(h, src, dst, zeros)
        h = _dense(h, partials,
                   p['eps'].reshape(1, 1),
                   p['W1'], p['b1'].reshape(1, H),
                   p['W2'], p['b2'].reshape(1, H),
                   p['g'].reshape(1, H), p['be'].reshape(1, H),
                   bn['g'].reshape(1, H), bn['be'].reshape(1, H))

    p = params['convs'][2]
    bn = params['bns'][2]
    partials = _get_segsum()(h, src, dst, zeros)
    logits = _dense_head(h, partials,
                         p['eps'].reshape(1, 1),
                         p['W1'], p['b1'].reshape(1, H),
                         p['W2'], p['b2'].reshape(1, H),
                         p['g'].reshape(1, H), p['be'].reshape(1, H),
                         bn['g'].reshape(1, H), bn['be'].reshape(1, H),
                         batch2d,
                         params['lin1_W'], params['lin1_b'].reshape(1, H),
                         params['lin2_W'], params['lin2_b'].reshape(1, C))
    bit_sum = jnp.zeros((1,), jnp.float32)
    return (logits, bit_sum)

# --- scband reference (transcript-rebuilt; emitter-appended) ---
"""Pipeline reference for scband-q-gin-26414048870745 (READ-ONLY COPY).

The authoritative reference and input builder live on the scoring server;
editing this copy changes nothing except your own understanding.
"""

import jax, jax.numpy as jnp
import numpy as np

N = 10000
E = 320000
F_IN = 128
H = 128
C = 10
G = 128
NUM_LAYERS = 3
BN_EPS = 1e-5


def _make_params(key):
    ks = jax.random.split(key, 16)
    convs = []
    dims = [(F_IN, H), (H, H), (H, H)]
    i = 0
    for (din, dout) in dims:
        convs.append({
            'eps': jnp.zeros((), jnp.float32),
            'W1': jax.random.normal(ks[i], (din, dout), jnp.float32) * (1.0 / np.sqrt(din)),
            'b1': jnp.zeros((dout,), jnp.float32),
            'W2': jax.random.normal(ks[i + 1], (dout, dout), jnp.float32) * (1.0 / np.sqrt(dout)),
            'b2': jnp.zeros((dout,), jnp.float32),
            'g': jnp.ones((dout,), jnp.float32),
            'be': jnp.zeros((dout,), jnp.float32),
        })
        i += 2
    bns = [{'g': jnp.ones((H,), jnp.float32), 'be': jnp.zeros((H,), jnp.float32)} for _ in range(NUM_LAYERS)]
    return {
        'convs': convs,
        'bns': bns,
        'lin1_W': jax.random.normal(ks[10], (H, H), jnp.float32) * (1.0 / np.sqrt(H)),
        'lin1_b': jnp.zeros((H,), jnp.float32),
        'lin2_W': jax.random.normal(ks[11], (H, C), jnp.float32) * (1.0 / np.sqrt(H)),
        'lin2_b': jnp.zeros((C,), jnp.float32),
    }


def setup_inputs(seed: int = 0):
    key = jax.random.key(seed)
    k1, k2, k3, k4 = jax.random.split(key, 4)
    x = jax.random.normal(k1, (N, F_IN), dtype=jnp.float32)
    edge_index = jax.random.randint(k2, (2, E), 0, N)
    batch = jnp.sort(jax.random.randint(k3, (N,), 0, G))
    params = _make_params(k4)
    return {'x': x, 'edge_index': edge_index, 'batch': batch, 'params': params}


def _bn(h, g, b):
    mean = jnp.mean(h, axis=0)
    var = jnp.var(h, axis=0)
    return (h - mean) / jnp.sqrt(var + BN_EPS) * g + b


def _gin_conv(h, p, src, dst):
    # GIN: out = MLP((1+eps)*x + sum_{j in N(i)} x_j); sum-aggregation via scatter-add
    aggr = jax.ops.segment_sum(h[src], dst, num_segments=N)
    z = (1.0 + p['eps']) * h + aggr
    z = jax.nn.relu(z @ p['W1'] + p['b1'])
    z = jax.nn.relu(z @ p['W2'] + p['b2'])
    z = _bn(z, p['g'], p['be'])
    return z


def reference(x, edge_index, batch, params):
    src = edge_index[0]
    dst = edge_index[1]
    bit_sum = jnp.zeros((1,), jnp.float32)  # pass-through in non-quantized (is_q=False) path
    h = x
    for l in range(NUM_LAYERS):
        h = _gin_conv(h, params['convs'][l], src, dst)
        h = _bn(h, params['bns'][l]['g'], params['bns'][l]['be'])
    # global_mean_pool over graph ids
    sums = jax.ops.segment_sum(h, batch, num_segments=G)
    counts = jax.ops.segment_sum(jnp.ones((N,), jnp.float32), batch, num_segments=G)
    pooled = sums / jnp.maximum(counts, 1.0)[:, None]
    z = jax.nn.relu(pooled @ params['lin1_W'] + params['lin1_b'])
    z = z @ params['lin2_W'] + params['lin2_b']
    return (jax.nn.log_softmax(z, axis=-1), bit_sum)

if __name__ == "__main__":
    import jax
    _d = setup_inputs()
    print(jax.jit(kernel)(*tuple(_d.values())))

</pallas_src>

<mosaic_0001>
#map = affine_map<(d0, d1) -> (0, 0)>
#map1 = affine_map<(d0, d1) -> (0)>
#map2 = affine_map<(d0, d1) -> (0, 0, 0)>
module attributes {stable_mosaic.version = 14 : i64} {
  func.func @_segsum_body(%arg0: i32, %arg1: i32, %arg2: memref<10000x128xf32, #tpu.memory_space<hbm>>, %arg3: memref<320000xi32, #tpu.memory_space<hbm>>, %arg4: memref<320000xi32, #tpu.memory_space<hbm>>, %arg5: memref<10000x128xf32, #tpu.memory_space<hbm>>, %arg6: memref<2x10000x128xf32, #tpu.memory_space<hbm>>, %arg7: memref<3x128xi32, #tpu.memory_space<vmem>>, %arg8: memref<3x128xi32, #tpu.memory_space<vmem>>, %arg9: memref<3x128x128xf32, #tpu.memory_space<vmem>>, %arg10: memref<10000x128xf32, #tpu.memory_space<vmem_shared>>, %arg11: memref<3x!tpu.dma_semaphore, #tpu.memory_space<semaphore_mem>>, %arg12: memref<3x!tpu.dma_semaphore, #tpu.memory_space<semaphore_mem>>, %arg13: memref<3x!tpu.dma_semaphore, #tpu.memory_space<semaphore_mem>>, %arg14: memref<3x!tpu.dma_semaphore, #tpu.memory_space<semaphore_mem>>, %arg15: memref<!tpu.dma_semaphore, #tpu.memory_space<semaphore_mem>>) attributes {dimension_semantics = [#tpu.dimension_semantics<core_parallel>, #tpu.dimension_semantics<subcore_parallel>], iteration_bounds = array<i64: 2, 16>, scalar_prefetch = 0 : i64, scratch_operands = 9 : i64, tpu.core_type = #tpu.core_type<sc_vector_subcore>, window_params = [{transform_indices = #map}, {transform_indices = #map1}, {transform_indices = #map1}, {transform_indices = #map}, {transform_indices = #map2}]} {
    %mul3A = arith.constant 2 : i32
    %mul3A_0 = arith.muli %arg1, %mul3A : i32
    %add3A = arith.addi %mul3A_0, %arg0 : i32
    %mul3A_1 = arith.constant 78 : i32
    %mul3A_2 = arith.muli %add3A, %mul3A_1 : i32
    %add3A_3 = arith.constant 0 : i32
    %add3A_4 = arith.addi %mul3A_2, %add3A_3 : i32
    %mul3A_5 = arith.constant 128 : i32
    %mul3A_6 = arith.muli %add3A_4, %mul3A_5 : i32
    %dma_start3A = arith.constant 0 : i32
    %dma_start3A_7 = arith.constant 0 : i32
    %dma_start3A_8 = arith.constant 0 : i32
    %dma_start3A_9 = tpu.memref_slice %arg7[%dma_start3A, %dma_start3A_8] : memref<3x128xi32, #tpu.memory_space<vmem>> -> memref<1x128xi32, #tpu.memory_space<vmem>>
    %dma_start3A_10 = tpu.memref_squeeze %dma_start3A_9 : memref<1x128xi32, #tpu.memory_space<vmem>> -> memref<128xi32, #tpu.memory_space<vmem>>
    %dma_start3A_11 = tpu.memref_slice %arg3[%mul3A_6] : memref<320000xi32, #tpu.memory_space<hbm>> -> memref<128xi32, #tpu.memory_space<hbm>>
    %dma_start3A_12 = tpu.memref_slice %arg13[%dma_start3A_7] : memref<3x!tpu.dma_semaphore, #tpu.memory_space<semaphore_mem>> -> memref<1x!tpu.dma_semaphore, #tpu.memory_space<semaphore_mem>>
    %dma_start3A_13 = tpu.memref_squeeze %dma_start3A_12 : memref<1x!tpu.dma_semaphore, #tpu.memory_space<semaphore_mem>> -> memref<!tpu.dma_semaphore, #tpu.memory_space<semaphore_mem>>
    %dma_start3A_14 = arith.constant 0 : i32
    %dma_start3A_15 = tpu.memref_slice %arg7[%dma_start3A, %dma_start3A_14] : memref<3x128xi32, #tpu.memory_space<vmem>> -> memref<1x128xi32, #tpu.memory_space<vmem>>
    %dma_start3A_16 = tpu.memref_squeeze %dma_start3A_15 : memref<1x128xi32, #tpu.memory_space<vmem>> -> memref<128xi32, #tpu.memory_space<vmem>>
    %dma_start3A_17 = tpu.memref_slice %arg3[%mul3A_6] : memref<320000xi32, #tpu.memory_space<hbm>> -> memref<128xi32, #tpu.memory_space<hbm>>
    tpu.enqueue_dma source(%dma_start3A_17 : memref<128xi32, #tpu.memory_space<hbm>>) target(%dma_start3A_16 : memref<128xi32, #tpu.memory_space<vmem>>) target_semaphore(%dma_start3A_13 : memref<!tpu.dma_semaphore, #tpu.memory_space<semaphore_mem>>)
    %mul3A_18 = arith.constant 78 : i32
    %mul3A_19 = arith.muli %add3A, %mul3A_18 : i32
    %add3A_20 = arith.constant 0 : i32
    %add3A_21 = arith.addi %mul3A_19, %add3A_20 : i32
    %mul3A_22 = arith.constant 128 : i32
    %mul3A_23 = arith.muli %add3A_21, %mul3A_22 : i32
    %dma_start3A_24 = arith.constant 0 : i32
    %dma_start3A_25 = arith.constant 0 : i32
    %dma_start3A_26 = arith.constant 0 : i32
    %dma_start3A_27 = tpu.memref_slice %arg8[%dma_start3A_24, %dma_start3A_26] : memref<3x128xi32, #tpu.memory_space<vmem>> -> memref<1x128xi32, #tpu.memory_space<vmem>>
    %dma_start3A_28 = tpu.memref_squeeze %dma_start3A_27 : memref<1x128xi32, #tpu.memory_space<vmem>> -> memref<128xi32, #tpu.memory_space<vmem>>
    %dma_start3A_29 = tpu.memref_slice %arg4[%mul3A_23] : memref<320000xi32, #tpu.memory_space<hbm>> -> memref<128xi32, #tpu.memory_space<hbm>>
    %dma_start3A_30 = tpu.memref_slice %arg14[%dma_start3A_25] : memref<3x!tpu.dma_semaphore, #tpu.memory_space<semaphore_mem>> -> memref<1x!tpu.dma_semaphore, #tpu.memory_space<semaphore_mem>>
    %dma_start3A_31 = tpu.memref_squeeze %dma_start3A_30 : memref<1x!tpu.dma_semaphore, #tpu.memory_space<semaphore_mem>> -> memref<!tpu.dma_semaphore, #tpu.memory_space<semaphore_mem>>
    %dma_start3A_32 = arith.constant 0 : i32
    %dma_start3A_33 = tpu.memref_slice %arg8[%dma_start3A_24, %dma_start3A_32] : memref<3x128xi32, #tpu.memory_space<vmem>> -> memref<1x128xi32, #tpu.memory_space<vmem>>
    %dma_start3A_34 = tpu.memref_squeeze %dma_start3A_33 : memref<1x128xi32, #tpu.memory_space<vmem>> -> memref<128xi32, #tpu.memory_space<vmem>>
    %dma_start3A_35 = tpu.memref_slice %arg4[%mul3A_23] : memref<320000xi32, #tpu.memory_space<hbm>> -> memref<128xi32, #tpu.memory_space<hbm>>
    tpu.enqueue_dma source(%dma_start3A_35 : memref<128xi32, #tpu.memory_space<hbm>>) target(%dma_start3A_34 : memref<128xi32, #tpu.memory_space<vmem>>) target_semaphore(%dma_start3A_31 : memref<!tpu.dma_semaphore, #tpu.memory_space<semaphore_mem>>)
    %mul3A_36 = arith.constant 78 : i32
    %mul3A_37 = arith.muli %add3A, %mul3A_36 : i32
    %add3A_38 = arith.constant 1 : i32
    %add3A_39 = arith.addi %mul3A_37, %add3A_38 : i32
    %mul3A_40 = arith.constant 128 : i32
    %mul3A_41 = arith.muli %add3A_39, %mul3A_40 : i32
    %dma_start3A_42 = arith.constant 1 : i32
    %dma_start3A_43 = arith.constant 1 : i32
    %dma_start3A_44 = arith.constant 0 : i32
    %dma_start3A_45 = tpu.memref_slice %arg7[%dma_start3A_42, %dma_start3A_44] : memref<3x128xi32, #tpu.memory_space<vmem>> -> memref<1x128xi32, #tpu.memory_space<vmem>>
    %dma_start3A_46 = tpu.memref_squeeze %dma_start3A_45 : memref<1x128xi32, #tpu.memory_space<vmem>> -> memref<128xi32, #tpu.memory_space<vmem>>
    %dma_start3A_47 = tpu.memref_slice %arg3[%mul3A_41] : memref<320000xi32, #tpu.memory_space<hbm>> -> memref<128xi32, #tpu.memory_space<hbm>>
    %dma_start3A_48 = tpu.memref_slice %arg13[%dma_start3A_43] : memref<3x!tpu.dma_semaphore, #tpu.memory_space<semaphore_mem>> -> memref<1x!tpu.dma_semaphore, #tpu.memory_space<semaphore_mem>>
    %dma_start3A_49 = tpu.memref_squeeze %dma_start3A_48 : memref<1x!tpu.dma_semaphore, #tpu.memory_space<semaphore_mem>> -> memref<!tpu.dma_semaphore, #tpu.memory_space<semaphore_mem>>
    %dma_start3A_50 = arith.constant 0 : i32
    %dma_start3A_51 = tpu.memref_slice %arg7[%dma_start3A_42, %dma_start3A_50] : memref<3x128xi32, #tpu.memory_space<vmem>> -> memref<1x128xi32, #tpu.memory_space<vmem>>
    %dma_start3A_52 = tpu.memref_squeeze %dma_start3A_51 : memref<1x128xi32, #tpu.memory_space<vmem>> -> memref<128xi32, #tpu.memory_space<vmem>>
    %dma_start3A_53 = tpu.memref_slice %arg3[%mul3A_41] : memref<320000xi32, #tpu.memory_space<hbm>> -> memref<128xi32, #tpu.memory_space<hbm>>
    tpu.enqueue_dma source(%dma_start3A_53 : memref<128xi32, #tpu.memory_space<hbm>>) target(%dma_start3A_52 : memref<128xi32, #tpu.memory_space<vmem>>) target_semaphore(%dma_start3A_49 : memref<!tpu.dma_semaphore, #tpu.memory_space<semaphore_mem>>)
    %mul3A_54 = arith.constant 78 : i32
    %mul3A_55 = arith.muli %add3A, %mul3A_54 : i32
    %add3A_56 = arith.constant 1 : i32
    %add3A_57 = arith.addi %mul3A_55, %add3A_56 : i32
    %mul3A_58 = arith.constant 128 : i32
    %mul3A_59 = arith.muli %add3A_57, %mul3A_58 : i32
    %dma_start3A_60 = arith.constant 1 : i32
    %dma_start3A_61 = arith.constant 1 : i32
    %dma_start3A_62 = arith.constant 0 : i32
    %dma_start3A_63 = tpu.memref_slice %arg8[%dma_start3A_60, %dma_start3A_62] : memref<3x128xi32, #tpu.memory_space<vmem>> -> memref<1x128xi32, #tpu.memory_space<vmem>>
    %dma_start3A_64 = tpu.memref_squeeze %dma_start3A_63 : memref<1x128xi32, #tpu.memory_space<vmem>> -> memref<128xi32, #tpu.memory_space<vmem>>
    %dma_start3A_65 = tpu.memref_slice %arg4[%mul3A_59] : memref<320000xi32, #tpu.memory_space<hbm>> -> memref<128xi32, #tpu.memory_space<hbm>>
    %dma_start3A_66 = tpu.memref_slice %arg14[%dma_start3A_61] : memref<3x!tpu.dma_semaphore, #tpu.memory_space<semaphore_mem>> -> memref<1x!tpu.dma_semaphore, #tpu.memory_space<semaphore_mem>>
    %dma_start3A_67 = tpu.memref_squeeze %dma_start3A_66 : memref<1x!tpu.dma_semaphore, #tpu.memory_space<semaphore_mem>> -> memref<!tpu.dma_semaphore, #tpu.memory_space<semaphore_mem>>
    %dma_start3A_68 = arith.constant 0 : i32
    %dma_start3A_69 = tpu.memref_slice %arg8[%dma_start3A_60, %dma_start3A_68] : memref<3x128xi32, #tpu.memory_space<vmem>> -> memref<1x128xi32, #tpu.memory_space<vmem>>
    %dma_start3A_70 = tpu.memref_squeeze %dma_start3A_69 : memref<1x128xi32, #tpu.memory_space<vmem>> -> memref<128xi32, #tpu.memory_space<vmem>>
    %dma_start3A_71 = tpu.memref_slice %arg4[%mul3A_59] : memref<320000xi32, #tpu.memory_space<hbm>> -> memref<128xi32, #tpu.memory_space<hbm>>
    tpu.enqueue_dma source(%dma_start3A_71 : memref<128xi32, #tpu.memory_space<hbm>>) target(%dma_start3A_70 : memref<128xi32, #tpu.memory_space<vmem>>) target_semaphore(%dma_start3A_67 : memref<!tpu.dma_semaphore, #tpu.memory_space<semaphore_mem>>)
    %mul3A_72 = arith.constant 624 : i32
    %mul3A_73 = arith.muli %arg1, %mul3A_72 : i32
    %dma_start3A_74 = arith.constant 0 : i32
    %dma_start3A_75 = tpu.memref_slice %arg10[%mul3A_73, %dma_start3A_74] : memref<10000x128xf32, #tpu.memory_space<vmem_shared>> -> memref<624x128xf32, #tpu.memory_space<vmem_shared>>
    %dma_start3A_76 = arith.constant 0 : i32
    %dma_start3A_77 = tpu.memref_slice %arg5[%mul3A_73, %dma_start3A_76] : memref<10000x128xf32, #tpu.memory_space<hbm>> -> memref<624x128xf32, #tpu.memory_space<hbm>>
    tpu.enqueue_dma source(%dma_start3A_77 : memref<624x128xf32, #tpu.memory_space<hbm>>) target(%dma_start3A_75 : memref<624x128xf32, #tpu.memory_space<vmem_shared>>) target_semaphore(%arg15 : memref<!tpu.dma_semaphore, #tpu.memory_space<semaphore_mem>>)
    %eq3A = arith.constant 15 : i32
    %eq3A_78 = arith.cmpi eq, %arg1, %eq3A : i32
    %convert_element_type3A = arith.extui %eq3A_78 : i1 to i32
    %cond3A = arith.constant 0 : i32
    %cond3A_79 = arith.cmpi ne, %convert_element_type3A, %cond3A : i32
    scf.if %cond3A_79 {
      "tpu.region"() ({
        %run_scoped3A = tpu.sem_alloc : memref<!tpu.dma_semaphore, #tpu.memory_space<semaphore_mem>>
        %dma_start3A_145 = arith.constant 9984 : i32
        %dma_start3A_146 = arith.constant 0 : i32
        %dma_start3A_147 = tpu.memref_slice %arg10[%dma_start3A_145, %dma_start3A_146] : memref<10000x128xf32, #tpu.memory_space<vmem_shared>> -> memref<16x128xf32, #tpu.memory_space<vmem_shared>>
        %dma_start3A_148 = arith.constant 9984 : i32
        %dma_start3A_149 = arith.constant 0 : i32
        %dma_start3A_150 = tpu.memref_slice %arg5[%dma_start3A_148, %dma_start3A_149] : memref<10000x128xf32, #tpu.memory_space<hbm>> -> memref<16x128xf32, #tpu.memory_space<hbm>>
        tpu.enqueue_dma source(%dma_start3A_150 : memref<16x128xf32, #tpu.memory_space<hbm>>) target(%dma_start3A_147 : memref<16x128xf32, #tpu.memory_space<vmem_shared>>) target_semaphore(%run_scoped3A : memref<!tpu.dma_semaphore, #tpu.memory_space<semaphore_mem>>)
        %dma_wait3A_151 = arith.constant 9984 : i32
        %dma_wait3A_152 = arith.constant 0 : i32
        %dma_wait3A_153 = tpu.memref_slice %arg10[%dma_wait3A_151, %dma_wait3A_152] : memref<10000x128xf32, #tpu.memory_space<vmem_shared>> -> memref<16x128xf32, #tpu.memory_space<vmem_shared>>
        %dma_wait3A_154 = arith.constant 9984 : i32
        %dma_wait3A_155 = arith.constant 0 : i32
        %dma_wait3A_156 = tpu.memref_slice %arg5[%dma_wait3A_154, %dma_wait3A_155] : memref<10000x128xf32, #tpu.memory_space<hbm>> -> memref<16x128xf32, #tpu.memory_space<hbm>>
        tpu.wait_dma2 semaphore(%run_scoped3A : memref<!tpu.dma_semaphore, #tpu.memory_space<semaphore_mem>>) src(%dma_wait3A_156 : memref<16x128xf32, #tpu.memory_space<hbm>>) dst(%dma_wait3A_153 : memref<16x128xf32, #tpu.memory_space<vmem_shared>>)
        tpu.yield
      }) : () -> ()
    } else {
    }
    %mul3A_80 = arith.constant 78 : i32
    %mul3A_81 = arith.muli %add3A, %mul3A_80 : i32
    %add3A_82 = arith.constant 0 : i32
    %add3A_83 = arith.addi %mul3A_81, %add3A_82 : i32
    %mul3A_84 = arith.constant 128 : i32
    %mul3A_85 = arith.muli %add3A_83, %mul3A_84 : i32
    %dma_wait3A = arith.constant 0 : i32
    %dma_wait3A_86 = arith.constant 0 : i32
    %dma_wait3A_87 = arith.constant 0 : i32
    %dma_wait3A_88 = tpu.memref_slice %arg7[%dma_wait3A, %dma_wait3A_87] : memref<3x128xi32, #tpu.memory_space<vmem>> -> memref<1x128xi32, #tpu.memory_space<vmem>>
    %dma_wait3A_89 = tpu.memref_squeeze %dma_wait3A_88 : memref<1x128xi32, #tpu.memory_space<vmem>> -> memref<128xi32, #tpu.memory_space<vmem>>
    %dma_wait3A_90 = tpu.memref_slice %arg3[%mul3A_85] : memref<320000xi32, #tpu.memory_space<hbm>> -> memref<128xi32, #tpu.memory_space<hbm>>
    %dma_wait3A_91 = tpu.memref_slice %arg13[%dma_wait3A_86] : memref<3x!tpu.dma_semaphore, #tpu.memory_space<semaphore_mem>> -> memref<1x!tpu.dma_semaphore, #tpu.memory_space<semaphore_mem>>
    %dma_wait3A_92 = tpu.memref_squeeze %dma_wait3A_91 : memref<1x!tpu.dma_semaphore, #tpu.memory_space<semaphore_mem>> -> memref<!tpu.dma_semaphore, #tpu.memory_space<semaphore_mem>>
    %dma_wait3A_93 = arith.constant 0 : i32
    %dma_wait3A_94 = tpu.memref_slice %arg7[%dma_wait3A, %dma_wait3A_93] : memref<3x128xi32, #tpu.memory_space<vmem>> -> memref<1x128xi32, #tpu.memory_space<vmem>>
    %dma_wait3A_95 = tpu.memref_squeeze %dma_wait3A_94 : memref<1x128xi32, #tpu.memory_space<vmem>> -> memref<128xi32, #tpu.memory_space<vmem>>
    %dma_wait3A_96 = tpu.memref_slice %arg3[%mul3A_85] : memref<320000xi32, #tpu.memory_space<hbm>> -> memref<128xi32, #tpu.memory_space<hbm>>
    tpu.wait_dma2 semaphore(%dma_wait3A_92 : memref<!tpu.dma_semaphore, #tpu.memory_space<semaphore_mem>>) src(%dma_wait3A_96 : memref<128xi32, #tpu.memory_space<hbm>>) dst(%dma_wait3A_95 : memref<128xi32, #tpu.memory_space<vmem>>)
    %dma_start3A_97 = arith.constant 0 : i32
    %dma_start3A_98 = arith.constant 0 : i32
    %dma_start3A_99 = arith.constant 0 : i32
    %dma_start3A_100 = arith.constant 0 : i32
    %dma_start3A_101 = arith.constant 0 : i32
    %dma_start3A_102 = tpu.memref_slice %arg9[%dma_start3A_98, %dma_start3A_100, %dma_start3A_101] : memref<3x128x128xf32, #tpu.memory_space<vmem>> -> memref<1x128x128xf32, #tpu.memory_space<vmem>>
    %dma_start3A_103 = tpu.memref_squeeze %dma_start3A_102 : memref<1x128x128xf32, #tpu.memory_space<vmem>> -> memref<128x128xf32, #tpu.memory_space<vmem>>
    %dma_start3A_104 = arith.constant 0 : i32
    %dma_start3A_105 = tpu.memref_slice %arg7[%dma_start3A_97, %dma_start3A_104] : memref<3x128xi32, #tpu.memory_space<vmem>> -> memref<1x128xi32, #tpu.memory_space<vmem>>
    %dma_start3A_106 = tpu.memref_squeeze %dma_start3A_105 : memref<1x128xi32, #tpu.memory_space<vmem>> -> memref<128xi32, #tpu.memory_space<vmem>>
    %dma_start3A_107 = arith.constant 0 : i32
    %dma_start3A_108 = arith.constant 0 : i32
    %dma_start3A_109 = tpu.memref_slice %arg2[%dma_start3A_107, %dma_start3A_108] : memref<10000x128xf32, #tpu.memory_space<hbm>> -> memref<10000x128xf32, #tpu.memory_space<hbm>>
    %dma_start3A_110 = tpu.memref_slice %arg11[%dma_start3A_99] : memref<3x!tpu.dma_semaphore, #tpu.memory_space<semaphore_mem>> -> memref<1x!tpu.dma_semaphore, #tpu.memory_space<semaphore_mem>>
    %dma_start3A_111 = tpu.memref_squeeze %dma_start3A_110 : memref<1x!tpu.dma_semaphore, #tpu.memory_space<semaphore_mem>> -> memref<!tpu.dma_semaphore, #tpu.memory_space<semaphore_mem>>
    tpu.enqueue_indirect_dma source(%dma_start3A_109 : memref<10000x128xf32, #tpu.memory_space<hbm>>) target(%dma_start3A_103 : memref<128x128xf32, #tpu.memory_space<vmem>>) offsets(%dma_start3A_106 : memref<128xi32, #tpu.memory_space<vmem>>) semaphore(%dma_start3A_111 : memref<!tpu.dma_semaphore, #tpu.memory_space<semaphore_mem>>)
    %dma_wait3A_112 = arith.constant 0 : i32
    %dma_wait3A_113 = tpu.memref_slice %arg10[%mul3A_73, %dma_wait3A_112] : memref<10000x128xf32, #tpu.memory_space<vmem_shared>> -> memref<624x128xf32, #tpu.memory_space<vmem_shared>>
    %dma_wait3A_114 = arith.constant 0 : i32
    %dma_wait3A_115 = tpu.memref_slice %arg5[%mul3A_73, %dma_wait3A_114] : memref<10000x128xf32, #tpu.memory_space<hbm>> -> memref<624x128xf32, #tpu.memory_space<hbm>>
    tpu.wait_dma2 semaphore(%arg15 : memref<!tpu.dma_semaphore, #tpu.memory_space<semaphore_mem>>) src(%dma_wait3A_115 : memref<624x128xf32, #tpu.memory_space<hbm>>) dst(%dma_wait3A_113 : memref<624x128xf32, #tpu.memory_space<vmem_shared>>)
    %barrier3A = arith.constant 0 : index
    tpu.barrier barrier_id(%barrier3A)
    %scan3A = arith.constant 0 : i32
    %scan3A_116 = arith.constant 26 : i32
    %scan3A_117 = arith.addi %scan3A, %scan3A_116 : i32
    %scan3A_118 = arith.constant 1 : i32
    scf.for %scan3A_145 = %scan3A to %scan3A_117 step %scan3A_118  : i32 {
      %mul3A_146 = arith.constant 3 : i32
      %mul3A_147 = arith.muli %scan3A_145, %mul3A_146 : i32
      %add3A_148 = arith.constant 0 : i32
      %add3A_149 = arith.addi %mul3A_147, %add3A_148 : i32
      %gt3A = arith.constant 0 : i32
      %gt3A_150 = arith.cmpi sgt, %scan3A_145, %gt3A : i32
      %convert_element_type3A_151 = arith.extui %gt3A_150 : i1 to i32
      %cond3A_152 = arith.constant 0 : i32
      %cond3A_153 = arith.cmpi ne, %convert_element_type3A_151, %cond3A_152 : i32
      scf.if %cond3A_153 {
        %dma_wait3A_375 = arith.constant 2 : i32
        %dma_wait3A_376 = arith.constant 2 : i32
        %dma_wait3A_377 = arith.constant 2 : i32
        %dma_wait3A_378 = arith.constant 0 : i32
        %dma_wait3A_379 = arith.constant 0 : i32
        %dma_wait3A_380 = tpu.memref_slice %arg9[%dma_wait3A_375, %dma_wait3A_378, %dma_wait3A_379] : memref<3x128x128xf32, #tpu.memory_space<vmem>> -> memref<1x128x128xf32, #tpu.memory_space<vmem>>
        %dma_wait3A_381 = tpu.memref_squeeze %dma_wait3A_380 : memref<1x128x128xf32, #tpu.memory_space<vmem>> -> memref<128x128xf32, #tpu.memory_space<vmem>>
        %dma_wait3A_382 = arith.constant 0 : i32
        %dma_wait3A_383 = tpu.memref_slice %arg8[%dma_wait3A_376, %dma_wait3A_382] : memref<3x128xi32, #tpu.memory_space<vmem>> -> memref<1x128xi32, #tpu.memory_space<vmem>>
        %dma_wait3A_384 = tpu.memref_squeeze %dma_wait3A_383 : memref<1x128xi32, #tpu.memory_space<vmem>> -> memref<128xi32, #tpu.memory_space<vmem>>
        %dma_wait3A_385 = arith.constant 0 : i32
        %dma_wait3A_386 = arith.constant 0 : i32
        %dma_wait3A_387 = tpu.memref_slice %arg10[%dma_wait3A_385, %dma_wait3A_386] : memref<10000x128xf32, #tpu.memory_space<vmem_shared>> -> memref<10000x128xf32, #tpu.memory_space<vmem_shared>>
        %dma_wait3A_388 = tpu.memref_slice %arg12[%dma_wait3A_377] : memref<3x!tpu.dma_semaphore, #tpu.memory_space<semaphore_mem>> -> memref<1x!tpu.dma_semaphore, #tpu.memory_space<semaphore_mem>>
        %dma_wait3A_389 = tpu.memref_squeeze %dma_wait3A_388 : memref<1x!tpu.dma_semaphore, #tpu.memory_space<semaphore_mem>> -> memref<!tpu.dma_semaphore, #tpu.memory_space<semaphore_mem>>
        tpu.wait_indirect_dma semaphore(%dma_wait3A_389 : memref<!tpu.dma_semaphore, #tpu.memory_space<semaphore_mem>>) src(%dma_wait3A_381 : memref<128x128xf32, #tpu.memory_space<vmem>>) dst(%dma_wait3A_387 : memref<10000x128xf32, #tpu.memory_space<vmem_shared>>)
      } else {
      }
      %add3A_154 = arith.constant 2 : i32
      %add3A_155 = arith.addi %add3A_149, %add3A_154 : i32
      %lt3A_156 = arith.constant 78 : i32
      %lt3A_157 = arith.cmpi slt, %add3A_155, %lt3A_156 : i32
      %convert_element_type3A_158 = arith.extui %lt3A_157 : i1 to i32
      %cond3A_159 = arith.constant 0 : i32
      %cond3A_160 = arith.cmpi ne, %convert_element_type3A_158, %cond3A_159 : i32
      scf.if %cond3A_160 {
        %add3A_375 = arith.constant 2 : i32
        %add3A_376 = arith.addi %add3A_149, %add3A_375 : i32
        %mul3A_377 = arith.constant 78 : i32
        %mul3A_378 = arith.muli %add3A, %mul3A_377 : i32
        %add3A_379 = arith.addi %mul3A_378, %add3A_376 : i32
        %mul3A_380 = arith.constant 128 : i32
        %mul3A_381 = arith.muli %add3A_379, %mul3A_380 : i32
        %dma_start3A_382 = arith.constant 2 : i32
        %dma_start3A_383 = arith.constant 2 : i32
        %dma_start3A_384 = arith.constant 0 : i32
        %dma_start3A_385 = tpu.memref_slice %arg7[%dma_start3A_382, %dma_start3A_384] : memref<3x128xi32, #tpu.memory_space<vmem>> -> memref<1x128xi32, #tpu.memory_space<vmem>>
        %dma_start3A_386 = tpu.memref_squeeze %dma_start3A_385 : memref<1x128xi32, #tpu.memory_space<vmem>> -> memref<128xi32, #tpu.memory_space<vmem>>
        %dma_start3A_387 = tpu.memref_slice %arg3[%mul3A_381] : memref<320000xi32, #tpu.memory_space<hbm>> -> memref<128xi32, #tpu.memory_space<hbm>>
        %dma_start3A_388 = tpu.memref_slice %arg13[%dma_start3A_383] : memref<3x!tpu.dma_semaphore, #tpu.memory_space<semaphore_mem>> -> memref<1x!tpu.dma_semaphore, #tpu.memory_space<semaphore_mem>>
        %dma_start3A_389 = tpu.memref_squeeze %dma_start3A_388 : memref<1x!tpu.dma_semaphore, #tpu.memory_space<semaphore_mem>> -> memref<!tpu.dma_semaphore, #tpu.memory_space<semaphore_mem>>
        %dma_start3A_390 = arith.constant 0 : i32
        %dma_start3A_391 = tpu.memref_slice %arg7[%dma_start3A_382, %dma_start3A_390] : memref<3x128xi32, #tpu.memory_space<vmem>> -> memref<1x128xi32, #tpu.memory_space<vmem>>
        %dma_start3A_392 = tpu.memref_squeeze %dma_start3A_391 : memref<1x128xi32, #tpu.memory_space<vmem>> -> memref<128xi32, #tpu.memory_space<vmem>>
        %dma_start3A_393 = tpu.memref_slice %arg3[%mul3A_381] : memref<320000xi32, #tpu.memory_space<hbm>> -> memref<128xi32, #tpu.memory_space<hbm>>
        tpu.enqueue_dma source(%dma_start3A_393 : memref<128xi32, #tpu.memory_space<hbm>>) target(%dma_start3A_392 : memref<128xi32, #tpu.memory_space<vmem>>) target_semaphore(%dma_start3A_389 : memref<!tpu.dma_semaphore, #tpu.memory_space<semaphore_mem>>)
        %add3A_394 = arith.constant 2 : i32
        %add3A_395 = arith.addi %add3A_149, %add3A_394 : i32
        %mul3A_396 = arith.constant 78 : i32
        %mul3A_397 = arith.muli %add3A, %mul3A_396 : i32
        %add3A_398 = arith.addi %mul3A_397, %add3A_395 : i32
        %mul3A_399 = arith.constant 128 : i32
        %mul3A_400 = arith.muli %add3A_398, %mul3A_399 : i32
        %dma_start3A_401 = arith.constant 2 : i32
        %dma_start3A_402 = arith.constant 2 : i32
        %dma_start3A_403 = arith.constant 0 : i32
        %dma_start3A_404 = tpu.memref_slice %arg8[%dma_start3A_401, %dma_start3A_403] : memref<3x128xi32, #tpu.memory_space<vmem>> -> memref<1x128xi32, #tpu.memory_space<vmem>>
        %dma_start3A_405 = tpu.memref_squeeze %dma_start3A_404 : memref<1x128xi32, #tpu.memory_space<vmem>> -> memref<128xi32, #tpu.memory_space<vmem>>
        %dma_start3A_406 = tpu.memref_slice %arg4[%mul3A_400] : memref<320000xi32, #tpu.memory_space<hbm>> -> memref<128xi32, #tpu.memory_space<hbm>>
        %dma_start3A_407 = tpu.memref_slice %arg14[%dma_start3A_402] : memref<3x!tpu.dma_semaphore, #tpu.memory_space<semaphore_mem>> -> memref<1x!tpu.dma_semaphore, #tpu.memory_space<semaphore_mem>>
        %dma_start3A_408 = tpu.memref_squeeze %dma_start3A_407 : memref<1x!tpu.dma_semaphore, #tpu.memory_space<semaphore_mem>> -> memref<!tpu.dma_semaphore, #tpu.memory_space<semaphore_mem>>
        %dma_start3A_409 = arith.constant 0 : i32
        %dma_start3A_410 = tpu.memref_slice %arg8[%dma_start3A_401, %dma_start3A_409] : memref<3x128xi32, #tpu.memory_space<vmem>> -> memref<1x128xi32, #tpu.memory_space<vmem>>
        %dma_start3A_411 = tpu.memref_squeeze %dma_start3A_410 : memref<1x128xi32, #tpu.memory_space<vmem>> -> memref<128xi32, #tpu.memory_space<vmem>>
        %dma_start3A_412 = tpu.memref_slice %arg4[%mul3A_400] : memref<320000xi32, #tpu.memory_space<hbm>> -> memref<128xi32, #tpu.memory_space<hbm>>
        tpu.enqueue_dma source(%dma_start3A_412 : memref<128xi32, #tpu.memory_space<hbm>>) target(%dma_start3A_411 : memref<128xi32, #tpu.memory_space<vmem>>) target_semaphore(%dma_start3A_408 : memref<!tpu.dma_semaphore, #tpu.memory_space<semaphore_mem>>)
      } else {
      }
      %add3A_161 = arith.constant 1 : i32
      %add3A_162 = arith.addi %add3A_149, %add3A_161 : i32
      %lt3A_163 = arith.constant 78 : i32
      %lt3A_164 = arith.cmpi slt, %add3A_162, %lt3A_163 : i32
      %convert_element_type3A_165 = arith.extui %lt3A_164 : i1 to i32
      %cond3A_166 = arith.constant 0 : i32
      %cond3A_167 = arith.cmpi ne, %convert_element_type3A_165, %cond3A_166 : i32
      scf.if %cond3A_167 {
        %add3A_375 = arith.constant 1 : i32
        %add3A_376 = arith.addi %add3A_149, %add3A_375 : i32
        %mul3A_377 = arith.constant 78 : i32
        %mul3A_378 = arith.muli %add3A, %mul3A_377 : i32
        %add3A_379 = arith.addi %mul3A_378, %add3A_376 : i32
        %mul3A_380 = arith.constant 128 : i32
        %mul3A_381 = arith.muli %add3A_379, %mul3A_380 : i32
        %dma_wait3A_382 = arith.constant 1 : i32
        %dma_wait3A_383 = arith.constant 1 : i32
        %dma_wait3A_384 = arith.constant 0 : i32
        %dma_wait3A_385 = tpu.memref_slice %arg7[%dma_wait3A_382, %dma_wait3A_384] : memref<3x128xi32, #tpu.memory_space<vmem>> -> memref<1x128xi32, #tpu.memory_space<vmem>>
        %dma_wait3A_386 = tpu.memref_squeeze %dma_wait3A_385 : memref<1x128xi32, #tpu.memory_space<vmem>> -> memref<128xi32, #tpu.memory_space<vmem>>
        %dma_wait3A_387 = tpu.memref_slice %arg3[%mul3A_381] : memref<320000xi32, #tpu.memory_space<hbm>> -> memref<128xi32, #tpu.memory_space<hbm>>
        %dma_wait3A_388 = tpu.memref_slice %arg13[%dma_wait3A_383] : memref<3x!tpu.dma_semaphore, #tpu.memory_space<semaphore_mem>> -> memref<1x!tpu.dma_semaphore, #tpu.memory_space<semaphore_mem>>
        %dma_wait3A_389 = tpu.memref_squeeze %dma_wait3A_388 : memref<1x!tpu.dma_semaphore, #tpu.memory_space<semaphore_mem>> -> memref<!tpu.dma_semaphore, #tpu.memory_space<semaphore_mem>>
        %dma_wait3A_390 = arith.constant 0 : i32
        %dma_wait3A_391 = tpu.memref_slice %arg7[%dma_wait3A_382, %dma_wait3A_390] : memref<3x128xi32, #tpu.memory_space<vmem>> -> memref<1x128xi32, #tpu.memory_space<vmem>>
        %dma_wait3A_392 = tpu.memref_squeeze %dma_wait3A_391 : memref<1x128xi32, #tpu.memory_space<vmem>> -> memref<128xi32, #tpu.memory_space<vmem>>
        %dma_wait3A_393 = tpu.memref_slice %arg3[%mul3A_381] : memref<320000xi32, #tpu.memory_space<hbm>> -> memref<128xi32, #tpu.memory_space<hbm>>
        tpu.wait_dma2 semaphore(%dma_wait3A_389 : memref<!tpu.dma_semaphore, #tpu.memory_space<semaphore_mem>>) src(%dma_wait3A_393 : memref<128xi32, #tpu.memory_space<hbm>>) dst(%dma_wait3A_392 : memref<128xi32, #tpu.memory_space<vmem>>)
        %dma_start3A_394 = arith.constant 1 : i32
        %dma_start3A_395 = arith.constant 1 : i32
        %dma_start3A_396 = arith.constant 1 : i32
        %dma_start3A_397 = arith.constant 0 : i32
        %dma_start3A_398 = arith.constant 0 : i32
        %dma_start3A_399 = tpu.memref_slice %arg9[%dma_start3A_395, %dma_start3A_397, %dma_start3A_398] : memref<3x128x128xf32, #tpu.memory_space<vmem>> -> memref<1x128x128xf32, #tpu.memory_space<vmem>>
        %dma_start3A_400 = tpu.memref_squeeze %dma_start3A_399 : memref<1x128x128xf32, #tpu.memory_space<vmem>> -> memref<128x128xf32, #tpu.memory_space<vmem>>
        %dma_start3A_401 = arith.constant 0 : i32
        %dma_start3A_402 = tpu.memref_slice %arg7[%dma_start3A_394, %dma_start3A_401] : memref<3x128xi32, #tpu.memory_space<vmem>> -> memref<1x128xi32, #tpu.memory_space<vmem>>
        %dma_start3A_403 = tpu.memref_squeeze %dma_start3A_402 : memref<1x128xi32, #tpu.memory_space<vmem>> -> memref<128xi32, #tpu.memory_space<vmem>>
        %dma_start3A_404 = arith.constant 0 : i32
        %dma_start3A_405 = arith.constant 0 : i32
        %dma_start3A_406 = tpu.memref_slice %arg2[%dma_start3A_404, %dma_start3A_405] : memref<10000x128xf32, #tpu.memory_space<hbm>> -> memref<10000x128xf32, #tpu.memory_space<hbm>>
        %dma_start3A_407 = tpu.memref_slice %arg11[%dma_start3A_396] : memref<3x!tpu.dma_semaphore, #tpu.memory_space<semaphore_mem>> -> memref<1x!tpu.dma_semaphore, #tpu.memory_space<semaphore_mem>>
        %dma_start3A_408 = tpu.memref_squeeze %dma_start3A_407 : memref<1x!tpu.dma_semaphore, #tpu.memory_space<semaphore_mem>> -> memref<!tpu.dma_semaphore, #tpu.memory_space<semaphore_mem>>
        tpu.enqueue_indirect_dma source(%dma_start3A_406 : memref<10000x128xf32, #tpu.memory_space<hbm>>) target(%dma_start3A_400 : memref<128x128xf32, #tpu.memory_space<vmem>>) offsets(%dma_start3A_403 : memref<128xi32, #tpu.memory_space<vmem>>) semaphore(%dma_start3A_408 : memref<!tpu.dma_semaphore, #tpu.memory_space<semaphore_mem>>)
      } else {
      }
      %dma_wait3A_168 = arith.constant 0 : i32
      %dma_wait3A_169 = arith.constant 0 : i32
      %dma_wait3A_170 = arith.constant 0 : i32
      %dma_wait3A_171 = arith.constant 0 : i32
      %dma_wait3A_172 = arith.constant 0 : i32
      %dma_wait3A_173 = tpu.memref_slice %arg9[%dma_wait3A_169, %dma_wait3A_171, %dma_wait3A_172] : memref<3x128x128xf32, #tpu.memory_space<vmem>> -> memref<1x128x128xf32, #tpu.memory_space<vmem>>
      %dma_wait3A_174 = tpu.memref_squeeze %dma_wait3A_173 : memref<1x128x128xf32, #tpu.memory_space<vmem>> -> memref<128x128xf32, #tpu.memory_space<vmem>>
      %dma_wait3A_175 = arith.constant 0 : i32
      %dma_wait3A_176 = tpu.memref_slice %arg7[%dma_wait3A_168, %dma_wait3A_175] : memref<3x128xi32, #tpu.memory_space<vmem>> -> memref<1x128xi32, #tpu.memory_space<vmem>>
      %dma_wait3A_177 = tpu.memref_squeeze %dma_wait3A_176 : memref<1x128xi32, #tpu.memory_space<vmem>> -> memref<128xi32, #tpu.memory_space<vmem>>
      %dma_wait3A_178 = arith.constant 0 : i32
      %dma_wait3A_179 = arith.constant 0 : i32
      %dma_wait3A_180 = tpu.memref_slice %arg2[%dma_wait3A_178, %dma_wait3A_179] : memref<10000x128xf32, #tpu.memory_space<hbm>> -> memref<10000x128xf32, #tpu.memory_space<hbm>>
      %dma_wait3A_181 = tpu.memref_slice %arg11[%dma_wait3A_170] : memref<3x!tpu.dma_semaphore, #tpu.memory_space<semaphore_mem>> -> memref<1x!tpu.dma_semaphore, #tpu.memory_space<semaphore_mem>>
      %dma_wait3A_182 = tpu.memref_squeeze %dma_wait3A_181 : memref<1x!tpu.dma_semaphore, #tpu.memory_space<semaphore_mem>> -> memref<!tpu.dma_semaphore, #tpu.memory_space<semaphore_mem>>
      tpu.wait_indirect_dma semaphore(%dma_wait3A_182 : memref<!tpu.dma_semaphore, #tpu.memory_space<semaphore_mem>>) src(%dma_wait3A_180 : memref<10000x128xf32, #tpu.memory_space<hbm>>) dst(%dma_wait3A_174 : memref<128x128xf32, #tpu.memory_space<vmem>>)
      %mul3A_183 = arith.constant 78 : i32
      %mul3A_184 = arith.muli %add3A, %mul3A_183 : i32
      %add3A_185 = arith.addi %mul3A_184, %add3A_149 : i32
      %mul3A_186 = arith.constant 128 : i32
      %mul3A_187 = arith.muli %add3A_185, %mul3A_186 : i32
      %dma_wait3A_188 = arith.constant 0 : i32
      %dma_wait3A_189 = arith.constant 0 : i32
      %dma_wait3A_190 = arith.constant 0 : i32
      %dma_wait3A_191 = tpu.memref_slice %arg8[%dma_wait3A_188, %dma_wait3A_190] : memref<3x128xi32, #tpu.memory_space<vmem>> -> memref<1x128xi32, #tpu.memory_space<vmem>>
      %dma_wait3A_192 = tpu.memref_squeeze %dma_wait3A_191 : memref<1x128xi32, #tpu.memory_space<vmem>> -> memref<128xi32, #tpu.memory_space<vmem>>
      %dma_wait3A_193 = tpu.memref_slice %arg4[%mul3A_187] : memref<320000xi32, #tpu.memory_space<hbm>> -> memref<128xi32, #tpu.memory_space<hbm>>
      %dma_wait3A_194 = tpu.memref_slice %arg14[%dma_wait3A_189] : memref<3x!tpu.dma_semaphore, #tpu.memory_space<semaphore_mem>> -> memref<1x!tpu.dma_semaphore, #tpu.memory_space<semaphore_mem>>
      %dma_wait3A_195 = tpu.memref_squeeze %dma_wait3A_194 : memref<1x!tpu.dma_semaphore, #tpu.memory_space<semaphore_mem>> -> memref<!tpu.dma_semaphore, #tpu.memory_space<semaphore_mem>>
      %dma_wait3A_196 = arith.constant 0 : i32
      %dma_wait3A_197 = tpu.memref_slice %arg8[%dma_wait3A_188, %dma_wait3A_196] : memref<3x128xi32, #tpu.memory_space<vmem>> -> memref<1x128xi32, #tpu.memory_space<vmem>>
      %dma_wait3A_198 = tpu.memref_squeeze %dma_wait3A_197 : memref<1x128xi32, #tpu.memory_space<vmem>> -> memref<128xi32, #tpu.memory_space<vmem>>
      %dma_wait3A_199 = tpu.memref_slice %arg4[%mul3A_187] : memref<320000xi32, #tpu.memory_space<hbm>> -> memref<128xi32, #tpu.memory_space<hbm>>
      tpu.wait_dma2 semaphore(%dma_wait3A_195 : memref<!tpu.dma_semaphore, #tpu.memory_space<semaphore_mem>>) src(%dma_wait3A_199 : memref<128xi32, #tpu.memory_space<hbm>>) dst(%dma_wait3A_198 : memref<128xi32, #tpu.memory_space<vmem>>)
      %dma_start3A_200 = arith.constant 0 : i32
      %dma_start3A_201 = arith.constant 0 : i32
      %dma_start3A_202 = arith.constant 0 : i32
      %dma_start3A_203 = arith.constant 0 : i32
      %dma_start3A_204 = arith.constant 0 : i32
      %dma_start3A_205 = tpu.memref_slice %arg9[%dma_start3A_200, %dma_start3A_203, %dma_start3A_204] : memref<3x128x128xf32, #tpu.memory_space<vmem>> -> memref<1x128x128xf32, #tpu.memory_space<vmem>>
      %dma_start3A_206 = tpu.memref_squeeze %dma_start3A_205 : memref<1x128x128xf32, #tpu.memory_space<vmem>> -> memref<128x128xf32, #tpu.memory_space<vmem>>
      %dma_start3A_207 = arith.constant 0 : i32
      %dma_start3A_208 = tpu.memref_slice %arg8[%dma_start3A_201, %dma_start3A_207] : memref<3x128xi32, #tpu.memory_space<vmem>> -> memref<1x128xi32, #tpu.memory_space<vmem>>
      %dma_start3A_209 = tpu.memref_squeeze %dma_start3A_208 : memref<1x128xi32, #tpu.memory_space<vmem>> -> memref<128xi32, #tpu.memory_space<vmem>>
      %dma_start3A_210 = arith.constant 0 : i32
      %dma_start3A_211 = arith.constant 0 : i32
      %dma_start3A_212 = tpu.memref_slice %arg10[%dma_start3A_210, %dma_start3A_211] : memref<10000x128xf32, #tpu.memory_space<vmem_shared>> -> memref<10000x128xf32, #tpu.memory_space<vmem_shared>>
      %dma_start3A_213 = tpu.memref_slice %arg12[%dma_start3A_202] : memref<3x!tpu.dma_semaphore, #tpu.memory_space<semaphore_mem>> -> memref<1x!tpu.dma_semaphore, #tpu.memory_space<semaphore_mem>>
      %dma_start3A_214 = tpu.memref_squeeze %dma_start3A_213 : memref<1x!tpu.dma_semaphore, #tpu.memory_space<semaphore_mem>> -> memref<!tpu.dma_semaphore, #tpu.memory_space<semaphore_mem>>
      tpu.enqueue_indirect_dma source(%dma_start3A_206 : memref<128x128xf32, #tpu.memory_space<vmem>>) target(%dma_start3A_212 : memref<10000x128xf32, #tpu.memory_space<vmem_shared>>) offsets(%dma_start3A_209 : memref<128xi32, #tpu.memory_space<vmem>>) semaphore(%dma_start3A_214 : memref<!tpu.dma_semaphore, #tpu.memory_space<semaphore_mem>>) {add = true}
      %mul3A_215 = arith.constant 3 : i32
      %mul3A_216 = arith.muli %scan3A_145, %mul3A_215 : i32
      %add3A_217 = arith.constant 1 : i32
      %add3A_218 = arith.addi %mul3A_216, %add3A_217 : i32
      %dma_wait3A_219 = arith.constant 0 : i32
      %dma_wait3A_220 = arith.constant 0 : i32
      %dma_wait3A_221 = arith.constant 0 : i32
      %dma_wait3A_222 = arith.constant 0 : i32
      %dma_wait3A_223 = arith.constant 0 : i32
      %dma_wait3A_224 = tpu.memref_slice %arg9[%dma_wait3A_219, %dma_wait3A_222, %dma_wait3A_223] : memref<3x128x128xf32, #tpu.memory_space<vmem>> -> memref<1x128x128xf32, #tpu.memory_space<vmem>>
      %dma_wait3A_225 = tpu.memref_squeeze %dma_wait3A_224 : memref<1x128x128xf32, #tpu.memory_space<vmem>> -> memref<128x128xf32, #tpu.memory_space<vmem>>
      %dma_wait3A_226 = arith.constant 0 : i32
      %dma_wait3A_227 = tpu.memref_slice %arg8[%dma_wait3A_220, %dma_wait3A_226] : memref<3x128xi32, #tpu.memory_space<vmem>> -> memref<1x128xi32, #tpu.memory_space<vmem>>
      %dma_wait3A_228 = tpu.memref_squeeze %dma_wait3A_227 : memref<1x128xi32, #tpu.memory_space<vmem>> -> memref<128xi32, #tpu.memory_space<vmem>>
      %dma_wait3A_229 = arith.constant 0 : i32
      %dma_wait3A_230 = arith.constant 0 : i32
      %dma_wait3A_231 = tpu.memref_slice %arg10[%dma_wait3A_229, %dma_wait3A_230] : memref<10000x128xf32, #tpu.memory_space<vmem_shared>> -> memref<10000x128xf32, #tpu.memory_space<vmem_shared>>
      %dma_wait3A_232 = tpu.memref_slice %arg12[%dma_wait3A_221] : memref<3x!tpu.dma_semaphore, #tpu.memory_space<semaphore_mem>> -> memref<1x!tpu.dma_semaphore, #tpu.memory_space<semaphore_mem>>
      %dma_wait3A_233 = tpu.memref_squeeze %dma_wait3A_232 : memref<1x!tpu.dma_semaphore, #tpu.memory_space<semaphore_mem>> -> memref<!tpu.dma_semaphore, #tpu.memory_space<semaphore_mem>>
      tpu.wait_indirect_dma semaphore(%dma_wait3A_233 : memref<!tpu.dma_semaphore, #tpu.memory_space<semaphore_mem>>) src(%dma_wait3A_225 : memref<128x128xf32, #tpu.memory_space<vmem>>) dst(%dma_wait3A_231 : memref<10000x128xf32, #tpu.memory_space<vmem_shared>>)
      %add3A_234 = arith.constant 2 : i32
      %add3A_235 = arith.addi %add3A_218, %add3A_234 : i32
      %lt3A_236 = arith.constant 78 : i32
      %lt3A_237 = arith.cmpi slt, %add3A_235, %lt3A_236 : i32
      %convert_element_type3A_238 = arith.extui %lt3A_237 : i1 to i32
      %cond3A_239 = arith.constant 0 : i32
      %cond3A_240 = arith.cmpi ne, %convert_element_type3A_238, %cond3A_239 : i32
      scf.if %cond3A_240 {
        %add3A_375 = arith.constant 2 : i32
        %add3A_376 = arith.addi %add3A_218, %add3A_375 : i32
        %mul3A_377 = arith.constant 78 : i32
        %mul3A_378 = arith.muli %add3A, %mul3A_377 : i32
        %add3A_379 = arith.addi %mul3A_378, %add3A_376 : i32
        %mul3A_380 = arith.constant 128 : i32
        %mul3A_381 = arith.muli %add3A_379, %mul3A_380 : i32
        %dma_start3A_382 = arith.constant 0 : i32
        %dma_start3A_383 = arith.constant 0 : i32
        %dma_start3A_384 = arith.constant 0 : i32
        %dma_start3A_385 = tpu.memref_slice %arg7[%dma_start3A_382, %dma_start3A_384] : memref<3x128xi32, #tpu.memory_space<vmem>> -> memref<1x128xi32, #tpu.memory_space<vmem>>
        %dma_start3A_386 = tpu.memref_squeeze %dma_start3A_385 : memref<1x128xi32, #tpu.memory_space<vmem>> -> memref<128xi32, #tpu.memory_space<vmem>>
        %dma_start3A_387 = tpu.memref_slice %arg3[%mul3A_381] : memref<320000xi32, #tpu.memory_space<hbm>> -> memref<128xi32, #tpu.memory_space<hbm>>
        %dma_start3A_388 = tpu.memref_slice %arg13[%dma_start3A_383] : memref<3x!tpu.dma_semaphore, #tpu.memory_space<semaphore_mem>> -> memref<1x!tpu.dma_semaphore, #tpu.memory_space<semaphore_mem>>
        %dma_start3A_389 = tpu.memref_squeeze %dma_start3A_388 : memref<1x!tpu.dma_semaphore, #tpu.memory_space<semaphore_mem>> -> memref<!tpu.dma_semaphore, #tpu.memory_space<semaphore_mem>>
        %dma_start3A_390 = arith.constant 0 : i32
        %dma_start3A_391 = tpu.memref_slice %arg7[%dma_start3A_382, %dma_start3A_390] : memref<3x128xi32, #tpu.memory_space<vmem>> -> memref<1x128xi32, #tpu.memory_space<vmem>>
        %dma_start3A_392 = tpu.memref_squeeze %dma_start3A_391 : memref<1x128xi32, #tpu.memory_space<vmem>> -> memref<128xi32, #tpu.memory_space<vmem>>
        %dma_start3A_393 = tpu.memref_slice %arg3[%mul3A_381] : memref<320000xi32, #tpu.memory_space<hbm>> -> memref<128xi32, #tpu.memory_space<hbm>>
        tpu.enqueue_dma source(%dma_start3A_393 : memref<128xi32, #tpu.memory_space<hbm>>) target(%dma_start3A_392 : memref<128xi32, #tpu.memory_space<vmem>>) target_semaphore(%dma_start3A_389 : memref<!tpu.dma_semaphore, #tpu.memory_space<semaphore_mem>>)
        %add3A_394 = arith.constant 2 : i32
        %add3A_395 = arith.addi %add3A_218, %add3A_394 : i32
        %mul3A_396 = arith.constant 78 : i32
        %mul3A_397 = arith.muli %add3A, %mul3A_396 : i32
        %add3A_398 = arith.addi %mul3A_397, %add3A_395 : i32
        %mul3A_399 = arith.constant 128 : i32
        %mul3A_400 = arith.muli %add3A_398, %mul3A_399 : i32
        %dma_start3A_401 = arith.constant 0 : i32
        %dma_start3A_402 = arith.constant 0 : i32
        %dma_start3A_403 = arith.constant 0 : i32
        %dma_start3A_404 = tpu.memref_slice %arg8[%dma_start3A_401, %dma_start3A_403] : memref<3x128xi32, #tpu.memory_space<vmem>> -> memref<1x128xi32, #tpu.memory_space<vmem>>
        %dma_start3A_405 = tpu.memref_squeeze %dma_start3A_404 : memref<1x128xi32, #tpu.memory_space<vmem>> -> memref<128xi32, #tpu.memory_space<vmem>>
        %dma_start3A_406 = tpu.memref_slice %arg4[%mul3A_400] : memref<320000xi32, #tpu.memory_space<hbm>> -> memref<128xi32, #tpu.memory_space<hbm>>
        %dma_start3A_407 = tpu.memref_slice %arg14[%dma_start3A_402] : memref<3x!tpu.dma_semaphore, #tpu.memory_space<semaphore_mem>> -> memref<1x!tpu.dma_semaphore, #tpu.memory_space<semaphore_mem>>
        %dma_start3A_408 = tpu.memref_squeeze %dma_start3A_407 : memref<1x!tpu.dma_semaphore, #tpu.memory_space<semaphore_mem>> -> memref<!tpu.dma_semaphore, #tpu.memory_space<semaphore_mem>>
        %dma_start3A_409 = arith.constant 0 : i32
        %dma_start3A_410 = tpu.memref_slice %arg8[%dma_start3A_401, %dma_start3A_409] : memref<3x128xi32, #tpu.memory_space<vmem>> -> memref<1x128xi32, #tpu.memory_space<vmem>>
        %dma_start3A_411 = tpu.memref_squeeze %dma_start3A_410 : memref<1x128xi32, #tpu.memory_space<vmem>> -> memref<128xi32, #tpu.memory_space<vmem>>
        %dma_start3A_412 = tpu.memref_slice %arg4[%mul3A_400] : memref<320000xi32, #tpu.memory_space<hbm>> -> memref<128xi32, #tpu.memory_space<hbm>>
        tpu.enqueue_dma source(%dma_start3A_412 : memref<128xi32, #tpu.memory_space<hbm>>) target(%dma_start3A_411 : memref<128xi32, #tpu.memory_space<vmem>>) target_semaphore(%dma_start3A_408 : memref<!tpu.dma_semaphore, #tpu.memory_space<semaphore_mem>>)
      } else {
      }
      %add3A_241 = arith.constant 1 : i32
      %add3A_242 = arith.addi %add3A_218, %add3A_241 : i32
      %lt3A_243 = arith.constant 78 : i32
      %lt3A_244 = arith.cmpi slt, %add3A_242, %lt3A_243 : i32
      %convert_element_type3A_245 = arith.extui %lt3A_244 : i1 to i32
      %cond3A_246 = arith.constant 0 : i32
      %cond3A_247 = arith.cmpi ne, %convert_element_type3A_245, %cond3A_246 : i32
      scf.if %cond3A_247 {
        %add3A_375 = arith.constant 1 : i32
        %add3A_376 = arith.addi %add3A_218, %add3A_375 : i32
        %mul3A_377 = arith.constant 78 : i32
        %mul3A_378 = arith.muli %add3A, %mul3A_377 : i32
        %add3A_379 = arith.addi %mul3A_378, %add3A_376 : i32
        %mul3A_380 = arith.constant 128 : i32
        %mul3A_381 = arith.muli %add3A_379, %mul3A_380 : i32
        %dma_wait3A_382 = arith.constant 2 : i32
        %dma_wait3A_383 = arith.constant 2 : i32
        %dma_wait3A_384 = arith.constant 0 : i32
        %dma_wait3A_385 = tpu.memref_slice %arg7[%dma_wait3A_382, %dma_wait3A_384] : memref<3x128xi32, #tpu.memory_space<vmem>> -> memref<1x128xi32, #tpu.memory_space<vmem>>
        %dma_wait3A_386 = tpu.memref_squeeze %dma_wait3A_385 : memref<1x128xi32, #tpu.memory_space<vmem>> -> memref<128xi32, #tpu.memory_space<vmem>>
        %dma_wait3A_387 = tpu.memref_slice %arg3[%mul3A_381] : memref<320000xi32, #tpu.memory_space<hbm>> -> memref<128xi32, #tpu.memory_space<hbm>>
        %dma_wait3A_388 = tpu.memref_slice %arg13[%dma_wait3A_383] : memref<3x!tpu.dma_semaphore, #tpu.memory_space<semaphore_mem>> -> memref<1x!tpu.dma_semaphore, #tpu.memory_space<semaphore_mem>>
        %dma_wait3A_389 = tpu.memref_squeeze %dma_wait3A_388 : memref<1x!tpu.dma_semaphore, #tpu.memory_space<semaphore_mem>> -> memref<!tpu.dma_semaphore, #tpu.memory_space<semaphore_mem>>
        %dma_wait3A_390 = arith.constant 0 : i32
        %dma_wait3A_391 = tpu.memref_slice %arg7[%dma_wait3A_382, %dma_wait3A_390] : memref<3x128xi32, #tpu.memory_space<vmem>> -> memref<1x128xi32, #tpu.memory_space<vmem>>
        %dma_wait3A_392 = tpu.memref_squeeze %dma_wait3A_391 : memref<1x128xi32, #tpu.memory_space<vmem>> -> memref<128xi32, #tpu.memory_space<vmem>>
        %dma_wait3A_393 = tpu.memref_slice %arg3[%mul3A_381] : memref<320000xi32, #tpu.memory_space<hbm>> -> memref<128xi32, #tpu.memory_space<hbm>>
        tpu.wait_dma2 semaphore(%dma_wait3A_389 : memref<!tpu.dma_semaphore, #tpu.memory_space<semaphore_mem>>) src(%dma_wait3A_393 : memref<128xi32, #tpu.memory_space<hbm>>) dst(%dma_wait3A_392 : memref<128xi32, #tpu.memory_space<vmem>>)
        %dma_start3A_394 = arith.constant 2 : i32
        %dma_start3A_395 = arith.constant 2 : i32
        %dma_start3A_396 = arith.constant 2 : i32
        %dma_start3A_397 = arith.constant 0 : i32
        %dma_start3A_398 = arith.constant 0 : i32
        %dma_start3A_399 = tpu.memref_slice %arg9[%dma_start3A_395, %dma_start3A_397, %dma_start3A_398] : memref<3x128x128xf32, #tpu.memory_space<vmem>> -> memref<1x128x128xf32, #tpu.memory_space<vmem>>
        %dma_start3A_400 = tpu.memref_squeeze %dma_start3A_399 : memref<1x128x128xf32, #tpu.memory_space<vmem>> -> memref<128x128xf32, #tpu.memory_space<vmem>>
        %dma_start3A_401 = arith.constant 0 : i32
        %dma_start3A_402 = tpu.memref_slice %arg7[%dma_start3A_394, %dma_start3A_401] : memref<3x128xi32, #tpu.memory_space<vmem>> -> memref<1x128xi32, #tpu.memory_space<vmem>>
        %dma_start3A_403 = tpu.memref_squeeze %dma_start3A_402 : memref<1x128xi32, #tpu.memory_space<vmem>> -> memref<128xi32, #tpu.memory_space<vmem>>
        %dma_start3A_404 = arith.constant 0 : i32
        %dma_start3A_405 = arith.constant 0 : i32
        %dma_start3A_406 = tpu.memref_slice %arg2[%dma_start3A_404, %dma_start3A_405] : memref<10000x128xf32, #tpu.memory_space<hbm>> -> memref<10000x128xf32, #tpu.memory_space<hbm>>
        %dma_start3A_407 = tpu.memref_slice %arg11[%dma_start3A_396] : memref<3x!tpu.dma_semaphore, #tpu.memory_space<semaphore_mem>> -> memref<1x!tpu.dma_semaphore, #tpu.memory_space<semaphore_mem>>
        %dma_start3A_408 = tpu.memref_squeeze %dma_start3A_407 : memref<1x!tpu.dma_semaphore, #tpu.memory_space<semaphore_mem>> -> memref<!tpu.dma_semaphore, #tpu.memory_space<semaphore_mem>>
        tpu.enqueue_indirect_dma source(%dma_start3A_406 : memref<10000x128xf32, #tpu.memory_space<hbm>>) target(%dma_start3A_400 : memref<128x128xf32, #tpu.memory_space<vmem>>) offsets(%dma_start3A_403 : memref<128xi32, #tpu.memory_space<vmem>>) semaphore(%dma_start3A_408 : memref<!tpu.dma_semaphore, #tpu.memory_space<semaphore_mem>>)
      } else {
      }
      %dma_wait3A_248 = arith.constant 1 : i32
      %dma_wait3A_249 = arith.constant 1 : i32
      %dma_wait3A_250 = arith.constant 1 : i32
      %dma_wait3A_251 = arith.constant 0 : i32
      %dma_wait3A_252 = arith.constant 0 : i32
      %dma_wait3A_253 = tpu.memref_slice %arg9[%dma_wait3A_249, %dma_wait3A_251, %dma_wait3A_252] : memref<3x128x128xf32, #tpu.memory_space<vmem>> -> memref<1x128x128xf32, #tpu.memory_space<vmem>>
      %dma_wait3A_254 = tpu.memref_squeeze %dma_wait3A_253 : memref<1x128x128xf32, #tpu.memory_space<vmem>> -> memref<128x128xf32, #tpu.memory_space<vmem>>
      %dma_wait3A_255 = arith.constant 0 : i32
      %dma_wait3A_256 = tpu.memref_slice %arg7[%dma_wait3A_248, %dma_wait3A_255] : memref<3x128xi32, #tpu.memory_space<vmem>> -> memref<1x128xi32, #tpu.memory_space<vmem>>
      %dma_wait3A_257 = tpu.memref_squeeze %dma_wait3A_256 : memref<1x128xi32, #tpu.memory_space<vmem>> -> memref<128xi32, #tpu.memory_space<vmem>>
      %dma_wait3A_258 = arith.constant 0 : i32
      %dma_wait3A_259 = arith.constant 0 : i32
      %dma_wait3A_260 = tpu.memref_slice %arg2[%dma_wait3A_258, %dma_wait3A_259] : memref<10000x128xf32, #tpu.memory_space<hbm>> -> memref<10000x128xf32, #tpu.memory_space<hbm>>
      %dma_wait3A_261 = tpu.memref_slice %arg11[%dma_wait3A_250] : memref<3x!tpu.dma_semaphore, #tpu.memory_space<semaphore_mem>> -> memref<1x!tpu.dma_semaphore, #tpu.memory_space<semaphore_mem>>
      %dma_wait3A_262 = tpu.memref_squeeze %dma_wait3A_261 : memref<1x!tpu.dma_semaphore, #tpu.memory_space<semaphore_mem>> -> memref<!tpu.dma_semaphore, #tpu.memory_space<semaphore_mem>>
      tpu.wait_indirect_dma semaphore(%dma_wait3A_262 : memref<!tpu.dma_semaphore, #tpu.memory_space<semaphore_mem>>) src(%dma_wait3A_260 : memref<10000x128xf32, #tpu.memory_space<hbm>>) dst(%dma_wait3A_254 : memref<128x128xf32, #tpu.memory_space<vmem>>)
      %mul3A_263 = arith.constant 78 : i32
      %mul3A_264 = arith.muli %add3A, %mul3A_263 : i32
      %add3A_265 = arith.addi %mul3A_264, %add3A_218 : i32
      %mul3A_266 = arith.constant 128 : i32
      %mul3A_267 = arith.muli %add3A_265, %mul3A_266 : i32
      %dma_wait3A_268 = arith.constant 1 : i32
      %dma_wait3A_269 = arith.constant 1 : i32
      %dma_wait3A_270 = arith.constant 0 : i32
      %dma_wait3A_271 = tpu.memref_slice %arg8[%dma_wait3A_268, %dma_wait3A_270] : memref<3x128xi32, #tpu.memory_space<vmem>> -> memref<1x128xi32, #tpu.memory_space<vmem>>
      %dma_wait3A_272 = tpu.memref_squeeze %dma_wait3A_271 : memref<1x128xi32, #tpu.memory_space<vmem>> -> memref<128xi32, #tpu.memory_space<vmem>>
      %dma_wait3A_273 = tpu.memref_slice %arg4[%mul3A_267] : memref<320000xi32, #tpu.memory_space<hbm>> -> memref<128xi32, #tpu.memory_space<hbm>>
      %dma_wait3A_274 = tpu.memref_slice %arg14[%dma_wait3A_269] : memref<3x!tpu.dma_semaphore, #tpu.memory_space<semaphore_mem>> -> memref<1x!tpu.dma_semaphore, #tpu.memory_space<semaphore_mem>>
      %dma_wait3A_275 = tpu.memref_squeeze %dma_wait3A_274 : memref<1x!tpu.dma_semaphore, #tpu.memory_space<semaphore_mem>> -> memref<!tpu.dma_semaphore, #tpu.memory_space<semaphore_mem>>
      %dma_wait3A_276 = arith.constant 0 : i32
      %dma_wait3A_277 = tpu.memref_slice %arg8[%dma_wait3A_268, %dma_wait3A_276] : memref<3x128xi32, #tpu.memory_space<vmem>> -> memref<1x128xi32, #tpu.memory_space<vmem>>
      %dma_wait3A_278 = tpu.memref_squeeze %dma_wait3A_277 : memref<1x128xi32, #tpu.memory_space<vmem>> -> memref<128xi32, #tpu.memory_space<vmem>>
      %dma_wait3A_279 = tpu.memref_slice %arg4[%mul3A_267] : memref<320000xi32, #tpu.memory_space<hbm>> -> memref<128xi32, #tpu.memory_space<hbm>>
      tpu.wait_dma2 semaphore(%dma_wait3A_275 : memref<!tpu.dma_semaphore, #tpu.memory_space<semaphore_mem>>) src(%dma_wait3A_279 : memref<128xi32, #tpu.memory_space<hbm>>) dst(%dma_wait3A_278 : memref<128xi32, #tpu.memory_space<vmem>>)
      %dma_start3A_280 = arith.constant 1 : i32
      %dma_start3A_281 = arith.constant 1 : i32
      %dma_start3A_282 = arith.constant 1 : i32
      %dma_start3A_283 = arith.constant 0 : i32
      %dma_start3A_284 = arith.constant 0 : i32
      %dma_start3A_285 = tpu.memref_slice %arg9[%dma_start3A_280, %dma_start3A_283, %dma_start3A_284] : memref<3x128x128xf32, #tpu.memory_space<vmem>> -> memref<1x128x128xf32, #tpu.memory_space<vmem>>
      %dma_start3A_286 = tpu.memref_squeeze %dma_start3A_285 : memref<1x128x128xf32, #tpu.memory_space<vmem>> -> memref<128x128xf32, #tpu.memory_space<vmem>>
      %dma_start3A_287 = arith.constant 0 : i32
      %dma_start3A_288 = tpu.memref_slice %arg8[%dma_start3A_281, %dma_start3A_287] : memref<3x128xi32, #tpu.memory_space<vmem>> -> memref<1x128xi32, #tpu.memory_space<vmem>>
      %dma_start3A_289 = tpu.memref_squeeze %dma_start3A_288 : memref<1x128xi32, #tpu.memory_space<vmem>> -> memref<128xi32, #tpu.memory_space<vmem>>
      %dma_start3A_290 = arith.constant 0 : i32
      %dma_start3A_291 = arith.constant 0 : i32
      %dma_start3A_292 = tpu.memref_slice %arg10[%dma_start3A_290, %dma_start3A_291] : memref<10000x128xf32, #tpu.memory_space<vmem_shared>> -> memref<10000x128xf32, #tpu.memory_space<vmem_shared>>
      %dma_start3A_293 = tpu.memref_slice %arg12[%dma_start3A_282] : memref<3x!tpu.dma_semaphore, #tpu.memory_space<semaphore_mem>> -> memref<1x!tpu.dma_semaphore, #tpu.memory_space<semaphore_mem>>
      %dma_start3A_294 = tpu.memref_squeeze %dma_start3A_293 : memref<1x!tpu.dma_semaphore, #tpu.memory_space<semaphore_mem>> -> memref<!tpu.dma_semaphore, #tpu.memory_space<semaphore_mem>>
      tpu.enqueue_indirect_dma source(%dma_start3A_286 : memref<128x128xf32, #tpu.memory_space<vmem>>) target(%dma_start3A_292 : memref<10000x128xf32, #tpu.memory_space<vmem_shared>>) offsets(%dma_start3A_289 : memref<128xi32, #tpu.memory_space<vmem>>) semaphore(%dma_start3A_294 : memref<!tpu.dma_semaphore, #tpu.memory_space<semaphore_mem>>) {add = true}
      %mul3A_295 = arith.constant 3 : i32
      %mul3A_296 = arith.muli %scan3A_145, %mul3A_295 : i32
      %add3A_297 = arith.constant 2 : i32
      %add3A_298 = arith.addi %mul3A_296, %add3A_297 : i32
      %dma_wait3A_299 = arith.constant 1 : i32
      %dma_wait3A_300 = arith.constant 1 : i32
      %dma_wait3A_301 = arith.constant 1 : i32
      %dma_wait3A_302 = arith.constant 0 : i32
      %dma_wait3A_303 = arith.constant 0 : i32
      %dma_wait3A_304 = tpu.memref_slice %arg9[%dma_wait3A_299, %dma_wait3A_302, %dma_wait3A_303] : memref<3x128x128xf32, #tpu.memory_space<vmem>> -> memref<1x128x128xf32, #tpu.memory_space<vmem>>
      %dma_wait3A_305 = tpu.memref_squeeze %dma_wait3A_304 : memref<1x128x128xf32, #tpu.memory_space<vmem>> -> memref<128x128xf32, #tpu.memory_space<vmem>>
      %dma_wait3A_306 = arith.constant 0 : i32
      %dma_wait3A_307 = tpu.memref_slice %arg8[%dma_wait3A_300, %dma_wait3A_306] : memref<3x128xi32, #tpu.memory_space<vmem>> -> memref<1x128xi32, #tpu.memory_space<vmem>>
      %dma_wait3A_308 = tpu.memref_squeeze %dma_wait3A_307 : memref<1x128xi32, #tpu.memory_space<vmem>> -> memref<128xi32, #tpu.memory_space<vmem>>
      %dma_wait3A_309 = arith.constant 0 : i32
      %dma_wait3A_310 = arith.constant 0 : i32
      %dma_wait3A_311 = tpu.memref_slice %arg10[%dma_wait3A_309, %dma_wait3A_310] : memref<10000x128xf32, #tpu.memory_space<vmem_shared>> -> memref<10000x128xf32, #tpu.memory_space<vmem_shared>>
      %dma_wait3A_312 = tpu.memref_slice %arg12[%dma_wait3A_301] : memref<3x!tpu.dma_semaphore, #tpu.memory_space<semaphore_mem>> -> memref<1x!tpu.dma_semaphore, #tpu.memory_space<semaphore_mem>>
      %dma_wait3A_313 = tpu.memref_squeeze %dma_wait3A_312 : memref<1x!tpu.dma_semaphore, #tpu.memory_space<semaphore_mem>> -> memref<!tpu.dma_semaphore, #tpu.memory_space<semaphore_mem>>
      tpu.wait_indirect_dma semaphore(%dma_wait3A_313 : memref<!tpu.dma_semaphore, #tpu.memory_space<semaphore_mem>>) src(%dma_wait3A_305 : memref<128x128xf32, #tpu.memory_space<vmem>>) dst(%dma_wait3A_311 : memref<10000x128xf32, #tpu.memory_space<vmem_shared>>)
      %add3A_314 = arith.constant 2 : i32
      %add3A_315 = arith.addi %add3A_298, %add3A_314 : i32
      %lt3A_316 = arith.constant 78 : i32
      %lt3A_317 = arith.cmpi slt, %add3A_315, %lt3A_316 : i32
      %convert_element_type3A_318 = arith.extui %lt3A_317 : i1 to i32
      %cond3A_319 = arith.constant 0 : i32
      %cond3A_320 = arith.cmpi ne, %convert_element_type3A_318, %cond3A_319 : i32
      scf.if %cond3A_320 {
        %add3A_375 = arith.constant 2 : i32
        %add3A_376 = arith.addi %add3A_298, %add3A_375 : i32
        %mul3A_377 = arith.constant 78 : i32
        %mul3A_378 = arith.muli %add3A, %mul3A_377 : i32
        %add3A_379 = arith.addi %mul3A_378, %add3A_376 : i32
        %mul3A_380 = arith.constant 128 : i32
        %mul3A_381 = arith.muli %add3A_379, %mul3A_380 : i32
        %dma_start3A_382 = arith.constant 1 : i32
        %dma_start3A_383 = arith.constant 1 : i32
        %dma_start3A_384 = arith.constant 0 : i32
        %dma_start3A_385 = tpu.memref_slice %arg7[%dma_start3A_382, %dma_start3A_384] : memref<3x128xi32, #tpu.memory_space<vmem>> -> memref<1x128xi32, #tpu.memory_space<vmem>>
        %dma_start3A_386 = tpu.memref_squeeze %dma_start3A_385 : memref<1x128xi32, #tpu.memory_space<vmem>> -> memref<128xi32, #tpu.memory_space<vmem>>
        %dma_start3A_387 = tpu.memref_slice %arg3[%mul3A_381] : memref<320000xi32, #tpu.memory_space<hbm>> -> memref<128xi32, #tpu.memory_space<hbm>>
        %dma_start3A_388 = tpu.memref_slice %arg13[%dma_start3A_383] : memref<3x!tpu.dma_semaphore, #tpu.memory_space<semaphore_mem>> -> memref<1x!tpu.dma_semaphore, #tpu.memory_space<semaphore_mem>>
        %dma_start3A_389 = tpu.memref_squeeze %dma_start3A_388 : memref<1x!tpu.dma_semaphore, #tpu.memory_space<semaphore_mem>> -> memref<!tpu.dma_semaphore, #tpu.memory_space<semaphore_mem>>
        %dma_start3A_390 = arith.constant 0 : i32
        %dma_start3A_391 = tpu.memref_slice %arg7[%dma_start3A_382, %dma_start3A_390] : memref<3x128xi32, #tpu.memory_space<vmem>> -> memref<1x128xi32, #tpu.memory_space<vmem>>
        %dma_start3A_392 = tpu.memref_squeeze %dma_start3A_391 : memref<1x128xi32, #tpu.memory_space<vmem>> -> memref<128xi32, #tpu.memory_space<vmem>>
        %dma_start3A_393 = tpu.memref_slice %arg3[%mul3A_381] : memref<320000xi32, #tpu.memory_space<hbm>> -> memref<128xi32, #tpu.memory_space<hbm>>
        tpu.enqueue_dma source(%dma_start3A_393 : memref<128xi32, #tpu.memory_space<hbm>>) target(%dma_start3A_392 : memref<128xi32, #tpu.memory_space<vmem>>) target_semaphore(%dma_start3A_389 : memref<!tpu.dma_semaphore, #tpu.memory_space<semaphore_mem>>)
        %add3A_394 = arith.constant 2 : i32
        %add3A_395 = arith.addi %add3A_298, %add3A_394 : i32
        %mul3A_396 = arith.constant 78 : i32
        %mul3A_397 = arith.muli %add3A, %mul3A_396 : i32
        %add3A_398 = arith.addi %mul3A_397, %add3A_395 : i32
        %mul3A_399 = arith.constant 128 : i32
        %mul3A_400 = arith.muli %add3A_398, %mul3A_399 : i32
        %dma_start3A_401 = arith.constant 1 : i32
        %dma_start3A_402 = arith.constant 1 : i32
        %dma_start3A_403 = arith.constant 0 : i32
        %dma_start3A_404 = tpu.memref_slice %arg8[%dma_start3A_401, %dma_start3A_403] : memref<3x128xi32, #tpu.memory_space<vmem>> -> memref<1x128xi32, #tpu.memory_space<vmem>>
        %dma_start3A_405 = tpu.memref_squeeze %dma_start3A_404 : memref<1x128xi32, #tpu.memory_space<vmem>> -> memref<128xi32, #tpu.memory_space<vmem>>
        %dma_start3A_406 = tpu.memref_slice %arg4[%mul3A_400] : memref<320000xi32, #tpu.memory_space<hbm>> -> memref<128xi32, #tpu.memory_space<hbm>>
        %dma_start3A_407 = tpu.memref_slice %arg14[%dma_start3A_402] : memref<3x!tpu.dma_semaphore, #tpu.memory_space<semaphore_mem>> -> memref<1x!tpu.dma_semaphore, #tpu.memory_space<semaphore_mem>>
        %dma_start3A_408 = tpu.memref_squeeze %dma_start3A_407 : memref<1x!tpu.dma_semaphore, #tpu.memory_space<semaphore_mem>> -> memref<!tpu.dma_semaphore, #tpu.memory_space<semaphore_mem>>
        %dma_start3A_409 = arith.constant 0 : i32
        %dma_start3A_410 = tpu.memref_slice %arg8[%dma_start3A_401, %dma_start3A_409] : memref<3x128xi32, #tpu.memory_space<vmem>> -> memref<1x128xi32, #tpu.memory_space<vmem>>
        %dma_start3A_411 = tpu.memref_squeeze %dma_start3A_410 : memref<1x128xi32, #tpu.memory_space<vmem>> -> memref<128xi32, #tpu.memory_space<vmem>>
        %dma_start3A_412 = tpu.memref_slice %arg4[%mul3A_400] : memref<320000xi32, #tpu.memory_space<hbm>> -> memref<128xi32, #tpu.memory_space<hbm>>
        tpu.enqueue_dma source(%dma_start3A_412 : memref<128xi32, #tpu.memory_space<hbm>>) target(%dma_start3A_411 : memref<128xi32, #tpu.memory_space<vmem>>) target_semaphore(%dma_start3A_408 : memref<!tpu.dma_semaphore, #tpu.memory_space<semaphore_mem>>)
      } else {
      }
      %add3A_321 = arith.constant 1 : i32
      %add3A_322 = arith.addi %add3A_298, %add3A_321 : i32
      %lt3A_323 = arith.constant 78 : i32
      %lt3A_324 = arith.cmpi slt, %add3A_322, %lt3A_323 : i32
      %convert_element_type3A_325 = arith.extui %lt3A_324 : i1 to i32
      %cond3A_326 = arith.constant 0 : i32
      %cond3A_327 = arith.cmpi ne, %convert_element_type3A_325, %cond3A_326 : i32
      scf.if %cond3A_327 {
        %add3A_375 = arith.constant 1 : i32
        %add3A_376 = arith.addi %add3A_298, %add3A_375 : i32
        %mul3A_377 = arith.constant 78 : i32
        %mul3A_378 = arith.muli %add3A, %mul3A_377 : i32
        %add3A_379 = arith.addi %mul3A_378, %add3A_376 : i32
        %mul3A_380 = arith.constant 128 : i32
        %mul3A_381 = arith.muli %add3A_379, %mul3A_380 : i32
        %dma_wait3A_382 = arith.constant 0 : i32
        %dma_wait3A_383 = arith.constant 0 : i32
        %dma_wait3A_384 = arith.constant 0 : i32
        %dma_wait3A_385 = tpu.memref_slice %arg7[%dma_wait3A_382, %dma_wait3A_384] : memref<3x128xi32, #tpu.memory_space<vmem>> -> memref<1x128xi32, #tpu.memory_space<vmem>>
        %dma_wait3A_386 = tpu.memref_squeeze %dma_wait3A_385 : memref<1x128xi32, #tpu.memory_space<vmem>> -> memref<128xi32, #tpu.memory_space<vmem>>
        %dma_wait3A_387 = tpu.memref_slice %arg3[%mul3A_381] : memref<320000xi32, #tpu.memory_space<hbm>> -> memref<128xi32, #tpu.memory_space<hbm>>
        %dma_wait3A_388 = tpu.memref_slice %arg13[%dma_wait3A_383] : memref<3x!tpu.dma_semaphore, #tpu.memory_space<semaphore_mem>> -> memref<1x!tpu.dma_semaphore, #tpu.memory_space<semaphore_mem>>
        %dma_wait3A_389 = tpu.memref_squeeze %dma_wait3A_388 : memref<1x!tpu.dma_semaphore, #tpu.memory_space<semaphore_mem>> -> memref<!tpu.dma_semaphore, #tpu.memory_space<semaphore_mem>>
        %dma_wait3A_390 = arith.constant 0 : i32
        %dma_wait3A_391 = tpu.memref_slice %arg7[%dma_wait3A_382, %dma_wait3A_390] : memref<3x128xi32, #tpu.memory_space<vmem>> -> memref<1x128xi32, #tpu.memory_space<vmem>>
        %dma_wait3A_392 = tpu.memref_squeeze %dma_wait3A_391 : memref<1x128xi32, #tpu.memory_space<vmem>> -> memref<128xi32, #tpu.memory_space<vmem>>
        %dma_wait3A_393 = tpu.memref_slice %arg3[%mul3A_381] : memref<320000xi32, #tpu.memory_space<hbm>> -> memref<128xi32, #tpu.memory_space<hbm>>
        tpu.wait_dma2 semaphore(%dma_wait3A_389 : memref<!tpu.dma_semaphore, #tpu.memory_space<semaphore_mem>>) src(%dma_wait3A_393 : memref<128xi32, #tpu.memory_space<hbm>>) dst(%dma_wait3A_392 : memref<128xi32, #tpu.memory_space<vmem>>)
        %dma_start3A_394 = arith.constant 0 : i32
        %dma_start3A_395 = arith.constant 0 : i32
        %dma_start3A_396 = arith.constant 0 : i32
        %dma_start3A_397 = arith.constant 0 : i32
        %dma_start3A_398 = arith.constant 0 : i32
        %dma_start3A_399 = tpu.memref_slice %arg9[%dma_start3A_395, %dma_start3A_397, %dma_start3A_398] : memref<3x128x128xf32, #tpu.memory_space<vmem>> -> memref<1x128x128xf32, #tpu.memory_space<vmem>>
        %dma_start3A_400 = tpu.memref_squeeze %dma_start3A_399 : memref<1x128x128xf32, #tpu.memory_space<vmem>> -> memref<128x128xf32, #tpu.memory_space<vmem>>
        %dma_start3A_401 = arith.constant 0 : i32
        %dma_start3A_402 = tpu.memref_slice %arg7[%dma_start3A_394, %dma_start3A_401] : memref<3x128xi32, #tpu.memory_space<vmem>> -> memref<1x128xi32, #tpu.memory_space<vmem>>
        %dma_start3A_403 = tpu.memref_squeeze %dma_start3A_402 : memref<1x128xi32, #tpu.memory_space<vmem>> -> memref<128xi32, #tpu.memory_space<vmem>>
        %dma_start3A_404 = arith.constant 0 : i32
        %dma_start3A_405 = arith.constant 0 : i32
        %dma_start3A_406 = tpu.memref_slice %arg2[%dma_start3A_404, %dma_start3A_405] : memref<10000x128xf32, #tpu.memory_space<hbm>> -> memref<10000x128xf32, #tpu.memory_space<hbm>>
        %dma_start3A_407 = tpu.memref_slice %arg11[%dma_start3A_396] : memref<3x!tpu.dma_semaphore, #tpu.memory_space<semaphore_mem>> -> memref<1x!tpu.dma_semaphore, #tpu.memory_space<semaphore_mem>>
        %dma_start3A_408 = tpu.memref_squeeze %dma_start3A_407 : memref<1x!tpu.dma_semaphore, #tpu.memory_space<semaphore_mem>> -> memref<!tpu.dma_semaphore, #tpu.memory_space<semaphore_mem>>
        tpu.enqueue_indirect_dma source(%dma_start3A_406 : memref<10000x128xf32, #tpu.memory_space<hbm>>) target(%dma_start3A_400 : memref<128x128xf32, #tpu.memory_space<vmem>>) offsets(%dma_start3A_403 : memref<128xi32, #tpu.memory_space<vmem>>) semaphore(%dma_start3A_408 : memref<!tpu.dma_semaphore, #tpu.memory_space<semaphore_mem>>)
      } else {
      }
      %dma_wait3A_328 = arith.constant 2 : i32
      %dma_wait3A_329 = arith.constant 2 : i32
      %dma_wait3A_330 = arith.constant 2 : i32
      %dma_wait3A_331 = arith.constant 0 : i32
      %dma_wait3A_332 = arith.constant 0 : i32
      %dma_wait3A_333 = tpu.memref_slice %arg9[%dma_wait3A_329, %dma_wait3A_331, %dma_wait3A_332] : memref<3x128x128xf32, #tpu.memory_space<vmem>> -> memref<1x128x128xf32, #tpu.memory_space<vmem>>
      %dma_wait3A_334 = tpu.memref_squeeze %dma_wait3A_333 : memref<1x128x128xf32, #tpu.memory_space<vmem>> -> memref<128x128xf32, #tpu.memory_space<vmem>>
      %dma_wait3A_335 = arith.constant 0 : i32
      %dma_wait3A_336 = tpu.memref_slice %arg7[%dma_wait3A_328, %dma_wait3A_335] : memref<3x128xi32, #tpu.memory_space<vmem>> -> memref<1x128xi32, #tpu.memory_space<vmem>>
      %dma_wait3A_337 = tpu.memref_squeeze %dma_wait3A_336 : memref<1x128xi32, #tpu.memory_space<vmem>> -> memref<128xi32, #tpu.memory_space<vmem>>
      %dma_wait3A_338 = arith.constant 0 : i32
      %dma_wait3A_339 = arith.constant 0 : i32
      %dma_wait3A_340 = tpu.memref_slice %arg2[%dma_wait3A_338, %dma_wait3A_339] : memref<10000x128xf32, #tpu.memory_space<hbm>> -> memref<10000x128xf32, #tpu.memory_space<hbm>>
      %dma_wait3A_341 = tpu.memref_slice %arg11[%dma_wait3A_330] : memref<3x!tpu.dma_semaphore, #tpu.memory_space<semaphore_mem>> -> memref<1x!tpu.dma_semaphore, #tpu.memory_space<semaphore_mem>>
      %dma_wait3A_342 = tpu.memref_squeeze %dma_wait3A_341 : memref<1x!tpu.dma_semaphore, #tpu.memory_space<semaphore_mem>> -> memref<!tpu.dma_semaphore, #tpu.memory_space<semaphore_mem>>
      tpu.wait_indirect_dma semaphore(%dma_wait3A_342 : memref<!tpu.dma_semaphore, #tpu.memory_space<semaphore_mem>>) src(%dma_wait3A_340 : memref<10000x128xf32, #tpu.memory_space<hbm>>) dst(%dma_wait3A_334 : memref<128x128xf32, #tpu.memory_space<vmem>>)
      %mul3A_343 = arith.constant 78 : i32
      %mul3A_344 = arith.muli %add3A, %mul3A_343 : i32
      %add3A_345 = arith.addi %mul3A_344, %add3A_298 : i32
      %mul3A_346 = arith.constant 128 : i32
      %mul3A_347 = arith.muli %add3A_345, %mul3A_346 : i32
      %dma_wait3A_348 = arith.constant 2 : i32
      %dma_wait3A_349 = arith.constant 2 : i32
      %dma_wait3A_350 = arith.constant 0 : i32
      %dma_wait3A_351 = tpu.memref_slice %arg8[%dma_wait3A_348, %dma_wait3A_350] : memref<3x128xi32, #tpu.memory_space<vmem>> -> memref<1x128xi32, #tpu.memory_space<vmem>>
      %dma_wait3A_352 = tpu.memref_squeeze %dma_wait3A_351 : memref<1x128xi32, #tpu.memory_space<vmem>> -> memref<128xi32, #tpu.memory_space<vmem>>
      %dma_wait3A_353 = tpu.memref_slice %arg4[%mul3A_347] : memref<320000xi32, #tpu.memory_space<hbm>> -> memref<128xi32, #tpu.memory_space<hbm>>
      %dma_wait3A_354 = tpu.memref_slice %arg14[%dma_wait3A_349] : memref<3x!tpu.dma_semaphore, #tpu.memory_space<semaphore_mem>> -> memref<1x!tpu.dma_semaphore, #tpu.memory_space<semaphore_mem>>
      %dma_wait3A_355 = tpu.memref_squeeze %dma_wait3A_354 : memref<1x!tpu.dma_semaphore, #tpu.memory_space<semaphore_mem>> -> memref<!tpu.dma_semaphore, #tpu.memory_space<semaphore_mem>>
      %dma_wait3A_356 = arith.constant 0 : i32
      %dma_wait3A_357 = tpu.memref_slice %arg8[%dma_wait3A_348, %dma_wait3A_356] : memref<3x128xi32, #tpu.memory_space<vmem>> -> memref<1x128xi32, #tpu.memory_space<vmem>>
      %dma_wait3A_358 = tpu.memref_squeeze %dma_wait3A_357 : memref<1x128xi32, #tpu.memory_space<vmem>> -> memref<128xi32, #tpu.memory_space<vmem>>
      %dma_wait3A_359 = tpu.memref_slice %arg4[%mul3A_347] : memref<320000xi32, #tpu.memory_space<hbm>> -> memref<128xi32, #tpu.memory_space<hbm>>
      tpu.wait_dma2 semaphore(%dma_wait3A_355 : memref<!tpu.dma_semaphore, #tpu.memory_space<semaphore_mem>>) src(%dma_wait3A_359 : memref<128xi32, #tpu.memory_space<hbm>>) dst(%dma_wait3A_358 : memref<128xi32, #tpu.memory_space<vmem>>)
      %dma_start3A_360 = arith.constant 2 : i32
      %dma_start3A_361 = arith.constant 2 : i32
      %dma_start3A_362 = arith.constant 2 : i32
      %dma_start3A_363 = arith.constant 0 : i32
      %dma_start3A_364 = arith.constant 0 : i32
      %dma_start3A_365 = tpu.memref_slice %arg9[%dma_start3A_360, %dma_start3A_363, %dma_start3A_364] : memref<3x128x128xf32, #tpu.memory_space<vmem>> -> memref<1x128x128xf32, #tpu.memory_space<vmem>>
      %dma_start3A_366 = tpu.memref_squeeze %dma_start3A_365 : memref<1x128x128xf32, #tpu.memory_space<vmem>> -> memref<128x128xf32, #tpu.memory_space<vmem>>
      %dma_start3A_367 = arith.constant 0 : i32
      %dma_start3A_368 = tpu.memref_slice %arg8[%dma_start3A_361, %dma_start3A_367] : memref<3x128xi32, #tpu.memory_space<vmem>> -> memref<1x128xi32, #tpu.memory_space<vmem>>
      %dma_start3A_369 = tpu.memref_squeeze %dma_start3A_368 : memref<1x128xi32, #tpu.memory_space<vmem>> -> memref<128xi32, #tpu.memory_space<vmem>>
      %dma_start3A_370 = arith.constant 0 : i32
      %dma_start3A_371 = arith.constant 0 : i32
      %dma_start3A_372 = tpu.memref_slice %arg10[%dma_start3A_370, %dma_start3A_371] : memref<10000x128xf32, #tpu.memory_space<vmem_shared>> -> memref<10000x128xf32, #tpu.memory_space<vmem_shared>>
      %dma_start3A_373 = tpu.memref_slice %arg12[%dma_start3A_362] : memref<3x!tpu.dma_semaphore, #tpu.memory_space<semaphore_mem>> -> memref<1x!tpu.dma_semaphore, #tpu.memory_space<semaphore_mem>>
      %dma_start3A_374 = tpu.memref_squeeze %dma_start3A_373 : memref<1x!tpu.dma_semaphore, #tpu.memory_space<semaphore_mem>> -> memref<!tpu.dma_semaphore, #tpu.memory_space<semaphore_mem>>
      tpu.enqueue_indirect_dma source(%dma_start3A_366 : memref<128x128xf32, #tpu.memory_space<vmem>>) target(%dma_start3A_372 : memref<10000x128xf32, #tpu.memory_space<vmem_shared>>) offsets(%dma_start3A_369 : memref<128xi32, #tpu.memory_space<vmem>>) semaphore(%dma_start3A_374 : memref<!tpu.dma_semaphore, #tpu.memory_space<semaphore_mem>>) {add = true}
    }
    %scan3A_119 = arith.constant 26 : i32
    %dma_wait3A_120 = arith.constant 2 : i32
    %dma_wait3A_121 = arith.constant 2 : i32
    %dma_wait3A_122 = arith.constant 2 : i32
    %dma_wait3A_123 = arith.constant 0 : i32
    %dma_wait3A_124 = arith.constant 0 : i32
    %dma_wait3A_125 = tpu.memref_slice %arg9[%dma_wait3A_120, %dma_wait3A_123, %dma_wait3A_124] : memref<3x128x128xf32, #tpu.memory_space<vmem>> -> memref<1x128x128xf32, #tpu.memory_space<vmem>>
    %dma_wait3A_126 = tpu.memref_squeeze %dma_wait3A_125 : memref<1x128x128xf32, #tpu.memory_space<vmem>> -> memref<128x128xf32, #tpu.memory_space<vmem>>
    %dma_wait3A_127 = arith.constant 0 : i32
    %dma_wait3A_128 = tpu.memref_slice %arg8[%dma_wait3A_121, %dma_wait3A_127] : memref<3x128xi32, #tpu.memory_space<vmem>> -> memref<1x128xi32, #tpu.memory_space<vmem>>
    %dma_wait3A_129 = tpu.memref_squeeze %dma_wait3A_128 : memref<1x128xi32, #tpu.memory_space<vmem>> -> memref<128xi32, #tpu.memory_space<vmem>>
    %dma_wait3A_130 = arith.constant 0 : i32
    %dma_wait3A_131 = arith.constant 0 : i32
    %dma_wait3A_132 = tpu.memref_slice %arg10[%dma_wait3A_130, %dma_wait3A_131] : memref<10000x128xf32, #tpu.memory_space<vmem_shared>> -> memref<10000x128xf32, #tpu.memory_space<vmem_shared>>
    %dma_wait3A_133 = tpu.memref_slice %arg12[%dma_wait3A_122] : memref<3x!tpu.dma_semaphore, #tpu.memory_space<semaphore_mem>> -> memref<1x!tpu.dma_semaphore, #tpu.memory_space<semaphore_mem>>
    %dma_wait3A_134 = tpu.memref_squeeze %dma_wait3A_133 : memref<1x!tpu.dma_semaphore, #tpu.memory_space<semaphore_mem>> -> memref<!tpu.dma_semaphore, #tpu.memory_space<semaphore_mem>>
    tpu.wait_indirect_dma semaphore(%dma_wait3A_134 : memref<!tpu.dma_semaphore, #tpu.memory_space<semaphore_mem>>) src(%dma_wait3A_126 : memref<128x128xf32, #tpu.memory_space<vmem>>) dst(%dma_wait3A_132 : memref<10000x128xf32, #tpu.memory_space<vmem_shared>>)
    %lt3A = arith.constant 4 : i32
    %lt3A_135 = arith.cmpi slt, %add3A, %lt3A : i32
    %convert_element_type3A_136 = arith.extui %lt3A_135 : i1 to i32
    %cond3A_137 = arith.constant 0 : i32
    %cond3A_138 = arith.cmpi ne, %convert_element_type3A_136, %cond3A_137 : i32
    scf.if %cond3A_138 {
      %add3A_145 = arith.constant 2496 : i32
      %add3A_146 = arith.addi %add3A_145, %add3A : i32
      %mul3A_147 = arith.constant 128 : i32
      %mul3A_148 = arith.muli %add3A_146, %mul3A_147 : i32
      %run_scoped3A = arith.constant 0 : i32
      "tpu.region"() ({
        %run_scoped3A_182 = tpu.sem_alloc : memref<!tpu.dma_semaphore, #tpu.memory_space<semaphore_mem>>
        %dma_start3A_183 = arith.constant 0 : i32
        %dma_start3A_184 = tpu.memref_slice %arg7[%run_scoped3A, %dma_start3A_183] : memref<3x128xi32, #tpu.memory_space<vmem>> -> memref<1x128xi32, #tpu.memory_space<vmem>>
        %dma_start3A_185 = tpu.memref_squeeze %dma_start3A_184 : memref<1x128xi32, #tpu.memory_space<vmem>> -> memref<128xi32, #tpu.memory_space<vmem>>
        %dma_start3A_186 = tpu.memref_slice %arg3[%mul3A_148] : memref<320000xi32, #tpu.memory_space<hbm>> -> memref<128xi32, #tpu.memory_space<hbm>>
        %dma_start3A_187 = arith.constant 0 : i32
        %dma_start3A_188 = tpu.memref_slice %arg7[%run_scoped3A, %dma_start3A_187] : memref<3x128xi32, #tpu.memory_space<vmem>> -> memref<1x128xi32, #tpu.memory_space<vmem>>
        %dma_start3A_189 = tpu.memref_squeeze %dma_start3A_188 : memref<1x128xi32, #tpu.memory_space<vmem>> -> memref<128xi32, #tpu.memory_space<vmem>>
        %dma_start3A_190 = tpu.memref_slice %arg3[%mul3A_148] : memref<320000xi32, #tpu.memory_space<hbm>> -> memref<128xi32, #tpu.memory_space<hbm>>
        tpu.enqueue_dma source(%dma_start3A_190 : memref<128xi32, #tpu.memory_space<hbm>>) target(%dma_start3A_189 : memref<128xi32, #tpu.memory_space<vmem>>) target_semaphore(%run_scoped3A_182 : memref<!tpu.dma_semaphore, #tpu.memory_space<semaphore_mem>>)
        %dma_wait3A_191 = arith.constant 0 : i32
        %dma_wait3A_192 = tpu.memref_slice %arg7[%run_scoped3A, %dma_wait3A_191] : memref<3x128xi32, #tpu.memory_space<vmem>> -> memref<1x128xi32, #tpu.memory_space<vmem>>
        %dma_wait3A_193 = tpu.memref_squeeze %dma_wait3A_192 : memref<1x128xi32, #tpu.memory_space<vmem>> -> memref<128xi32, #tpu.memory_space<vmem>>
        %dma_wait3A_194 = tpu.memref_slice %arg3[%mul3A_148] : memref<320000xi32, #tpu.memory_space<hbm>> -> memref<128xi32, #tpu.memory_space<hbm>>
        %dma_wait3A_195 = arith.constant 0 : i32
        %dma_wait3A_196 = tpu.memref_slice %arg7[%run_scoped3A, %dma_wait3A_195] : memref<3x128xi32, #tpu.memory_space<vmem>> -> memref<1x128xi32, #tpu.memory_space<vmem>>
        %dma_wait3A_197 = tpu.memref_squeeze %dma_wait3A_196 : memref<1x128xi32, #tpu.memory_space<vmem>> -> memref<128xi32, #tpu.memory_space<vmem>>
        %dma_wait3A_198 = tpu.memref_slice %arg3[%mul3A_148] : memref<320000xi32, #tpu.memory_space<hbm>> -> memref<128xi32, #tpu.memory_space<hbm>>
        tpu.wait_dma2 semaphore(%run_scoped3A_182 : memref<!tpu.dma_semaphore, #tpu.memory_space<semaphore_mem>>) src(%dma_wait3A_198 : memref<128xi32, #tpu.memory_space<hbm>>) dst(%dma_wait3A_197 : memref<128xi32, #tpu.memory_space<vmem>>)
        tpu.yield
      }) : () -> ()
      %run_scoped3A_149 = arith.constant 0 : i32
      "tpu.region"() ({
        %run_scoped3A_182 = tpu.sem_alloc : memref<!tpu.dma_semaphore, #tpu.memory_space<semaphore_mem>>
        %dma_start3A_183 = arith.constant 0 : i32
        %dma_start3A_184 = tpu.memref_slice %arg8[%run_scoped3A_149, %dma_start3A_183] : memref<3x128xi32, #tpu.memory_space<vmem>> -> memref<1x128xi32, #tpu.memory_space<vmem>>
        %dma_start3A_185 = tpu.memref_squeeze %dma_start3A_184 : memref<1x128xi32, #tpu.memory_space<vmem>> -> memref<128xi32, #tpu.memory_space<vmem>>
        %dma_start3A_186 = tpu.memref_slice %arg4[%mul3A_148] : memref<320000xi32, #tpu.memory_space<hbm>> -> memref<128xi32, #tpu.memory_space<hbm>>
        %dma_start3A_187 = arith.constant 0 : i32
        %dma_start3A_188 = tpu.memref_slice %arg8[%run_scoped3A_149, %dma_start3A_187] : memref<3x128xi32, #tpu.memory_space<vmem>> -> memref<1x128xi32, #tpu.memory_space<vmem>>
        %dma_start3A_189 = tpu.memref_squeeze %dma_start3A_188 : memref<1x128xi32, #tpu.memory_space<vmem>> -> memref<128xi32, #tpu.memory_space<vmem>>
        %dma_start3A_190 = tpu.memref_slice %arg4[%mul3A_148] : memref<320000xi32, #tpu.memory_space<hbm>> -> memref<128xi32, #tpu.memory_space<hbm>>
        tpu.enqueue_dma source(%dma_start3A_190 : memref<128xi32, #tpu.memory_space<hbm>>) target(%dma_start3A_189 : memref<128xi32, #tpu.memory_space<vmem>>) target_semaphore(%run_scoped3A_182 : memref<!tpu.dma_semaphore, #tpu.memory_space<semaphore_mem>>)
        %dma_wait3A_191 = arith.constant 0 : i32
        %dma_wait3A_192 = tpu.memref_slice %arg8[%run_scoped3A_149, %dma_wait3A_191] : memref<3x128xi32, #tpu.memory_space<vmem>> -> memref<1x128xi32, #tpu.memory_space<vmem>>
        %dma_wait3A_193 = tpu.memref_squeeze %dma_wait3A_192 : memref<1x128xi32, #tpu.memory_space<vmem>> -> memref<128xi32, #tpu.memory_space<vmem>>
        %dma_wait3A_194 = tpu.memref_slice %arg4[%mul3A_148] : memref<320000xi32, #tpu.memory_space<hbm>> -> memref<128xi32, #tpu.memory_space<hbm>>
        %dma_wait3A_195 = arith.constant 0 : i32
        %dma_wait3A_196 = tpu.memref_slice %arg8[%run_scoped3A_149, %dma_wait3A_195] : memref<3x128xi32, #tpu.memory_space<vmem>> -> memref<1x128xi32, #tpu.memory_space<vmem>>
        %dma_wait3A_197 = tpu.memref_squeeze %dma_wait3A_196 : memref<1x128xi32, #tpu.memory_space<vmem>> -> memref<128xi32, #tpu.memory_space<vmem>>
        %dma_wait3A_198 = tpu.memref_slice %arg4[%mul3A_148] : memref<320000xi32, #tpu.memory_space<hbm>> -> memref<128xi32, #tpu.memory_space<hbm>>
        tpu.wait_dma2 semaphore(%run_scoped3A_182 : memref<!tpu.dma_semaphore, #tpu.memory_space<semaphore_mem>>) src(%dma_wait3A_198 : memref<128xi32, #tpu.memory_space<hbm>>) dst(%dma_wait3A_197 : memref<128xi32, #tpu.memory_space<vmem>>)
        tpu.yield
      }) : () -> ()
      %dma_start3A_150 = arith.constant 0 : i32
      %dma_start3A_151 = arith.constant 0 : i32
      %dma_start3A_152 = arith.constant 0 : i32
      %dma_start3A_153 = arith.constant 0 : i32
      %dma_start3A_154 = arith.constant 0 : i32
      %dma_start3A_155 = tpu.memref_slice %arg9[%dma_start3A_151, %dma_start3A_153, %dma_start3A_154] : memref<3x128x128xf32, #tpu.memory_space<vmem>> -> memref<1x128x128xf32, #tpu.memory_space<vmem>>
      %dma_start3A_156 = tpu.memref_squeeze %dma_start3A_155 : memref<1x128x128xf32, #tpu.memory_space<vmem>> -> memref<128x128xf32, #tpu.memory_space<vmem>>
      %dma_start3A_157 = arith.constant 0 : i32
      %dma_start3A_158 = tpu.memref_slice %arg7[%dma_start3A_150, %dma_start3A_157] : memref<3x128xi32, #tpu.memory_space<vmem>> -> memref<1x128xi32, #tpu.memory_space<vmem>>
      %dma_start3A_159 = tpu.memref_squeeze %dma_start3A_158 : memref<1x128xi32, #tpu.memory_space<vmem>> -> memref<128xi32, #tpu.memory_space<vmem>>
      %dma_start3A_160 = arith.constant 0 : i32
      %dma_start3A_161 = arith.constant 0 : i32
      %dma_start3A_162 = tpu.memref_slice %arg2[%dma_start3A_160, %dma_start3A_161] : memref<10000x128xf32, #tpu.memory_space<hbm>> -> memref<10000x128xf32, #tpu.memory_space<hbm>>
      %dma_start3A_163 = tpu.memref_slice %arg11[%dma_start3A_152] : memref<3x!tpu.dma_semaphore, #tpu.memory_space<semaphore_mem>> -> memref<1x!tpu.dma_semaphore, #tpu.memory_space<semaphore_mem>>
      %dma_start3A_164 = tpu.memref_squeeze %dma_start3A_163 : memref<1x!tpu.dma_semaphore, #tpu.memory_space<semaphore_mem>> -> memref<!tpu.dma_semaphore, #tpu.memory_space<semaphore_mem>>
      tpu.enqueue_indirect_dma source(%dma_start3A_162 : memref<10000x128xf32, #tpu.memory_space<hbm>>) target(%dma_start3A_156 : memref<128x128xf32, #tpu.memory_space<vmem>>) offsets(%dma_start3A_159 : memref<128xi32, #tpu.memory_space<vmem>>) semaphore(%dma_start3A_164 : memref<!tpu.dma_semaphore, #tpu.memory_space<semaphore_mem>>)
      %dma_wait3A_165 = arith.constant 0 : i32
      %dma_wait3A_166 = arith.constant 0 : i32
      %dma_wait3A_167 = arith.constant 0 : i32
      %dma_wait3A_168 = arith.constant 0 : i32
      %dma_wait3A_169 = arith.constant 0 : i32
      %dma_wait3A_170 = tpu.memref_slice %arg9[%dma_wait3A_166, %dma_wait3A_168, %dma_wait3A_169] : memref<3x128x128xf32, #tpu.memory_space<vmem>> -> memref<1x128x128xf32, #tpu.memory_space<vmem>>
      %dma_wait3A_171 = tpu.memref_squeeze %dma_wait3A_170 : memref<1x128x128xf32, #tpu.memory_space<vmem>> -> memref<128x128xf32, #tpu.memory_space<vmem>>
      %dma_wait3A_172 = arith.constant 0 : i32
      %dma_wait3A_173 = tpu.memref_slice %arg7[%dma_wait3A_165, %dma_wait3A_172] : memref<3x128xi32, #tpu.memory_space<vmem>> -> memref<1x128xi32, #tpu.memory_space<vmem>>
      %dma_wait3A_174 = tpu.memref_squeeze %dma_wait3A_173 : memref<1x128xi32, #tpu.memory_space<vmem>> -> memref<128xi32, #tpu.memory_space<vmem>>
      %dma_wait3A_175 = arith.constant 0 : i32
      %dma_wait3A_176 = arith.constant 0 : i32
      %dma_wait3A_177 = tpu.memref_slice %arg2[%dma_wait3A_175, %dma_wait3A_176] : memref<10000x128xf32, #tpu.memory_space<hbm>> -> memref<10000x128xf32, #tpu.memory_space<hbm>>
      %dma_wait3A_178 = tpu.memref_slice %arg11[%dma_wait3A_167] : memref<3x!tpu.dma_semaphore, #tpu.memory_space<semaphore_mem>> -> memref<1x!tpu.dma_semaphore, #tpu.memory_space<semaphore_mem>>
      %dma_wait3A_179 = tpu.memref_squeeze %dma_wait3A_178 : memref<1x!tpu.dma_semaphore, #tpu.memory_space<semaphore_mem>> -> memref<!tpu.dma_semaphore, #tpu.memory_space<semaphore_mem>>
      tpu.wait_indirect_dma semaphore(%dma_wait3A_179 : memref<!tpu.dma_semaphore, #tpu.memory_space<semaphore_mem>>) src(%dma_wait3A_177 : memref<10000x128xf32, #tpu.memory_space<hbm>>) dst(%dma_wait3A_171 : memref<128x128xf32, #tpu.memory_space<vmem>>)
      %run_scoped3A_180 = arith.constant 0 : i32
      %run_scoped3A_181 = arith.constant 0 : i32
      "tpu.region"() ({
        %run_scoped3A_182 = tpu.sem_alloc : memref<!tpu.dma_semaphore, #tpu.memory_space<semaphore_mem>>
        %dma_start3A_183 = arith.constant 0 : i32
        %dma_start3A_184 = arith.constant 0 : i32
        %dma_start3A_185 = tpu.memref_slice %arg9[%run_scoped3A_180, %dma_start3A_183, %dma_start3A_184] : memref<3x128x128xf32, #tpu.memory_space<vmem>> -> memref<1x128x128xf32, #tpu.memory_space<vmem>>
        %dma_start3A_186 = tpu.memref_squeeze %dma_start3A_185 : memref<1x128x128xf32, #tpu.memory_space<vmem>> -> memref<128x128xf32, #tpu.memory_space<vmem>>
        %dma_start3A_187 = arith.constant 0 : i32
        %dma_start3A_188 = tpu.memref_slice %arg8[%run_scoped3A_181, %dma_start3A_187] : memref<3x128xi32, #tpu.memory_space<vmem>> -> memref<1x128xi32, #tpu.memory_space<vmem>>
        %dma_start3A_189 = tpu.memref_squeeze %dma_start3A_188 : memref<1x128xi32, #tpu.memory_space<vmem>> -> memref<128xi32, #tpu.memory_space<vmem>>
        %dma_start3A_190 = arith.constant 0 : i32
        %dma_start3A_191 = arith.constant 0 : i32
        %dma_start3A_192 = tpu.memref_slice %arg10[%dma_start3A_190, %dma_start3A_191] : memref<10000x128xf32, #tpu.memory_space<vmem_shared>> -> memref<10000x128xf32, #tpu.memory_space<vmem_shared>>
        tpu.enqueue_indirect_dma source(%dma_start3A_186 : memref<128x128xf32, #tpu.memory_space<vmem>>) target(%dma_start3A_192 : memref<10000x128xf32, #tpu.memory_space<vmem_shared>>) offsets(%dma_start3A_189 : memref<128xi32, #tpu.memory_space<vmem>>) semaphore(%run_scoped3A_182 : memref<!tpu.dma_semaphore, #tpu.memory_space<semaphore_mem>>) {add = true}
        %dma_wait3A_193 = arith.constant 0 : i32
        %dma_wait3A_194 = arith.constant 0 : i32
        %dma_wait3A_195 = tpu.memref_slice %arg9[%run_scoped3A_180, %dma_wait3A_193, %dma_wait3A_194] : memref<3x128x128xf32, #tpu.memory_space<vmem>> -> memref<1x128x128xf32, #tpu.memory_space<vmem>>
        %dma_wait3A_196 = tpu.memref_squeeze %dma_wait3A_195 : memref<1x128x128xf32, #tpu.memory_space<vmem>> -> memref<128x128xf32, #tpu.memory_space<vmem>>
        %dma_wait3A_197 = arith.constant 0 : i32
        %dma_wait3A_198 = tpu.memref_slice %arg8[%run_scoped3A_181, %dma_wait3A_197] : memref<3x128xi32, #tpu.memory_space<vmem>> -> memref<1x128xi32, #tpu.memory_space<vmem>>
        %dma_wait3A_199 = tpu.memref_squeeze %dma_wait3A_198 : memref<1x128xi32, #tpu.memory_space<vmem>> -> memref<128xi32, #tpu.memory_space<vmem>>
        %dma_wait3A_200 = arith.constant 0 : i32
        %dma_wait3A_201 = arith.constant 0 : i32
        %dma_wait3A_202 = tpu.memref_slice %arg10[%dma_wait3A_200, %dma_wait3A_201] : memref<10000x128xf32, #tpu.memory_space<vmem_shared>> -> memref<10000x128xf32, #tpu.memory_space<vmem_shared>>
        tpu.wait_indirect_dma semaphore(%run_scoped3A_182 : memref<!tpu.dma_semaphore, #tpu.memory_space<semaphore_mem>>) src(%dma_wait3A_196 : memref<128x128xf32, #tpu.memory_space<vmem>>) dst(%dma_wait3A_202 : memref<10000x128xf32, #tpu.memory_space<vmem_shared>>)
        tpu.yield
      }) : () -> ()
    } else {
    }
    %barrier3A_139 = arith.constant 0 : index
    tpu.barrier barrier_id(%barrier3A_139)
    "tpu.region"() ({
      %run_scoped3A = tpu.sem_alloc : memref<!tpu.dma_semaphore, #tpu.memory_space<semaphore_mem>>
      %dma_start3A_145 = arith.constant 0 : i32
      %dma_start3A_146 = arith.constant 0 : i32
      %dma_start3A_147 = tpu.memref_slice %arg6[%arg0, %dma_start3A_145, %dma_start3A_146] : memref<2x10000x128xf32, #tpu.memory_space<hbm>> -> memref<1x10000x128xf32, #tpu.memory_space<hbm>>
      %dma_start3A_148 = tpu.memref_squeeze %dma_start3A_147 : memref<1x10000x128xf32, #tpu.memory_space<hbm>> -> memref<10000x128xf32, #tpu.memory_space<hbm>>
      %dma_start3A_149 = arith.constant 0 : i32
      %dma_start3A_150 = tpu.memref_slice %dma_start3A_148[%mul3A_73, %dma_start3A_149] : memref<10000x128xf32, #tpu.memory_space<hbm>> -> memref<624x128xf32, #tpu.memory_space<hbm>>
      %dma_start3A_151 = arith.constant 0 : i32
      %dma_start3A_152 = tpu.memref_slice %arg10[%mul3A_73, %dma_start3A_151] : memref<10000x128xf32, #tpu.memory_space<vmem_shared>> -> memref<624x128xf32, #tpu.memory_space<vmem_shared>>
      tpu.enqueue_dma source(%dma_start3A_152 : memref<624x128xf32, #tpu.memory_space<vmem_shared>>) target(%dma_start3A_150 : memref<624x128xf32, #tpu.memory_space<hbm>>) target_semaphore(%run_scoped3A : memref<!tpu.dma_semaphore, #tpu.memory_space<semaphore_mem>>)
      %dma_wait3A_153 = arith.constant 0 : i32
      %dma_wait3A_154 = arith.constant 0 : i32
      %dma_wait3A_155 = tpu.memref_slice %arg6[%arg0, %dma_wait3A_153, %dma_wait3A_154] : memref<2x10000x128xf32, #tpu.memory_space<hbm>> -> memref<1x10000x128xf32, #tpu.memory_space<hbm>>
      %dma_wait3A_156 = tpu.memref_squeeze %dma_wait3A_155 : memref<1x10000x128xf32, #tpu.memory_space<hbm>> -> memref<10000x128xf32, #tpu.memory_space<hbm>>
      %dma_wait3A_157 = arith.constant 0 : i32
      %dma_wait3A_158 = tpu.memref_slice %dma_wait3A_156[%mul3A_73, %dma_wait3A_157] : memref<10000x128xf32, #tpu.memory_space<hbm>> -> memref<624x128xf32, #tpu.memory_space<hbm>>
      %dma_wait3A_159 = arith.constant 0 : i32
      %dma_wait3A_160 = tpu.memref_slice %arg10[%mul3A_73, %dma_wait3A_159] : memref<10000x128xf32, #tpu.memory_space<vmem_shared>> -> memref<624x128xf32, #tpu.memory_space<vmem_shared>>
      tpu.wait_dma2 semaphore(%run_scoped3A : memref<!tpu.dma_semaphore, #tpu.memory_space<semaphore_mem>>) src(%dma_wait3A_160 : memref<624x128xf32, #tpu.memory_space<vmem_shared>>) dst(%dma_wait3A_158 : memref<624x128xf32, #tpu.memory_space<hbm>>)
      tpu.yield
    }) : () -> ()
    %eq3A_140 = arith.constant 15 : i32
    %eq3A_141 = arith.cmpi eq, %arg1, %eq3A_140 : i32
    %convert_element_type3A_142 = arith.extui %eq3A_141 : i1 to i32
    %cond3A_143 = arith.constant 0 : i32
    %cond3A_144 = arith.cmpi ne, %convert_element_type3A_142, %cond3A_143 : i32
    scf.if %cond3A_144 {
      "tpu.region"() ({
        %run_scoped3A = tpu.sem_alloc : memref<!tpu.dma_semaphore, #tpu.memory_space<semaphore_mem>>
        %dma_start3A_145 = arith.constant 0 : i32
        %dma_start3A_146 = arith.constant 0 : i32
        %dma_start3A_147 = tpu.memref_slice %arg6[%arg0, %dma_start3A_145, %dma_start3A_146] : memref<2x10000x128xf32, #tpu.memory_space<hbm>> -> memref<1x10000x128xf32, #tpu.memory_space<hbm>>
        %dma_start3A_148 = tpu.memref_squeeze %dma_start3A_147 : memref<1x10000x128xf32, #tpu.memory_space<hbm>> -> memref<10000x128xf32, #tpu.memory_space<hbm>>
        %dma_start3A_149 = arith.constant 9984 : i32
        %dma_start3A_150 = arith.constant 0 : i32
        %dma_start3A_151 = tpu.memref_slice %dma_start3A_148[%dma_start3A_149, %dma_start3A_150] : memref<10000x128xf32, #tpu.memory_space<hbm>> -> memref<16x128xf32, #tpu.memory_space<hbm>>
        %dma_start3A_152 = arith.constant 9984 : i32
        %dma_start3A_153 = arith.constant 0 : i32
        %dma_start3A_154 = tpu.memref_slice %arg10[%dma_start3A_152, %dma_start3A_153] : memref<10000x128xf32, #tpu.memory_space<vmem_shared>> -> memref<16x128xf32, #tpu.memory_space<vmem_shared>>
        tpu.enqueue_dma source(%dma_start3A_154 : memref<16x128xf32, #tpu.memory_space<vmem_shared>>) target(%dma_start3A_151 : memref<16x128xf32, #tpu.memory_space<hbm>>) target_semaphore(%run_scoped3A : memref<!tpu.dma_semaphore, #tpu.memory_space<semaphore_mem>>)
        %dma_wait3A_155 = arith.constant 0 : i32
        %dma_wait3A_156 = arith.constant 0 : i32
        %dma_wait3A_157 = tpu.memref_slice %arg6[%arg0, %dma_wait3A_155, %dma_wait3A_156] : memref<2x10000x128xf32, #tpu.memory_space<hbm>> -> memref<1x10000x128xf32, #tpu.memory_space<hbm>>
        %dma_wait3A_158 = tpu.memref_squeeze %dma_wait3A_157 : memref<1x10000x128xf32, #tpu.memory_space<hbm>> -> memref<10000x128xf32, #tpu.memory_space<hbm>>
        %dma_wait3A_159 = arith.constant 9984 : i32
        %dma_wait3A_160 = arith.constant 0 : i32
        %dma_wait3A_161 = tpu.memref_slice %dma_wait3A_158[%dma_wait3A_159, %dma_wait3A_160] : memref<10000x128xf32, #tpu.memory_space<hbm>> -> memref<16x128xf32, #tpu.memory_space<hbm>>
        %dma_wait3A_162 = arith.constant 9984 : i32
        %dma_wait3A_163 = arith.constant 0 : i32
        %dma_wait3A_164 = tpu.memref_slice %arg10[%dma_wait3A_162, %dma_wait3A_163] : memref<10000x128xf32, #tpu.memory_space<vmem_shared>> -> memref<16x128xf32, #tpu.memory_space<vmem_shared>>
        tpu.wait_dma2 semaphore(%run_scoped3A : memref<!tpu.dma_semaphore, #tpu.memory_space<semaphore_mem>>) src(%dma_wait3A_164 : memref<16x128xf32, #tpu.memory_space<vmem_shared>>) dst(%dma_wait3A_161 : memref<16x128xf32, #tpu.memory_space<hbm>>)
        tpu.yield
      }) : () -> ()
    } else {
    }
    return
  }
}

#map = affine_map<(d0, d1) -> (0, 0)>
#map1 = affine_map<(d0, d1) -> (0)>
#map2 = affine_map<(d0, d1) -> (0, 0, 0)>
module attributes {stable_mosaic.version = 14 : i64} {
  func.func @_segsum_body(%arg0: i32, %arg1: i32, %arg2: memref<10000x128xf32, #tpu.memory_space<hbm>>, %arg3: memref<320000xi32, #tpu.memory_space<hbm>>, %arg4: memref<320000xi32, #tpu.memory_space<hbm>>, %arg5: memref<10000x128xf32, #tpu.memory_space<hbm>>, %arg6: memref<2x10000x128xf32, #tpu.memory_space<hbm>>, %arg7: memref<3x128xi32, #tpu.memory_space<vmem>>, %arg8: memref<3x128xi32, #tpu.memory_space<vmem>>, %arg9: memref<3x128x128xf32, #tpu.memory_space<vmem>>, %arg10: memref<10000x128xf32, #tpu.memory_space<vmem_shared>>, %arg11: memref<3x!tpu.dma_semaphore, #tpu.memory_space<semaphore_mem>>, %arg12: memref<3x!tpu.dma_semaphore, #tpu.memory_space<semaphore_mem>>, %arg13: memref<3x!tpu.dma_semaphore, #tpu.memory_space<semaphore_mem>>, %arg14: memref<3x!tpu.dma_semaphore, #tpu.memory_space<semaphore_mem>>, %arg15: memref<!tpu.dma_semaphore, #tpu.memory_space<semaphore_mem>>) attributes {dimension_semantics = [#tpu.dimension_semantics<core_parallel>, #tpu.dimension_semantics<subcore_parallel>], iteration_bounds = array<i64: 2, 16>, scalar_prefetch = 0 : i64, scratch_operands = 9 : i64, tpu.core_type = #tpu.core_type<sc_vector_subcore>, window_params = [{transform_indices = #map}, {transform_indices = #map1}, {transform_indices = #map1}, {transform_indices = #map}, {transform_indices = #map2}]} {
    %mul3A = arith.constant 2 : i32
    %mul3A_0 = arith.muli %arg1, %mul3A : i32
    %add3A = arith.addi %mul3A_0, %arg0 : i32
    %mul3A_1 = arith.constant 78 : i32
    %mul3A_2 = arith.muli %add3A, %mul3A_1 : i32
    %add3A_3 = arith.constant 0 : i32
    %add3A_4 = arith.addi %mul3A_2, %add3A_3 : i32
    %mul3A_5 = arith.constant 128 : i32
    %mul3A_6 = arith.muli %add3A_4, %mul3A_5 : i32
    %dma_start3A = arith.constant 0 : i32
    %dma_start3A_7 = arith.constant 0 : i32
    %dma_start3A_8 = arith.constant 0 : i32
    %dma_start3A_9 = tpu.memref_slice %arg7[%dma_start3A, %dma_start3A_8] : memref<3x128xi32, #tpu.memory_space<vmem>> -> memref<1x128xi32, #tpu.memory_space<vmem>>
    %dma_start3A_10 = tpu.memref_squeeze %dma_start3A_9 : memref<1x128xi32, #tpu.memory_space<vmem>> -> memref<128xi32, #tpu.memory_space<vmem>>
    %dma_start3A_11 = tpu.memref_slice %arg3[%mul3A_6] : memref<320000xi32, #tpu.memory_space<hbm>> -> memref<128xi32, #tpu.memory_space<hbm>>
    %dma_start3A_12 = tpu.memref_slice %arg13[%dma_start3A_7] : memref<3x!tpu.dma_semaphore, #tpu.memory_space<semaphore_mem>> -> memref<1x!tpu.dma_semaphore, #tpu.memory_space<semaphore_mem>>
    %dma_start3A_13 = tpu.memref_squeeze %dma_start3A_12 : memref<1x!tpu.dma_semaphore, #tpu.memory_space<semaphore_mem>> -> memref<!tpu.dma_semaphore, #tpu.memory_space<semaphore_mem>>
    %dma_start3A_14 = arith.constant 0 : i32
    %dma_start3A_15 = tpu.memref_slice %arg7[%dma_start3A, %dma_start3A_14] : memref<3x128xi32, #tpu.memory_space<vmem>> -> memref<1x128xi32, #tpu.memory_space<vmem>>
    %dma_start3A_16 = tpu.memref_squeeze %dma_start3A_15 : memref<1x128xi32, #tpu.memory_space<vmem>> -> memref<128xi32, #tpu.memory_space<vmem>>
    %dma_start3A_17 = tpu.memref_slice %arg3[%mul3A_6] : memref<320000xi32, #tpu.memory_space<hbm>> -> memref<128xi32, #tpu.memory_space<hbm>>
    tpu.enqueue_dma source(%dma_start3A_17 : memref<128xi32, #tpu.memory_space<hbm>>) target(%dma_start3A_16 : memref<128xi32, #tpu.memory_space<vmem>>) target_semaphore(%dma_start3A_13 : memref<!tpu.dma_semaphore, #tpu.memory_space<semaphore_mem>>)
    %mul3A_18 = arith.constant 78 : i32
    %mul3A_19 = arith.muli %add3A, %mul3A_18 : i32
    %add3A_20 = arith.constant 0 : i32
    %add3A_21 = arith.addi %mul3A_19, %add3A_20 : i32
    %mul3A_22 = arith.constant 128 : i32
    %mul3A_23 = arith.muli %add3A_21, %mul3A_22 : i32
    %dma_start3A_24 = arith.constant 0 : i32
    %dma_start3A_25 = arith.constant 0 : i32
    %dma_start3A_26 = arith.constant 0 : i32
    %dma_start3A_27 = tpu.memref_slice %arg8[%dma_start3A_24, %dma_start3A_26] : memref<3x128xi32, #tpu.memory_space<vmem>> -> memref<1x128xi32, #tpu.memory_space<vmem>>
    %dma_start3A_28 = tpu.memref_squeeze %dma_start3A_27 : memref<1x128xi32, #tpu.memory_space<vmem>> -> memref<128xi32, #tpu.memory_space<vmem>>
    %dma_start3A_29 = tpu.memref_slice %arg4[%mul3A_23] : memref<320000xi32, #tpu.memory_space<hbm>> -> memref<128xi32, #tpu.memory_space<hbm>>
    %dma_start3A_30 = tpu.memref_slice %arg14[%dma_start3A_25] : memref<3x!tpu.dma_semaphore, #tpu.memory_space<semaphore_mem>> -> memref<1x!tpu.dma_semaphore, #tpu.memory_space<semaphore_mem>>
    %dma_start3A_31 = tpu.memref_squeeze %dma_start3A_30 : memref<1x!tpu.dma_semaphore, #tpu.memory_space<semaphore_mem>> -> memref<!tpu.dma_semaphore, #tpu.memory_space<semaphore_mem>>
    %dma_start3A_32 = arith.constant 0 : i32
    %dma_start3A_33 = tpu.memref_slice %arg8[%dma_start3A_24, %dma_start3A_32] : memref<3x128xi32, #tpu.memory_space<vmem>> -> memref<1x128xi32, #tpu.memory_space<vmem>>
    %dma_start3A_34 = tpu.memref_squeeze %dma_start3A_33 : memref<1x128xi32, #tpu.memory_space<vmem>> -> memref<128xi32, #tpu.memory_space<vmem>>
    %dma_start3A_35 = tpu.memref_slice %arg4[%mul3A_23] : memref<320000xi32, #tpu.memory_space<hbm>> -> memref<128xi32, #tpu.memory_space<hbm>>
    tpu.enqueue_dma source(%dma_start3A_35 : memref<128xi32, #tpu.memory_space<hbm>>) target(%dma_start3A_34 : memref<128xi32, #tpu.memory_space<vmem>>) target_semaphore(%dma_start3A_31 : memref<!tpu.dma_semaphore, #tpu.memory_space<semaphore_mem>>)
    %mul3A_36 = arith.constant 78 : i32
    %mul3A_37 = arith.muli %add3A, %mul3A_36 : i32
    %add3A_38 = arith.constant 1 : i32
    %add3A_39 = arith.addi %mul3A_37, %add3A_38 : i32
    %mul3A_40 = arith.constant 128 : i32
    %mul3A_41 = arith.muli %add3A_39, %mul3A_40 : i32
    %dma_start3A_42 = arith.constant 1 : i32
    %dma_start3A_43 = arith.constant 1 : i32
    %dma_start3A_44 = arith.constant 0 : i32
    %dma_start3A_45 = tpu.memref_slice %arg7[%dma_start3A_42, %dma_start3A_44] : memref<3x128xi32, #tpu.memory_space<vmem>> -> memref<1x128xi32, #tpu.memory_space<vmem>>
    %dma_start3A_46 = tpu.memref_squeeze %dma_start3A_45 : memref<1x128xi32, #tpu.memory_space<vmem>> -> memref<128xi32, #tpu.memory_space<vmem>>
    %dma_start3A_47 = tpu.memref_slice %arg3[%mul3A_41] : memref<320000xi32, #tpu.memory_space<hbm>> -> memref<128xi32, #tpu.memory_space<hbm>>
    %dma_start3A_48 = tpu.memref_slice %arg13[%dma_start3A_43] : memref<3x!tpu.dma_semaphore, #tpu.memory_space<semaphore_mem>> -> memref<1x!tpu.dma_semaphore, #tpu.memory_space<semaphore_mem>>
    %dma_start3A_49 = tpu.memref_squeeze %dma_start3A_48 : memref<1x!tpu.dma_semaphore, #tpu.memory_space<semaphore_mem>> -> memref<!tpu.dma_semaphore, #tpu.memory_space<semaphore_mem>>
    %dma_start3A_50 = arith.constant 0 : i32
    %dma_start3A_51 = tpu.memref_slice %arg7[%dma_start3A_42, %dma_start3A_50] : memref<3x128xi32, #tpu.memory_space<vmem>> -> memref<1x128xi32, #tpu.memory_space<vmem>>
    %dma_start3A_52 = tpu.memref_squeeze %dma_start3A_51 : memref<1x128xi32, #tpu.memory_space<vmem>> -> memref<128xi32, #tpu.memory_space<vmem>>
    %dma_start3A_53 = tpu.memref_slice %arg3[%mul3A_41] : memref<320000xi32, #tpu.memory_space<hbm>> -> memref<128xi32, #tpu.memory_space<hbm>>
    tpu.enqueue_dma source(%dma_start3A_53 : memref<128xi32, #tpu.memory_space<hbm>>) target(%dma_start3A_52 : memref<128xi32, #tpu.memory_space<vmem>>) target_semaphore(%dma_start3A_49 : memref<!tpu.dma_semaphore, #tpu.memory_space<semaphore_mem>>)
    %mul3A_54 = arith.constant 78 : i32
    %mul3A_55 = arith.muli %add3A, %mul3A_54 : i32
    %add3A_56 = arith.constant 1 : i32
    %add3A_57 = arith.addi %mul3A_55, %add3A_56 : i32
    %mul3A_58 = arith.constant 128 : i32
    %mul3A_59 = arith.muli %add3A_57, %mul3A_58 : i32
    %dma_start3A_60 = arith.constant 1 : i32
    %dma_start3A_61 = arith.constant 1 : i32
    %dma_start3A_62 = arith.constant 0 : i32
    %dma_start3A_63 = tpu.memref_slice %arg8[%dma_start3A_60, %dma_start3A_62] : memref<3x128xi32, #tpu.memory_space<vmem>> -> memref<1x128xi32, #tpu.memory_space<vmem>>
    %dma_start3A_64 = tpu.memref_squeeze %dma_start3A_63 : memref<1x128xi32, #tpu.memory_space<vmem>> -> memref<128xi32, #tpu.memory_space<vmem>>
    %dma_start3A_65 = tpu.memref_slice %arg4[%mul3A_59] : memref<320000xi32, #tpu.memory_space<hbm>> -> memref<128xi32, #tpu.memory_space<hbm>>
    %dma_start3A_66 = tpu.memref_slice %arg14[%dma_start3A_61] : memref<3x!tpu.dma_semaphore, #tpu.memory_space<semaphore_mem>> -> memref<1x!tpu.dma_semaphore, #tpu.memory_space<semaphore_mem>>
    %dma_start3A_67 = tpu.memref_squeeze %dma_start3A_66 : memref<1x!tpu.dma_semaphore, #tpu.memory_space<semaphore_mem>> -> memref<!tpu.dma_semaphore, #tpu.memory_space<semaphore_mem>>
    %dma_start3A_68 = arith.constant 0 : i32
    %dma_start3A_69 = tpu.memref_slice %arg8[%dma_start3A_60, %dma_start3A_68] : memref<3x128xi32, #tpu.memory_space<vmem>> -> memref<1x128xi32, #tpu.memory_space<vmem>>
    %dma_start3A_70 = tpu.memref_squeeze %dma_start3A_69 : memref<1x128xi32, #tpu.memory_space<vmem>> -> memref<128xi32, #tpu.memory_space<vmem>>
    %dma_start3A_71 = tpu.memref_slice %arg4[%mul3A_59] : memref<320000xi32, #tpu.memory_space<hbm>> -> memref<128xi32, #tpu.memory_space<hbm>>
    tpu.enqueue_dma source(%dma_start3A_71 : memref<128xi32, #tpu.memory_space<hbm>>) target(%dma_start3A_70 : memref<128xi32, #tpu.memory_space<vmem>>) target_semaphore(%dma_start3A_67 : memref<!tpu.dma_semaphore, #tpu.memory_space<semaphore_mem>>)
    %mul3A_72 = arith.constant 624 : i32
    %mul3A_73 = arith.muli %arg1, %mul3A_72 : i32
    %dma_start3A_74 = arith.constant 0 : i32
    %dma_start3A_75 = tpu.memref_slice %arg10[%mul3A_73, %dma_start3A_74] : memref<10000x128xf32, #tpu.memory_space<vmem_shared>> -> memref<624x128xf32, #tpu.memory_space<vmem_shared>>
    %dma_start3A_76 = arith.constant 0 : i32
    %dma_start3A_77 = tpu.memref_slice %arg5[%mul3A_73, %dma_start3A_76] : memref<10000x128xf32, #tpu.memory_space<hbm>> -> memref<624x128xf32, #tpu.memory_space<hbm>>
    tpu.enqueue_dma source(%dma_start3A_77 : memref<624x128xf32, #tpu.memory_space<hbm>>) target(%dma_start3A_75 : memref<624x128xf32, #tpu.memory_space<vmem_shared>>) target_semaphore(%arg15 : memref<!tpu.dma_semaphore, #tpu.memory_space<semaphore_mem>>)
    %eq3A = arith.constant 15 : i32
    %eq3A_78 = arith.cmpi eq, %arg1, %eq3A : i32
    %convert_element_type3A = arith.extui %eq3A_78 : i1 to i32
    %cond3A = arith.constant 0 : i32
    %cond3A_79 = arith.cmpi ne, %convert_element_type3A, %cond3A : i32
    scf.if %cond3A_79 {
      "tpu.region"() ({
        %run_scoped3A = tpu.sem_alloc : memref<!tpu.dma_semaphore, #tpu.memory_space<semaphore_mem>>
        %dma_start3A_145 = arith.constant 9984 : i32
        %dma_start3A_146 = arith.constant 0 : i32
        %dma_start3A_147 = tpu.memref_slice %arg10[%dma_start3A_145, %dma_start3A_146] : memref<10000x128xf32, #tpu.memory_space<vmem_shared>> -> memref<16x128xf32, #tpu.memory_space<vmem_shared>>
        %dma_start3A_148 = arith.constant 9984 : i32
        %dma_start3A_149 = arith.constant 0 : i32
        %dma_start3A_150 = tpu.memref_slice %arg5[%dma_start3A_148, %dma_start3A_149] : memref<10000x128xf32, #tpu.memory_space<hbm>> -> memref<16x128xf32, #tpu.memory_space<hbm>>
        tpu.enqueue_dma source(%dma_start3A_150 : memref<16x128xf32, #tpu.memory_space<hbm>>) target(%dma_start3A_147 : memref<16x128xf32, #tpu.memory_space<vmem_shared>>) target_semaphore(%run_scoped3A : memref<!tpu.dma_semaphore, #tpu.memory_space<semaphore_mem>>)
        %dma_wait3A_151 = arith.constant 9984 : i32
        %dma_wait3A_152 = arith.constant 0 : i32
        %dma_wait3A_153 = tpu.memref_slice %arg10[%dma_wait3A_151, %dma_wait3A_152] : memref<10000x128xf32, #tpu.memory_space<vmem_shared>> -> memref<16x128xf32, #tpu.memory_space<vmem_shared>>
        %dma_wait3A_154 = arith.constant 9984 : i32
        %dma_wait3A_155 = arith.constant 0 : i32
        %dma_wait3A_156 = tpu.memref_slice %arg5[%dma_wait3A_154, %dma_wait3A_155] : memref<10000x128xf32, #tpu.memory_space<hbm>> -> memref<16x128xf32, #tpu.memory_space<hbm>>
        tpu.wait_dma2 semaphore(%run_scoped3A : memref<!tpu.dma_semaphore, #tpu.memory_space<semaphore_mem>>) src(%dma_wait3A_156 : memref<16x128xf32, #tpu.memory_space<hbm>>) dst(%dma_wait3A_153 : memref<16x128xf32, #tpu.memory_space<vmem_shared>>)
        tpu.yield
      }) : () -> ()
    } else {
    }
    %mul3A_80 = arith.constant 78 : i32
    %mul3A_81 = arith.muli %add3A, %mul3A_80 : i32
    %add3A_82 = arith.constant 0 : i32
    %add3A_83 = arith.addi %mul3A_81, %add3A_82 : i32
    %mul3A_84 = arith.constant 128 : i32
    %mul3A_85 = arith.muli %add3A_83, %mul3A_84 : i32
    %dma_wait3A = arith.constant 0 : i32
    %dma_wait3A_86 = arith.constant 0 : i32
    %dma_wait3A_87 = arith.constant 0 : i32
    %dma_wait3A_88 = tpu.memref_slice %arg7[%dma_wait3A, %dma_wait3A_87] : memref<3x128xi32, #tpu.memory_space<vmem>> -> memref<1x128xi32, #tpu.memory_space<vmem>>
    %dma_wait3A_89 = tpu.memref_squeeze %dma_wait3A_88 : memref<1x128xi32, #tpu.memory_space<vmem>> -> memref<128xi32, #tpu.memory_space<vmem>>
    %dma_wait3A_90 = tpu.memref_slice %arg3[%mul3A_85] : memref<320000xi32, #tpu.memory_space<hbm>> -> memref<128xi32, #tpu.memory_space<hbm>>
    %dma_wait3A_91 = tpu.memref_slice %arg13[%dma_wait3A_86] : memref<3x!tpu.dma_semaphore, #tpu.memory_space<semaphore_mem>> -> memref<1x!tpu.dma_semaphore, #tpu.memory_space<semaphore_mem>>
    %dma_wait3A_92 = tpu.memref_squeeze %dma_wait3A_91 : memref<1x!tpu.dma_semaphore, #tpu.memory_space<semaphore_mem>> -> memref<!tpu.dma_semaphore, #tpu.memory_space<semaphore_mem>>
    %dma_wait3A_93 = arith.constant 0 : i32
    %dma_wait3A_94 = tpu.memref_slice %arg7[%dma_wait3A, %dma_wait3A_93] : memref<3x128xi32, #tpu.memory_space<vmem>> -> memref<1x128xi32, #tpu.memory_space<vmem>>
    %dma_wait3A_95 = tpu.memref_squeeze %dma_wait3A_94 : memref<1x128xi32, #tpu.memory_space<vmem>> -> memref<128xi32, #tpu.memory_space<vmem>>
    %dma_wait3A_96 = tpu.memref_slice %arg3[%mul3A_85] : memref<320000xi32, #tpu.memory_space<hbm>> -> memref<128xi32, #tpu.memory_space<hbm>>
    tpu.wait_dma2 semaphore(%dma_wait3A_92 : memref<!tpu.dma_semaphore, #tpu.memory_space<semaphore_mem>>) src(%dma_wait3A_96 : memref<128xi32, #tpu.memory_space<hbm>>) dst(%dma_wait3A_95 : memref<128xi32, #tpu.memory_space<vmem>>)
    %dma_start3A_97 = arith.constant 0 : i32
    %dma_start3A_98 = arith.constant 0 : i32
    %dma_start3A_99 = arith.constant 0 : i32
    %dma_start3A_100 = arith.constant 0 : i32
    %dma_start3A_101 = arith.constant 0 : i32
    %dma_start3A_102 = tpu.memref_slice %arg9[%dma_start3A_98, %dma_start3A_100, %dma_start3A_101] : memref<3x128x128xf32, #tpu.memory_space<vmem>> -> memref<1x128x128xf32, #tpu.memory_space<vmem>>
    %dma_start3A_103 = tpu.memref_squeeze %dma_start3A_102 : memref<1x128x128xf32, #tpu.memory_space<vmem>> -> memref<128x128xf32, #tpu.memory_space<vmem>>
    %dma_start3A_104 = arith.constant 0 : i32
    %dma_start3A_105 = tpu.memref_slice %arg7[%dma_start3A_97, %dma_start3A_104] : memref<3x128xi32, #tpu.memory_space<vmem>> -> memref<1x128xi32, #tpu.memory_space<vmem>>
    %dma_start3A_106 = tpu.memref_squeeze %dma_start3A_105 : memref<1x128xi32, #tpu.memory_space<vmem>> -> memref<128xi32, #tpu.memory_space<vmem>>
    %dma_start3A_107 = arith.constant 0 : i32
    %dma_start3A_108 = arith.constant 0 : i32
    %dma_start3A_109 = tpu.memref_slice %arg2[%dma_start3A_107, %dma_start3A_108] : memref<10000x128xf32, #tpu.memory_space<hbm>> -> memref<10000x128xf32, #tpu.memory_space<hbm>>
    %dma_start3A_110 = tpu.memref_slice %arg11[%dma_start3A_99] : memref<3x!tpu.dma_semaphore, #tpu.memory_space<semaphore_mem>> -> memref<1x!tpu.dma_semaphore, #tpu.memory_space<semaphore_mem>>
    %dma_start3A_111 = tpu.memref_squeeze %dma_start3A_110 : memref<1x!tpu.dma_semaphore, #tpu.memory_space<semaphore_mem>> -> memref<!tpu.dma_semaphore, #tpu.memory_space<semaphore_mem>>
    tpu.enqueue_indirect_dma source(%dma_start3A_109 : memref<10000x128xf32, #tpu.memory_space<hbm>>) target(%dma_start3A_103 : memref<128x128xf32, #tpu.memory_space<vmem>>) offsets(%dma_start3A_106 : memref<128xi32, #tpu.memory_space<vmem>>) semaphore(%dma_start3A_111 : memref<!tpu.dma_semaphore, #tpu.memory_space<semaphore_mem>>)
    %dma_wait3A_112 = arith.constant 0 : i32
    %dma_wait3A_113 = tpu.memref_slice %arg10[%mul3A_73, %dma_wait3A_112] : memref<10000x128xf32, #tpu.memory_space<vmem_shared>> -> memref<624x128xf32, #tpu.memory_space<vmem_shared>>
    %dma_wait3A_114 = arith.constant 0 : i32
    %dma_wait3A_115 = tpu.memref_slice %arg5[%mul3A_73, %dma_wait3A_114] : memref<10000x128xf32, #tpu.memory_space<hbm>> -> memref<624x128xf32, #tpu.memory_space<hbm>>
    tpu.wait_dma2 semaphore(%arg15 : memref<!tpu.dma_semaphore, #tpu.memory_space<semaphore_mem>>) src(%dma_wait3A_115 : memref<624x128xf32, #tpu.memory_space<hbm>>) dst(%dma_wait3A_113 : memref<624x128xf32, #tpu.memory_space<vmem_shared>>)
    %barrier3A = arith.constant 0 : index
    tpu.barrier barrier_id(%barrier3A)
    %scan3A = arith.constant 0 : i32
    %scan3A_116 = arith.constant 26 : i32
    %scan3A_117 = arith.addi %scan3A, %scan3A_116 : i32
    %scan3A_118 = arith.constant 1 : i32
    scf.for %scan3A_145 = %scan3A to %scan3A_117 step %scan3A_118  : i32 {
      %mul3A_146 = arith.constant 3 : i32
      %mul3A_147 = arith.muli %scan3A_145, %mul3A_146 : i32
      %add3A_148 = arith.constant 0 : i32
      %add3A_149 = arith.addi %mul3A_147, %add3A_148 : i32
      %gt3A = arith.constant 0 : i32
      %gt3A_150 = arith.cmpi sgt, %scan3A_145, %gt3A : i32
      %convert_element_type3A_151 = arith.extui %gt3A_150 : i1 to i32
      %cond3A_152 = arith.constant 0 : i32
      %cond3A_153 = arith.cmpi ne, %convert_element_type3A_151, %cond3A_152 : i32
      scf.if %cond3A_153 {
        %dma_wait3A_375 = arith.constant 2 : i32
        %dma_wait3A_376 = arith.constant 2 : i32
        %dma_wait3A_377 = arith.constant 2 : i32
        %dma_wait3A_378 = arith.constant 0 : i32
        %dma_wait3A_379 = arith.constant 0 : i32
        %dma_wait3A_380 = tpu.memref_slice %arg9[%dma_wait3A_375, %dma_wait3A_378, %dma_wait3A_379] : memref<3x128x128xf32, #tpu.memory_space<vmem>> -> memref<1x128x128xf32, #tpu.memory_space<vmem>>
        %dma_wait3A_381 = tpu.memref_squeeze %dma_wait3A_380 : memref<1x128x128xf32, #tpu.memory_space<vmem>> -> memref<128x128xf32, #tpu.memory_space<vmem>>
        %dma_wait3A_382 = arith.constant 0 : i32
        %dma_wait3A_383 = tpu.memref_slice %arg8[%dma_wait3A_376, %dma_wait3A_382] : memref<3x128xi32, #tpu.memory_space<vmem>> -> memref<1x128xi32, #tpu.memory_space<vmem>>
        %dma_wait3A_384 = tpu.memref_squeeze %dma_wait3A_383 : memref<1x128xi32, #tpu.memory_space<vmem>> -> memref<128xi32, #tpu.memory_space<vmem>>
        %dma_wait3A_385 = arith.constant 0 : i32
        %dma_wait3A_386 = arith.constant 0 : i32
        %dma_wait3A_387 = tpu.memref_slice %arg10[%dma_wait3A_385, %dma_wait3A_386] : memref<10000x128xf32, #tpu.memory_space<vmem_shared>> -> memref<10000x128xf32, #tpu.memory_space<vmem_shared>>
        %dma_wait3A_388 = tpu.memref_slice %arg12[%dma_wait3A_377] : memref<3x!tpu.dma_semaphore, #tpu.memory_space<semaphore_mem>> -> memref<1x!tpu.dma_semaphore, #tpu.memory_space<semaphore_mem>>
        %dma_wait3A_389 = tpu.memref_squeeze %dma_wait3A_388 : memref<1x!tpu.dma_semaphore, #tpu.memory_space<semaphore_mem>> -> memref<!tpu.dma_semaphore, #tpu.memory_space<semaphore_mem>>
        tpu.wait_indirect_dma semaphore(%dma_wait3A_389 : memref<!tpu.dma_semaphore, #tpu.memory_space<semaphore_mem>>) src(%dma_wait3A_381 : memref<128x128xf32, #tpu.memory_space<vmem>>) dst(%dma_wait3A_387 : memref<10000x128xf32, #tpu.memory_space<vmem_shared>>)
      } else {
      }
      %add3A_154 = arith.constant 2 : i32
      %add3A_155 = arith.addi %add3A_149, %add3A_154 : i32
      %lt3A_156 = arith.constant 78 : i32
      %lt3A_157 = arith.cmpi slt, %add3A_155, %lt3A_156 : i32
      %convert_element_type3A_158 = arith.extui %lt3A_157 : i1 to i32
      %cond3A_159 = arith.constant 0 : i32
      %cond3A_160 = arith.cmpi ne, %convert_element_type3A_158, %cond3A_159 : i32
      scf.if %cond3A_160 {
        %add3A_375 = arith.constant 2 : i32
        %add3A_376 = arith.addi %add3A_149, %add3A_375 : i32
        %mul3A_377 = arith.constant 78 : i32
        %mul3A_378 = arith.muli %add3A, %mul3A_377 : i32
        %add3A_379 = arith.addi %mul3A_378, %add3A_376 : i32
        %mul3A_380 = arith.constant 128 : i32
        %mul3A_381 = arith.muli %add3A_379, %mul3A_380 : i32
        %dma_start3A_382 = arith.constant 2 : i32
        %dma_start3A_383 = arith.constant 2 : i32
        %dma_start3A_384 = arith.constant 0 : i32
        %dma_start3A_385 = tpu.memref_slice %arg7[%dma_start3A_382, %dma_start3A_384] : memref<3x128xi32, #tpu.memory_space<vmem>> -> memref<1x128xi32, #tpu.memory_space<vmem>>
        %dma_start3A_386 = tpu.memref_squeeze %dma_start3A_385 : memref<1x128xi32, #tpu.memory_space<vmem>> -> memref<128xi32, #tpu.memory_space<vmem>>
        %dma_start3A_387 = tpu.memref_slice %arg3[%mul3A_381] : memref<320000xi32, #tpu.memory_space<hbm>> -> memref<128xi32, #tpu.memory_space<hbm>>
        %dma_start3A_388 = tpu.memref_slice %arg13[%dma_start3A_383] : memref<3x!tpu.dma_semaphore, #tpu.memory_space<semaphore_mem>> -> memref<1x!tpu.dma_semaphore, #tpu.memory_space<semaphore_mem>>
        %dma_start3A_389 = tpu.memref_squeeze %dma_start3A_388 : memref<1x!tpu.dma_semaphore, #tpu.memory_space<semaphore_mem>> -> memref<!tpu.dma_semaphore, #tpu.memory_space<semaphore_mem>>
        %dma_start3A_390 = arith.constant 0 : i32
        %dma_start3A_391 = tpu.memref_slice %arg7[%dma_start3A_382, %dma_start3A_390] : memref<3x128xi32, #tpu.memory_space<vmem>> -> memref<1x128xi32, #tpu.memory_space<vmem>>
        %dma_start3A_392 = tpu.memref_squeeze %dma_start3A_391 : memref<1x128xi32, #tpu.memory_space<vmem>> -> memref<128xi32, #tpu.memory_space<vmem>>
        %dma_start3A_393 = tpu.memref_slice %arg3[%mul3A_381] : memref<320000xi32, #tpu.memory_space<hbm>> -> memref<128xi32, #tpu.memory_space<hbm>>
        tpu.enqueue_dma source(%dma_start3A_393 : memref<128xi32, #tpu.memory_space<hbm>>) target(%dma_start3A_392 : memref<128xi32, #tpu.memory_space<vmem>>) target_semaphore(%dma_start3A_389 : memref<!tpu.dma_semaphore, #tpu.memory_space<semaphore_mem>>)
        %add3A_394 = arith.constant 2 : i32
        %add3A_395 = arith.addi %add3A_149, %add3A_394 : i32
        %mul3A_396 = arith.constant 78 : i32
        %mul3A_397 = arith.muli %add3A, %mul3A_396 : i32
        %add3A_398 = arith.addi %mul3A_397, %add3A_395 : i32
        %mul3A_399 = arith.constant 128 : i32
        %mul3A_400 = arith.muli %add3A_398, %mul3A_399 : i32
        %dma_start3A_401 = arith.constant 2 : i32
        %dma_start3A_402 = arith.constant 2 : i32
        %dma_start3A_403 = arith.constant 0 : i32
        %dma_start3A_404 = tpu.memref_slice %arg8[%dma_start3A_401, %dma_start3A_403] : memref<3x128xi32, #tpu.memory_space<vmem>> -> memref<1x128xi32, #tpu.memory_space<vmem>>
        %dma_start3A_405 = tpu.memref_squeeze %dma_start3A_404 : memref<1x128xi32, #tpu.memory_space<vmem>> -> memref<128xi32, #tpu.memory_space<vmem>>
        %dma_start3A_406 = tpu.memref_slice %arg4[%mul3A_400] : memref<320000xi32, #tpu.memory_space<hbm>> -> memref<128xi32, #tpu.memory_space<hbm>>
        %dma_start3A_407 = tpu.memref_slice %arg14[%dma_start3A_402] : memref<3x!tpu.dma_semaphore, #tpu.memory_space<semaphore_mem>> -> memref<1x!tpu.dma_semaphore, #tpu.memory_space<semaphore_mem>>
        %dma_start3A_408 = tpu.memref_squeeze %dma_start3A_407 : memref<1x!tpu.dma_semaphore, #tpu.memory_space<semaphore_mem>> -> memref<!tpu.dma_semaphore, #tpu.memory_space<semaphore_mem>>
        %dma_start3A_409 = arith.constant 0 : i32
        %dma_start3A_410 = tpu.memref_slice %arg8[%dma_start3A_401, %dma_start3A_409] : memref<3x128xi32, #tpu.memory_space<vmem>> -> memref<1x128xi32, #tpu.memory_space<vmem>>
        %dma_start3A_411 = tpu.memref_squeeze %dma_start3A_410 : memref<1x128xi32, #tpu.memory_space<vmem>> -> memref<128xi32, #tpu.memory_space<vmem>>
        %dma_start3A_412 = tpu.memref_slice %arg4[%mul3A_400] : memref<320000xi32, #tpu.memory_space<hbm>> -> memref<128xi32, #tpu.memory_space<hbm>>
        tpu.enqueue_dma source(%dma_start3A_412 : memref<128xi32, #tpu.memory_space<hbm>>) target(%dma_start3A_411 : memref<128xi32, #tpu.memory_space<vmem>>) target_semaphore(%dma_start3A_408 : memref<!tpu.dma_semaphore, #tpu.memory_space<semaphore_mem>>)
      } else {
      }
      %add3A_161 = arith.constant 1 : i32
      %add3A_162 = arith.addi %add3A_149, %add3A_161 : i32
      %lt3A_163 = arith.constant 78 : i32
      %lt3A_164 = arith.cmpi slt, %add3A_162, %lt3A_163 : i32
      %convert_element_type3A_165 = arith.extui %lt3A_164 : i1 to i32
      %cond3A_166 = arith.constant 0 : i32
      %cond3A_167 = arith.cmpi ne, %convert_element_type3A_165, %cond3A_166 : i32
      scf.if %cond3A_167 {
        %add3A_375 = arith.constant 1 : i32
        %add3A_376 = arith.addi %add3A_149, %add3A_375 : i32
        %mul3A_377 = arith.constant 78 : i32
        %mul3A_378 = arith.muli %add3A, %mul3A_377 : i32
        %add3A_379 = arith.addi %mul3A_378, %add3A_376 : i32
        %mul3A_380 = arith.constant 128 : i32
        %mul3A_381 = arith.muli %add3A_379, %mul3A_380 : i32
        %dma_wait3A_382 = arith.constant 1 : i32
        %dma_wait3A_383 = arith.constant 1 : i32
        %dma_wait3A_384 = arith.constant 0 : i32
        %dma_wait3A_385 = tpu.memref_slice %arg7[%dma_wait3A_382, %dma_wait3A_384] : memref<3x128xi32, #tpu.memory_space<vmem>> -> memref<1x128xi32, #tpu.memory_space<vmem>>
        %dma_wait3A_386 = tpu.memref_squeeze %dma_wait3A_385 : memref<1x128xi32, #tpu.memory_space<vmem>> -> memref<128xi32, #tpu.memory_space<vmem>>
        %dma_wait3A_387 = tpu.memref_slice %arg3[%mul3A_381] : memref<320000xi32, #tpu.memory_space<hbm>> -> memref<128xi32, #tpu.memory_space<hbm>>
        %dma_wait3A_388 = tpu.memref_slice %arg13[%dma_wait3A_383] : memref<3x!tpu.dma_semaphore, #tpu.memory_space<semaphore_mem>> -> memref<1x!tpu.dma_semaphore, #tpu.memory_space<semaphore_mem>>
        %dma_wait3A_389 = tpu.memref_squeeze %dma_wait3A_388 : memref<1x!tpu.dma_semaphore, #tpu.memory_space<semaphore_mem>> -> memref<!tpu.dma_semaphore, #tpu.memory_space<semaphore_mem>>
        %dma_wait3A_390 = arith.constant 0 : i32
        %dma_wait3A_391 = tpu.memref_slice %arg7[%dma_wait3A_382, %dma_wait3A_390] : memref<3x128xi32, #tpu.memory_space<vmem>> -> memref<1x128xi32, #tpu.memory_space<vmem>>
        %dma_wait3A_392 = tpu.memref_squeeze %dma_wait3A_391 : memref<1x128xi32, #tpu.memory_space<vmem>> -> memref<128xi32, #tpu.memory_space<vmem>>
        %dma_wait3A_393 = tpu.memref_slice %arg3[%mul3A_381] : memref<320000xi32, #tpu.memory_space<hbm>> -> memref<128xi32, #tpu.memory_space<hbm>>
        tpu.wait_dma2 semaphore(%dma_wait3A_389 : memref<!tpu.dma_semaphore, #tpu.memory_space<semaphore_mem>>) src(%dma_wait3A_393 : memref<128xi32, #tpu.memory_space<hbm>>) dst(%dma_wait3A_392 : memref<128xi32, #tpu.memory_space<vmem>>)
        %dma_start3A_394 = arith.constant 1 : i32
        %dma_start3A_395 = arith.constant 1 : i32
        %dma_start3A_396 = arith.constant 1 : i32
        %dma_start3A_397 = arith.constant 0 : i32
        %dma_start3A_398 = arith.constant 0 : i32
        %dma_start3A_399 = tpu.memref_slice %arg9[%dma_start3A_395, %dma_start3A_397, %dma_start3A_398] : memref<3x128x128xf32, #tpu.memory_space<vmem>> -> memref<1x128x128xf32, #tpu.memory_space<vmem>>
        %dma_start3A_400 = tpu.memref_squeeze %dma_start3A_399 : memref<1x128x128xf32, #tpu.memory_space<vmem>> -> memref<128x128xf32, #tpu.memory_space<vmem>>
        %dma_start3A_401 = arith.constant 0 : i32
        %dma_start3A_402 = tpu.memref_slice %arg7[%dma_start3A_394, %dma_start3A_401] : memref<3x128xi32, #tpu.memory_space<vmem>> -> memref<1x128xi32, #tpu.memory_space<vmem>>
        %dma_start3A_403 = tpu.memref_squeeze %dma_start3A_402 : memref<1x128xi32, #tpu.memory_space<vmem>> -> memref<128xi32, #tpu.memory_space<vmem>>
        %dma_start3A_404 = arith.constant 0 : i32
        %dma_start3A_405 = arith.constant 0 : i32
        %dma_start3A_406 = tpu.memref_slice %arg2[%dma_start3A_404, %dma_start3A_405] : memref<10000x128xf32, #tpu.memory_space<hbm>> -> memref<10000x128xf32, #tpu.memory_space<hbm>>
        %dma_start3A_407 = tpu.memref_slice %arg11[%dma_start3A_396] : memref<3x!tpu.dma_semaphore, #tpu.memory_space<semaphore_mem>> -> memref<1x!tpu.dma_semaphore, #tpu.memory_space<semaphore_mem>>
        %dma_start3A_408 = tpu.memref_squeeze %dma_start3A_407 : memref<1x!tpu.dma_semaphore, #tpu.memory_space<semaphore_mem>> -> memref<!tpu.dma_semaphore, #tpu.memory_space<semaphore_mem>>
        tpu.enqueue_indirect_dma source(%dma_start3A_406 : memref<10000x128xf32, #tpu.memory_space<hbm>>) target(%dma_start3A_400 : memref<128x128xf32, #tpu.memory_space<vmem>>) offsets(%dma_start3A_403 : memref<128xi32, #tpu.memory_space<vmem>>) semaphore(%dma_start3A_408 : memref<!tpu.dma_semaphore, #tpu.memory_space<semaphore_mem>>)
      } else {
      }
      %dma_wait3A_168 = arith.constant 0 : i32
      %dma_wait3A_169 = arith.constant 0 : i32
      %dma_wait3A_170 = arith.constant 0 : i32
      %dma_wait3A_171 = arith.constant 0 : i32
      %dma_wait3A_172 = arith.constant 0 : i32
      %dma_wait3A_173 = tpu.memref_slice %arg9[%dma_wait3A_169, %dma_wait3A_171, %dma_wait3A_172] : memref<3x128x128xf32, #tpu.memory_space<vmem>> -> memref<1x128x128xf32, #tpu.memory_space<vmem>>
      %dma_wait3A_174 = tpu.memref_squeeze %dma_wait3A_173 : memref<1x128x128xf32, #tpu.memory_space<vmem>> -> memref<128x128xf32, #tpu.memory_space<vmem>>
      %dma_wait3A_175 = arith.constant 0 : i32
      %dma_wait3A_176 = tpu.memref_slice %arg7[%dma_wait3A_168, %dma_wait3A_175] : memref<3x128xi32, #tpu.memory_space<vmem>> -> memref<1x128xi32, #tpu.memory_space<vmem>>
      %dma_wait3A_177 = tpu.memref_squeeze %dma_wait3A_176 : memref<1x128xi32, #tpu.memory_space<vmem>> -> memref<128xi32, #tpu.memory_space<vmem>>
      %dma_wait3A_178 = arith.constant 0 : i32
      %dma_wait3A_179 = arith.constant 0 : i32
      %dma_wait3A_180 = tpu.memref_slice %arg2[%dma_wait3A_178, %dma_wait3A_179] : memref<10000x128xf32, #tpu.memory_space<hbm>> -> memref<10000x128xf32, #tpu.memory_space<hbm>>
      %dma_wait3A_181 = tpu.memref_slice %arg11[%dma_wait3A_170] : memref<3x!tpu.dma_semaphore, #tpu.memory_space<semaphore_mem>> -> memref<1x!tpu.dma_semaphore, #tpu.memory_space<semaphore_mem>>
      %dma_wait3A_182 = tpu.memref_squeeze %dma_wait3A_181 : memref<1x!tpu.dma_semaphore, #tpu.memory_space<semaphore_mem>> -> memref<!tpu.dma_semaphore, #tpu.memory_space<semaphore_mem>>
      tpu.wait_indirect_dma semaphore(%dma_wait3A_182 : memref<!tpu.dma_semaphore, #tpu.memory_space<semaphore_mem>>) src(%dma_wait3A_180 : memref<10000x128xf32, #tpu.memory_space<hbm>>) dst(%dma_wait3A_174 : memref<128x128xf32, #tpu.memory_space<vmem>>)
      %mul3A_183 = arith.constant 78 : i32
      %mul3A_184 = arith.muli %add3A, %mul3A_183 : i32
      %add3A_185 = arith.addi %mul3A_184, %add3A_149 : i32
      %mul3A_186 = arith.constant 128 : i32
      %mul3A_187 = arith.muli %add3A_185, %mul3A_186 : i32
      %dma_wait3A_188 = arith.constant 0 : i32
      %dma_wait3A_189 = arith.constant 0 : i32
      %dma_wait3A_190 = arith.constant 0 : i32
      %dma_wait3A_191 = tpu.memref_slice %arg8[%dma_wait3A_188, %dma_wait3A_190] : memref<3x128xi32, #tpu.memory_space<vmem>> -> memref<1x128xi32, #tpu.memory_space<vmem>>
      %dma_wait3A_192 = tpu.memref_squeeze %dma_wait3A_191 : memref<1x128xi32, #tpu.memory_space<vmem>> -> memref<128xi32, #tpu.memory_space<vmem>>
      %dma_wait3A_193 = tpu.memref_slice %arg4[%mul3A_187] : memref<320000xi32, #tpu.memory_space<hbm>> -> memref<128xi32, #tpu.memory_space<hbm>>
      %dma_wait3A_194 = tpu.memref_slice %arg14[%dma_wait3A_189] : memref<3x!tpu.dma_semaphore, #tpu.memory_space<semaphore_mem>> -> memref<1x!tpu.dma_semaphore, #tpu.memory_space<semaphore_mem>>
      %dma_wait3A_195 = tpu.memref_squeeze %dma_wait3A_194 : memref<1x!tpu.dma_semaphore, #tpu.memory_space<semaphore_mem>> -> memref<!tpu.dma_semaphore, #tpu.memory_space<semaphore_mem>>
      %dma_wait3A_196 = arith.constant 0 : i32
      %dma_wait3A_197 = tpu.memref_slice %arg8[%dma_wait3A_188, %dma_wait3A_196] : memref<3x128xi32, #tpu.memory_space<vmem>> -> memref<1x128xi32, #tpu.memory_space<vmem>>
      %dma_wait3A_198 = tpu.memref_squeeze %dma_wait3A_197 : memref<1x128xi32, #tpu.memory_space<vmem>> -> memref<128xi32, #tpu.memory_space<vmem>>
      %dma_wait3A_199 = tpu.memref_slice %arg4[%mul3A_187] : memref<320000xi32, #tpu.memory_space<hbm>> -> memref<128xi32, #tpu.memory_space<hbm>>
      tpu.wait_dma2 semaphore(%dma_wait3A_195 : memref<!tpu.dma_semaphore, #tpu.memory_space<semaphore_mem>>) src(%dma_wait3A_199 : memref<128xi32, #tpu.memory_space<hbm>>) dst(%dma_wait3A_198 : memref<128xi32, #tpu.memory_space<vmem>>)
      %dma_start3A_200 = arith.constant 0 : i32
      %dma_start3A_201 = arith.constant 0 : i32
      %dma_start3A_202 = arith.constant 0 : i32
      %dma_start3A_203 = arith.constant 0 : i32
      %dma_start3A_204 = arith.constant 0 : i32
      %dma_start3A_205 = tpu.memref_slice %arg9[%dma_start3A_200, %dma_start3A_203, %dma_start3A_204] : memref<3x128x128xf32, #tpu.memory_space<vmem>> -> memref<1x128x128xf32, #tpu.memory_space<vmem>>
      %dma_start3A_206 = tpu.memref_squeeze %dma_start3A_205 : memref<1x128x128xf32, #tpu.memory_space<vmem>> -> memref<128x128xf32, #tpu.memory_space<vmem>>
      %dma_start3A_207 = arith.constant 0 : i32
      %dma_start3A_208 = tpu.memref_slice %arg8[%dma_start3A_201, %dma_start3A_207] : memref<3x128xi32, #tpu.memory_space<vmem>> -> memref<1x128xi32, #tpu.memory_space<vmem>>
      %dma_start3A_209 = tpu.memref_squeeze %dma_start3A_208 : memref<1x128xi32, #tpu.memory_space<vmem>> -> memref<128xi32, #tpu.memory_space<vmem>>
      %dma_start3A_210 = arith.constant 0 : i32
      %dma_start3A_211 = arith.constant 0 : i32
      %dma_start3A_212 = tpu.memref_slice %arg10[%dma_start3A_210, %dma_start3A_211] : memref<10000x128xf32, #tpu.memory_space<vmem_shared>> -> memref<10000x128xf32, #tpu.memory_space<vmem_shared>>
      %dma_start3A_213 = tpu.memref_slice %arg12[%dma_start3A_202] : memref<3x!tpu.dma_semaphore, #tpu.memory_space<semaphore_mem>> -> memref<1x!tpu.dma_semaphore, #tpu.memory_space<semaphore_mem>>
      %dma_start3A_214 = tpu.memref_squeeze %dma_start3A_213 : memref<1x!tpu.dma_semaphore, #tpu.memory_space<semaphore_mem>> -> memref<!tpu.dma_semaphore, #tpu.memory_space<semaphore_mem>>
      tpu.enqueue_indirect_dma source(%dma_start3A_206 : memref<128x128xf32, #tpu.memory_space<vmem>>) target(%dma_start3A_212 : memref<10000x128xf32, #tpu.memory_space<vmem_shared>>) offsets(%dma_start3A_209 : memref<128xi32, #tpu.memory_space<vmem>>) semaphore(%dma_start3A_214 : memref<!tpu.dma_semaphore, #tpu.memory_space<semaphore_mem>>) {add = true}
      %mul3A_215 = arith.constant 3 : i32
      %mul3A_216 = arith.muli %scan3A_145, %mul3A_215 : i32
      %add3A_217 = arith.constant 1 : i32
      %add3A_218 = arith.addi %mul3A_216, %add3A_217 : i32
      %dma_wait3A_219 = arith.constant 0 : i32
      %dma_wait3A_220 = arith.constant 0 : i32
      %dma_wait3A_221 = arith.constant 0 : i32
      %dma_wait3A_222 = arith.constant 0 : i32
      %dma_wait3A_223 = arith.constant 0 : i32
      %dma_wait3A_224 = tpu.memref_slice %arg9[%dma_wait3A_219, %dma_wait3A_222, %dma_wait3A_223] : memref<3x128x128xf32, #tpu.memory_space<vmem>> -> memref<1x128x128xf32, #tpu.memory_space<vmem>>
      %dma_wait3A_225 = tpu.memref_squeeze %dma_wait3A_224 : memref<1x128x128xf32, #tpu.memory_space<vmem>> -> memref<128x128xf32, #tpu.memory_space<vmem>>
      %dma_wait3A_226 = arith.constant 0 : i32
      %dma_wait3A_227 = tpu.memref_slice %arg8[%dma_wait3A_220, %dma_wait3A_226] : memref<3x128xi32, #tpu.memory_space<vmem>> -> memref<1x128xi32, #tpu.memory_space<vmem>>
      %dma_wait3A_228 = tpu.memref_squeeze %dma_wait3A_227 : memref<1x128xi32, #tpu.memory_space<vmem>> -> memref<128xi32, #tpu.memory_space<vmem>>
      %dma_wait3A_229 = arith.constant 0 : i32
      %dma_wait3A_230 = arith.constant 0 : i32
      %dma_wait3A_231 = tpu.memref_slice %arg10[%dma_wait3A_229, %dma_wait3A_230] : memref<10000x128xf32, #tpu.memory_space<vmem_shared>> -> memref<10000x128xf32, #tpu.memory_space<vmem_shared>>
      %dma_wait3A_232 = tpu.memref_slice %arg12[%dma_wait3A_221] : memref<3x!tpu.dma_semaphore, #tpu.memory_space<semaphore_mem>> -> memref<1x!tpu.dma_semaphore, #tpu.memory_space<semaphore_mem>>
      %dma_wait3A_233 = tpu.memref_squeeze %dma_wait3A_232 : memref<1x!tpu.dma_semaphore, #tpu.memory_space<semaphore_mem>> -> memref<!tpu.dma_semaphore, #tpu.memory_space<semaphore_mem>>
      tpu.wait_indirect_dma semaphore(%dma_wait3A_233 : memref<!tpu.dma_semaphore, #tpu.memory_space<semaphore_mem>>) src(%dma_wait3A_225 : memref<128x128xf32, #tpu.memory_space<vmem>>) dst(%dma_wait3A_231 : memref<10000x128xf32, #tpu.memory_space<vmem_shared>>)
      %add3A_234 = arith.constant 2 : i32
      %add3A_235 = arith.addi %add3A_218, %add3A_234 : i32
      %lt3A_236 = arith.constant 78 : i32
      %lt3A_237 = arith.cmpi slt, %add3A_235, %lt3A_236 : i32
      %convert_element_type3A_238 = arith.extui %lt3A_237 : i1 to i32
      %cond3A_239 = arith.constant 0 : i32
      %cond3A_240 = arith.cmpi ne, %convert_element_type3A_238, %cond3A_239 : i32
      scf.if %cond3A_240 {
        %add3A_375 = arith.constant 2 : i32
        %add3A_376 = arith.addi %add3A_218, %add3A_375 : i32
        %mul3A_377 = arith.constant 78 : i32
        %mul3A_378 = arith.muli %add3A, %mul3A_377 : i32
        %add3A_379 = arith.addi %mul3A_378, %add3A_376 : i32
        %mul3A_380 = arith.constant 128 : i32
        %mul3A_381 = arith.muli %add3A_379, %mul3A_380 : i32
        %dma_start3A_382 = arith.constant 0 : i32
        %dma_start3A_383 = arith.constant 0 : i32
        %dma_start3A_384 = arith.constant 0 : i32
        %dma_start3A_385 = tpu.memref_slice %arg7[%dma_start3A_382, %dma_start3A_384] : memref<3x128xi32, #tpu.memory_space<vmem>> -> memref<1x128xi32, #tpu.memory_space<vmem>>
        %dma_start3A_386 = tpu.memref_squeeze %dma_start3A_385 : memref<1x128xi32, #tpu.memory_space<vmem>> -> memref<128xi32, #tpu.memory_space<vmem>>
        %dma_start3A_387 = tpu.memref_slice %arg3[%mul3A_381] : memref<320000xi32, #tpu.memory_space<hbm>> -> memref<128xi32, #tpu.memory_space<hbm>>
        %dma_start3A_388 = tpu.memref_slice %arg13[%dma_start3A_383] : memref<3x!tpu.dma_semaphore, #tpu.memory_space<semaphore_mem>> -> memref<1x!tpu.dma_semaphore, #tpu.memory_space<semaphore_mem>>
        %dma_start3A_389 = tpu.memref_squeeze %dma_start3A_388 : memref<1x!tpu.dma_semaphore, #tpu.memory_space<semaphore_mem>> -> memref<!tpu.dma_semaphore, #tpu.memory_space<semaphore_mem>>
        %dma_start3A_390 = arith.constant 0 : i32
        %dma_start3A_391 = tpu.memref_slice %arg7[%dma_start3A_382, %dma_start3A_390] : memref<3x128xi32, #tpu.memory_space<vmem>> -> memref<1x128xi32, #tpu.memory_space<vmem>>
        %dma_start3A_392 = tpu.memref_squeeze %dma_start3A_391 : memref<1x128xi32, #tpu.memory_space<vmem>> -> memref<128xi32, #tpu.memory_space<vmem>>
        %dma_start3A_393 = tpu.memref_slice %arg3[%mul3A_381] : memref<320000xi32, #tpu.memory_space<hbm>> -> memref<128xi32, #tpu.memory_space<hbm>>
        tpu.enqueue_dma source(%dma_start3A_393 : memref<128xi32, #tpu.memory_space<hbm>>) target(%dma_start3A_392 : memref<128xi32, #tpu.memory_space<vmem>>) target_semaphore(%dma_start3A_389 : memref<!tpu.dma_semaphore, #tpu.memory_space<semaphore_mem>>)
        %add3A_394 = arith.constant 2 : i32
        %add3A_395 = arith.addi %add3A_218, %add3A_394 : i32
        %mul3A_396 = arith.constant 78 : i32
        %mul3A_397 = arith.muli %add3A, %mul3A_396 : i32
        %add3A_398 = arith.addi %mul3A_397, %add3A_395 : i32
        %mul3A_399 = arith.constant 128 : i32
        %mul3A_400 = arith.muli %add3A_398, %mul3A_399 : i32
        %dma_start3A_401 = arith.constant 0 : i32
        %dma_start3A_402 = arith.constant 0 : i32
        %dma_start3A_403 = arith.constant 0 : i32
        %dma_start3A_404 = tpu.memref_slice %arg8[%dma_start3A_401, %dma_start3A_403] : memref<3x128xi32, #tpu.memory_space<vmem>> -> memref<1x128xi32, #tpu.memory_space<vmem>>
        %dma_start3A_405 = tpu.memref_squeeze %dma_start3A_404 : memref<1x128xi32, #tpu.memory_space<vmem>> -> memref<128xi32, #tpu.memory_space<vmem>>
        %dma_start3A_406 = tpu.memref_slice %arg4[%mul3A_400] : memref<320000xi32, #tpu.memory_space<hbm>> -> memref<128xi32, #tpu.memory_space<hbm>>
        %dma_start3A_407 = tpu.memref_slice %arg14[%dma_start3A_402] : memref<3x!tpu.dma_semaphore, #tpu.memory_space<semaphore_mem>> -> memref<1x!tpu.dma_semaphore, #tpu.memory_space<semaphore_mem>>
        %dma_start3A_408 = tpu.memref_squeeze %dma_start3A_407 : memref<1x!tpu.dma_semaphore, #tpu.memory_space<semaphore_mem>> -> memref<!tpu.dma_semaphore, #tpu.memory_space<semaphore_mem>>
        %dma_start3A_409 = arith.constant 0 : i32
        %dma_start3A_410 = tpu.memref_slice %arg8[%dma_start3A_401, %dma_start3A_409] : memref<3x128xi32, #tpu.memory_space<vmem>> -> memref<1x128xi32, #tpu.memory_space<vmem>>
        %dma_start3A_411 = tpu.memref_squeeze %dma_start3A_410 : memref<1x128xi32, #tpu.memory_space<vmem>> -> memref<128xi32, #tpu.memory_space<vmem>>
        %dma_start3A_412 = tpu.memref_slice %arg4[%mul3A_400] : memref<320000xi32, #tpu.memory_space<hbm>> -> memref<128xi32, #tpu.memory_space<hbm>>
        tpu.enqueue_dma source(%dma_start3A_412 : memref<128xi32, #tpu.memory_space<hbm>>) target(%dma_start3A_411 : memref<128xi32, #tpu.memory_space<vmem>>) target_semaphore(%dma_start3A_408 : memref<!tpu.dma_semaphore, #tpu.memory_space<semaphore_mem>>)
      } else {
      }
      %add3A_241 = arith.constant 1 : i32
      %add3A_242 = arith.addi %add3A_218, %add3A_241 : i32
      %lt3A_243 = arith.constant 78 : i32
      %lt3A_244 = arith.cmpi slt, %add3A_242, %lt3A_243 : i32
      %convert_element_type3A_245 = arith.extui %lt3A_244 : i1 to i32
      %cond3A_246 = arith.constant 0 : i32
      %cond3A_247 = arith.cmpi ne, %convert_element_type3A_245, %cond3A_246 : i32
      scf.if %cond3A_247 {
        %add3A_375 = arith.constant 1 : i32
        %add3A_376 = arith.addi %add3A_218, %add3A_375 : i32
        %mul3A_377 = arith.constant 78 : i32
        %mul3A_378 = arith.muli %add3A, %mul3A_377 : i32
        %add3A_379 = arith.addi %mul3A_378, %add3A_376 : i32
        %mul3A_380 = arith.constant 128 : i32
        %mul3A_381 = arith.muli %add3A_379, %mul3A_380 : i32
        %dma_wait3A_382 = arith.constant 2 : i32
        %dma_wait3A_383 = arith.constant 2 : i32
        %dma_wait3A_384 = arith.constant 0 : i32
        %dma_wait3A_385 = tpu.memref_slice %arg7[%dma_wait3A_382, %dma_wait3A_384] : memref<3x128xi32, #tpu.memory_space<vmem>> -> memref<1x128xi32, #tpu.memory_space<vmem>>
        %dma_wait3A_386 = tpu.memref_squeeze %dma_wait3A_385 : memref<1x128xi32, #tpu.memory_space<vmem>> -> memref<128xi32, #tpu.memory_space<vmem>>
        %dma_wait3A_387 = tpu.memref_slice %arg3[%mul3A_381] : memref<320000xi32, #tpu.memory_space<hbm>> -> memref<128xi32, #tpu.memory_space<hbm>>
        %dma_wait3A_388 = tpu.memref_slice %arg13[%dma_wait3A_383] : memref<3x!tpu.dma_semaphore, #tpu.memory_space<semaphore_mem>> -> memref<1x!tpu.dma_semaphore, #tpu.memory_space<semaphore_mem>>
        %dma_wait3A_389 = tpu.memref_squeeze %dma_wait3A_388 : memref<1x!tpu.dma_semaphore, #tpu.memory_space<semaphore_mem>> -> memref<!tpu.dma_semaphore, #tpu.memory_space<semaphore_mem>>
        %dma_wait3A_390 = arith.constant 0 : i32
        %dma_wait3A_391 = tpu.memref_slice %arg7[%dma_wait3A_382, %dma_wait3A_390] : memref<3x128xi32, #tpu.memory_space<vmem>> -> memref<1x128xi32, #tpu.memory_space<vmem>>
        %dma_wait3A_392 = tpu.memref_squeeze %dma_wait3A_391 : memref<1x128xi32, #tpu.memory_space<vmem>> -> memref<128xi32, #tpu.memory_space<vmem>>
        %dma_wait3A_393 = tpu.memref_slice %arg3[%mul3A_381] : memref<320000xi32, #tpu.memory_space<hbm>> -> memref<128xi32, #tpu.memory_space<hbm>>
        tpu.wait_dma2 semaphore(%dma_wait3A_389 : memref<!tpu.dma_semaphore, #tpu.memory_space<semaphore_mem>>) src(%dma_wait3A_393 : memref<128xi32, #tpu.memory_space<hbm>>) dst(%dma_wait3A_392 : memref<128xi32, #tpu.memory_space<vmem>>)
        %dma_start3A_394 = arith.constant 2 : i32
        %dma_start3A_395 = arith.constant 2 : i32
        %dma_start3A_396 = arith.constant 2 : i32
        %dma_start3A_397 = arith.constant 0 : i32
        %dma_start3A_398 = arith.constant 0 : i32
        %dma_start3A_399 = tpu.memref_slice %arg9[%dma_start3A_395, %dma_start3A_397, %dma_start3A_398] : memref<3x128x128xf32, #tpu.memory_space<vmem>> -> memref<1x128x128xf32, #tpu.memory_space<vmem>>
        %dma_start3A_400 = tpu.memref_squeeze %dma_start3A_399 : memref<1x128x128xf32, #tpu.memory_space<vmem>> -> memref<128x128xf32, #tpu.memory_space<vmem>>
        %dma_start3A_401 = arith.constant 0 : i32
        %dma_start3A_402 = tpu.memref_slice %arg7[%dma_start3A_394, %dma_start3A_401] : memref<3x128xi32, #tpu.memory_space<vmem>> -> memref<1x128xi32, #tpu.memory_space<vmem>>
        %dma_start3A_403 = tpu.memref_squeeze %dma_start3A_402 : memref<1x128xi32, #tpu.memory_space<vmem>> -> memref<128xi32, #tpu.memory_space<vmem>>
        %dma_start3A_404 = arith.constant 0 : i32
        %dma_start3A_405 = arith.constant 0 : i32
        %dma_start3A_406 = tpu.memref_slice %arg2[%dma_start3A_404, %dma_start3A_405] : memref<10000x128xf32, #tpu.memory_space<hbm>> -> memref<10000x128xf32, #tpu.memory_space<hbm>>
        %dma_start3A_407 = tpu.memref_slice %arg11[%dma_start3A_396] : memref<3x!tpu.dma_semaphore, #tpu.memory_space<semaphore_mem>> -> memref<1x!tpu.dma_semaphore, #tpu.memory_space<semaphore_mem>>
        %dma_start3A_408 = tpu.memref_squeeze %dma_start3A_407 : memref<1x!tpu.dma_semaphore, #tpu.memory_space<semaphore_mem>> -> memref<!tpu.dma_semaphore, #tpu.memory_space<semaphore_mem>>
        tpu.enqueue_indirect_dma source(%dma_start3A_406 : memref<10000x128xf32, #tpu.memory_space<hbm>>) target(%dma_start3A_400 : memref<128x128xf32, #tpu.memory_space<vmem>>) offsets(%dma_start3A_403 : memref<128xi32, #tpu.memory_space<vmem>>) semaphore(%dma_start3A_408 : memref<!tpu.dma_semaphore, #tpu.memory_space<semaphore_mem>>)
      } else {
      }
      %dma_wait3A_248 = arith.constant 1 : i32
      %dma_wait3A_249 = arith.constant 1 : i32
      %dma_wait3A_250 = arith.constant 1 : i32
      %dma_wait3A_251 = arith.constant 0 : i32
      %dma_wait3A_252 = arith.constant 0 : i32
      %dma_wait3A_253 = tpu.memref_slice %arg9[%dma_wait3A_249, %dma_wait3A_251, %dma_wait3A_252] : memref<3x128x128xf32, #tpu.memory_space<vmem>> -> memref<1x128x128xf32, #tpu.memory_space<vmem>>
      %dma_wait3A_254 = tpu.memref_squeeze %dma_wait3A_253 : memref<1x128x128xf32, #tpu.memory_space<vmem>> -> memref<128x128xf32, #tpu.memory_space<vmem>>
      %dma_wait3A_255 = arith.constant 0 : i32
      %dma_wait3A_256 = tpu.memref_slice %arg7[%dma_wait3A_248, %dma_wait3A_255] : memref<3x128xi32, #tpu.memory_space<vmem>> -> memref<1x128xi32, #tpu.memory_space<vmem>>
      %dma_wait3A_257 = tpu.memref_squeeze %dma_wait3A_256 : memref<1x128xi32, #tpu.memory_space<vmem>> -> memref<128xi32, #tpu.memory_space<vmem>>
      %dma_wait3A_258 = arith.constant 0 : i32
      %dma_wait3A_259 = arith.constant 0 : i32
      %dma_wait3A_260 = tpu.memref_slice %arg2[%dma_wait3A_258, %dma_wait3A_259] : memref<10000x128xf32, #tpu.memory_space<hbm>> -> memref<10000x128xf32, #tpu.memory_space<hbm>>
      %dma_wait3A_261 = tpu.memref_slice %arg11[%dma_wait3A_250] : memref<3x!tpu.dma_semaphore, #tpu.memory_space<semaphore_mem>> -> memref<1x!tpu.dma_semaphore, #tpu.memory_space<semaphore_mem>>
      %dma_wait3A_262 = tpu.memref_squeeze %dma_wait3A_261 : memref<1x!tpu.dma_semaphore, #tpu.memory_space<semaphore_mem>> -> memref<!tpu.dma_semaphore, #tpu.memory_space<semaphore_mem>>
      tpu.wait_indirect_dma semaphore(%dma_wait3A_262 : memref<!tpu.dma_semaphore, #tpu.memory_space<semaphore_mem>>) src(%dma_wait3A_260 : memref<10000x128xf32, #tpu.memory_space<hbm>>) dst(%dma_wait3A_254 : memref<128x128xf32, #tpu.memory_space<vmem>>)
      %mul3A_263 = arith.constant 78 : i32
      %mul3A_264 = arith.muli %add3A, %mul3A_263 : i32
      %add3A_265 = arith.addi %mul3A_264, %add3A_218 : i32
      %mul3A_266 = arith.constant 128 : i32
      %mul3A_267 = arith.muli %add3A_265, %mul3A_266 : i32
      %dma_wait3A_268 = arith.constant 1 : i32
      %dma_wait3A_269 = arith.constant 1 : i32
      %dma_wait3A_270 = arith.constant 0 : i32
      %dma_wait3A_271 = tpu.memref_slice %arg8[%dma_wait3A_268, %dma_wait3A_270] : memref<3x128xi32, #tpu.memory_space<vmem>> -> memref<1x128xi32, #tpu.memory_space<vmem>>
      %dma_wait3A_272 = tpu.memref_squeeze %dma_wait3A_271 : memref<1x128xi32, #tpu.memory_space<vmem>> -> memref<128xi32, #tpu.memory_space<vmem>>
      %dma_wait3A_273 = tpu.memref_slice %arg4[%mul3A_267] : memref<320000xi32, #tpu.memory_space<hbm>> -> memref<128xi32, #tpu.memory_space<hbm>>
      %dma_wait3A_274 = tpu.memref_slice %arg14[%dma_wait3A_269] : memref<3x!tpu.dma_semaphore, #tpu.memory_space<semaphore_mem>> -> memref<1x!tpu.dma_semaphore, #tpu.memory_space<semaphore_mem>>
      %dma_wait3A_275 = tpu.memref_squeeze %dma_wait3A_274 : memref<1x!tpu.dma_semaphore, #tpu.memory_space<semaphore_mem>> -> memref<!tpu.dma_semaphore, #tpu.memory_space<semaphore_mem>>
      %dma_wait3A_276 = arith.constant 0 : i32
      %dma_wait3A_277 = tpu.memref_slice %arg8[%dma_wait3A_268, %dma_wait3A_276] : memref<3x128xi32, #tpu.memory_space<vmem>> -> memref<1x128xi32, #tpu.memory_space<vmem>>
      %dma_wait3A_278 = tpu.memref_squeeze %dma_wait3A_277 : memref<1x128xi32, #tpu.memory_space<vmem>> -> memref<128xi32, #tpu.memory_space<vmem>>
      %dma_wait3A_279 = tpu.memref_slice %arg4[%mul3A_267] : memref<320000xi32, #tpu.memory_space<hbm>> -> memref<128xi32, #tpu.memory_space<hbm>>
      tpu.wait_dma2 semaphore(%dma_wait3A_275 : memref<!tpu.dma_semaphore, #tpu.memory_space<semaphore_mem>>) src(%dma_wait3A_279 : memref<128xi32, #tpu.memory_space<hbm>>) dst(%dma_wait3A_278 : memref<128xi32, #tpu.memory_space<vmem>>)
      %dma_start3A_280 = arith.constant 1 : i32
      %dma_start3A_281 = arith.constant 1 : i32
      %dma_start3A_282 = arith.constant 1 : i32
      %dma_start3A_283 = arith.constant 0 : i32
      %dma_start3A_284 = arith.constant 0 : i32
      %dma_start3A_285 = tpu.memref_slice %arg9[%dma_start3A_280, %dma_start3A_283, %dma_start3A_284] : memref<3x128x128xf32, #tpu.memory_space<vmem>> -> memref<1x128x128xf32, #tpu.memory_space<vmem>>
      %dma_start3A_286 = tpu.memref_squeeze %dma_start3A_285 : memref<1x128x128xf32, #tpu.memory_space<vmem>> -> memref<128x128xf32, #tpu.memory_space<vmem>>
      %dma_start3A_287 = arith.constant 0 : i32
      %dma_start3A_288 = tpu.memref_slice %arg8[%dma_start3A_281, %dma_start3A_287] : memref<3x128xi32, #tpu.memory_space<vmem>> -> memref<1x128xi32, #tpu.memory_space<vmem>>
      %dma_start3A_289 = tpu.memref_squeeze %dma_start3A_288 : memref<1x128xi32, #tpu.memory_space<vmem>> -> memref<128xi32, #tpu.memory_space<vmem>>
      %dma_start3A_290 = arith.constant 0 : i32
      %dma_start3A_291 = arith.constant 0 : i32
      %dma_start3A_292 = tpu.memref_slice %arg10[%dma_start3A_290, %dma_start3A_291] : memref<10000x128xf32, #tpu.memory_space<vmem_shared>> -> memref<10000x128xf32, #tpu.memory_space<vmem_shared>>
      %dma_start3A_293 = tpu.memref_slice %arg12[%dma_start3A_282] : memref<3x!tpu.dma_semaphore, #tpu.memory_space<semaphore_mem>> -> memref<1x!tpu.dma_semaphore, #tpu.memory_space<semaphore_mem>>
      %dma_start3A_294 = tpu.memref_squeeze %dma_start3A_293 : memref<1x!tpu.dma_semaphore, #tpu.memory_space<semaphore_mem>> -> memref<!tpu.dma_semaphore, #tpu.memory_space<semaphore_mem>>
      tpu.enqueue_indirect_dma source(%dma_start3A_286 : memref<128x128xf32, #tpu.memory_space<vmem>>) target(%dma_start3A_292 : memref<10000x128xf32, #tpu.memory_space<vmem_shared>>) offsets(%dma_start3A_289 : memref<128xi32, #tpu.memory_space<vmem>>) semaphore(%dma_start3A_294 : memref<!tpu.dma_semaphore, #tpu.memory_space<semaphore_mem>>) {add = true}
      %mul3A_295 = arith.constant 3 : i32
      %mul3A_296 = arith.muli %scan3A_145, %mul3A_295 : i32
      %add3A_297 = arith.constant 2 : i32
      %add3A_298 = arith.addi %mul3A_296, %add3A_297 : i32
      %dma_wait3A_299 = arith.constant 1 : i32
      %dma_wait3A_300 = arith.constant 1 : i32
      %dma_wait3A_301 = arith.constant 1 : i32
      %dma_wait3A_302 = arith.constant 0 : i32
      %dma_wait3A_303 = arith.constant 0 : i32
      %dma_wait3A_304 = tpu.memref_slice %arg9[%dma_wait3A_299, %dma_wait3A_302, %dma_wait3A_303] : memref<3x128x128xf32, #tpu.memory_space<vmem>> -> memref<1x128x128xf32, #tpu.memory_space<vmem>>
      %dma_wait3A_305 = tpu.memref_squeeze %dma_wait3A_304 : memref<1x128x128xf32, #tpu.memory_space<vmem>> -> memref<128x128xf32, #tpu.memory_space<vmem>>
      %dma_wait3A_306 = arith.constant 0 : i32
      %dma_wait3A_307 = tpu.memref_slice %arg8[%dma_wait3A_300, %dma_wait3A_306] : memref<3x128xi32, #tpu.memory_space<vmem>> -> memref<1x128xi32, #tpu.memory_space<vmem>>
      %dma_wait3A_308 = tpu.memref_squeeze %dma_wait3A_307 : memref<1x128xi32, #tpu.memory_space<vmem>> -> memref<128xi32, #tpu.memory_space<vmem>>
      %dma_wait3A_309 = arith.constant 0 : i32
      %dma_wait3A_310 = arith.constant 0 : i32
      %dma_wait3A_311 = tpu.memref_slice %arg10[%dma_wait3A_309, %dma_wait3A_310] : memref<10000x128xf32, #tpu.memory_space<vmem_shared>> -> memref<10000x128xf32, #tpu.memory_space<vmem_shared>>
      %dma_wait3A_312 = tpu.memref_slice %arg12[%dma_wait3A_301] : memref<3x!tpu.dma_semaphore, #tpu.memory_space<semaphore_mem>> -> memref<1x!tpu.dma_semaphore, #tpu.memory_space<semaphore_mem>>
      %dma_wait3A_313 = tpu.memref_squeeze %dma_wait3A_312 : memref<1x!tpu.dma_semaphore, #tpu.memory_space<semaphore_mem>> -> memref<!tpu.dma_semaphore, #tpu.memory_space<semaphore_mem>>
      tpu.wait_indirect_dma semaphore(%dma_wait3A_313 : memref<!tpu.dma_semaphore, #tpu.memory_space<semaphore_mem>>) src(%dma_wait3A_305 : memref<128x128xf32, #tpu.memory_space<vmem>>) dst(%dma_wait3A_311 : memref<10000x128xf32, #tpu.memory_space<vmem_shared>>)
      %add3A_314 = arith.constant 2 : i32
      %add3A_315 = arith.addi %add3A_298, %add3A_314 : i32
      %lt3A_316 = arith.constant 78 : i32
      %lt3A_317 = arith.cmpi slt, %add3A_315, %lt3A_316 : i32
      %convert_element_type3A_318 = arith.extui %lt3A_317 : i1 to i32
      %cond3A_319 = arith.constant 0 : i32
      %cond3A_320 = arith.cmpi ne, %convert_element_type3A_318, %cond3A_319 : i32
      scf.if %cond3A_320 {
        %add3A_375 = arith.constant 2 : i32
        %add3A_376 = arith.addi %add3A_298, %add3A_375 : i32
        %mul3A_377 = arith.constant 78 : i32
        %mul3A_378 = arith.muli %add3A, %mul3A_377 : i32
        %add3A_379 = arith.addi %mul3A_378, %add3A_376 : i32
        %mul3A_380 = arith.constant 128 : i32
        %mul3A_381 = arith.muli %add3A_379, %mul3A_380 : i32
        %dma_start3A_382 = arith.constant 1 : i32
        %dma_start3A_383 = arith.constant 1 : i32
        %dma_start3A_384 = arith.constant 0 : i32
        %dma_start3A_385 = tpu.memref_slice %arg7[%dma_start3A_382, %dma_start3A_384] : memref<3x128xi32, #tpu.memory_space<vmem>> -> memref<1x128xi32, #tpu.memory_space<vmem>>
        %dma_start3A_386 = tpu.memref_squeeze %dma_start3A_385 : memref<1x128xi32, #tpu.memory_space<vmem>> -> memref<128xi32, #tpu.memory_space<vmem>>
        %dma_start3A_387 = tpu.memref_slice %arg3[%mul3A_381] : memref<320000xi32, #tpu.memory_space<hbm>> -> memref<128xi32, #tpu.memory_space<hbm>>
        %dma_start3A_388 = tpu.memref_slice %arg13[%dma_start3A_383] : memref<3x!tpu.dma_semaphore, #tpu.memory_space<semaphore_mem>> -> memref<1x!tpu.dma_semaphore, #tpu.memory_space<semaphore_mem>>
        %dma_start3A_389 = tpu.memref_squeeze %dma_start3A_388 : memref<1x!tpu.dma_semaphore, #tpu.memory_space<semaphore_mem>> -> memref<!tpu.dma_semaphore, #tpu.memory_space<semaphore_mem>>
        %dma_start3A_390 = arith.constant 0 : i32
        %dma_start3A_391 = tpu.memref_slice %arg7[%dma_start3A_382, %dma_start3A_390] : memref<3x128xi32, #tpu.memory_space<vmem>> -> memref<1x128xi32, #tpu.memory_space<vmem>>
        %dma_start3A_392 = tpu.memref_squeeze %dma_start3A_391 : memref<1x128xi32, #tpu.memory_space<vmem>> -> memref<128xi32, #tpu.memory_space<vmem>>
        %dma_start3A_393 = tpu.memref_slice %arg3[%mul3A_381] : memref<320000xi32, #tpu.memory_space<hbm>> -> memref<128xi32, #tpu.memory_space<hbm>>
        tpu.enqueue_dma source(%dma_start3A_393 : memref<128xi32, #tpu.memory_space<hbm>>) target(%dma_start3A_392 : memref<128xi32, #tpu.memory_space<vmem>>) target_semaphore(%dma_start3A_389 : memref<!tpu.dma_semaphore, #tpu.memory_space<semaphore_mem>>)
        %add3A_394 = arith.constant 2 : i32
        %add3A_395 = arith.addi %add3A_298, %add3A_394 : i32
        %mul3A_396 = arith.constant 78 : i32
        %mul3A_397 = arith.muli %add3A, %mul3A_396 : i32
        %add3A_398 = arith.addi %mul3A_397, %add3A_395 : i32
        %mul3A_399 = arith.constant 128 : i32
        %mul3A_400 = arith.muli %add3A_398, %mul3A_399 : i32
        %dma_start3A_401 = arith.constant 1 : i32
        %dma_start3A_402 = arith.constant 1 : i32
        %dma_start3A_403 = arith.constant 0 : i32
        %dma_start3A_404 = tpu.memref_slice %arg8[%dma_start3A_401, %dma_start3A_403] : memref<3x128xi32, #tpu.memory_space<vmem>> -> memref<1x128xi32, #tpu.memory_space<vmem>>
        %dma_start3A_405 = tpu.memref_squeeze %dma_start3A_404 : memref<1x128xi32, #tpu.memory_space<vmem>> -> memref<128xi32, #tpu.memory_space<vmem>>
        %dma_start3A_406 = tpu.memref_slice %arg4[%mul3A_400] : memref<320000xi32, #tpu.memory_space<hbm>> -> memref<128xi32, #tpu.memory_space<hbm>>
        %dma_start3A_407 = tpu.memref_slice %arg14[%dma_start3A_402] : memref<3x!tpu.dma_semaphore, #tpu.memory_space<semaphore_mem>> -> memref<1x!tpu.dma_semaphore, #tpu.memory_space<semaphore_mem>>
        %dma_start3A_408 = tpu.memref_squeeze %dma_start3A_407 : memref<1x!tpu.dma_semaphore, #tpu.memory_space<semaphore_mem>> -> memref<!tpu.dma_semaphore, #tpu.memory_space<semaphore_mem>>
        %dma_start3A_409 = arith.constant 0 : i32
        %dma_start3A_410 = tpu.memref_slice %arg8[%dma_start3A_401, %dma_start3A_409] : memref<3x128xi32, #tpu.memory_space<vmem>> -> memref<1x128xi32, #tpu.memory_space<vmem>>
        %dma_start3A_411 = tpu.memref_squeeze %dma_start3A_410 : memref<1x128xi32, #tpu.memory_space<vmem>> -> memref<128xi32, #tpu.memory_space<vmem>>
        %dma_start3A_412 = tpu.memref_slice %arg4[%mul3A_400] : memref<320000xi32, #tpu.memory_space<hbm>> -> memref<128xi32, #tpu.memory_space<hbm>>
        tpu.enqueue_dma source(%dma_start3A_412 : memref<128xi32, #tpu.memory_space<hbm>>) target(%dma_start3A_411 : memref<128xi32, #tpu.memory_space<vmem>>) target_semaphore(%dma_start3A_408 : memref<!tpu.dma_semaphore, #tpu.memory_space<semaphore_mem>>)
      } else {
      }
      %add3A_321 = arith.constant 1 : i32
      %add3A_322 = arith.addi %add3A_298, %add3A_321 : i32
      %lt3A_323 = arith.constant 78 : i32
      %lt3A_324 = arith.cmpi slt, %add3A_322, %lt3A_323 : i32
      %convert_element_type3A_325 = arith.extui %lt3A_324 : i1 to i32
      %cond3A_326 = arith.constant 0 : i32
      %cond3A_327 = arith.cmpi ne, %convert_element_type3A_325, %cond3A_326 : i32
      scf.if %cond3A_327 {
        %add3A_375 = arith.constant 1 : i32
        %add3A_376 = arith.addi %add3A_298, %add3A_375 : i32
        %mul3A_377 = arith.constant 78 : i32
        %mul3A_378 = arith.muli %add3A, %mul3A_377 : i32
        %add3A_379 = arith.addi %mul3A_378, %add3A_376 : i32
        %mul3A_380 = arith.constant 128 : i32
        %mul3A_381 = arith.muli %add3A_379, %mul3A_380 : i32
        %dma_wait3A_382 = arith.constant 0 : i32
        %dma_wait3A_383 = arith.constant 0 : i32
        %dma_wait3A_384 = arith.constant 0 : i32
        %dma_wait3A_385 = tpu.memref_slice %arg7[%dma_wait3A_382, %dma_wait3A_384] : memref<3x128xi32, #tpu.memory_space<vmem>> -> memref<1x128xi32, #tpu.memory_space<vmem>>
        %dma_wait3A_386 = tpu.memref_squeeze %dma_wait3A_385 : memref<1x128xi32, #tpu.memory_space<vmem>> -> memref<128xi32, #tpu.memory_space<vmem>>
        %dma_wait3A_387 = tpu.memref_slice %arg3[%mul3A_381] : memref<320000xi32, #tpu.memory_space<hbm>> -> memref<128xi32, #tpu.memory_space<hbm>>
        %dma_wait3A_388 = tpu.memref_slice %arg13[%dma_wait3A_383] : memref<3x!tpu.dma_semaphore, #tpu.memory_space<semaphore_mem>> -> memref<1x!tpu.dma_semaphore, #tpu.memory_space<semaphore_mem>>
        %dma_wait3A_389 = tpu.memref_squeeze %dma_wait3A_388 : memref<1x!tpu.dma_semaphore, #tpu.memory_space<semaphore_mem>> -> memref<!tpu.dma_semaphore, #tpu.memory_space<semaphore_mem>>
        %dma_wait3A_390 = arith.constant 0 : i32
        %dma_wait3A_391 = tpu.memref_slice %arg7[%dma_wait3A_382, %dma_wait3A_390] : memref<3x128xi32, #tpu.memory_space<vmem>> -> memref<1x128xi32, #tpu.memory_space<vmem>>
        %dma_wait3A_392 = tpu.memref_squeeze %dma_wait3A_391 : memref<1x128xi32, #tpu.memory_space<vmem>> -> memref<128xi32, #tpu.memory_space<vmem>>
        %dma_wait3A_393 = tpu.memref_slice %arg3[%mul3A_381] : memref<320000xi32, #tpu.memory_space<hbm>> -> memref<128xi32, #tpu.memory_space<hbm>>
        tpu.wait_dma2 semaphore(%dma_wait3A_389 : memref<!tpu.dma_semaphore, #tpu.memory_space<semaphore_mem>>) src(%dma_wait3A_393 : memref<128xi32, #tpu.memory_space<hbm>>) dst(%dma_wait3A_392 : memref<128xi32, #tpu.memory_space<vmem>>)
        %dma_start3A_394 = arith.constant 0 : i32
        %dma_start3A_395 = arith.constant 0 : i32
        %dma_start3A_396 = arith.constant 0 : i32
        %dma_start3A_397 = arith.constant 0 : i32
        %dma_start3A_398 = arith.constant 0 : i32
        %dma_start3A_399 = tpu.memref_slice %arg9[%dma_start3A_395, %dma_start3A_397, %dma_start3A_398] : memref<3x128x128xf32, #tpu.memory_space<vmem>> -> memref<1x128x128xf32, #tpu.memory_space<vmem>>
        %dma_start3A_400 = tpu.memref_squeeze %dma_start3A_399 : memref<1x128x128xf32, #tpu.memory_space<vmem>> -> memref<128x128xf32, #tpu.memory_space<vmem>>
        %dma_start3A_401 = arith.constant 0 : i32
        %dma_start3A_402 = tpu.memref_slice %arg7[%dma_start3A_394, %dma_start3A_401] : memref<3x128xi32, #tpu.memory_space<vmem>> -> memref<1x128xi32, #tpu.memory_space<vmem>>
        %dma_start3A_403 = tpu.memref_squeeze %dma_start3A_402 : memref<1x128xi32, #tpu.memory_space<vmem>> -> memref<128xi32, #tpu.memory_space<vmem>>
        %dma_start3A_404 = arith.constant 0 : i32
        %dma_start3A_405 = arith.constant 0 : i32
        %dma_start3A_406 = tpu.memref_slice %arg2[%dma_start3A_404, %dma_start3A_405] : memref<10000x128xf32, #tpu.memory_space<hbm>> -> memref<10000x128xf32, #tpu.memory_space<hbm>>
        %dma_start3A_407 = tpu.memref_slice %arg11[%dma_start3A_396] : memref<3x!tpu.dma_semaphore, #tpu.memory_space<semaphore_mem>> -> memref<1x!tpu.dma_semaphore, #tpu.memory_space<semaphore_mem>>
        %dma_start3A_408 = tpu.memref_squeeze %dma_start3A_407 : memref<1x!tpu.dma_semaphore, #tpu.memory_space<semaphore_mem>> -> memref<!tpu.dma_semaphore, #tpu.memory_space<semaphore_mem>>
        tpu.enqueue_indirect_dma source(%dma_start3A_406 : memref<10000x128xf32, #tpu.memory_space<hbm>>) target(%dma_start3A_400 : memref<128x128xf32, #tpu.memory_space<vmem>>) offsets(%dma_start3A_403 : memref<128xi32, #tpu.memory_space<vmem>>) semaphore(%dma_start3A_408 : memref<!tpu.dma_semaphore, #tpu.memory_space<semaphore_mem>>)
      } else {
      }
      %dma_wait3A_328 = arith.constant 2 : i32
      %dma_wait3A_329 = arith.constant 2 : i32
      %dma_wait3A_330 = arith.constant 2 : i32
      %dma_wait3A_331 = arith.constant 0 : i32
      %dma_wait3A_332 = arith.constant 0 : i32
      %dma_wait3A_333 = tpu.memref_slice %arg9[%dma_wait3A_329, %dma_wait3A_331, %dma_wait3A_332] : memref<3x128x128xf32, #tpu.memory_space<vmem>> -> memref<1x128x128xf32, #tpu.memory_space<vmem>>
      %dma_wait3A_334 = tpu.memref_squeeze %dma_wait3A_333 : memref<1x128x128xf32, #tpu.memory_space<vmem>> -> memref<128x128xf32, #tpu.memory_space<vmem>>
      %dma_wait3A_335 = arith.constant 0 : i32
      %dma_wait3A_336 = tpu.memref_slice %arg7[%dma_wait3A_328, %dma_wait3A_335] : memref<3x128xi32, #tpu.memory_space<vmem>> -> memref<1x128xi32, #tpu.memory_space<vmem>>
      %dma_wait3A_337 = tpu.memref_squeeze %dma_wait3A_336 : memref<1x128xi32, #tpu.memory_space<vmem>> -> memref<128xi32, #tpu.memory_space<vmem>>
      %dma_wait3A_338 = arith.constant 0 : i32
      %dma_wait3A_339 = arith.constant 0 : i32
      %dma_wait3A_340 = tpu.memref_slice %arg2[%dma_wait3A_338, %dma_wait3A_339] : memref<10000x128xf32, #tpu.memory_space<hbm>> -> memref<10000x128xf32, #tpu.memory_space<hbm>>
      %dma_wait3A_341 = tpu.memref_slice %arg11[%dma_wait3A_330] : memref<3x!tpu.dma_semaphore, #tpu.memory_space<semaphore_mem>> -> memref<1x!tpu.dma_semaphore, #tpu.memory_space<semaphore_mem>>
      %dma_wait3A_342 = tpu.memref_squeeze %dma_wait3A_341 : memref<1x!tpu.dma_semaphore, #tpu.memory_space<semaphore_mem>> -> memref<!tpu.dma_semaphore, #tpu.memory_space<semaphore_mem>>
      tpu.wait_indirect_dma semaphore(%dma_wait3A_342 : memref<!tpu.dma_semaphore, #tpu.memory_space<semaphore_mem>>) src(%dma_wait3A_340 : memref<10000x128xf32, #tpu.memory_space<hbm>>) dst(%dma_wait3A_334 : memref<128x128xf32, #tpu.memory_space<vmem>>)
      %mul3A_343 = arith.constant 78 : i32
      %mul3A_344 = arith.muli %add3A, %mul3A_343 : i32
      %add3A_345 = arith.addi %mul3A_344, %add3A_298 : i32
      %mul3A_346 = arith.constant 128 : i32
      %mul3A_347 = arith.muli %add3A_345, %mul3A_346 : i32
      %dma_wait3A_348 = arith.constant 2 : i32
      %dma_wait3A_349 = arith.constant 2 : i32
      %dma_wait3A_350 = arith.constant 0 : i32
      %dma_wait3A_351 = tpu.memref_slice %arg8[%dma_wait3A_348, %dma_wait3A_350] : memref<3x128xi32, #tpu.memory_space<vmem>> -> memref<1x128xi32, #tpu.memory_space<vmem>>
      %dma_wait3A_352 = tpu.memref_squeeze %dma_wait3A_351 : memref<1x128xi32, #tpu.memory_space<vmem>> -> memref<128xi32, #tpu.memory_space<vmem>>
      %dma_wait3A_353 = tpu.memref_slice %arg4[%mul3A_347] : memref<320000xi32, #tpu.memory_space<hbm>> -> memref<128xi32, #tpu.memory_space<hbm>>
      %dma_wait3A_354 = tpu.memref_slice %arg14[%dma_wait3A_349] : memref<3x!tpu.dma_semaphore, #tpu.memory_space<semaphore_mem>> -> memref<1x!tpu.dma_semaphore, #tpu.memory_space<semaphore_mem>>
      %dma_wait3A_355 = tpu.memref_squeeze %dma_wait3A_354 : memref<1x!tpu.dma_semaphore, #tpu.memory_space<semaphore_mem>> -> memref<!tpu.dma_semaphore, #tpu.memory_space<semaphore_mem>>
      %dma_wait3A_356 = arith.constant 0 : i32
      %dma_wait3A_357 = tpu.memref_slice %arg8[%dma_wait3A_348, %dma_wait3A_356] : memref<3x128xi32, #tpu.memory_space<vmem>> -> memref<1x128xi32, #tpu.memory_space<vmem>>
      %dma_wait3A_358 = tpu.memref_squeeze %dma_wait3A_357 : memref<1x128xi32, #tpu.memory_space<vmem>> -> memref<128xi32, #tpu.memory_space<vmem>>
      %dma_wait3A_359 = tpu.memref_slice %arg4[%mul3A_347] : memref<320000xi32, #tpu.memory_space<hbm>> -> memref<128xi32, #tpu.memory_space<hbm>>
      tpu.wait_dma2 semaphore(%dma_wait3A_355 : memref<!tpu.dma_semaphore, #tpu.memory_space<semaphore_mem>>) src(%dma_wait3A_359 : memref<128xi32, #tpu.memory_space<hbm>>) dst(%dma_wait3A_358 : memref<128xi32, #tpu.memory_space<vmem>>)
      %dma_start3A_360 = arith.constant 2 : i32
      %dma_start3A_361 = arith.constant 2 : i32
      %dma_start3A_362 = arith.constant 2 : i32
      %dma_start3A_363 = arith.constant 0 : i32
      %dma_start3A_364 = arith.constant 0 : i32
      %dma_start3A_365 = tpu.memref_slice %arg9[%dma_start3A_360, %dma_start3A_363, %dma_start3A_364] : memref<3x128x128xf32, #tpu.memory_space<vmem>> -> memref<1x128x128xf32, #tpu.memory_space<vmem>>
      %dma_start3A_366 = tpu.memref_squeeze %dma_start3A_365 : memref<1x128x128xf32, #tpu.memory_space<vmem>> -> memref<128x128xf32, #tpu.memory_space<vmem>>
      %dma_start3A_367 = arith.constant 0 : i32
      %dma_start3A_368 = tpu.memref_slice %arg8[%dma_start3A_361, %dma_start3A_367] : memref<3x128xi32, #tpu.memory_space<vmem>> -> memref<1x128xi32, #tpu.memory_space<vmem>>
      %dma_start3A_369 = tpu.memref_squeeze %dma_start3A_368 : memref<1x128xi32, #tpu.memory_space<vmem>> -> memref<128xi32, #tpu.memory_space<vmem>>
      %dma_start3A_370 = arith.constant 0 : i32
      %dma_start3A_371 = arith.constant 0 : i32
      %dma_start3A_372 = tpu.memref_slice %arg10[%dma_start3A_370, %dma_start3A_371] : memref<10000x128xf32, #tpu.memory_space<vmem_shared>> -> memref<10000x128xf32, #tpu.memory_space<vmem_shared>>
      %dma_start3A_373 = tpu.memref_slice %arg12[%dma_start3A_362] : memref<3x!tpu.dma_semaphore, #tpu.memory_space<semaphore_mem>> -> memref<1x!tpu.dma_semaphore, #tpu.memory_space<semaphore_mem>>
      %dma_start3A_374 = tpu.memref_squeeze %dma_start3A_373 : memref<1x!tpu.dma_semaphore, #tpu.memory_space<semaphore_mem>> -> memref<!tpu.dma_semaphore, #tpu.memory_space<semaphore_mem>>
      tpu.enqueue_indirect_dma source(%dma_start3A_366 : memref<128x128xf32, #tpu.memory_space<vmem>>) target(%dma_start3A_372 : memref<10000x128xf32, #tpu.memory_space<vmem_shared>>) offsets(%dma_start3A_369 : memref<128xi32, #tpu.memory_space<vmem>>) semaphore(%dma_start3A_374 : memref<!tpu.dma_semaphore, #tpu.memory_space<semaphore_mem>>) {add = true}
    }
    %scan3A_119 = arith.constant 26 : i32
    %dma_wait3A_120 = arith.constant 2 : i32
    %dma_wait3A_121 = arith.constant 2 : i32
    %dma_wait3A_122 = arith.constant 2 : i32
    %dma_wait3A_123 = arith.constant 0 : i32
    %dma_wait3A_124 = arith.constant 0 : i32
    %dma_wait3A_125 = tpu.memref_slice %arg9[%dma_wait3A_120, %dma_wait3A_123, %dma_wait3A_124] : memref<3x128x128xf32, #tpu.memory_space<vmem>> -> memref<1x128x128xf32, #tpu.memory_space<vmem>>
    %dma_wait3A_126 = tpu.memref_squeeze %dma_wait3A_125 : memref<1x128x128xf32, #tpu.memory_space<vmem>> -> memref<128x128xf32, #tpu.memory_space<vmem>>
    %dma_wait3A_127 = arith.constant 0 : i32
    %dma_wait3A_128 = tpu.memref_slice %arg8[%dma_wait3A_121, %dma_wait3A_127] : memref<3x128xi32, #tpu.memory_space<vmem>> -> memref<1x128xi32, #tpu.memory_space<vmem>>
    %dma_wait3A_129 = tpu.memref_squeeze %dma_wait3A_128 : memref<1x128xi32, #tpu.memory_space<vmem>> -> memref<128xi32, #tpu.memory_space<vmem>>
    %dma_wait3A_130 = arith.constant 0 : i32
    %dma_wait3A_131 = arith.constant 0 : i32
    %dma_wait3A_132 = tpu.memref_slice %arg10[%dma_wait3A_130, %dma_wait3A_131] : memref<10000x128xf32, #tpu.memory_space<vmem_shared>> -> memref<10000x128xf32, #tpu.memory_space<vmem_shared>>
    %dma_wait3A_133 = tpu.memref_slice %arg12[%dma_wait3A_122] : memref<3x!tpu.dma_semaphore, #tpu.memory_space<semaphore_mem>> -> memref<1x!tpu.dma_semaphore, #tpu.memory_space<semaphore_mem>>
    %dma_wait3A_134 = tpu.memref_squeeze %dma_wait3A_133 : memref<1x!tpu.dma_semaphore, #tpu.memory_space<semaphore_mem>> -> memref<!tpu.dma_semaphore, #tpu.memory_space<semaphore_mem>>
    tpu.wait_indirect_dma semaphore(%dma_wait3A_134 : memref<!tpu.dma_semaphore, #tpu.memory_space<semaphore_mem>>) src(%dma_wait3A_126 : memref<128x128xf32, #tpu.memory_space<vmem>>) dst(%dma_wait3A_132 : memref<10000x128xf32, #tpu.memory_space<vmem_shared>>)
    %lt3A = arith.constant 4 : i32
    %lt3A_135 = arith.cmpi slt, %add3A, %lt3A : i32
    %convert_element_type3A_136 = arith.extui %lt3A_135 : i1 to i32
    %cond3A_137 = arith.constant 0 : i32
    %cond3A_138 = arith.cmpi ne, %convert_element_type3A_136, %cond3A_137 : i32
    scf.if %cond3A_138 {
      %add3A_145 = arith.constant 2496 : i32
      %add3A_146 = arith.addi %add3A_145, %add3A : i32
      %mul3A_147 = arith.constant 128 : i32
      %mul3A_148 = arith.muli %add3A_146, %mul3A_147 : i32
      %run_scoped3A = arith.constant 0 : i32
      "tpu.region"() ({
        %run_scoped3A_182 = tpu.sem_alloc : memref<!tpu.dma_semaphore, #tpu.memory_space<semaphore_mem>>
        %dma_start3A_183 = arith.constant 0 : i32
        %dma_start3A_184 = tpu.memref_slice %arg7[%run_scoped3A, %dma_start3A_183] : memref<3x128xi32, #tpu.memory_space<vmem>> -> memref<1x128xi32, #tpu.memory_space<vmem>>
        %dma_start3A_185 = tpu.memref_squeeze %dma_start3A_184 : memref<1x128xi32, #tpu.memory_space<vmem>> -> memref<128xi32, #tpu.memory_space<vmem>>
        %dma_start3A_186 = tpu.memref_slice %arg3[%mul3A_148] : memref<320000xi32, #tpu.memory_space<hbm>> -> memref<128xi32, #tpu.memory_space<hbm>>
        %dma_start3A_187 = arith.constant 0 : i32
        %dma_start3A_188 = tpu.memref_slice %arg7[%run_scoped3A, %dma_start3A_187] : memref<3x128xi32, #tpu.memory_space<vmem>> -> memref<1x128xi32, #tpu.memory_space<vmem>>
        %dma_start3A_189 = tpu.memref_squeeze %dma_start3A_188 : memref<1x128xi32, #tpu.memory_space<vmem>> -> memref<128xi32, #tpu.memory_space<vmem>>
        %dma_start3A_190 = tpu.memref_slice %arg3[%mul3A_148] : memref<320000xi32, #tpu.memory_space<hbm>> -> memref<128xi32, #tpu.memory_space<hbm>>
        tpu.enqueue_dma source(%dma_start3A_190 : memref<128xi32, #tpu.memory_space<hbm>>) target(%dma_start3A_189 : memref<128xi32, #tpu.memory_space<vmem>>) target_semaphore(%run_scoped3A_182 : memref<!tpu.dma_semaphore, #tpu.memory_space<semaphore_mem>>)
        %dma_wait3A_191 = arith.constant 0 : i32
        %dma_wait3A_192 = tpu.memref_slice %arg7[%run_scoped3A, %dma_wait3A_191] : memref<3x128xi32, #tpu.memory_space<vmem>> -> memref<1x128xi32, #tpu.memory_space<vmem>>
        %dma_wait3A_193 = tpu.memref_squeeze %dma_wait3A_192 : memref<1x128xi32, #tpu.memory_space<vmem>> -> memref<128xi32, #tpu.memory_space<vmem>>
        %dma_wait3A_194 = tpu.memref_slice %arg3[%mul3A_148] : memref<320000xi32, #tpu.memory_space<hbm>> -> memref<128xi32, #tpu.memory_space<hbm>>
        %dma_wait3A_195 = arith.constant 0 : i32
        %dma_wait3A_196 = tpu.memref_slice %arg7[%run_scoped3A, %dma_wait3A_195] : memref<3x128xi32, #tpu.memory_space<vmem>> -> memref<1x128xi32, #tpu.memory_space<vmem>>
        %dma_wait3A_197 = tpu.memref_squeeze %dma_wait3A_196 : memref<1x128xi32, #tpu.memory_space<vmem>> -> memref<128xi32, #tpu.memory_space<vmem>>
        %dma_wait3A_198 = tpu.memref_slice %arg3[%mul3A_148] : memref<320000xi32, #tpu.memory_space<hbm>> -> memref<128xi32, #tpu.memory_space<hbm>>
        tpu.wait_dma2 semaphore(%run_scoped3A_182 : memref<!tpu.dma_semaphore, #tpu.memory_space<semaphore_mem>>) src(%dma_wait3A_198 : memref<128xi32, #tpu.memory_space<hbm>>) dst(%dma_wait3A_197 : memref<128xi32, #tpu.memory_space<vmem>>)
        tpu.yield
      }) : () -> ()
      %run_scoped3A_149 = arith.constant 0 : i32
      "tpu.region"() ({
        %run_scoped3A_182 = tpu.sem_alloc : memref<!tpu.dma_semaphore, #tpu.memory_space<semaphore_mem>>
        %dma_start3A_183 = arith.constant 0 : i32
        %dma_start3A_184 = tpu.memref_slice %arg8[%run_scoped3A_149, %dma_start3A_183] : memref<3x128xi32, #tpu.memory_space<vmem>> -> memref<1x128xi32, #tpu.memory_space<vmem>>
        %dma_start3A_185 = tpu.memref_squeeze %dma_start3A_184 : memref<1x128xi32, #tpu.memory_space<vmem>> -> memref<128xi32, #tpu.memory_space<vmem>>
        %dma_start3A_186 = tpu.memref_slice %arg4[%mul3A_148] : memref<320000xi32, #tpu.memory_space<hbm>> -> memref<128xi32, #tpu.memory_space<hbm>>
        %dma_start3A_187 = arith.constant 0 : i32
        %dma_start3A_188 = tpu.memref_slice %arg8[%run_scoped3A_149, %dma_start3A_187] : memref<3x128xi32, #tpu.memory_space<vmem>> -> memref<1x128xi32, #tpu.memory_space<vmem>>
        %dma_start3A_189 = tpu.memref_squeeze %dma_start3A_188 : memref<1x128xi32, #tpu.memory_space<vmem>> -> memref<128xi32, #tpu.memory_space<vmem>>
        %dma_start3A_190 = tpu.memref_slice %arg4[%mul3A_148] : memref<320000xi32, #tpu.memory_space<hbm>> -> memref<128xi32, #tpu.memory_space<hbm>>
        tpu.enqueue_dma source(%dma_start3A_190 : memref<128xi32, #tpu.memory_space<hbm>>) target(%dma_start3A_189 : memref<128xi32, #tpu.memory_space<vmem>>) target_semaphore(%run_scoped3A_182 : memref<!tpu.dma_semaphore, #tpu.memory_space<semaphore_mem>>)
        %dma_wait3A_191 = arith.constant 0 : i32
        %dma_wait3A_192 = tpu.memref_slice %arg8[%run_scoped3A_149, %dma_wait3A_191] : memref<3x128xi32, #tpu.memory_space<vmem>> -> memref<1x128xi32, #tpu.memory_space<vmem>>
        %dma_wait3A_193 = tpu.memref_squeeze %dma_wait3A_192 : memref<1x128xi32, #tpu.memory_space<vmem>> -> memref<128xi32, #tpu.memory_space<vmem>>
        %dma_wait3A_194 = tpu.memref_slice %arg4[%mul3A_148] : memref<320000xi32, #tpu.memory_space<hbm>> -> memref<128xi32, #tpu.memory_space<hbm>>
        %dma_wait3A_195 = arith.constant 0 : i32
        %dma_wait3A_196 = tpu.memref_slice %arg8[%run_scoped3A_149, %dma_wait3A_195] : memref<3x128xi32, #tpu.memory_space<vmem>> -> memref<1x128xi32, #tpu.memory_space<vmem>>
        %dma_wait3A_197 = tpu.memref_squeeze %dma_wait3A_196 : memref<1x128xi32, #tpu.memory_space<vmem>> -> memref<128xi32, #tpu.memory_space<vmem>>
        %dma_wait3A_198 = tpu.memref_slice %arg4[%mul3A_148] : memref<320000xi32, #tpu.memory_space<hbm>> -> memref<128xi32, #tpu.memory_space<hbm>>
        tpu.wait_dma2 semaphore(%run_scoped3A_182 : memref<!tpu.dma_semaphore, #tpu.memory_space<semaphore_mem>>) src(%dma_wait3A_198 : memref<128xi32, #tpu.memory_space<hbm>>) dst(%dma_wait3A_197 : memref<128xi32, #tpu.memory_space<vmem>>)
        tpu.yield
      }) : () -> ()
      %dma_start3A_150 = arith.constant 0 : i32
      %dma_start3A_151 = arith.constant 0 : i32
      %dma_start3A_152 = arith.constant 0 : i32
      %dma_start3A_153 = arith.constant 0 : i32
      %dma_start3A_154 = arith.constant 0 : i32
      %dma_start3A_155 = tpu.memref_slice %arg9[%dma_start3A_151, %dma_start3A_153, %dma_start3A_154] : memref<3x128x128xf32, #tpu.memory_space<vmem>> -> memref<1x128x128xf32, #tpu.memory_space<vmem>>
      %dma_start3A_156 = tpu.memref_squeeze %dma_start3A_155 : memref<1x128x128xf32, #tpu.memory_space<vmem>> -> memref<128x128xf32, #tpu.memory_space<vmem>>
      %dma_start3A_157 = arith.constant 0 : i32
      %dma_start3A_158 = tpu.memref_slice %arg7[%dma_start3A_150, %dma_start3A_157] : memref<3x128xi32, #tpu.memory_space<vmem>> -> memref<1x128xi32, #tpu.memory_space<vmem>>
      %dma_start3A_159 = tpu.memref_squeeze %dma_start3A_158 : memref<1x128xi32, #tpu.memory_space<vmem>> -> memref<128xi32, #tpu.memory_space<vmem>>
      %dma_start3A_160 = arith.constant 0 : i32
      %dma_start3A_161 = arith.constant 0 : i32
      %dma_start3A_162 = tpu.memref_slice %arg2[%dma_start3A_160, %dma_start3A_161] : memref<10000x128xf32, #tpu.memory_space<hbm>> -> memref<10000x128xf32, #tpu.memory_space<hbm>>
      %dma_start3A_163 = tpu.memref_slice %arg11[%dma_start3A_152] : memref<3x!tpu.dma_semaphore, #tpu.memory_space<semaphore_mem>> -> memref<1x!tpu.dma_semaphore, #tpu.memory_space<semaphore_mem>>
      %dma_start3A_164 = tpu.memref_squeeze %dma_start3A_163 : memref<1x!tpu.dma_semaphore, #tpu.memory_space<semaphore_mem>> -> memref<!tpu.dma_semaphore, #tpu.memory_space<semaphore_mem>>
      tpu.enqueue_indirect_dma source(%dma_start3A_162 : memref<10000x128xf32, #tpu.memory_space<hbm>>) target(%dma_start3A_156 : memref<128x128xf32, #tpu.memory_space<vmem>>) offsets(%dma_start3A_159 : memref<128xi32, #tpu.memory_space<vmem>>) semaphore(%dma_start3A_164 : memref<!tpu.dma_semaphore, #tpu.memory_space<semaphore_mem>>)
      %dma_wait3A_165 = arith.constant 0 : i32
      %dma_wait3A_166 = arith.constant 0 : i32
      %dma_wait3A_167 = arith.constant 0 : i32
      %dma_wait3A_168 = arith.constant 0 : i32
      %dma_wait3A_169 = arith.constant 0 : i32
      %dma_wait3A_170 = tpu.memref_slice %arg9[%dma_wait3A_166, %dma_wait3A_168, %dma_wait3A_169] : memref<3x128x128xf32, #tpu.memory_space<vmem>> -> memref<1x128x128xf32, #tpu.memory_space<vmem>>
      %dma_wait3A_171 = tpu.memref_squeeze %dma_wait3A_170 : memref<1x128x128xf32, #tpu.memory_space<vmem>> -> memref<128x128xf32, #tpu.memory_space<vmem>>
      %dma_wait3A_172 = arith.constant 0 : i32
      %dma_wait3A_173 = tpu.memref_slice %arg7[%dma_wait3A_165, %dma_wait3A_172] : memref<3x128xi32, #tpu.memory_space<vmem>> -> memref<1x128xi32, #tpu.memory_space<vmem>>
      %dma_wait3A_174 = tpu.memref_squeeze %dma_wait3A_173 : memref<1x128xi32, #tpu.memory_space<vmem>> -> memref<128xi32, #tpu.memory_space<vmem>>
      %dma_wait3A_175 = arith.constant 0 : i32
      %dma_wait3A_176 = arith.constant 0 : i32
      %dma_wait3A_177 = tpu.memref_slice %arg2[%dma_wait3A_175, %dma_wait3A_176] : memref<10000x128xf32, #tpu.memory_space<hbm>> -> memref<10000x128xf32, #tpu.memory_space<hbm>>
      %dma_wait3A_178 = tpu.memref_slice %arg11[%dma_wait3A_167] : memref<3x!tpu.dma_semaphore, #tpu.memory_space<semaphore_mem>> -> memref<1x!tpu.dma_semaphore, #tpu.memory_space<semaphore_mem>>
      %dma_wait3A_179 = tpu.memref_squeeze %dma_wait3A_178 : memref<1x!tpu.dma_semaphore, #tpu.memory_space<semaphore_mem>> -> memref<!tpu.dma_semaphore, #tpu.memory_space<semaphore_mem>>
      tpu.wait_indirect_dma semaphore(%dma_wait3A_179 : memref<!tpu.dma_semaphore, #tpu.memory_space<semaphore_mem>>) src(%dma_wait3A_177 : memref<10000x128xf32, #tpu.memory_space<hbm>>) dst(%dma_wait3A_171 : memref<128x128xf32, #tpu.memory_space<vmem>>)
      %run_scoped3A_180 = arith.constant 0 : i32
      %run_scoped3A_181 = arith.constant 0 : i32
      "tpu.region"() ({
        %run_scoped3A_182 = tpu.sem_alloc : memref<!tpu.dma_semaphore, #tpu.memory_space<semaphore_mem>>
        %dma_start3A_183 = arith.constant 0 : i32
        %dma_start3A_184 = arith.constant 0 : i32
        %dma_start3A_185 = tpu.memref_slice %arg9[%run_scoped3A_180, %dma_start3A_183, %dma_start3A_184] : memref<3x128x128xf32, #tpu.memory_space<vmem>> -> memref<1x128x128xf32, #tpu.memory_space<vmem>>
        %dma_start3A_186 = tpu.memref_squeeze %dma_start3A_185 : memref<1x128x128xf32, #tpu.memory_space<vmem>> -> memref<128x128xf32, #tpu.memory_space<vmem>>
        %dma_start3A_187 = arith.constant 0 : i32
        %dma_start3A_188 = tpu.memref_slice %arg8[%run_scoped3A_181, %dma_start3A_187] : memref<3x128xi32, #tpu.memory_space<vmem>> -> memref<1x128xi32, #tpu.memory_space<vmem>>
        %dma_start3A_189 = tpu.memref_squeeze %dma_start3A_188 : memref<1x128xi32, #tpu.memory_space<vmem>> -> memref<128xi32, #tpu.memory_space<vmem>>
        %dma_start3A_190 = arith.constant 0 : i32
        %dma_start3A_191 = arith.constant 0 : i32
        %dma_start3A_192 = tpu.memref_slice %arg10[%dma_start3A_190, %dma_start3A_191] : memref<10000x128xf32, #tpu.memory_space<vmem_shared>> -> memref<10000x128xf32, #tpu.memory_space<vmem_shared>>
        tpu.enqueue_indirect_dma source(%dma_start3A_186 : memref<128x128xf32, #tpu.memory_space<vmem>>) target(%dma_start3A_192 : memref<10000x128xf32, #tpu.memory_space<vmem_shared>>) offsets(%dma_start3A_189 : memref<128xi32, #tpu.memory_space<vmem>>) semaphore(%run_scoped3A_182 : memref<!tpu.dma_semaphore, #tpu.memory_space<semaphore_mem>>) {add = true}
        %dma_wait3A_193 = arith.constant 0 : i32
        %dma_wait3A_194 = arith.constant 0 : i32
        %dma_wait3A_195 = tpu.memref_slice %arg9[%run_scoped3A_180, %dma_wait3A_193, %dma_wait3A_194] : memref<3x128x128xf32, #tpu.memory_space<vmem>> -> memref<1x128x128xf32, #tpu.memory_space<vmem>>
        %dma_wait3A_196 = tpu.memref_squeeze %dma_wait3A_195 : memref<1x128x128xf32, #tpu.memory_space<vmem>> -> memref<128x128xf32, #tpu.memory_space<vmem>>
        %dma_wait3A_197 = arith.constant 0 : i32
        %dma_wait3A_198 = tpu.memref_slice %arg8[%run_scoped3A_181, %dma_wait3A_197] : memref<3x128xi32, #tpu.memory_space<vmem>> -> memref<1x128xi32, #tpu.memory_space<vmem>>
        %dma_wait3A_199 = tpu.memref_squeeze %dma_wait3A_198 : memref<1x128xi32, #tpu.memory_space<vmem>> -> memref<128xi32, #tpu.memory_space<vmem>>
        %dma_wait3A_200 = arith.constant 0 : i32
        %dma_wait3A_201 = arith.constant 0 : i32
        %dma_wait3A_202 = tpu.memref_slice %arg10[%dma_wait3A_200, %dma_wait3A_201] : memref<10000x128xf32, #tpu.memory_space<vmem_shared>> -> memref<10000x128xf32, #tpu.memory_space<vmem_shared>>
        tpu.wait_indirect_dma semaphore(%run_scoped3A_182 : memref<!tpu.dma_semaphore, #tpu.memory_space<semaphore_mem>>) src(%dma_wait3A_196 : memref<128x128xf32, #tpu.memory_space<vmem>>) dst(%dma_wait3A_202 : memref<10000x128xf32, #tpu.memory_space<vmem_shared>>)
        tpu.yield
      }) : () -> ()
    } else {
    }
    %barrier3A_139 = arith.constant 0 : index
    tpu.barrier barrier_id(%barrier3A_139)
    "tpu.region"() ({
      %run_scoped3A = tpu.sem_alloc : memref<!tpu.dma_semaphore, #tpu.memory_space<semaphore_mem>>
      %dma_start3A_145 = arith.constant 0 : i32
      %dma_start3A_146 = arith.constant 0 : i32
      %dma_start3A_147 = tpu.memref_slice %arg6[%arg0, %dma_start3A_145, %dma_start3A_146] : memref<2x10000x128xf32, #tpu.memory_space<hbm>> -> memref<1x10000x128xf32, #tpu.memory_space<hbm>>
      %dma_start3A_148 = tpu.memref_squeeze %dma_start3A_147 : memref<1x10000x128xf32, #tpu.memory_space<hbm>> -> memref<10000x128xf32, #tpu.memory_space<hbm>>
      %dma_start3A_149 = arith.constant 0 : i32
      %dma_start3A_150 = tpu.memref_slice %dma_start3A_148[%mul3A_73, %dma_start3A_149] : memref<10000x128xf32, #tpu.memory_space<hbm>> -> memref<624x128xf32, #tpu.memory_space<hbm>>
      %dma_start3A_151 = arith.constant 0 : i32
      %dma_start3A_152 = tpu.memref_slice %arg10[%mul3A_73, %dma_start3A_151] : memref<10000x128xf32, #tpu.memory_space<vmem_shared>> -> memref<624x128xf32, #tpu.memory_space<vmem_shared>>
      tpu.enqueue_dma source(%dma_start3A_152 : memref<624x128xf32, #tpu.memory_space<vmem_shared>>) target(%dma_start3A_150 : memref<624x128xf32, #tpu.memory_space<hbm>>) target_semaphore(%run_scoped3A : memref<!tpu.dma_semaphore, #tpu.memory_space<semaphore_mem>>)
      %dma_wait3A_153 = arith.constant 0 : i32
      %dma_wait3A_154 = arith.constant 0 : i32
      %dma_wait3A_155 = tpu.memref_slice %arg6[%arg0, %dma_wait3A_153, %dma_wait3A_154] : memref<2x10000x128xf32, #tpu.memory_space<hbm>> -> memref<1x10000x128xf32, #tpu.memory_space<hbm>>
      %dma_wait3A_156 = tpu.memref_squeeze %dma_wait3A_155 : memref<1x10000x128xf32, #tpu.memory_space<hbm>> -> memref<10000x128xf32, #tpu.memory_space<hbm>>
      %dma_wait3A_157 = arith.constant 0 : i32
      %dma_wait3A_158 = tpu.memref_slice %dma_wait3A_156[%mul3A_73, %dma_wait3A_157] : memref<10000x128xf32, #tpu.memory_space<hbm>> -> memref<624x128xf32, #tpu.memory_space<hbm>>
      %dma_wait3A_159 = arith.constant 0 : i32
      %dma_wait3A_160 = tpu.memref_slice %arg10[%mul3A_73, %dma_wait3A_159] : memref<10000x128xf32, #tpu.memory_space<vmem_shared>> -> memref<624x128xf32, #tpu.memory_space<vmem_shared>>
      tpu.wait_dma2 semaphore(%run_scoped3A : memref<!tpu.dma_semaphore, #tpu.memory_space<semaphore_mem>>) src(%dma_wait3A_160 : memref<624x128xf32, #tpu.memory_space<vmem_shared>>) dst(%dma_wait3A_158 : memref<624x128xf32, #tpu.memory_space<hbm>>)
      tpu.yield
    }) : () -> ()
    %eq3A_140 = arith.constant 15 : i32
    %eq3A_141 = arith.cmpi eq, %arg1, %eq3A_140 : i32
    %convert_element_type3A_142 = arith.extui %eq3A_141 : i1 to i32
    %cond3A_143 = arith.constant 0 : i32
    %cond3A_144 = arith.cmpi ne, %convert_element_type3A_142, %cond3A_143 : i32
    scf.if %cond3A_144 {
      "tpu.region"() ({
        %run_scoped3A = tpu.sem_alloc : memref<!tpu.dma_semaphore, #tpu.memory_space<semaphore_mem>>
        %dma_start3A_145 = arith.constant 0 : i32
        %dma_start3A_146 = arith.constant 0 : i32
        %dma_start3A_147 = tpu.memref_slice %arg6[%arg0, %dma_start3A_145, %dma_start3A_146] : memref<2x10000x128xf32, #tpu.memory_space<hbm>> -> memref<1x10000x128xf32, #tpu.memory_space<hbm>>
        %dma_start3A_148 = tpu.memref_squeeze %dma_start3A_147 : memref<1x10000x128xf32, #tpu.memory_space<hbm>> -> memref<10000x128xf32, #tpu.memory_space<hbm>>
        %dma_start3A_149 = arith.constant 9984 : i32
        %dma_start3A_150 = arith.constant 0 : i32
        %dma_start3A_151 = tpu.memref_slice %dma_start3A_148[%dma_start3A_149, %dma_start3A_150] : memref<10000x128xf32, #tpu.memory_space<hbm>> -> memref<16x128xf32, #tpu.memory_space<hbm>>
        %dma_start3A_152 = arith.constant 9984 : i32
        %dma_start3A_153 = arith.constant 0 : i32
        %dma_start3A_154 = tpu.memref_slice %arg10[%dma_start3A_152, %dma_start3A_153] : memref<10000x128xf32, #tpu.memory_space<vmem_shared>> -> memref<16x128xf32, #tpu.memory_space<vmem_shared>>
        tpu.enqueue_dma source(%dma_start3A_154 : memref<16x128xf32, #tpu.memory_space<vmem_shared>>) target(%dma_start3A_151 : memref<16x128xf32, #tpu.memory_space<hbm>>) target_semaphore(%run_scoped3A : memref<!tpu.dma_semaphore, #tpu.memory_space<semaphore_mem>>)
        %dma_wait3A_155 = arith.constant 0 : i32
        %dma_wait3A_156 = arith.constant 0 : i32
        %dma_wait3A_157 = tpu.memref_slice %arg6[%arg0, %dma_wait3A_155, %dma_wait3A_156] : memref<2x10000x128xf32, #tpu.memory_space<hbm>> -> memref<1x10000x128xf32, #tpu.memory_space<hbm>>
        %dma_wait3A_158 = tpu.memref_squeeze %dma_wait3A_157 : memref<1x10000x128xf32, #tpu.memory_space<hbm>> -> memref<10000x128xf32, #tpu.memory_space<hbm>>
        %dma_wait3A_159 = arith.constant 9984 : i32
        %dma_wait3A_160 = arith.constant 0 : i32
        %dma_wait3A_161 = tpu.memref_slice %dma_wait3A_158[%dma_wait3A_159, %dma_wait3A_160] : memref<10000x128xf32, #tpu.memory_space<hbm>> -> memref<16x128xf32, #tpu.memory_space<hbm>>
        %dma_wait3A_162 = arith.constant 9984 : i32
        %dma_wait3A_163 = arith.constant 0 : i32
        %dma_wait3A_164 = tpu.memref_slice %arg10[%dma_wait3A_162, %dma_wait3A_163] : memref<10000x128xf32, #tpu.memory_space<vmem_shared>> -> memref<16x128xf32, #tpu.memory_space<vmem_shared>>
        tpu.wait_dma2 semaphore(%run_scoped3A : memref<!tpu.dma_semaphore, #tpu.memory_space<semaphore_mem>>) src(%dma_wait3A_164 : memref<16x128xf32, #tpu.memory_space<vmem_shared>>) dst(%dma_wait3A_161 : memref<16x128xf32, #tpu.memory_space<hbm>>)
        tpu.yield
      }) : () -> ()
    } else {
    }
    return
  }
}

#map = affine_map<(d0, d1) -> (0, 0)>
#map1 = affine_map<(d0, d1) -> (0)>
#map2 = affine_map<(d0, d1) -> (0, 0, 0)>
module attributes {stable_mosaic.version = 14 : i64} {
  func.func @_segsum_body(%arg0: i32, %arg1: i32, %arg2: memref<10000x128xf32, #tpu.memory_space<hbm>>, %arg3: memref<320000xi32, #tpu.memory_space<hbm>>, %arg4: memref<320000xi32, #tpu.memory_space<hbm>>, %arg5: memref<10000x128xf32, #tpu.memory_space<hbm>>, %arg6: memref<2x10000x128xf32, #tpu.memory_space<hbm>>, %arg7: memref<3x128xi32, #tpu.memory_space<vmem>>, %arg8: memref<3x128xi32, #tpu.memory_space<vmem>>, %arg9: memref<3x128x128xf32, #tpu.memory_space<vmem>>, %arg10: memref<10000x128xf32, #tpu.memory_space<vmem_shared>>, %arg11: memref<3x!tpu.dma_semaphore, #tpu.memory_space<semaphore_mem>>, %arg12: memref<3x!tpu.dma_semaphore, #tpu.memory_space<semaphore_mem>>, %arg13: memref<3x!tpu.dma_semaphore, #tpu.memory_space<semaphore_mem>>, %arg14: memref<3x!tpu.dma_semaphore, #tpu.memory_space<semaphore_mem>>, %arg15: memref<!tpu.dma_semaphore, #tpu.memory_space<semaphore_mem>>) attributes {dimension_semantics = [#tpu.dimension_semantics<core_parallel>, #tpu.dimension_semantics<subcore_parallel>], iteration_bounds = array<i64: 2, 16>, scalar_prefetch = 0 : i64, scratch_operands = 9 : i64, tpu.core_type = #tpu.core_type<sc_vector_subcore>, window_params = [{transform_indices = #map}, {transform_indices = #map1}, {transform_indices = #map1}, {transform_indices = #map}, {transform_indices = #map2}]} {
    %mul3A = arith.constant 2 : i32
    %mul3A_0 = arith.muli %arg1, %mul3A : i32
    %add3A = arith.addi %mul3A_0, %arg0 : i32
    %mul3A_1 = arith.constant 78 : i32
    %mul3A_2 = arith.muli %add3A, %mul3A_1 : i32
    %add3A_3 = arith.constant 0 : i32
    %add3A_4 = arith.addi %mul3A_2, %add3A_3 : i32
    %mul3A_5 = arith.constant 128 : i32
    %mul3A_6 = arith.muli %add3A_4, %mul3A_5 : i32
    %dma_start3A = arith.constant 0 : i32
    %dma_start3A_7 = arith.constant 0 : i32
    %dma_start3A_8 = arith.constant 0 : i32
    %dma_start3A_9 = tpu.memref_slice %arg7[%dma_start3A, %dma_start3A_8] : memref<3x128xi32, #tpu.memory_space<vmem>> -> memref<1x128xi32, #tpu.memory_space<vmem>>
    %dma_start3A_10 = tpu.memref_squeeze %dma_start3A_9 : memref<1x128xi32, #tpu.memory_space<vmem>> -> memref<128xi32, #tpu.memory_space<vmem>>
    %dma_start3A_11 = tpu.memref_slice %arg3[%mul3A_6] : memref<320000xi32, #tpu.memory_space<hbm>> -> memref<128xi32, #tpu.memory_space<hbm>>
    %dma_start3A_12 = tpu.memref_slice %arg13[%dma_start3A_7] : memref<3x!tpu.dma_semaphore, #tpu.memory_space<semaphore_mem>> -> memref<1x!tpu.dma_semaphore, #tpu.memory_space<semaphore_mem>>
    %dma_start3A_13 = tpu.memref_squeeze %dma_start3A_12 : memref<1x!tpu.dma_semaphore, #tpu.memory_space<semaphore_mem>> -> memref<!tpu.dma_semaphore, #tpu.memory_space<semaphore_mem>>
    %dma_start3A_14 = arith.constant 0 : i32
    %dma_start3A_15 = tpu.memref_slice %arg7[%dma_start3A, %dma_start3A_14] : memref<3x128xi32, #tpu.memory_space<vmem>> -> memref<1x128xi32, #tpu.memory_space<vmem>>
    %dma_start3A_16 = tpu.memref_squeeze %dma_start3A_15 : memref<1x128xi32, #tpu.memory_space<vmem>> -> memref<128xi32, #tpu.memory_space<vmem>>
    %dma_start3A_17 = tpu.memref_slice %arg3[%mul3A_6] : memref<320000xi32, #tpu.memory_space<hbm>> -> memref<128xi32, #tpu.memory_space<hbm>>
    tpu.enqueue_dma source(%dma_start3A_17 : memref<128xi32, #tpu.memory_space<hbm>>) target(%dma_start3A_16 : memref<128xi32, #tpu.memory_space<vmem>>) target_semaphore(%dma_start3A_13 : memref<!tpu.dma_semaphore, #tpu.memory_space<semaphore_mem>>)
    %mul3A_18 = arith.constant 78 : i32
    %mul3A_19 = arith.muli %add3A, %mul3A_18 : i32
    %add3A_20 = arith.constant 0 : i32
    %add3A_21 = arith.addi %mul3A_19, %add3A_20 : i32
    %mul3A_22 = arith.constant 128 : i32
    %mul3A_23 = arith.muli %add3A_21, %mul3A_22 : i32
    %dma_start3A_24 = arith.constant 0 : i32
    %dma_start3A_25 = arith.constant 0 : i32
    %dma_start3A_26 = arith.constant 0 : i32
    %dma_start3A_27 = tpu.memref_slice %arg8[%dma_start3A_24, %dma_start3A_26] : memref<3x128xi32, #tpu.memory_space<vmem>> -> memref<1x128xi32, #tpu.memory_space<vmem>>
    %dma_start3A_28 = tpu.memref_squeeze %dma_start3A_27 : memref<1x128xi32, #tpu.memory_space<vmem>> -> memref<128xi32, #tpu.memory_space<vmem>>
    %dma_start3A_29 = tpu.memref_slice %arg4[%mul3A_23] : memref<320000xi32, #tpu.memory_space<hbm>> -> memref<128xi32, #tpu.memory_space<hbm>>
    %dma_start3A_30 = tpu.memref_slice %arg14[%dma_start3A_25] : memref<3x!tpu.dma_semaphore, #tpu.memory_space<semaphore_mem>> -> memref<1x!tpu.dma_semaphore, #tpu.memory_space<semaphore_mem>>
    %dma_start3A_31 = tpu.memref_squeeze %dma_start3A_30 : memref<1x!tpu.dma_semaphore, #tpu.memory_space<semaphore_mem>> -> memref<!tpu.dma_semaphore, #tpu.memory_space<semaphore_mem>>
    %dma_start3A_32 = arith.constant 0 : i32
    %dma_start3A_33 = tpu.memref_slice %arg8[%dma_start3A_24, %dma_start3A_32] : memref<3x128xi32, #tpu.memory_space<vmem>> -> memref<1x128xi32, #tpu.memory_space<vmem>>
    %dma_start3A_34 = tpu.memref_squeeze %dma_start3A_33 : memref<1x128xi32, #tpu.memory_space<vmem>> -> memref<128xi32, #tpu.memory_space<vmem>>
    %dma_start3A_35 = tpu.memref_slice %arg4[%mul3A_23] : memref<320000xi32, #tpu.memory_space<hbm>> -> memref<128xi32, #tpu.memory_space<hbm>>
    tpu.enqueue_dma source(%dma_start3A_35 : memref<128xi32, #tpu.memory_space<hbm>>) target(%dma_start3A_34 : memref<128xi32, #tpu.memory_space<vmem>>) target_semaphore(%dma_start3A_31 : memref<!tpu.dma_semaphore, #tpu.memory_space<semaphore_mem>>)
    %mul3A_36 = arith.constant 78 : i32
    %mul3A_37 = arith.muli %add3A, %mul3A_36 : i32
    %add3A_38 = arith.constant 1 : i32
    %add3A_39 = arith.addi %mul3A_37, %add3A_38 : i32
    %mul3A_40 = arith.constant 128 : i32
    %mul3A_41 = arith.muli %add3A_39, %mul3A_40 : i32
    %dma_start3A_42 = arith.constant 1 : i32
    %dma_start3A_43 = arith.constant 1 : i32
    %dma_start3A_44 = arith.constant 0 : i32
    %dma_start3A_45 = tpu.memref_slice %arg7[%dma_start3A_42, %dma_start3A_44] : memref<3x128xi32, #tpu.memory_space<vmem>> -> memref<1x128xi32, #tpu.memory_space<vmem>>
    %dma_start3A_46 = tpu.memref_squeeze %dma_start3A_45 : memref<1x128xi32, #tpu.memory_space<vmem>> -> memref<128xi32, #tpu.memory_space<vmem>>
    %dma_start3A_47 = tpu.memref_slice %arg3[%mul3A_41] : memref<320000xi32, #tpu.memory_space<hbm>> -> memref<128xi32, #tpu.memory_space<hbm>>
    %dma_start3A_48 = tpu.memref_slice %arg13[%dma_start3A_43] : memref<3x!tpu.dma_semaphore, #tpu.memory_space<semaphore_mem>> -> memref<1x!tpu.dma_semaphore, #tpu.memory_space<semaphore_mem>>
    %dma_start3A_49 = tpu.memref_squeeze %dma_start3A_48 : memref<1x!tpu.dma_semaphore, #tpu.memory_space<semaphore_mem>> -> memref<!tpu.dma_semaphore, #tpu.memory_space<semaphore_mem>>
    %dma_start3A_50 = arith.constant 0 : i32
    %dma_start3A_51 = tpu.memref_slice %arg7[%dma_start3A_42, %dma_start3A_50] : memref<3x128xi32, #tpu.memory_space<vmem>> -> memref<1x128xi32, #tpu.memory_space<vmem>>
    %dma_start3A_52 = tpu.memref_squeeze %dma_start3A_51 : memref<1x128xi32, #tpu.memory_space<vmem>> -> memref<128xi32, #tpu.memory_space<vmem>>
    %dma_start3A_53 = tpu.memref_slice %arg3[%mul3A_41] : memref<320000xi32, #tpu.memory_space<hbm>> -> memref<128xi32, #tpu.memory_space<hbm>>
    tpu.enqueue_dma source(%dma_start3A_53 : memref<128xi32, #tpu.memory_space<hbm>>) target(%dma_start3A_52 : memref<128xi32, #tpu.memory_space<vmem>>) target_semaphore(%dma_start3A_49 : memref<!tpu.dma_semaphore, #tpu.memory_space<semaphore_mem>>)
    %mul3A_54 = arith.constant 78 : i32
    %mul3A_55 = arith.muli %add3A, %mul3A_54 : i32
    %add3A_56 = arith.constant 1 : i32
    %add3A_57 = arith.addi %mul3A_55, %add3A_56 : i32
    %mul3A_58 = arith.constant 128 : i32
    %mul3A_59 = arith.muli %add3A_57, %mul3A_58 : i32
    %dma_start3A_60 = arith.constant 1 : i32
    %dma_start3A_61 = arith.constant 1 : i32
    %dma_start3A_62 = arith.constant 0 : i32
    %dma_start3A_63 = tpu.memref_slice %arg8[%dma_start3A_60, %dma_start3A_62] : memref<3x128xi32, #tpu.memory_space<vmem>> -> memref<1x128xi32, #tpu.memory_space<vmem>>
    %dma_start3A_64 = tpu.memref_squeeze %dma_start3A_63 : memref<1x128xi32, #tpu.memory_space<vmem>> -> memref<128xi32, #tpu.memory_space<vmem>>
    %dma_start3A_65 = tpu.memref_slice %arg4[%mul3A_59] : memref<320000xi32, #tpu.memory_space<hbm>> -> memref<128xi32, #tpu.memory_space<hbm>>
    %dma_start3A_66 = tpu.memref_slice %arg14[%dma_start3A_61] : memref<3x!tpu.dma_semaphore, #tpu.memory_space<semaphore_mem>> -> memref<1x!tpu.dma_semaphore, #tpu.memory_space<semaphore_mem>>
    %dma_start3A_67 = tpu.memref_squeeze %dma_start3A_66 : memref<1x!tpu.dma_semaphore, #tpu.memory_space<semaphore_mem>> -> memref<!tpu.dma_semaphore, #tpu.memory_space<semaphore_mem>>
    %dma_start3A_68 = arith.constant 0 : i32
    %dma_start3A_69 = tpu.memref_slice %arg8[%dma_start3A_60, %dma_start3A_68] : memref<3x128xi32, #tpu.memory_space<vmem>> -> memref<1x128xi32, #tpu.memory_space<vmem>>
    %dma_start3A_70 = tpu.memref_squeeze %dma_start3A_69 : memref<1x128xi32, #tpu.memory_space<vmem>> -> memref<128xi32, #tpu.memory_space<vmem>>
    %dma_start3A_71 = tpu.memref_slice %arg4[%mul3A_59] : memref<320000xi32, #tpu.memory_space<hbm>> -> memref<128xi32, #tpu.memory_space<hbm>>
    tpu.enqueue_dma source(%dma_start3A_71 : memref<128xi32, #tpu.memory_space<hbm>>) target(%dma_start3A_70 : memref<128xi32, #tpu.memory_space<vmem>>) target_semaphore(%dma_start3A_67 : memref<!tpu.dma_semaphore, #tpu.memory_space<semaphore_mem>>)
    %mul3A_72 = arith.constant 624 : i32
    %mul3A_73 = arith.muli %arg1, %mul3A_72 : i32
    %dma_start3A_74 = arith.constant 0 : i32
    %dma_start3A_75 = tpu.memref_slice %arg10[%mul3A_73, %dma_start3A_74] : memref<10000x128xf32, #tpu.memory_space<vmem_shared>> -> memref<624x128xf32, #tpu.memory_space<vmem_shared>>
    %dma_start3A_76 = arith.constant 0 : i32
    %dma_start3A_77 = tpu.memref_slice %arg5[%mul3A_73, %dma_start3A_76] : memref<10000x128xf32, #tpu.memory_space<hbm>> -> memref<624x128xf32, #tpu.memory_space<hbm>>
    tpu.enqueue_dma source(%dma_start3A_77 : memref<624x128xf32, #tpu.memory_space<hbm>>) target(%dma_start3A_75 : memref<624x128xf32, #tpu.memory_space<vmem_shared>>) target_semaphore(%arg15 : memref<!tpu.dma_semaphore, #tpu.memory_space<semaphore_mem>>)
    %eq3A = arith.constant 15 : i32
    %eq3A_78 = arith.cmpi eq, %arg1, %eq3A : i32
    %convert_element_type3A = arith.extui %eq3A_78 : i1 to i32
    %cond3A = arith.constant 0 : i32
    %cond3A_79 = arith.cmpi ne, %convert_element_type3A, %cond3A : i32
    scf.if %cond3A_79 {
      "tpu.region"() ({
        %run_scoped3A = tpu.sem_alloc : memref<!tpu.dma_semaphore, #tpu.memory_space<semaphore_mem>>
        %dma_start3A_145 = arith.constant 9984 : i32
        %dma_start3A_146 = arith.constant 0 : i32
        %dma_start3A_147 = tpu.memref_slice %arg10[%dma_start3A_145, %dma_start3A_146] : memref<10000x128xf32, #tpu.memory_space<vmem_shared>> -> memref<16x128xf32, #tpu.memory_space<vmem_shared>>
        %dma_start3A_148 = arith.constant 9984 : i32
        %dma_start3A_149 = arith.constant 0 : i32
        %dma_start3A_150 = tpu.memref_slice %arg5[%dma_start3A_148, %dma_start3A_149] : memref<10000x128xf32, #tpu.memory_space<hbm>> -> memref<16x128xf32, #tpu.memory_space<hbm>>
        tpu.enqueue_dma source(%dma_start3A_150 : memref<16x128xf32, #tpu.memory_space<hbm>>) target(%dma_start3A_147 : memref<16x128xf32, #tpu.memory_space<vmem_shared>>) target_semaphore(%run_scoped3A : memref<!tpu.dma_semaphore, #tpu.memory_space<semaphore_mem>>)
        %dma_wait3A_151 = arith.constant 9984 : i32
        %dma_wait3A_152 = arith.constant 0 : i32
        %dma_wait3A_153 = tpu.memref_slice %arg10[%dma_wait3A_151, %dma_wait3A_152] : memref<10000x128xf32, #tpu.memory_space<vmem_shared>> -> memref<16x128xf32, #tpu.memory_space<vmem_shared>>
        %dma_wait3A_154 = arith.constant 9984 : i32
        %dma_wait3A_155 = arith.constant 0 : i32
        %dma_wait3A_156 = tpu.memref_slice %arg5[%dma_wait3A_154, %dma_wait3A_155] : memref<10000x128xf32, #tpu.memory_space<hbm>> -> memref<16x128xf32, #tpu.memory_space<hbm>>
        tpu.wait_dma2 semaphore(%run_scoped3A : memref<!tpu.dma_semaphore, #tpu.memory_space<semaphore_mem>>) src(%dma_wait3A_156 : memref<16x128xf32, #tpu.memory_space<hbm>>) dst(%dma_wait3A_153 : memref<16x128xf32, #tpu.memory_space<vmem_shared>>)
        tpu.yield
      }) : () -> ()
    } else {
    }
    %mul3A_80 = arith.constant 78 : i32
    %mul3A_81 = arith.muli %add3A, %mul3A_80 : i32
    %add3A_82 = arith.constant 0 : i32
    %add3A_83 = arith.addi %mul3A_81, %add3A_82 : i32
    %mul3A_84 = arith.constant 128 : i32
    %mul3A_85 = arith.muli %add3A_83, %mul3A_84 : i32
    %dma_wait3A = arith.constant 0 : i32
    %dma_wait3A_86 = arith.constant 0 : i32
    %dma_wait3A_87 = arith.constant 0 : i32
    %dma_wait3A_88 = tpu.memref_slice %arg7[%dma_wait3A, %dma_wait3A_87] : memref<3x128xi32, #tpu.memory_space<vmem>> -> memref<1x128xi32, #tpu.memory_space<vmem>>
    %dma_wait3A_89 = tpu.memref_squeeze %dma_wait3A_88 : memref<1x128xi32, #tpu.memory_space<vmem>> -> memref<128xi32, #tpu.memory_space<vmem>>
    %dma_wait3A_90 = tpu.memref_slice %arg3[%mul3A_85] : memref<320000xi32, #tpu.memory_space<hbm>> -> memref<128xi32, #tpu.memory_space<hbm>>
    %dma_wait3A_91 = tpu.memref_slice %arg13[%dma_wait3A_86] : memref<3x!tpu.dma_semaphore, #tpu.memory_space<semaphore_mem>> -> memref<1x!tpu.dma_semaphore, #tpu.memory_space<semaphore_mem>>
    %dma_wait3A_92 = tpu.memref_squeeze %dma_wait3A_91 : memref<1x!tpu.dma_semaphore, #tpu.memory_space<semaphore_mem>> -> memref<!tpu.dma_semaphore, #tpu.memory_space<semaphore_mem>>
    %dma_wait3A_93 = arith.constant 0 : i32
    %dma_wait3A_94 = tpu.memref_slice %arg7[%dma_wait3A, %dma_wait3A_93] : memref<3x128xi32, #tpu.memory_space<vmem>> -> memref<1x128xi32, #tpu.memory_space<vmem>>
    %dma_wait3A_95 = tpu.memref_squeeze %dma_wait3A_94 : memref<1x128xi32, #tpu.memory_space<vmem>> -> memref<128xi32, #tpu.memory_space<vmem>>
    %dma_wait3A_96 = tpu.memref_slice %arg3[%mul3A_85] : memref<320000xi32, #tpu.memory_space<hbm>> -> memref<128xi32, #tpu.memory_space<hbm>>
    tpu.wait_dma2 semaphore(%dma_wait3A_92 : memref<!tpu.dma_semaphore, #tpu.memory_space<semaphore_mem>>) src(%dma_wait3A_96 : memref<128xi32, #tpu.memory_space<hbm>>) dst(%dma_wait3A_95 : memref<128xi32, #tpu.memory_space<vmem>>)
    %dma_start3A_97 = arith.constant 0 : i32
    %dma_start3A_98 = arith.constant 0 : i32
    %dma_start3A_99 = arith.constant 0 : i32
    %dma_start3A_100 = arith.constant 0 : i32
    %dma_start3A_101 = arith.constant 0 : i32
    %dma_start3A_102 = tpu.memref_slice %arg9[%dma_start3A_98, %dma_start3A_100, %dma_start3A_101] : memref<3x128x128xf32, #tpu.memory_space<vmem>> -> memref<1x128x128xf32, #tpu.memory_space<vmem>>
    %dma_start3A_103 = tpu.memref_squeeze %dma_start3A_102 : memref<1x128x128xf32, #tpu.memory_space<vmem>> -> memref<128x128xf32, #tpu.memory_space<vmem>>
    %dma_start3A_104 = arith.constant 0 : i32
    %dma_start3A_105 = tpu.memref_slice %arg7[%dma_start3A_97, %dma_start3A_104] : memref<3x128xi32, #tpu.memory_space<vmem>> -> memref<1x128xi32, #tpu.memory_space<vmem>>
    %dma_start3A_106 = tpu.memref_squeeze %dma_start3A_105 : memref<1x128xi32, #tpu.memory_space<vmem>> -> memref<128xi32, #tpu.memory_space<vmem>>
    %dma_start3A_107 = arith.constant 0 : i32
    %dma_start3A_108 = arith.constant 0 : i32
    %dma_start3A_109 = tpu.memref_slice %arg2[%dma_start3A_107, %dma_start3A_108] : memref<10000x128xf32, #tpu.memory_space<hbm>> -> memref<10000x128xf32, #tpu.memory_space<hbm>>
    %dma_start3A_110 = tpu.memref_slice %arg11[%dma_start3A_99] : memref<3x!tpu.dma_semaphore, #tpu.memory_space<semaphore_mem>> -> memref<1x!tpu.dma_semaphore, #tpu.memory_space<semaphore_mem>>
    %dma_start3A_111 = tpu.memref_squeeze %dma_start3A_110 : memref<1x!tpu.dma_semaphore, #tpu.memory_space<semaphore_mem>> -> memref<!tpu.dma_semaphore, #tpu.memory_space<semaphore_mem>>
    tpu.enqueue_indirect_dma source(%dma_start3A_109 : memref<10000x128xf32, #tpu.memory_space<hbm>>) target(%dma_start3A_103 : memref<128x128xf32, #tpu.memory_space<vmem>>) offsets(%dma_start3A_106 : memref<128xi32, #tpu.memory_space<vmem>>) semaphore(%dma_start3A_111 : memref<!tpu.dma_semaphore, #tpu.memory_space<semaphore_mem>>)
    %dma_wait3A_112 = arith.constant 0 : i32
    %dma_wait3A_113 = tpu.memref_slice %arg10[%mul3A_73, %dma_wait3A_112] : memref<10000x128xf32, #tpu.memory_space<vmem_shared>> -> memref<624x128xf32, #tpu.memory_space<vmem_shared>>
    %dma_wait3A_114 = arith.constant 0 : i32
    %dma_wait3A_115 = tpu.memref_slice %arg5[%mul3A_73, %dma_wait3A_114] : memref<10000x128xf32, #tpu.memory_space<hbm>> -> memref<624x128xf32, #tpu.memory_space<hbm>>
    tpu.wait_dma2 semaphore(%arg15 : memref<!tpu.dma_semaphore, #tpu.memory_space<semaphore_mem>>) src(%dma_wait3A_115 : memref<624x128xf32, #tpu.memory_space<hbm>>) dst(%dma_wait3A_113 : memref<624x128xf32, #tpu.memory_space<vmem_shared>>)
    %barrier3A = arith.constant 0 : index
    tpu.barrier barrier_id(%barrier3A)
    %scan3A = arith.constant 0 : i32
    %scan3A_116 = arith.constant 26 : i32
    %scan3A_117 = arith.addi %scan3A, %scan3A_116 : i32
    %scan3A_118 = arith.constant 1 : i32
    scf.for %scan3A_145 = %scan3A to %scan3A_117 step %scan3A_118  : i32 {
      %mul3A_146 = arith.constant 3 : i32
      %mul3A_147 = arith.muli %scan3A_145, %mul3A_146 : i32
      %add3A_148 = arith.constant 0 : i32
      %add3A_149 = arith.addi %mul3A_147, %add3A_148 : i32
      %gt3A = arith.constant 0 : i32
      %gt3A_150 = arith.cmpi sgt, %scan3A_145, %gt3A : i32
      %convert_element_type3A_151 = arith.extui %gt3A_150 : i1 to i32
      %cond3A_152 = arith.constant 0 : i32
      %cond3A_153 = arith.cmpi ne, %convert_element_type3A_151, %cond3A_152 : i32
      scf.if %cond3A_153 {
        %dma_wait3A_375 = arith.constant 2 : i32
        %dma_wait3A_376 = arith.constant 2 : i32
        %dma_wait3A_377 = arith.constant 2 : i32
        %dma_wait3A_378 = arith.constant 0 : i32
        %dma_wait3A_379 = arith.constant 0 : i32
        %dma_wait3A_380 = tpu.memref_slice %arg9[%dma_wait3A_375, %dma_wait3A_378, %dma_wait3A_379] : memref<3x128x128xf32, #tpu.memory_space<vmem>> -> memref<1x128x128xf32, #tpu.memory_space<vmem>>
        %dma_wait3A_381 = tpu.memref_squeeze %dma_wait3A_380 : memref<1x128x128xf32, #tpu.memory_space<vmem>> -> memref<128x128xf32, #tpu.memory_space<vmem>>
        %dma_wait3A_382 = arith.constant 0 : i32
        %dma_wait3A_383 = tpu.memref_slice %arg8[%dma_wait3A_376, %dma_wait3A_382] : memref<3x128xi32, #tpu.memory_space<vmem>> -> memref<1x128xi32, #tpu.memory_space<vmem>>
        %dma_wait3A_384 = tpu.memref_squeeze %dma_wait3A_383 : memref<1x128xi32, #tpu.memory_space<vmem>> -> memref<128xi32, #tpu.memory_space<vmem>>
        %dma_wait3A_385 = arith.constant 0 : i32
        %dma_wait3A_386 = arith.constant 0 : i32
        %dma_wait3A_387 = tpu.memref_slice %arg10[%dma_wait3A_385, %dma_wait3A_386] : memref<10000x128xf32, #tpu.memory_space<vmem_shared>> -> memref<10000x128xf32, #tpu.memory_space<vmem_shared>>
        %dma_wait3A_388 = tpu.memref_slice %arg12[%dma_wait3A_377] : memref<3x!tpu.dma_semaphore, #tpu.memory_space<semaphore_mem>> -> memref<1x!tpu.dma_semaphore, #tpu.memory_space<semaphore_mem>>
        %dma_wait3A_389 = tpu.memref_squeeze %dma_wait3A_388 : memref<1x!tpu.dma_semaphore, #tpu.memory_space<semaphore_mem>> -> memref<!tpu.dma_semaphore, #tpu.memory_space<semaphore_mem>>
        tpu.wait_indirect_dma semaphore(%dma_wait3A_389 : memref<!tpu.dma_semaphore, #tpu.memory_space<semaphore_mem>>) src(%dma_wait3A_381 : memref<128x128xf32, #tpu.memory_space<vmem>>) dst(%dma_wait3A_387 : memref<10000x128xf32, #tpu.memory_space<vmem_shared>>)
      } else {
      }
      %add3A_154 = arith.constant 2 : i32
      %add3A_155 = arith.addi %add3A_149, %add3A_154 : i32
      %lt3A_156 = arith.constant 78 : i32
      %lt3A_157 = arith.cmpi slt, %add3A_155, %lt3A_156 : i32
      %convert_element_type3A_158 = arith.extui %lt3A_157 : i1 to i32
      %cond3A_159 = arith.constant 0 : i32
      %cond3A_160 = arith.cmpi ne, %convert_element_type3A_158, %cond3A_159 : i32
      scf.if %cond3A_160 {
        %add3A_375 = arith.constant 2 : i32
        %add3A_376 = arith.addi %add3A_149, %add3A_375 : i32
        %mul3A_377 = arith.constant 78 : i32
        %mul3A_378 = arith.muli %add3A, %mul3A_377 : i32
        %add3A_379 = arith.addi %mul3A_378, %add3A_376 : i32
        %mul3A_380 = arith.constant 128 : i32
        %mul3A_381 = arith.muli %add3A_379, %mul3A_380 : i32
        %dma_start3A_382 = arith.constant 2 : i32
        %dma_start3A_383 = arith.constant 2 : i32
        %dma_start3A_384 = arith.constant 0 : i32
        %dma_start3A_385 = tpu.memref_slice %arg7[%dma_start3A_382, %dma_start3A_384] : memref<3x128xi32, #tpu.memory_space<vmem>> -> memref<1x128xi32, #tpu.memory_space<vmem>>
        %dma_start3A_386 = tpu.memref_squeeze %dma_start3A_385 : memref<1x128xi32, #tpu.memory_space<vmem>> -> memref<128xi32, #tpu.memory_space<vmem>>
        %dma_start3A_387 = tpu.memref_slice %arg3[%mul3A_381] : memref<320000xi32, #tpu.memory_space<hbm>> -> memref<128xi32, #tpu.memory_space<hbm>>
        %dma_start3A_388 = tpu.memref_slice %arg13[%dma_start3A_383] : memref<3x!tpu.dma_semaphore, #tpu.memory_space<semaphore_mem>> -> memref<1x!tpu.dma_semaphore, #tpu.memory_space<semaphore_mem>>
        %dma_start3A_389 = tpu.memref_squeeze %dma_start3A_388 : memref<1x!tpu.dma_semaphore, #tpu.memory_space<semaphore_mem>> -> memref<!tpu.dma_semaphore, #tpu.memory_space<semaphore_mem>>
        %dma_start3A_390 = arith.constant 0 : i32
        %dma_start3A_391 = tpu.memref_slice %arg7[%dma_start3A_382, %dma_start3A_390] : memref<3x128xi32, #tpu.memory_space<vmem>> -> memref<1x128xi32, #tpu.memory_space<vmem>>
        %dma_start3A_392 = tpu.memref_squeeze %dma_start3A_391 : memref<1x128xi32, #tpu.memory_space<vmem>> -> memref<128xi32, #tpu.memory_space<vmem>>
        %dma_start3A_393 = tpu.memref_slice %arg3[%mul3A_381] : memref<320000xi32, #tpu.memory_space<hbm>> -> memref<128xi32, #tpu.memory_space<hbm>>
        tpu.enqueue_dma source(%dma_start3A_393 : memref<128xi32, #tpu.memory_space<hbm>>) target(%dma_start3A_392 : memref<128xi32, #tpu.memory_space<vmem>>) target_semaphore(%dma_start3A_389 : memref<!tpu.dma_semaphore, #tpu.memory_space<semaphore_mem>>)
        %add3A_394 = arith.constant 2 : i32
        %add3A_395 = arith.addi %add3A_149, %add3A_394 : i32
        %mul3A_396 = arith.constant 78 : i32
        %mul3A_397 = arith.muli %add3A, %mul3A_396 : i32
        %add3A_398 = arith.addi %mul3A_397, %add3A_395 : i32
        %mul3A_399 = arith.constant 128 : i32
        %mul3A_400 = arith.muli %add3A_398, %mul3A_399 : i32
        %dma_start3A_401 = arith.constant 2 : i32
        %dma_start3A_402 = arith.constant 2 : i32
        %dma_start3A_403 = arith.constant 0 : i32
        %dma_start3A_404 = tpu.memref_slice %arg8[%dma_start3A_401, %dma_start3A_403] : memref<3x128xi32, #tpu.memory_space<vmem>> -> memref<1x128xi32, #tpu.memory_space<vmem>>
        %dma_start3A_405 = tpu.memref_squeeze %dma_start3A_404 : memref<1x128xi32, #tpu.memory_space<vmem>> -> memref<128xi32, #tpu.memory_space<vmem>>
        %dma_start3A_406 = tpu.memref_slice %arg4[%mul3A_400] : memref<320000xi32, #tpu.memory_space<hbm>> -> memref<128xi32, #tpu.memory_space<hbm>>
        %dma_start3A_407 = tpu.memref_slice %arg14[%dma_start3A_402] : memref<3x!tpu.dma_semaphore, #tpu.memory_space<semaphore_mem>> -> memref<1x!tpu.dma_semaphore, #tpu.memory_space<semaphore_mem>>
        %dma_start3A_408 = tpu.memref_squeeze %dma_start3A_407 : memref<1x!tpu.dma_semaphore, #tpu.memory_space<semaphore_mem>> -> memref<!tpu.dma_semaphore, #tpu.memory_space<semaphore_mem>>
        %dma_start3A_409 = arith.constant 0 : i32
        %dma_start3A_410 = tpu.memref_slice %arg8[%dma_start3A_401, %dma_start3A_409] : memref<3x128xi32, #tpu.memory_space<vmem>> -> memref<1x128xi32, #tpu.memory_space<vmem>>
        %dma_start3A_411 = tpu.memref_squeeze %dma_start3A_410 : memref<1x128xi32, #tpu.memory_space<vmem>> -> memref<128xi32, #tpu.memory_space<vmem>>
        %dma_start3A_412 = tpu.memref_slice %arg4[%mul3A_400] : memref<320000xi32, #tpu.memory_space<hbm>> -> memref<128xi32, #tpu.memory_space<hbm>>
        tpu.enqueue_dma source(%dma_start3A_412 : memref<128xi32, #tpu.memory_space<hbm>>) target(%dma_start3A_411 : memref<128xi32, #tpu.memory_space<vmem>>) target_semaphore(%dma_start3A_408 : memref<!tpu.dma_semaphore, #tpu.memory_space<semaphore_mem>>)
      } else {
      }
      %add3A_161 = arith.constant 1 : i32
      %add3A_162 = arith.addi %add3A_149, %add3A_161 : i32
      %lt3A_163 = arith.constant 78 : i32
      %lt3A_164 = arith.cmpi slt, %add3A_162, %lt3A_163 : i32
      %convert_element_type3A_165 = arith.extui %lt3A_164 : i1 to i32
      %cond3A_166 = arith.constant 0 : i32
      %cond3A_167 = arith.cmpi ne, %convert_element_type3A_165, %cond3A_166 : i32
      scf.if %cond3A_167 {
        %add3A_375 = arith.constant 1 : i32
        %add3A_376 = arith.addi %add3A_149, %add3A_375 : i32
        %mul3A_377 = arith.constant 78 : i32
        %mul3A_378 = arith.muli %add3A, %mul3A_377 : i32
        %add3A_379 = arith.addi %mul3A_378, %add3A_376 : i32
        %mul3A_380 = arith.constant 128 : i32
        %mul3A_381 = arith.muli %add3A_379, %mul3A_380 : i32
        %dma_wait3A_382 = arith.constant 1 : i32
        %dma_wait3A_383 = arith.constant 1 : i32
        %dma_wait3A_384 = arith.constant 0 : i32
        %dma_wait3A_385 = tpu.memref_slice %arg7[%dma_wait3A_382, %dma_wait3A_384] : memref<3x128xi32, #tpu.memory_space<vmem>> -> memref<1x128xi32, #tpu.memory_space<vmem>>
        %dma_wait3A_386 = tpu.memref_squeeze %dma_wait3A_385 : memref<1x128xi32, #tpu.memory_space<vmem>> -> memref<128xi32, #tpu.memory_space<vmem>>
        %dma_wait3A_387 = tpu.memref_slice %arg3[%mul3A_381] : memref<320000xi32, #tpu.memory_space<hbm>> -> memref<128xi32, #tpu.memory_space<hbm>>
        %dma_wait3A_388 = tpu.memref_slice %arg13[%dma_wait3A_383] : memref<3x!tpu.dma_semaphore, #tpu.memory_space<semaphore_mem>> -> memref<1x!tpu.dma_semaphore, #tpu.memory_space<semaphore_mem>>
        %dma_wait3A_389 = tpu.memref_squeeze %dma_wait3A_388 : memref<1x!tpu.dma_semaphore, #tpu.memory_space<semaphore_mem>> -> memref<!tpu.dma_semaphore, #tpu.memory_space<semaphore_mem>>
        %dma_wait3A_390 = arith.constant 0 : i32
        %dma_wait3A_391 = tpu.memref_slice %arg7[%dma_wait3A_382, %dma_wait3A_390] : memref<3x128xi32, #tpu.memory_space<vmem>> -> memref<1x128xi32, #tpu.memory_space<vmem>>
        %dma_wait3A_392 = tpu.memref_squeeze %dma_wait3A_391 : memref<1x128xi32, #tpu.memory_space<vmem>> -> memref<128xi32, #tpu.memory_space<vmem>>
        %dma_wait3A_393 = tpu.memref_slice %arg3[%mul3A_381] : memref<320000xi32, #tpu.memory_space<hbm>> -> memref<128xi32, #tpu.memory_space<hbm>>
        tpu.wait_dma2 semaphore(%dma_wait3A_389 : memref<!tpu.dma_semaphore, #tpu.memory_space<semaphore_mem>>) src(%dma_wait3A_393 : memref<128xi32, #tpu.memory_space<hbm>>) dst(%dma_wait3A_392 : memref<128xi32, #tpu.memory_space<vmem>>)
        %dma_start3A_394 = arith.constant 1 : i32
        %dma_start3A_395 = arith.constant 1 : i32
        %dma_start3A_396 = arith.constant 1 : i32
        %dma_start3A_397 = arith.constant 0 : i32
        %dma_start3A_398 = arith.constant 0 : i32
        %dma_start3A_399 = tpu.memref_slice %arg9[%dma_start3A_395, %dma_start3A_397, %dma_start3A_398] : memref<3x128x128xf32, #tpu.memory_space<vmem>> -> memref<1x128x128xf32, #tpu.memory_space<vmem>>
        %dma_start3A_400 = tpu.memref_squeeze %dma_start3A_399 : memref<1x128x128xf32, #tpu.memory_space<vmem>> -> memref<128x128xf32, #tpu.memory_space<vmem>>
        %dma_start3A_401 = arith.constant 0 : i32
        %dma_start3A_402 = tpu.memref_slice %arg7[%dma_start3A_394, %dma_start3A_401] : memref<3x128xi32, #tpu.memory_space<vmem>> -> memref<1x128xi32, #tpu.memory_space<vmem>>
        %dma_start3A_403 = tpu.memref_squeeze %dma_start3A_402 : memref<1x128xi32, #tpu.memory_space<vmem>> -> memref<128xi32, #tpu.memory_space<vmem>>
        %dma_start3A_404 = arith.constant 0 : i32
        %dma_start3A_405 = arith.constant 0 : i32
        %dma_start3A_406 = tpu.memref_slice %arg2[%dma_start3A_404, %dma_start3A_405] : memref<10000x128xf32, #tpu.memory_space<hbm>> -> memref<10000x128xf32, #tpu.memory_space<hbm>>
        %dma_start3A_407 = tpu.memref_slice %arg11[%dma_start3A_396] : memref<3x!tpu.dma_semaphore, #tpu.memory_space<semaphore_mem>> -> memref<1x!tpu.dma_semaphore, #tpu.memory_space<semaphore_mem>>
        %dma_start3A_408 = tpu.memref_squeeze %dma_start3A_407 : memref<1x!tpu.dma_semaphore, #tpu.memory_space<semaphore_mem>> -> memref<!tpu.dma_semaphore, #tpu.memory_space<semaphore_mem>>
        tpu.enqueue_indirect_dma source(%dma_start3A_406 : memref<10000x128xf32, #tpu.memory_space<hbm>>) target(%dma_start3A_400 : memref<128x128xf32, #tpu.memory_space<vmem>>) offsets(%dma_start3A_403 : memref<128xi32, #tpu.memory_space<vmem>>) semaphore(%dma_start3A_408 : memref<!tpu.dma_semaphore, #tpu.memory_space<semaphore_mem>>)
      } else {
      }
      %dma_wait3A_168 = arith.constant 0 : i32
      %dma_wait3A_169 = arith.constant 0 : i32
      %dma_wait3A_170 = arith.constant 0 : i32
      %dma_wait3A_171 = arith.constant 0 : i32
      %dma_wait3A_172 = arith.constant 0 : i32
      %dma_wait3A_173 = tpu.memref_slice %arg9[%dma_wait3A_169, %dma_wait3A_171, %dma_wait3A_172] : memref<3x128x128xf32, #tpu.memory_space<vmem>> -> memref<1x128x128xf32, #tpu.memory_space<vmem>>
      %dma_wait3A_174 = tpu.memref_squeeze %dma_wait3A_173 : memref<1x128x128xf32, #tpu.memory_space<vmem>> -> memref<128x128xf32, #tpu.memory_space<vmem>>
      %dma_wait3A_175 = arith.constant 0 : i32
      %dma_wait3A_176 = tpu.memref_slice %arg7[%dma_wait3A_168, %dma_wait3A_175] : memref<3x128xi32, #tpu.memory_space<vmem>> -> memref<1x128xi32, #tpu.memory_space<vmem>>
      %dma_wait3A_177 = tpu.memref_squeeze %dma_wait3A_176 : memref<1x128xi32, #tpu.memory_space<vmem>> -> memref<128xi32, #tpu.memory_space<vmem>>
      %dma_wait3A_178 = arith.constant 0 : i32
      %dma_wait3A_179 = arith.constant 0 : i32
      %dma_wait3A_180 = tpu.memref_slice %arg2[%dma_wait3A_178, %dma_wait3A_179] : memref<10000x128xf32, #tpu.memory_space<hbm>> -> memref<10000x128xf32, #tpu.memory_space<hbm>>
      %dma_wait3A_181 = tpu.memref_slice %arg11[%dma_wait3A_170] : memref<3x!tpu.dma_semaphore, #tpu.memory_space<semaphore_mem>> -> memref<1x!tpu.dma_semaphore, #tpu.memory_space<semaphore_mem>>
      %dma_wait3A_182 = tpu.memref_squeeze %dma_wait3A_181 : memref<1x!tpu.dma_semaphore, #tpu.memory_space<semaphore_mem>> -> memref<!tpu.dma_semaphore, #tpu.memory_space<semaphore_mem>>
      tpu.wait_indirect_dma semaphore(%dma_wait3A_182 : memref<!tpu.dma_semaphore, #tpu.memory_space<semaphore_mem>>) src(%dma_wait3A_180 : memref<10000x128xf32, #tpu.memory_space<hbm>>) dst(%dma_wait3A_174 : memref<128x128xf32, #tpu.memory_space<vmem>>)
      %mul3A_183 = arith.constant 78 : i32
      %mul3A_184 = arith.muli %add3A, %mul3A_183 : i32
      %add3A_185 = arith.addi %mul3A_184, %add3A_149 : i32
      %mul3A_186 = arith.constant 128 : i32
      %mul3A_187 = arith.muli %add3A_185, %mul3A_186 : i32
      %dma_wait3A_188 = arith.constant 0 : i32
      %dma_wait3A_189 = arith.constant 0 : i32
      %dma_wait3A_190 = arith.constant 0 : i32
      %dma_wait3A_191 = tpu.memref_slice %arg8[%dma_wait3A_188, %dma_wait3A_190] : memref<3x128xi32, #tpu.memory_space<vmem>> -> memref<1x128xi32, #tpu.memory_space<vmem>>
      %dma_wait3A_192 = tpu.memref_squeeze %dma_wait3A_191 : memref<1x128xi32, #tpu.memory_space<vmem>> -> memref<128xi32, #tpu.memory_space<vmem>>
      %dma_wait3A_193 = tpu.memref_slice %arg4[%mul3A_187] : memref<320000xi32, #tpu.memory_space<hbm>> -> memref<128xi32, #tpu.memory_space<hbm>>
      %dma_wait3A_194 = tpu.memref_slice %arg14[%dma_wait3A_189] : memref<3x!tpu.dma_semaphore, #tpu.memory_space<semaphore_mem>> -> memref<1x!tpu.dma_semaphore, #tpu.memory_space<semaphore_mem>>
      %dma_wait3A_195 = tpu.memref_squeeze %dma_wait3A_194 : memref<1x!tpu.dma_semaphore, #tpu.memory_space<semaphore_mem>> -> memref<!tpu.dma_semaphore, #tpu.memory_space<semaphore_mem>>
      %dma_wait3A_196 = arith.constant 0 : i32
      %dma_wait3A_197 = tpu.memref_slice %arg8[%dma_wait3A_188, %dma_wait3A_196] : memref<3x128xi32, #tpu.memory_space<vmem>> -> memref<1x128xi32, #tpu.memory_space<vmem>>
      %dma_wait3A_198 = tpu.memref_squeeze %dma_wait3A_197 : memref<1x128xi32, #tpu.memory_space<vmem>> -> memref<128xi32, #tpu.memory_space<vmem>>
      %dma_wait3A_199 = tpu.memref_slice %arg4[%mul3A_187] : memref<320000xi32, #tpu.memory_space<hbm>> -> memref<128xi32, #tpu.memory_space<hbm>>
      tpu.wait_dma2 semaphore(%dma_wait3A_195 : memref<!tpu.dma_semaphore, #tpu.memory_space<semaphore_mem>>) src(%dma_wait3A_199 : memref<128xi32, #tpu.memory_space<hbm>>) dst(%dma_wait3A_198 : memref<128xi32, #tpu.memory_space<vmem>>)
      %dma_start3A_200 = arith.constant 0 : i32
      %dma_start3A_201 = arith.constant 0 : i32
      %dma_start3A_202 = arith.constant 0 : i32
      %dma_start3A_203 = arith.constant 0 : i32
      %dma_start3A_204 = arith.constant 0 : i32
      %dma_start3A_205 = tpu.memref_slice %arg9[%dma_start3A_200, %dma_start3A_203, %dma_start3A_204] : memref<3x128x128xf32, #tpu.memory_space<vmem>> -> memref<1x128x128xf32, #tpu.memory_space<vmem>>
      %dma_start3A_206 = tpu.memref_squeeze %dma_start3A_205 : memref<1x128x128xf32, #tpu.memory_space<vmem>> -> memref<128x128xf32, #tpu.memory_space<vmem>>
      %dma_start3A_207 = arith.constant 0 : i32
      %dma_start3A_208 = tpu.memref_slice %arg8[%dma_start3A_201, %dma_start3A_207] : memref<3x128xi32, #tpu.memory_space<vmem>> -> memref<1x128xi32, #tpu.memory_space<vmem>>
      %dma_start3A_209 = tpu.memref_squeeze %dma_start3A_208 : memref<1x128xi32, #tpu.memory_space<vmem>> -> memref<128xi32, #tpu.memory_space<vmem>>
      %dma_start3A_210 = arith.constant 0 : i32
      %dma_start3A_211 = arith.constant 0 : i32
      %dma_start3A_212 = tpu.memref_slice %arg10[%dma_start3A_210, %dma_start3A_211] : memref<10000x128xf32, #tpu.memory_space<vmem_shared>> -> memref<10000x128xf32, #tpu.memory_space<vmem_shared>>
      %dma_start3A_213 = tpu.memref_slice %arg12[%dma_start3A_202] : memref<3x!tpu.dma_semaphore, #tpu.memory_space<semaphore_mem>> -> memref<1x!tpu.dma_semaphore, #tpu.memory_space<semaphore_mem>>
      %dma_start3A_214 = tpu.memref_squeeze %dma_start3A_213 : memref<1x!tpu.dma_semaphore, #tpu.memory_space<semaphore_mem>> -> memref<!tpu.dma_semaphore, #tpu.memory_space<semaphore_mem>>
      tpu.enqueue_indirect_dma source(%dma_start3A_206 : memref<128x128xf32, #tpu.memory_space<vmem>>) target(%dma_start3A_212 : memref<10000x128xf32, #tpu.memory_space<vmem_shared>>) offsets(%dma_start3A_209 : memref<128xi32, #tpu.memory_space<vmem>>) semaphore(%dma_start3A_214 : memref<!tpu.dma_semaphore, #tpu.memory_space<semaphore_mem>>) {add = true}
      %mul3A_215 = arith.constant 3 : i32
      %mul3A_216 = arith.muli %scan3A_145, %mul3A_215 : i32
      %add3A_217 = arith.constant 1 : i32
      %add3A_218 = arith.addi %mul3A_216, %add3A_217 : i32
      %dma_wait3A_219 = arith.constant 0 : i32
      %dma_wait3A_220 = arith.constant 0 : i32
      %dma_wait3A_221 = arith.constant 0 : i32
      %dma_wait3A_222 = arith.constant 0 : i32
      %dma_wait3A_223 = arith.constant 0 : i32
      %dma_wait3A_224 = tpu.memref_slice %arg9[%dma_wait3A_219, %dma_wait3A_222, %dma_wait3A_223] : memref<3x128x128xf32, #tpu.memory_space<vmem>> -> memref<1x128x128xf32, #tpu.memory_space<vmem>>
      %dma_wait3A_225 = tpu.memref_squeeze %dma_wait3A_224 : memref<1x128x128xf32, #tpu.memory_space<vmem>> -> memref<128x128xf32, #tpu.memory_space<vmem>>
      %dma_wait3A_226 = arith.constant 0 : i32
      %dma_wait3A_227 = tpu.memref_slice %arg8[%dma_wait3A_220, %dma_wait3A_226] : memref<3x128xi32, #tpu.memory_space<vmem>> -> memref<1x128xi32, #tpu.memory_space<vmem>>
      %dma_wait3A_228 = tpu.memref_squeeze %dma_wait3A_227 : memref<1x128xi32, #tpu.memory_space<vmem>> -> memref<128xi32, #tpu.memory_space<vmem>>
      %dma_wait3A_229 = arith.constant 0 : i32
      %dma_wait3A_230 = arith.constant 0 : i32
      %dma_wait3A_231 = tpu.memref_slice %arg10[%dma_wait3A_229, %dma_wait3A_230] : memref<10000x128xf32, #tpu.memory_space<vmem_shared>> -> memref<10000x128xf32, #tpu.memory_space<vmem_shared>>
      %dma_wait3A_232 = tpu.memref_slice %arg12[%dma_wait3A_221] : memref<3x!tpu.dma_semaphore, #tpu.memory_space<semaphore_mem>> -> memref<1x!tpu.dma_semaphore, #tpu.memory_space<semaphore_mem>>
      %dma_wait3A_233 = tpu.memref_squeeze %dma_wait3A_232 : memref<1x!tpu.dma_semaphore, #tpu.memory_space<semaphore_mem>> -> memref<!tpu.dma_semaphore, #tpu.memory_space<semaphore_mem>>
      tpu.wait_indirect_dma semaphore(%dma_wait3A_233 : memref<!tpu.dma_semaphore, #tpu.memory_space<semaphore_mem>>) src(%dma_wait3A_225 : memref<128x128xf32, #tpu.memory_space<vmem>>) dst(%dma_wait3A_231 : memref<10000x128xf32, #tpu.memory_space<vmem_shared>>)
      %add3A_234 = arith.constant 2 : i32
      %add3A_235 = arith.addi %add3A_218, %add3A_234 : i32
      %lt3A_236 = arith.constant 78 : i32
      %lt3A_237 = arith.cmpi slt, %add3A_235, %lt3A_236 : i32
      %convert_element_type3A_238 = arith.extui %lt3A_237 : i1 to i32
      %cond3A_239 = arith.constant 0 : i32
      %cond3A_240 = arith.cmpi ne, %convert_element_type3A_238, %cond3A_239 : i32
      scf.if %cond3A_240 {
        %add3A_375 = arith.constant 2 : i32
        %add3A_376 = arith.addi %add3A_218, %add3A_375 : i32
        %mul3A_377 = arith.constant 78 : i32
        %mul3A_378 = arith.muli %add3A, %mul3A_377 : i32
        %add3A_379 = arith.addi %mul3A_378, %add3A_376 : i32
        %mul3A_380 = arith.constant 128 : i32
        %mul3A_381 = arith.muli %add3A_379, %mul3A_380 : i32
        %dma_start3A_382 = arith.constant 0 : i32
        %dma_start3A_383 = arith.constant 0 : i32
        %dma_start3A_384 = arith.constant 0 : i32
        %dma_start3A_385 = tpu.memref_slice %arg7[%dma_start3A_382, %dma_start3A_384] : memref<3x128xi32, #tpu.memory_space<vmem>> -> memref<1x128xi32, #tpu.memory_space<vmem>>
        %dma_start3A_386 = tpu.memref_squeeze %dma_start3A_385 : memref<1x128xi32, #tpu.memory_space<vmem>> -> memref<128xi32, #tpu.memory_space<vmem>>
        %dma_start3A_387 = tpu.memref_slice %arg3[%mul3A_381] : memref<320000xi32, #tpu.memory_space<hbm>> -> memref<128xi32, #tpu.memory_space<hbm>>
        %dma_start3A_388 = tpu.memref_slice %arg13[%dma_start3A_383] : memref<3x!tpu.dma_semaphore, #tpu.memory_space<semaphore_mem>> -> memref<1x!tpu.dma_semaphore, #tpu.memory_space<semaphore_mem>>
        %dma_start3A_389 = tpu.memref_squeeze %dma_start3A_388 : memref<1x!tpu.dma_semaphore, #tpu.memory_space<semaphore_mem>> -> memref<!tpu.dma_semaphore, #tpu.memory_space<semaphore_mem>>
        %dma_start3A_390 = arith.constant 0 : i32
        %dma_start3A_391 = tpu.memref_slice %arg7[%dma_start3A_382, %dma_start3A_390] : memref<3x128xi32, #tpu.memory_space<vmem>> -> memref<1x128xi32, #tpu.memory_space<vmem>>
        %dma_start3A_392 = tpu.memref_squeeze %dma_start3A_391 : memref<1x128xi32, #tpu.memory_space<vmem>> -> memref<128xi32, #tpu.memory_space<vmem>>
        %dma_start3A_393 = tpu.memref_slice %arg3[%mul3A_381] : memref<320000xi32, #tpu.memory_space<hbm>> -> memref<128xi32, #tpu.memory_space<hbm>>
        tpu.enqueue_dma source(%dma_start3A_393 : memref<128xi32, #tpu.memory_space<hbm>>) target(%dma_start3A_392 : memref<128xi32, #tpu.memory_space<vmem>>) target_semaphore(%dma_start3A_389 : memref<!tpu.dma_semaphore, #tpu.memory_space<semaphore_mem>>)
        %add3A_394 = arith.constant 2 : i32
        %add3A_395 = arith.addi %add3A_218, %add3A_394 : i32
        %mul3A_396 = arith.constant 78 : i32
        %mul3A_397 = arith.muli %add3A, %mul3A_396 : i32
        %add3A_398 = arith.addi %mul3A_397, %add3A_395 : i32
        %mul3A_399 = arith.constant 128 : i32
        %mul3A_400 = arith.muli %add3A_398, %mul3A_399 : i32
        %dma_start3A_401 = arith.constant 0 : i32
        %dma_start3A_402 = arith.constant 0 : i32
        %dma_start3A_403 = arith.constant 0 : i32
        %dma_start3A_404 = tpu.memref_slice %arg8[%dma_start3A_401, %dma_start3A_403] : memref<3x128xi32, #tpu.memory_space<vmem>> -> memref<1x128xi32, #tpu.memory_space<vmem>>
        %dma_start3A_405 = tpu.memref_squeeze %dma_start3A_404 : memref<1x128xi32, #tpu.memory_space<vmem>> -> memref<128xi32, #tpu.memory_space<vmem>>
        %dma_start3A_406 = tpu.memref_slice %arg4[%mul3A_400] : memref<320000xi32, #tpu.memory_space<hbm>> -> memref<128xi32, #tpu.memory_space<hbm>>
        %dma_start3A_407 = tpu.memref_slice %arg14[%dma_start3A_402] : memref<3x!tpu.dma_semaphore, #tpu.memory_space<semaphore_mem>> -> memref<1x!tpu.dma_semaphore, #tpu.memory_space<semaphore_mem>>
        %dma_start3A_408 = tpu.memref_squeeze %dma_start3A_407 : memref<1x!tpu.dma_semaphore, #tpu.memory_space<semaphore_mem>> -> memref<!tpu.dma_semaphore, #tpu.memory_space<semaphore_mem>>
        %dma_start3A_409 = arith.constant 0 : i32
        %dma_start3A_410 = tpu.memref_slice %arg8[%dma_start3A_401, %dma_start3A_409] : memref<3x128xi32, #tpu.memory_space<vmem>> -> memref<1x128xi32, #tpu.memory_space<vmem>>
        %dma_start3A_411 = tpu.memref_squeeze %dma_start3A_410 : memref<1x128xi32, #tpu.memory_space<vmem>> -> memref<128xi32, #tpu.memory_space<vmem>>
        %dma_start3A_412 = tpu.memref_slice %arg4[%mul3A_400] : memref<320000xi32, #tpu.memory_space<hbm>> -> memref<128xi32, #tpu.memory_space<hbm>>
        tpu.enqueue_dma source(%dma_start3A_412 : memref<128xi32, #tpu.memory_space<hbm>>) target(%dma_start3A_411 : memref<128xi32, #tpu.memory_space<vmem>>) target_semaphore(%dma_start3A_408 : memref<!tpu.dma_semaphore, #tpu.memory_space<semaphore_mem>>)
      } else {
      }
      %add3A_241 = arith.constant 1 : i32
      %add3A_242 = arith.addi %add3A_218, %add3A_241 : i32
      %lt3A_243 = arith.constant 78 : i32
      %lt3A_244 = arith.cmpi slt, %add3A_242, %lt3A_243 : i32
      %convert_element_type3A_245 = arith.extui %lt3A_244 : i1 to i32
      %cond3A_246 = arith.constant 0 : i32
      %cond3A_247 = arith.cmpi ne, %convert_element_type3A_245, %cond3A_246 : i32
      scf.if %cond3A_247 {
        %add3A_375 = arith.constant 1 : i32
        %add3A_376 = arith.addi %add3A_218, %add3A_375 : i32
        %mul3A_377 = arith.constant 78 : i32
        %mul3A_378 = arith.muli %add3A, %mul3A_377 : i32
        %add3A_379 = arith.addi %mul3A_378, %add3A_376 : i32
        %mul3A_380 = arith.constant 128 : i32
        %mul3A_381 = arith.muli %add3A_379, %mul3A_380 : i32
        %dma_wait3A_382 = arith.constant 2 : i32
        %dma_wait3A_383 = arith.constant 2 : i32
        %dma_wait3A_384 = arith.constant 0 : i32
        %dma_wait3A_385 = tpu.memref_slice %arg7[%dma_wait3A_382, %dma_wait3A_384] : memref<3x128xi32, #tpu.memory_space<vmem>> -> memref<1x128xi32, #tpu.memory_space<vmem>>
        %dma_wait3A_386 = tpu.memref_squeeze %dma_wait3A_385 : memref<1x128xi32, #tpu.memory_space<vmem>> -> memref<128xi32, #tpu.memory_space<vmem>>
        %dma_wait3A_387 = tpu.memref_slice %arg3[%mul3A_381] : memref<320000xi32, #tpu.memory_space<hbm>> -> memref<128xi32, #tpu.memory_space<hbm>>
        %dma_wait3A_388 = tpu.memref_slice %arg13[%dma_wait3A_383] : memref<3x!tpu.dma_semaphore, #tpu.memory_space<semaphore_mem>> -> memref<1x!tpu.dma_semaphore, #tpu.memory_space<semaphore_mem>>
        %dma_wait3A_389 = tpu.memref_squeeze %dma_wait3A_388 : memref<1x!tpu.dma_semaphore, #tpu.memory_space<semaphore_mem>> -> memref<!tpu.dma_semaphore, #tpu.memory_space<semaphore_mem>>
        %dma_wait3A_390 = arith.constant 0 : i32
        %dma_wait3A_391 = tpu.memref_slice %arg7[%dma_wait3A_382, %dma_wait3A_390] : memref<3x128xi32, #tpu.memory_space<vmem>> -> memref<1x128xi32, #tpu.memory_space<vmem>>
        %dma_wait3A_392 = tpu.memref_squeeze %dma_wait3A_391 : memref<1x128xi32, #tpu.memory_space<vmem>> -> memref<128xi32, #tpu.memory_space<vmem>>
        %dma_wait3A_393 = tpu.memref_slice %arg3[%mul3A_381] : memref<320000xi32, #tpu.memory_space<hbm>> -> memref<128xi32, #tpu.memory_space<hbm>>
        tpu.wait_dma2 semaphore(%dma_wait3A_389 : memref<!tpu.dma_semaphore, #tpu.memory_space<semaphore_mem>>) src(%dma_wait3A_393 : memref<128xi32, #tpu.memory_space<hbm>>) dst(%dma_wait3A_392 : memref<128xi32, #tpu.memory_space<vmem>>)
        %dma_start3A_394 = arith.constant 2 : i32
        %dma_start3A_395 = arith.constant 2 : i32
        %dma_start3A_396 = arith.constant 2 : i32
        %dma_start3A_397 = arith.constant 0 : i32
        %dma_start3A_398 = arith.constant 0 : i32
        %dma_start3A_399 = tpu.memref_slice %arg9[%dma_start3A_395, %dma_start3A_397, %dma_start3A_398] : memref<3x128x128xf32, #tpu.memory_space<vmem>> -> memref<1x128x128xf32, #tpu.memory_space<vmem>>
        %dma_start3A_400 = tpu.memref_squeeze %dma_start3A_399 : memref<1x128x128xf32, #tpu.memory_space<vmem>> -> memref<128x128xf32, #tpu.memory_space<vmem>>
        %dma_start3A_401 = arith.constant 0 : i32
        %dma_start3A_402 = tpu.memref_slice %arg7[%dma_start3A_394, %dma_start3A_401] : memref<3x128xi32, #tpu.memory_space<vmem>> -> memref<1x128xi32, #tpu.memory_space<vmem>>
        %dma_start3A_403 = tpu.memref_squeeze %dma_start3A_402 : memref<1x128xi32, #tpu.memory_space<vmem>> -> memref<128xi32, #tpu.memory_space<vmem>>
        %dma_start3A_404 = arith.constant 0 : i32
        %dma_start3A_405 = arith.constant 0 : i32
        %dma_start3A_406 = tpu.memref_slice %arg2[%dma_start3A_404, %dma_start3A_405] : memref<10000x128xf32, #tpu.memory_space<hbm>> -> memref<10000x128xf32, #tpu.memory_space<hbm>>
        %dma_start3A_407 = tpu.memref_slice %arg11[%dma_start3A_396] : memref<3x!tpu.dma_semaphore, #tpu.memory_space<semaphore_mem>> -> memref<1x!tpu.dma_semaphore, #tpu.memory_space<semaphore_mem>>
        %dma_start3A_408 = tpu.memref_squeeze %dma_start3A_407 : memref<1x!tpu.dma_semaphore, #tpu.memory_space<semaphore_mem>> -> memref<!tpu.dma_semaphore, #tpu.memory_space<semaphore_mem>>
        tpu.enqueue_indirect_dma source(%dma_start3A_406 : memref<10000x128xf32, #tpu.memory_space<hbm>>) target(%dma_start3A_400 : memref<128x128xf32, #tpu.memory_space<vmem>>) offsets(%dma_start3A_403 : memref<128xi32, #tpu.memory_space<vmem>>) semaphore(%dma_start3A_408 : memref<!tpu.dma_semaphore, #tpu.memory_space<semaphore_mem>>)
      } else {
      }
      %dma_wait3A_248 = arith.constant 1 : i32
      %dma_wait3A_249 = arith.constant 1 : i32
      %dma_wait3A_250 = arith.constant 1 : i32
      %dma_wait3A_251 = arith.constant 0 : i32
      %dma_wait3A_252 = arith.constant 0 : i32
      %dma_wait3A_253 = tpu.memref_slice %arg9[%dma_wait3A_249, %dma_wait3A_251, %dma_wait3A_252] : memref<3x128x128xf32, #tpu.memory_space<vmem>> -> memref<1x128x128xf32, #tpu.memory_space<vmem>>
      %dma_wait3A_254 = tpu.memref_squeeze %dma_wait3A_253 : memref<1x128x128xf32, #tpu.memory_space<vmem>> -> memref<128x128xf32, #tpu.memory_space<vmem>>
      %dma_wait3A_255 = arith.constant 0 : i32
      %dma_wait3A_256 = tpu.memref_slice %arg7[%dma_wait3A_248, %dma_wait3A_255] : memref<3x128xi32, #tpu.memory_space<vmem>> -> memref<1x128xi32, #tpu.memory_space<vmem>>
      %dma_wait3A_257 = tpu.memref_squeeze %dma_wait3A_256 : memref<1x128xi32, #tpu.memory_space<vmem>> -> memref<128xi32, #tpu.memory_space<vmem>>
      %dma_wait3A_258 = arith.constant 0 : i32
      %dma_wait3A_259 = arith.constant 0 : i32
      %dma_wait3A_260 = tpu.memref_slice %arg2[%dma_wait3A_258, %dma_wait3A_259] : memref<10000x128xf32, #tpu.memory_space<hbm>> -> memref<10000x128xf32, #tpu.memory_space<hbm>>
      %dma_wait3A_261 = tpu.memref_slice %arg11[%dma_wait3A_250] : memref<3x!tpu.dma_semaphore, #tpu.memory_space<semaphore_mem>> -> memref<1x!tpu.dma_semaphore, #tpu.memory_space<semaphore_mem>>
      %dma_wait3A_262 = tpu.memref_squeeze %dma_wait3A_261 : memref<1x!tpu.dma_semaphore, #tpu.memory_space<semaphore_mem>> -> memref<!tpu.dma_semaphore, #tpu.memory_space<semaphore_mem>>
      tpu.wait_indirect_dma semaphore(%dma_wait3A_262 : memref<!tpu.dma_semaphore, #tpu.memory_space<semaphore_mem>>) src(%dma_wait3A_260 : memref<10000x128xf32, #tpu.memory_space<hbm>>) dst(%dma_wait3A_254 : memref<128x128xf32, #tpu.memory_space<vmem>>)
      %mul3A_263 = arith.constant 78 : i32
      %mul3A_264 = arith.muli %add3A, %mul3A_263 : i32
      %add3A_265 = arith.addi %mul3A_264, %add3A_218 : i32
      %mul3A_266 = arith.constant 128 : i32
      %mul3A_267 = arith.muli %add3A_265, %mul3A_266 : i32
      %dma_wait3A_268 = arith.constant 1 : i32
      %dma_wait3A_269 = arith.constant 1 : i32
      %dma_wait3A_270 = arith.constant 0 : i32
      %dma_wait3A_271 = tpu.memref_slice %arg8[%dma_wait3A_268, %dma_wait3A_270] : memref<3x128xi32, #tpu.memory_space<vmem>> -> memref<1x128xi32, #tpu.memory_space<vmem>>
      %dma_wait3A_272 = tpu.memref_squeeze %dma_wait3A_271 : memref<1x128xi32, #tpu.memory_space<vmem>> -> memref<128xi32, #tpu.memory_space<vmem>>
      %dma_wait3A_273 = tpu.memref_slice %arg4[%mul3A_267] : memref<320000xi32, #tpu.memory_space<hbm>> -> memref<128xi32, #tpu.memory_space<hbm>>
      %dma_wait3A_274 = tpu.memref_slice %arg14[%dma_wait3A_269] : memref<3x!tpu.dma_semaphore, #tpu.memory_space<semaphore_mem>> -> memref<1x!tpu.dma_semaphore, #tpu.memory_space<semaphore_mem>>
      %dma_wait3A_275 = tpu.memref_squeeze %dma_wait3A_274 : memref<1x!tpu.dma_semaphore, #tpu.memory_space<semaphore_mem>> -> memref<!tpu.dma_semaphore, #tpu.memory_space<semaphore_mem>>
      %dma_wait3A_276 = arith.constant 0 : i32
      %dma_wait3A_277 = tpu.memref_slice %arg8[%dma_wait3A_268, %dma_wait3A_276] : memref<3x128xi32, #tpu.memory_space<vmem>> -> memref<1x128xi32, #tpu.memory_space<vmem>>
      %dma_wait3A_278 = tpu.memref_squeeze %dma_wait3A_277 : memref<1x128xi32, #tpu.memory_space<vmem>> -> memref<128xi32, #tpu.memory_space<vmem>>
      %dma_wait3A_279 = tpu.memref_slice %arg4[%mul3A_267] : memref<320000xi32, #tpu.memory_space<hbm>> -> memref<128xi32, #tpu.memory_space<hbm>>
      tpu.wait_dma2 semaphore(%dma_wait3A_275 : memref<!tpu.dma_semaphore, #tpu.memory_space<semaphore_mem>>) src(%dma_wait3A_279 : memref<128xi32, #tpu.memory_space<hbm>>) dst(%dma_wait3A_278 : memref<128xi32, #tpu.memory_space<vmem>>)
      %dma_start3A_280 = arith.constant 1 : i32
      %dma_start3A_281 = arith.constant 1 : i32
      %dma_start3A_282 = arith.constant 1 : i32
      %dma_start3A_283 = arith.constant 0 : i32
      %dma_start3A_284 = arith.constant 0 : i32
      %dma_start3A_285 = tpu.memref_slice %arg9[%dma_start3A_280, %dma_start3A_283, %dma_start3A_284] : memref<3x128x128xf32, #tpu.memory_space<vmem>> -> memref<1x128x128xf32, #tpu.memory_space<vmem>>
      %dma_start3A_286 = tpu.memref_squeeze %dma_start3A_285 : memref<1x128x128xf32, #tpu.memory_space<vmem>> -> memref<128x128xf32, #tpu.memory_space<vmem>>
      %dma_start3A_287 = arith.constant 0 : i32
      %dma_start3A_288 = tpu.memref_slice %arg8[%dma_start3A_281, %dma_start3A_287] : memref<3x128xi32, #tpu.memory_space<vmem>> -> memref<1x128xi32, #tpu.memory_space<vmem>>
      %dma_start3A_289 = tpu.memref_squeeze %dma_start3A_288 : memref<1x128xi32, #tpu.memory_space<vmem>> -> memref<128xi32, #tpu.memory_space<vmem>>
      %dma_start3A_290 = arith.constant 0 : i32
      %dma_start3A_291 = arith.constant 0 : i32
      %dma_start3A_292 = tpu.memref_slice %arg10[%dma_start3A_290, %dma_start3A_291] : memref<10000x128xf32, #tpu.memory_space<vmem_shared>> -> memref<10000x128xf32, #tpu.memory_space<vmem_shared>>
      %dma_start3A_293 = tpu.memref_slice %arg12[%dma_start3A_282] : memref<3x!tpu.dma_semaphore, #tpu.memory_space<semaphore_mem>> -> memref<1x!tpu.dma_semaphore, #tpu.memory_space<semaphore_mem>>
      %dma_start3A_294 = tpu.memref_squeeze %dma_start3A_293 : memref<1x!tpu.dma_semaphore, #tpu.memory_space<semaphore_mem>> -> memref<!tpu.dma_semaphore, #tpu.memory_space<semaphore_mem>>
      tpu.enqueue_indirect_dma source(%dma_start3A_286 : memref<128x128xf32, #tpu.memory_space<vmem>>) target(%dma_start3A_292 : memref<10000x128xf32, #tpu.memory_space<vmem_shared>>) offsets(%dma_start3A_289 : memref<128xi32, #tpu.memory_space<vmem>>) semaphore(%dma_start3A_294 : memref<!tpu.dma_semaphore, #tpu.memory_space<semaphore_mem>>) {add = true}
      %mul3A_295 = arith.constant 3 : i32
      %mul3A_296 = arith.muli %scan3A_145, %mul3A_295 : i32
      %add3A_297 = arith.constant 2 : i32
      %add3A_298 = arith.addi %mul3A_296, %add3A_297 : i32
      %dma_wait3A_299 = arith.constant 1 : i32
      %dma_wait3A_300 = arith.constant 1 : i32
      %dma_wait3A_301 = arith.constant 1 : i32
      %dma_wait3A_302 = arith.constant 0 : i32
      %dma_wait3A_303 = arith.constant 0 : i32
      %dma_wait3A_304 = tpu.memref_slice %arg9[%dma_wait3A_299, %dma_wait3A_302, %dma_wait3A_303] : memref<3x128x128xf32, #tpu.memory_space<vmem>> -> memref<1x128x128xf32, #tpu.memory_space<vmem>>
      %dma_wait3A_305 = tpu.memref_squeeze %dma_wait3A_304 : memref<1x128x128xf32, #tpu.memory_space<vmem>> -> memref<128x128xf32, #tpu.memory_space<vmem>>
      %dma_wait3A_306 = arith.constant 0 : i32
      %dma_wait3A_307 = tpu.memref_slice %arg8[%dma_wait3A_300, %dma_wait3A_306] : memref<3x128xi32, #tpu.memory_space<vmem>> -> memref<1x128xi32, #tpu.memory_space<vmem>>
      %dma_wait3A_308 = tpu.memref_squeeze %dma_wait3A_307 : memref<1x128xi32, #tpu.memory_space<vmem>> -> memref<128xi32, #tpu.memory_space<vmem>>
      %dma_wait3A_309 = arith.constant 0 : i32
      %dma_wait3A_310 = arith.constant 0 : i32
      %dma_wait3A_311 = tpu.memref_slice %arg10[%dma_wait3A_309, %dma_wait3A_310] : memref<10000x128xf32, #tpu.memory_space<vmem_shared>> -> memref<10000x128xf32, #tpu.memory_space<vmem_shared>>
      %dma_wait3A_312 = tpu.memref_slice %arg12[%dma_wait3A_301] : memref<3x!tpu.dma_semaphore, #tpu.memory_space<semaphore_mem>> -> memref<1x!tpu.dma_semaphore, #tpu.memory_space<semaphore_mem>>
      %dma_wait3A_313 = tpu.memref_squeeze %dma_wait3A_312 : memref<1x!tpu.dma_semaphore, #tpu.memory_space<semaphore_mem>> -> memref<!tpu.dma_semaphore, #tpu.memory_space<semaphore_mem>>
      tpu.wait_indirect_dma semaphore(%dma_wait3A_313 : memref<!tpu.dma_semaphore, #tpu.memory_space<semaphore_mem>>) src(%dma_wait3A_305 : memref<128x128xf32, #tpu.memory_space<vmem>>) dst(%dma_wait3A_311 : memref<10000x128xf32, #tpu.memory_space<vmem_shared>>)
      %add3A_314 = arith.constant 2 : i32
      %add3A_315 = arith.addi %add3A_298, %add3A_314 : i32
      %lt3A_316 = arith.constant 78 : i32
      %lt3A_317 = arith.cmpi slt, %add3A_315, %lt3A_316 : i32
      %convert_element_type3A_318 = arith.extui %lt3A_317 : i1 to i32
      %cond3A_319 = arith.constant 0 : i32
      %cond3A_320 = arith.cmpi ne, %convert_element_type3A_318, %cond3A_319 : i32
      scf.if %cond3A_320 {
        %add3A_375 = arith.constant 2 : i32
        %add3A_376 = arith.addi %add3A_298, %add3A_375 : i32
        %mul3A_377 = arith.constant 78 : i32
        %mul3A_378 = arith.muli %add3A, %mul3A_377 : i32
        %add3A_379 = arith.addi %mul3A_378, %add3A_376 : i32
        %mul3A_380 = arith.constant 128 : i32
        %mul3A_381 = arith.muli %add3A_379, %mul3A_380 : i32
        %dma_start3A_382 = arith.constant 1 : i32
        %dma_start3A_383 = arith.constant 1 : i32
        %dma_start3A_384 = arith.constant 0 : i32
        %dma_start3A_385 = tpu.memref_slice %arg7[%dma_start3A_382, %dma_start3A_384] : memref<3x128xi32, #tpu.memory_space<vmem>> -> memref<1x128xi32, #tpu.memory_space<vmem>>
        %dma_start3A_386 = tpu.memref_squeeze %dma_start3A_385 : memref<1x128xi32, #tpu.memory_space<vmem>> -> memref<128xi32, #tpu.memory_space<vmem>>
        %dma_start3A_387 = tpu.memref_slice %arg3[%mul3A_381] : memref<320000xi32, #tpu.memory_space<hbm>> -> memref<128xi32, #tpu.memory_space<hbm>>
        %dma_start3A_388 = tpu.memref_slice %arg13[%dma_start3A_383] : memref<3x!tpu.dma_semaphore, #tpu.memory_space<semaphore_mem>> -> memref<1x!tpu.dma_semaphore, #tpu.memory_space<semaphore_mem>>
        %dma_start3A_389 = tpu.memref_squeeze %dma_start3A_388 : memref<1x!tpu.dma_semaphore, #tpu.memory_space<semaphore_mem>> -> memref<!tpu.dma_semaphore, #tpu.memory_space<semaphore_mem>>
        %dma_start3A_390 = arith.constant 0 : i32
        %dma_start3A_391 = tpu.memref_slice %arg7[%dma_start3A_382, %dma_start3A_390] : memref<3x128xi32, #tpu.memory_space<vmem>> -> memref<1x128xi32, #tpu.memory_space<vmem>>
        %dma_start3A_392 = tpu.memref_squeeze %dma_start3A_391 : memref<1x128xi32, #tpu.memory_space<vmem>> -> memref<128xi32, #tpu.memory_space<vmem>>
        %dma_start3A_393 = tpu.memref_slice %arg3[%mul3A_381] : memref<320000xi32, #tpu.memory_space<hbm>> -> memref<128xi32, #tpu.memory_space<hbm>>
        tpu.enqueue_dma source(%dma_start3A_393 : memref<128xi32, #tpu.memory_space<hbm>>) target(%dma_start3A_392 : memref<128xi32, #tpu.memory_space<vmem>>) target_semaphore(%dma_start3A_389 : memref<!tpu.dma_semaphore, #tpu.memory_space<semaphore_mem>>)
        %add3A_394 = arith.constant 2 : i32
        %add3A_395 = arith.addi %add3A_298, %add3A_394 : i32
        %mul3A_396 = arith.constant 78 : i32
        %mul3A_397 = arith.muli %add3A, %mul3A_396 : i32
        %add3A_398 = arith.addi %mul3A_397, %add3A_395 : i32
        %mul3A_399 = arith.constant 128 : i32
        %mul3A_400 = arith.muli %add3A_398, %mul3A_399 : i32
        %dma_start3A_401 = arith.constant 1 : i32
        %dma_start3A_402 = arith.constant 1 : i32
        %dma_start3A_403 = arith.constant 0 : i32
        %dma_start3A_404 = tpu.memref_slice %arg8[%dma_start3A_401, %dma_start3A_403] : memref<3x128xi32, #tpu.memory_space<vmem>> -> memref<1x128xi32, #tpu.memory_space<vmem>>
        %dma_start3A_405 = tpu.memref_squeeze %dma_start3A_404 : memref<1x128xi32, #tpu.memory_space<vmem>> -> memref<128xi32, #tpu.memory_space<vmem>>
        %dma_start3A_406 = tpu.memref_slice %arg4[%mul3A_400] : memref<320000xi32, #tpu.memory_space<hbm>> -> memref<128xi32, #tpu.memory_space<hbm>>
        %dma_start3A_407 = tpu.memref_slice %arg14[%dma_start3A_402] : memref<3x!tpu.dma_semaphore, #tpu.memory_space<semaphore_mem>> -> memref<1x!tpu.dma_semaphore, #tpu.memory_space<semaphore_mem>>
        %dma_start3A_408 = tpu.memref_squeeze %dma_start3A_407 : memref<1x!tpu.dma_semaphore, #tpu.memory_space<semaphore_mem>> -> memref<!tpu.dma_semaphore, #tpu.memory_space<semaphore_mem>>
        %dma_start3A_409 = arith.constant 0 : i32
        %dma_start3A_410 = tpu.memref_slice %arg8[%dma_start3A_401, %dma_start3A_409] : memref<3x128xi32, #tpu.memory_space<vmem>> -> memref<1x128xi32, #tpu.memory_space<vmem>>
        %dma_start3A_411 = tpu.memref_squeeze %dma_start3A_410 : memref<1x128xi32, #tpu.memory_space<vmem>> -> memref<128xi32, #tpu.memory_space<vmem>>
        %dma_start3A_412 = tpu.memref_slice %arg4[%mul3A_400] : memref<320000xi32, #tpu.memory_space<hbm>> -> memref<128xi32, #tpu.memory_space<hbm>>
        tpu.enqueue_dma source(%dma_start3A_412 : memref<128xi32, #tpu.memory_space<hbm>>) target(%dma_start3A_411 : memref<128xi32, #tpu.memory_space<vmem>>) target_semaphore(%dma_start3A_408 : memref<!tpu.dma_semaphore, #tpu.memory_space<semaphore_mem>>)
      } else {
      }
      %add3A_321 = arith.constant 1 : i32
      %add3A_322 = arith.addi %add3A_298, %add3A_321 : i32
      %lt3A_323 = arith.constant 78 : i32
      %lt3A_324 = arith.cmpi slt, %add3A_322, %lt3A_323 : i32
      %convert_element_type3A_325 = arith.extui %lt3A_324 : i1 to i32
      %cond3A_326 = arith.constant 0 : i32
      %cond3A_327 = arith.cmpi ne, %convert_element_type3A_325, %cond3A_326 : i32
      scf.if %cond3A_327 {
        %add3A_375 = arith.constant 1 : i32
        %add3A_376 = arith.addi %add3A_298, %add3A_375 : i32
        %mul3A_377 = arith.constant 78 : i32
        %mul3A_378 = arith.muli %add3A, %mul3A_377 : i32
        %add3A_379 = arith.addi %mul3A_378, %add3A_376 : i32
        %mul3A_380 = arith.constant 128 : i32
        %mul3A_381 = arith.muli %add3A_379, %mul3A_380 : i32
        %dma_wait3A_382 = arith.constant 0 : i32
        %dma_wait3A_383 = arith.constant 0 : i32
        %dma_wait3A_384 = arith.constant 0 : i32
        %dma_wait3A_385 = tpu.memref_slice %arg7[%dma_wait3A_382, %dma_wait3A_384] : memref<3x128xi32, #tpu.memory_space<vmem>> -> memref<1x128xi32, #tpu.memory_space<vmem>>
        %dma_wait3A_386 = tpu.memref_squeeze %dma_wait3A_385 : memref<1x128xi32, #tpu.memory_space<vmem>> -> memref<128xi32, #tpu.memory_space<vmem>>
        %dma_wait3A_387 = tpu.memref_slice %arg3[%mul3A_381] : memref<320000xi32, #tpu.memory_space<hbm>> -> memref<128xi32, #tpu.memory_space<hbm>>
        %dma_wait3A_388 = tpu.memref_slice %arg13[%dma_wait3A_383] : memref<3x!tpu.dma_semaphore, #tpu.memory_space<semaphore_mem>> -> memref<1x!tpu.dma_semaphore, #tpu.memory_space<semaphore_mem>>
        %dma_wait3A_389 = tpu.memref_squeeze %dma_wait3A_388 : memref<1x!tpu.dma_semaphore, #tpu.memory_space<semaphore_mem>> -> memref<!tpu.dma_semaphore, #tpu.memory_space<semaphore_mem>>
        %dma_wait3A_390 = arith.constant 0 : i32
        %dma_wait3A_391 = tpu.memref_slice %arg7[%dma_wait3A_382, %dma_wait3A_390] : memref<3x128xi32, #tpu.memory_space<vmem>> -> memref<1x128xi32, #tpu.memory_space<vmem>>
        %dma_wait3A_392 = tpu.memref_squeeze %dma_wait3A_391 : memref<1x128xi32, #tpu.memory_space<vmem>> -> memref<128xi32, #tpu.memory_space<vmem>>
        %dma_wait3A_393 = tpu.memref_slice %arg3[%mul3A_381] : memref<320000xi32, #tpu.memory_space<hbm>> -> memref<128xi32, #tpu.memory_space<hbm>>
        tpu.wait_dma2 semaphore(%dma_wait3A_389 : memref<!tpu.dma_semaphore, #tpu.memory_space<semaphore_mem>>) src(%dma_wait3A_393 : memref<128xi32, #tpu.memory_space<hbm>>) dst(%dma_wait3A_392 : memref<128xi32, #tpu.memory_space<vmem>>)
        %dma_start3A_394 = arith.constant 0 : i32
        %dma_start3A_395 = arith.constant 0 : i32
        %dma_start3A_396 = arith.constant 0 : i32
        %dma_start3A_397 = arith.constant 0 : i32
        %dma_start3A_398 = arith.constant 0 : i32
        %dma_start3A_399 = tpu.memref_slice %arg9[%dma_start3A_395, %dma_start3A_397, %dma_start3A_398] : memref<3x128x128xf32, #tpu.memory_space<vmem>> -> memref<1x128x128xf32, #tpu.memory_space<vmem>>
        %dma_start3A_400 = tpu.memref_squeeze %dma_start3A_399 : memref<1x128x128xf32, #tpu.memory_space<vmem>> -> memref<128x128xf32, #tpu.memory_space<vmem>>
        %dma_start3A_401 = arith.constant 0 : i32
        %dma_start3A_402 = tpu.memref_slice %arg7[%dma_start3A_394, %dma_start3A_401] : memref<3x128xi32, #tpu.memory_space<vmem>> -> memref<1x128xi32, #tpu.memory_space<vmem>>
        %dma_start3A_403 = tpu.memref_squeeze %dma_start3A_402 : memref<1x128xi32, #tpu.memory_space<vmem>> -> memref<128xi32, #tpu.memory_space<vmem>>
        %dma_start3A_404 = arith.constant 0 : i32
        %dma_start3A_405 = arith.constant 0 : i32
        %dma_start3A_406 = tpu.memref_slice %arg2[%dma_start3A_404, %dma_start3A_405] : memref<10000x128xf32, #tpu.memory_space<hbm>> -> memref<10000x128xf32, #tpu.memory_space<hbm>>
        %dma_start3A_407 = tpu.memref_slice %arg11[%dma_start3A_396] : memref<3x!tpu.dma_semaphore, #tpu.memory_space<semaphore_mem>> -> memref<1x!tpu.dma_semaphore, #tpu.memory_space<semaphore_mem>>
        %dma_start3A_408 = tpu.memref_squeeze %dma_start3A_407 : memref<1x!tpu.dma_semaphore, #tpu.memory_space<semaphore_mem>> -> memref<!tpu.dma_semaphore, #tpu.memory_space<semaphore_mem>>
        tpu.enqueue_indirect_dma source(%dma_start3A_406 : memref<10000x128xf32, #tpu.memory_space<hbm>>) target(%dma_start3A_400 : memref<128x128xf32, #tpu.memory_space<vmem>>) offsets(%dma_start3A_403 : memref<128xi32, #tpu.memory_space<vmem>>) semaphore(%dma_start3A_408 : memref<!tpu.dma_semaphore, #tpu.memory_space<semaphore_mem>>)
      } else {
      }
      %dma_wait3A_328 = arith.constant 2 : i32
      %dma_wait3A_329 = arith.constant 2 : i32
      %dma_wait3A_330 = arith.constant 2 : i32
      %dma_wait3A_331 = arith.constant 0 : i32
      %dma_wait3A_332 = arith.constant 0 : i32
      %dma_wait3A_333 = tpu.memref_slice %arg9[%dma_wait3A_329, %dma_wait3A_331, %dma_wait3A_332] : memref<3x128x128xf32, #tpu.memory_space<vmem>> -> memref<1x128x128xf32, #tpu.memory_space<vmem>>
      %dma_wait3A_334 = tpu.memref_squeeze %dma_wait3A_333 : memref<1x128x128xf32, #tpu.memory_space<vmem>> -> memref<128x128xf32, #tpu.memory_space<vmem>>
      %dma_wait3A_335 = arith.constant 0 : i32
      %dma_wait3A_336 = tpu.memref_slice %arg7[%dma_wait3A_328, %dma_wait3A_335] : memref<3x128xi32, #tpu.memory_space<vmem>> -> memref<1x128xi32, #tpu.memory_space<vmem>>
      %dma_wait3A_337 = tpu.memref_squeeze %dma_wait3A_336 : memref<1x128xi32, #tpu.memory_space<vmem>> -> memref<128xi32, #tpu.memory_space<vmem>>
      %dma_wait3A_338 = arith.constant 0 : i32
      %dma_wait3A_339 = arith.constant 0 : i32
      %dma_wait3A_340 = tpu.memref_slice %arg2[%dma_wait3A_338, %dma_wait3A_339] : memref<10000x128xf32, #tpu.memory_space<hbm>> -> memref<10000x128xf32, #tpu.memory_space<hbm>>
      %dma_wait3A_341 = tpu.memref_slice %arg11[%dma_wait3A_330] : memref<3x!tpu.dma_semaphore, #tpu.memory_space<semaphore_mem>> -> memref<1x!tpu.dma_semaphore, #tpu.memory_space<semaphore_mem>>
      %dma_wait3A_342 = tpu.memref_squeeze %dma_wait3A_341 : memref<1x!tpu.dma_semaphore, #tpu.memory_space<semaphore_mem>> -> memref<!tpu.dma_semaphore, #tpu.memory_space<semaphore_mem>>
      tpu.wait_indirect_dma semaphore(%dma_wait3A_342 : memref<!tpu.dma_semaphore, #tpu.memory_space<semaphore_mem>>) src(%dma_wait3A_340 : memref<10000x128xf32, #tpu.memory_space<hbm>>) dst(%dma_wait3A_334 : memref<128x128xf32, #tpu.memory_space<vmem>>)
      %mul3A_343 = arith.constant 78 : i32
      %mul3A_344 = arith.muli %add3A, %mul3A_343 : i32
      %add3A_345 = arith.addi %mul3A_344, %add3A_298 : i32
      %mul3A_346 = arith.constant 128 : i32
      %mul3A_347 = arith.muli %add3A_345, %mul3A_346 : i32
      %dma_wait3A_348 = arith.constant 2 : i32
      %dma_wait3A_349 = arith.constant 2 : i32
      %dma_wait3A_350 = arith.constant 0 : i32
      %dma_wait3A_351 = tpu.memref_slice %arg8[%dma_wait3A_348, %dma_wait3A_350] : memref<3x128xi32, #tpu.memory_space<vmem>> -> memref<1x128xi32, #tpu.memory_space<vmem>>
      %dma_wait3A_352 = tpu.memref_squeeze %dma_wait3A_351 : memref<1x128xi32, #tpu.memory_space<vmem>> -> memref<128xi32, #tpu.memory_space<vmem>>
      %dma_wait3A_353 = tpu.memref_slice %arg4[%mul3A_347] : memref<320000xi32, #tpu.memory_space<hbm>> -> memref<128xi32, #tpu.memory_space<hbm>>
      %dma_wait3A_354 = tpu.memref_slice %arg14[%dma_wait3A_349] : memref<3x!tpu.dma_semaphore, #tpu.memory_space<semaphore_mem>> -> memref<1x!tpu.dma_semaphore, #tpu.memory_space<semaphore_mem>>
      %dma_wait3A_355 = tpu.memref_squeeze %dma_wait3A_354 : memref<1x!tpu.dma_semaphore, #tpu.memory_space<semaphore_mem>> -> memref<!tpu.dma_semaphore, #tpu.memory_space<semaphore_mem>>
      %dma_wait3A_356 = arith.constant 0 : i32
      %dma_wait3A_357 = tpu.memref_slice %arg8[%dma_wait3A_348, %dma_wait3A_356] : memref<3x128xi32, #tpu.memory_space<vmem>> -> memref<1x128xi32, #tpu.memory_space<vmem>>
      %dma_wait3A_358 = tpu.memref_squeeze %dma_wait3A_357 : memref<1x128xi32, #tpu.memory_space<vmem>> -> memref<128xi32, #tpu.memory_space<vmem>>
      %dma_wait3A_359 = tpu.memref_slice %arg4[%mul3A_347] : memref<320000xi32, #tpu.memory_space<hbm>> -> memref<128xi32, #tpu.memory_space<hbm>>
      tpu.wait_dma2 semaphore(%dma_wait3A_355 : memref<!tpu.dma_semaphore, #tpu.memory_space<semaphore_mem>>) src(%dma_wait3A_359 : memref<128xi32, #tpu.memory_space<hbm>>) dst(%dma_wait3A_358 : memref<128xi32, #tpu.memory_space<vmem>>)
      %dma_start3A_360 = arith.constant 2 : i32
      %dma_start3A_361 = arith.constant 2 : i32
      %dma_start3A_362 = arith.constant 2 : i32
      %dma_start3A_363 = arith.constant 0 : i32
      %dma_start3A_364 = arith.constant 0 : i32
      %dma_start3A_365 = tpu.memref_slice %arg9[%dma_start3A_360, %dma_start3A_363, %dma_start3A_364] : memref<3x128x128xf32, #tpu.memory_space<vmem>> -> memref<1x128x128xf32, #tpu.memory_space<vmem>>
      %dma_start3A_366 = tpu.memref_squeeze %dma_start3A_365 : memref<1x128x128xf32, #tpu.memory_space<vmem>> -> memref<128x128xf32, #tpu.memory_space<vmem>>
      %dma_start3A_367 = arith.constant 0 : i32
      %dma_start3A_368 = tpu.memref_slice %arg8[%dma_start3A_361, %dma_start3A_367] : memref<3x128xi32, #tpu.memory_space<vmem>> -> memref<1x128xi32, #tpu.memory_space<vmem>>
      %dma_start3A_369 = tpu.memref_squeeze %dma_start3A_368 : memref<1x128xi32, #tpu.memory_space<vmem>> -> memref<128xi32, #tpu.memory_space<vmem>>
      %dma_start3A_370 = arith.constant 0 : i32
      %dma_start3A_371 = arith.constant 0 : i32
      %dma_start3A_372 = tpu.memref_slice %arg10[%dma_start3A_370, %dma_start3A_371] : memref<10000x128xf32, #tpu.memory_space<vmem_shared>> -> memref<10000x128xf32, #tpu.memory_space<vmem_shared>>
      %dma_start3A_373 = tpu.memref_slice %arg12[%dma_start3A_362] : memref<3x!tpu.dma_semaphore, #tpu.memory_space<semaphore_mem>> -> memref<1x!tpu.dma_semaphore, #tpu.memory_space<semaphore_mem>>
      %dma_start3A_374 = tpu.memref_squeeze %dma_start3A_373 : memref<1x!tpu.dma_semaphore, #tpu.memory_space<semaphore_mem>> -> memref<!tpu.dma_semaphore, #tpu.memory_space<semaphore_mem>>
      tpu.enqueue_indirect_dma source(%dma_start3A_366 : memref<128x128xf32, #tpu.memory_space<vmem>>) target(%dma_start3A_372 : memref<10000x128xf32, #tpu.memory_space<vmem_shared>>) offsets(%dma_start3A_369 : memref<128xi32, #tpu.memory_space<vmem>>) semaphore(%dma_start3A_374 : memref<!tpu.dma_semaphore, #tpu.memory_space<semaphore_mem>>) {add = true}
    }
    %scan3A_119 = arith.constant 26 : i32
    %dma_wait3A_120 = arith.constant 2 : i32
    %dma_wait3A_121 = arith.constant 2 : i32
    %dma_wait3A_122 = arith.constant 2 : i32
    %dma_wait3A_123 = arith.constant 0 : i32
    %dma_wait3A_124 = arith.constant 0 : i32
    %dma_wait3A_125 = tpu.memref_slice %arg9[%dma_wait3A_120, %dma_wait3A_123, %dma_wait3A_124] : memref<3x128x128xf32, #tpu.memory_space<vmem>> -> memref<1x128x128xf32, #tpu.memory_space<vmem>>
    %dma_wait3A_126 = tpu.memref_squeeze %dma_wait3A_125 : memref<1x128x128xf32, #tpu.memory_space<vmem>> -> memref<128x128xf32, #tpu.memory_space<vmem>>
    %dma_wait3A_127 = arith.constant 0 : i32
    %dma_wait3A_128 = tpu.memref_slice %arg8[%dma_wait3A_121, %dma_wait3A_127] : memref<3x128xi32, #tpu.memory_space<vmem>> -> memref<1x128xi32, #tpu.memory_space<vmem>>
    %dma_wait3A_129 = tpu.memref_squeeze %dma_wait3A_128 : memref<1x128xi32, #tpu.memory_space<vmem>> -> memref<128xi32, #tpu.memory_space<vmem>>
    %dma_wait3A_130 = arith.constant 0 : i32
    %dma_wait3A_131 = arith.constant 0 : i32
    %dma_wait3A_132 = tpu.memref_slice %arg10[%dma_wait3A_130, %dma_wait3A_131] : memref<10000x128xf32, #tpu.memory_space<vmem_shared>> -> memref<10000x128xf32, #tpu.memory_space<vmem_shared>>
    %dma_wait3A_133 = tpu.memref_slice %arg12[%dma_wait3A_122] : memref<3x!tpu.dma_semaphore, #tpu.memory_space<semaphore_mem>> -> memref<1x!tpu.dma_semaphore, #tpu.memory_space<semaphore_mem>>
    %dma_wait3A_134 = tpu.memref_squeeze %dma_wait3A_133 : memref<1x!tpu.dma_semaphore, #tpu.memory_space<semaphore_mem>> -> memref<!tpu.dma_semaphore, #tpu.memory_space<semaphore_mem>>
    tpu.wait_indirect_dma semaphore(%dma_wait3A_134 : memref<!tpu.dma_semaphore, #tpu.memory_space<semaphore_mem>>) src(%dma_wait3A_126 : memref<128x128xf32, #tpu.memory_space<vmem>>) dst(%dma_wait3A_132 : memref<10000x128xf32, #tpu.memory_space<vmem_shared>>)
    %lt3A = arith.constant 4 : i32
    %lt3A_135 = arith.cmpi slt, %add3A, %lt3A : i32
    %convert_element_type3A_136 = arith.extui %lt3A_135 : i1 to i32
    %cond3A_137 = arith.constant 0 : i32
    %cond3A_138 = arith.cmpi ne, %convert_element_type3A_136, %cond3A_137 : i32
    scf.if %cond3A_138 {
      %add3A_145 = arith.constant 2496 : i32
      %add3A_146 = arith.addi %add3A_145, %add3A : i32
      %mul3A_147 = arith.constant 128 : i32
      %mul3A_148 = arith.muli %add3A_146, %mul3A_147 : i32
      %run_scoped3A = arith.constant 0 : i32
      "tpu.region"() ({
        %run_scoped3A_182 = tpu.sem_alloc : memref<!tpu.dma_semaphore, #tpu.memory_space<semaphore_mem>>
        %dma_start3A_183 = arith.constant 0 : i32
        %dma_start3A_184 = tpu.memref_slice %arg7[%run_scoped3A, %dma_start3A_183] : memref<3x128xi32, #tpu.memory_space<vmem>> -> memref<1x128xi32, #tpu.memory_space<vmem>>
        %dma_start3A_185 = tpu.memref_squeeze %dma_start3A_184 : memref<1x128xi32, #tpu.memory_space<vmem>> -> memref<128xi32, #tpu.memory_space<vmem>>
        %dma_start3A_186 = tpu.memref_slice %arg3[%mul3A_148] : memref<320000xi32, #tpu.memory_space<hbm>> -> memref<128xi32, #tpu.memory_space<hbm>>
        %dma_start3A_187 = arith.constant 0 : i32
        %dma_start3A_188 = tpu.memref_slice %arg7[%run_scoped3A, %dma_start3A_187] : memref<3x128xi32, #tpu.memory_space<vmem>> -> memref<1x128xi32, #tpu.memory_space<vmem>>
        %dma_start3A_189 = tpu.memref_squeeze %dma_start3A_188 : memref<1x128xi32, #tpu.memory_space<vmem>> -> memref<128xi32, #tpu.memory_space<vmem>>
        %dma_start3A_190 = tpu.memref_slice %arg3[%mul3A_148] : memref<320000xi32, #tpu.memory_space<hbm>> -> memref<128xi32, #tpu.memory_space<hbm>>
        tpu.enqueue_dma source(%dma_start3A_190 : memref<128xi32, #tpu.memory_space<hbm>>) target(%dma_start3A_189 : memref<128xi32, #tpu.memory_space<vmem>>) target_semaphore(%run_scoped3A_182 : memref<!tpu.dma_semaphore, #tpu.memory_space<semaphore_mem>>)
        %dma_wait3A_191 = arith.constant 0 : i32
        %dma_wait3A_192 = tpu.memref_slice %arg7[%run_scoped3A, %dma_wait3A_191] : memref<3x128xi32, #tpu.memory_space<vmem>> -> memref<1x128xi32, #tpu.memory_space<vmem>>
        %dma_wait3A_193 = tpu.memref_squeeze %dma_wait3A_192 : memref<1x128xi32, #tpu.memory_space<vmem>> -> memref<128xi32, #tpu.memory_space<vmem>>
        %dma_wait3A_194 = tpu.memref_slice %arg3[%mul3A_148] : memref<320000xi32, #tpu.memory_space<hbm>> -> memref<128xi32, #tpu.memory_space<hbm>>
        %dma_wait3A_195 = arith.constant 0 : i32
        %dma_wait3A_196 = tpu.memref_slice %arg7[%run_scoped3A, %dma_wait3A_195] : memref<3x128xi32, #tpu.memory_space<vmem>> -> memref<1x128xi32, #tpu.memory_space<vmem>>
        %dma_wait3A_197 = tpu.memref_squeeze %dma_wait3A_196 : memref<1x128xi32, #tpu.memory_space<vmem>> -> memref<128xi32, #tpu.memory_space<vmem>>
        %dma_wait3A_198 = tpu.memref_slice %arg3[%mul3A_148] : memref<320000xi32, #tpu.memory_space<hbm>> -> memref<128xi32, #tpu.memory_space<hbm>>
        tpu.wait_dma2 semaphore(%run_scoped3A_182 : memref<!tpu.dma_semaphore, #tpu.memory_space<semaphore_mem>>) src(%dma_wait3A_198 : memref<128xi32, #tpu.memory_space<hbm>>) dst(%dma_wait3A_197 : memref<128xi32, #tpu.memory_space<vmem>>)
        tpu.yield
      }) : () -> ()
      %run_scoped3A_149 = arith.constant 0 : i32
      "tpu.region"() ({
        %run_scoped3A_182 = tpu.sem_alloc : memref<!tpu.dma_semaphore, #tpu.memory_space<semaphore_mem>>
        %dma_start3A_183 = arith.constant 0 : i32
        %dma_start3A_184 = tpu.memref_slice %arg8[%run_scoped3A_149, %dma_start3A_183] : memref<3x128xi32, #tpu.memory_space<vmem>> -> memref<1x128xi32, #tpu.memory_space<vmem>>
        %dma_start3A_185 = tpu.memref_squeeze %dma_start3A_184 : memref<1x128xi32, #tpu.memory_space<vmem>> -> memref<128xi32, #tpu.memory_space<vmem>>
        %dma_start3A_186 = tpu.memref_slice %arg4[%mul3A_148] : memref<320000xi32, #tpu.memory_space<hbm>> -> memref<128xi32, #tpu.memory_space<hbm>>
        %dma_start3A_187 = arith.constant 0 : i32
        %dma_start3A_188 = tpu.memref_slice %arg8[%run_scoped3A_149, %dma_start3A_187] : memref<3x128xi32, #tpu.memory_space<vmem>> -> memref<1x128xi32, #tpu.memory_space<vmem>>
        %dma_start3A_189 = tpu.memref_squeeze %dma_start3A_188 : memref<1x128xi32, #tpu.memory_space<vmem>> -> memref<128xi32, #tpu.memory_space<vmem>>
        %dma_start3A_190 = tpu.memref_slice %arg4[%mul3A_148] : memref<320000xi32, #tpu.memory_space<hbm>> -> memref<128xi32, #tpu.memory_space<hbm>>
        tpu.enqueue_dma source(%dma_start3A_190 : memref<128xi32, #tpu.memory_space<hbm>>) target(%dma_start3A_189 : memref<128xi32, #tpu.memory_space<vmem>>) target_semaphore(%run_scoped3A_182 : memref<!tpu.dma_semaphore, #tpu.memory_space<semaphore_mem>>)
        %dma_wait3A_191 = arith.constant 0 : i32
        %dma_wait3A_192 = tpu.memref_slice %arg8[%run_scoped3A_149, %dma_wait3A_191] : memref<3x128xi32, #tpu.memory_space<vmem>> -> memref<1x128xi32, #tpu.memory_space<vmem>>
        %dma_wait3A_193 = tpu.memref_squeeze %dma_wait3A_192 : memref<1x128xi32, #tpu.memory_space<vmem>> -> memref<128xi32, #tpu.memory_space<vmem>>
        %dma_wait3A_194 = tpu.memref_slice %arg4[%mul3A_148] : memref<320000xi32, #tpu.memory_space<hbm>> -> memref<128xi32, #tpu.memory_space<hbm>>
        %dma_wait3A_195 = arith.constant 0 : i32
        %dma_wait3A_196 = tpu.memref_slice %arg8[%run_scoped3A_149, %dma_wait3A_195] : memref<3x128xi32, #tpu.memory_space<vmem>> -> memref<1x128xi32, #tpu.memory_space<vmem>>
        %dma_wait3A_197 = tpu.memref_squeeze %dma_wait3A_196 : memref<1x128xi32, #tpu.memory_space<vmem>> -> memref<128xi32, #tpu.memory_space<vmem>>
        %dma_wait3A_198 = tpu.memref_slice %arg4[%mul3A_148] : memref<320000xi32, #tpu.memory_space<hbm>> -> memref<128xi32, #tpu.memory_space<hbm>>
        tpu.wait_dma2 semaphore(%run_scoped3A_182 : memref<!tpu.dma_semaphore, #tpu.memory_space<semaphore_mem>>) src(%dma_wait3A_198 : memref<128xi32, #tpu.memory_space<hbm>>) dst(%dma_wait3A_197 : memref<128xi32, #tpu.memory_space<vmem>>)
        tpu.yield
      }) : () -> ()
      %dma_start3A_150 = arith.constant 0 : i32
      %dma_start3A_151 = arith.constant 0 : i32
      %dma_start3A_152 = arith.constant 0 : i32
      %dma_start3A_153 = arith.constant 0 : i32
      %dma_start3A_154 = arith.constant 0 : i32
      %dma_start3A_155 = tpu.memref_slice %arg9[%dma_start3A_151, %dma_start3A_153, %dma_start3A_154] : memref<3x128x128xf32, #tpu.memory_space<vmem>> -> memref<1x128x128xf32, #tpu.memory_space<vmem>>
      %dma_start3A_156 = tpu.memref_squeeze %dma_start3A_155 : memref<1x128x128xf32, #tpu.memory_space<vmem>> -> memref<128x128xf32, #tpu.memory_space<vmem>>
      %dma_start3A_157 = arith.constant 0 : i32
      %dma_start3A_158 = tpu.memref_slice %arg7[%dma_start3A_150, %dma_start3A_157] : memref<3x128xi32, #tpu.memory_space<vmem>> -> memref<1x128xi32, #tpu.memory_space<vmem>>
      %dma_start3A_159 = tpu.memref_squeeze %dma_start3A_158 : memref<1x128xi32, #tpu.memory_space<vmem>> -> memref<128xi32, #tpu.memory_space<vmem>>
      %dma_start3A_160 = arith.constant 0 : i32
      %dma_start3A_161 = arith.constant 0 : i32
      %dma_start3A_162 = tpu.memref_slice %arg2[%dma_start3A_160, %dma_start3A_161] : memref<10000x128xf32, #tpu.memory_space<hbm>> -> memref<10000x128xf32, #tpu.memory_space<hbm>>
      %dma_start3A_163 = tpu.memref_slice %arg11[%dma_start3A_152] : memref<3x!tpu.dma_semaphore, #tpu.memory_space<semaphore_mem>> -> memref<1x!tpu.dma_semaphore, #tpu.memory_space<semaphore_mem>>
      %dma_start3A_164 = tpu.memref_squeeze %dma_start3A_163 : memref<1x!tpu.dma_semaphore, #tpu.memory_space<semaphore_mem>> -> memref<!tpu.dma_semaphore, #tpu.memory_space<semaphore_mem>>
      tpu.enqueue_indirect_dma source(%dma_start3A_162 : memref<10000x128xf32, #tpu.memory_space<hbm>>) target(%dma_start3A_156 : memref<128x128xf32, #tpu.memory_space<vmem>>) offsets(%dma_start3A_159 : memref<128xi32, #tpu.memory_space<vmem>>) semaphore(%dma_start3A_164 : memref<!tpu.dma_semaphore, #tpu.memory_space<semaphore_mem>>)
      %dma_wait3A_165 = arith.constant 0 : i32
      %dma_wait3A_166 = arith.constant 0 : i32
      %dma_wait3A_167 = arith.constant 0 : i32
      %dma_wait3A_168 = arith.constant 0 : i32
      %dma_wait3A_169 = arith.constant 0 : i32
      %dma_wait3A_170 = tpu.memref_slice %arg9[%dma_wait3A_166, %dma_wait3A_168, %dma_wait3A_169] : memref<3x128x128xf32, #tpu.memory_space<vmem>> -> memref<1x128x128xf32, #tpu.memory_space<vmem>>
      %dma_wait3A_171 = tpu.memref_squeeze %dma_wait3A_170 : memref<1x128x128xf32, #tpu.memory_space<vmem>> -> memref<128x128xf32, #tpu.memory_space<vmem>>
      %dma_wait3A_172 = arith.constant 0 : i32
      %dma_wait3A_173 = tpu.memref_slice %arg7[%dma_wait3A_165, %dma_wait3A_172] : memref<3x128xi32, #tpu.memory_space<vmem>> -> memref<1x128xi32, #tpu.memory_space<vmem>>
      %dma_wait3A_174 = tpu.memref_squeeze %dma_wait3A_173 : memref<1x128xi32, #tpu.memory_space<vmem>> -> memref<128xi32, #tpu.memory_space<vmem>>
      %dma_wait3A_175 = arith.constant 0 : i32
      %dma_wait3A_176 = arith.constant 0 : i32
      %dma_wait3A_177 = tpu.memref_slice %arg2[%dma_wait3A_175, %dma_wait3A_176] : memref<10000x128xf32, #tpu.memory_space<hbm>> -> memref<10000x128xf32, #tpu.memory_space<hbm>>
      %dma_wait3A_178 = tpu.memref_slice %arg11[%dma_wait3A_167] : memref<3x!tpu.dma_semaphore, #tpu.memory_space<semaphore_mem>> -> memref<1x!tpu.dma_semaphore, #tpu.memory_space<semaphore_mem>>
      %dma_wait3A_179 = tpu.memref_squeeze %dma_wait3A_178 : memref<1x!tpu.dma_semaphore, #tpu.memory_space<semaphore_mem>> -> memref<!tpu.dma_semaphore, #tpu.memory_space<semaphore_mem>>
      tpu.wait_indirect_dma semaphore(%dma_wait3A_179 : memref<!tpu.dma_semaphore, #tpu.memory_space<semaphore_mem>>) src(%dma_wait3A_177 : memref<10000x128xf32, #tpu.memory_space<hbm>>) dst(%dma_wait3A_171 : memref<128x128xf32, #tpu.memory_space<vmem>>)
      %run_scoped3A_180 = arith.constant 0 : i32
      %run_scoped3A_181 = arith.constant 0 : i32
      "tpu.region"() ({
        %run_scoped3A_182 = tpu.sem_alloc : memref<!tpu.dma_semaphore, #tpu.memory_space<semaphore_mem>>
        %dma_start3A_183 = arith.constant 0 : i32
        %dma_start3A_184 = arith.constant 0 : i32
        %dma_start3A_185 = tpu.memref_slice %arg9[%run_scoped3A_180, %dma_start3A_183, %dma_start3A_184] : memref<3x128x128xf32, #tpu.memory_space<vmem>> -> memref<1x128x128xf32, #tpu.memory_space<vmem>>
        %dma_start3A_186 = tpu.memref_squeeze %dma_start3A_185 : memref<1x128x128xf32, #tpu.memory_space<vmem>> -> memref<128x128xf32, #tpu.memory_space<vmem>>
        %dma_start3A_187 = arith.constant 0 : i32
        %dma_start3A_188 = tpu.memref_slice %arg8[%run_scoped3A_181, %dma_start3A_187] : memref<3x128xi32, #tpu.memory_space<vmem>> -> memref<1x128xi32, #tpu.memory_space<vmem>>
        %dma_start3A_189 = tpu.memref_squeeze %dma_start3A_188 : memref<1x128xi32, #tpu.memory_space<vmem>> -> memref<128xi32, #tpu.memory_space<vmem>>
        %dma_start3A_190 = arith.constant 0 : i32
        %dma_start3A_191 = arith.constant 0 : i32
        %dma_start3A_192 = tpu.memref_slice %arg10[%dma_start3A_190, %dma_start3A_191] : memref<10000x128xf32, #tpu.memory_space<vmem_shared>> -> memref<10000x128xf32, #tpu.memory_space<vmem_shared>>
        tpu.enqueue_indirect_dma source(%dma_start3A_186 : memref<128x128xf32, #tpu.memory_space<vmem>>) target(%dma_start3A_192 : memref<10000x128xf32, #tpu.memory_space<vmem_shared>>) offsets(%dma_start3A_189 : memref<128xi32, #tpu.memory_space<vmem>>) semaphore(%run_scoped3A_182 : memref<!tpu.dma_semaphore, #tpu.memory_space<semaphore_mem>>) {add = true}
        %dma_wait3A_193 = arith.constant 0 : i32
        %dma_wait3A_194 = arith.constant 0 : i32
        %dma_wait3A_195 = tpu.memref_slice %arg9[%run_scoped3A_180, %dma_wait3A_193, %dma_wait3A_194] : memref<3x128x128xf32, #tpu.memory_space<vmem>> -> memref<1x128x128xf32, #tpu.memory_space<vmem>>
        %dma_wait3A_196 = tpu.memref_squeeze %dma_wait3A_195 : memref<1x128x128xf32, #tpu.memory_space<vmem>> -> memref<128x128xf32, #tpu.memory_space<vmem>>
        %dma_wait3A_197 = arith.constant 0 : i32
        %dma_wait3A_198 = tpu.memref_slice %arg8[%run_scoped3A_181, %dma_wait3A_197] : memref<3x128xi32, #tpu.memory_space<vmem>> -> memref<1x128xi32, #tpu.memory_space<vmem>>
        %dma_wait3A_199 = tpu.memref_squeeze %dma_wait3A_198 : memref<1x128xi32, #tpu.memory_space<vmem>> -> memref<128xi32, #tpu.memory_space<vmem>>
        %dma_wait3A_200 = arith.constant 0 : i32
        %dma_wait3A_201 = arith.constant 0 : i32
        %dma_wait3A_202 = tpu.memref_slice %arg10[%dma_wait3A_200, %dma_wait3A_201] : memref<10000x128xf32, #tpu.memory_space<vmem_shared>> -> memref<10000x128xf32, #tpu.memory_space<vmem_shared>>
        tpu.wait_indirect_dma semaphore(%run_scoped3A_182 : memref<!tpu.dma_semaphore, #tpu.memory_space<semaphore_mem>>) src(%dma_wait3A_196 : memref<128x128xf32, #tpu.memory_space<vmem>>) dst(%dma_wait3A_202 : memref<10000x128xf32, #tpu.memory_space<vmem_shared>>)
        tpu.yield
      }) : () -> ()
    } else {
    }
    %barrier3A_139 = arith.constant 0 : index
    tpu.barrier barrier_id(%barrier3A_139)
    "tpu.region"() ({
      %run_scoped3A = tpu.sem_alloc : memref<!tpu.dma_semaphore, #tpu.memory_space<semaphore_mem>>
      %dma_start3A_145 = arith.constant 0 : i32
      %dma_start3A_146 = arith.constant 0 : i32
      %dma_start3A_147 = tpu.memref_slice %arg6[%arg0, %dma_start3A_145, %dma_start3A_146] : memref<2x10000x128xf32, #tpu.memory_space<hbm>> -> memref<1x10000x128xf32, #tpu.memory_space<hbm>>
      %dma_start3A_148 = tpu.memref_squeeze %dma_start3A_147 : memref<1x10000x128xf32, #tpu.memory_space<hbm>> -> memref<10000x128xf32, #tpu.memory_space<hbm>>
      %dma_start3A_149 = arith.constant 0 : i32
      %dma_start3A_150 = tpu.memref_slice %dma_start3A_148[%mul3A_73, %dma_start3A_149] : memref<10000x128xf32, #tpu.memory_space<hbm>> -> memref<624x128xf32, #tpu.memory_space<hbm>>
      %dma_start3A_151 = arith.constant 0 : i32
      %dma_start3A_152 = tpu.memref_slice %arg10[%mul3A_73, %dma_start3A_151] : memref<10000x128xf32, #tpu.memory_space<vmem_shared>> -> memref<624x128xf32, #tpu.memory_space<vmem_shared>>
      tpu.enqueue_dma source(%dma_start3A_152 : memref<624x128xf32, #tpu.memory_space<vmem_shared>>) target(%dma_start3A_150 : memref<624x128xf32, #tpu.memory_space<hbm>>) target_semaphore(%run_scoped3A : memref<!tpu.dma_semaphore, #tpu.memory_space<semaphore_mem>>)
      %dma_wait3A_153 = arith.constant 0 : i32
      %dma_wait3A_154 = arith.constant 0 : i32
      %dma_wait3A_155 = tpu.memref_slice %arg6[%arg0, %dma_wait3A_153, %dma_wait3A_154] : memref<2x10000x128xf32, #tpu.memory_space<hbm>> -> memref<1x10000x128xf32, #tpu.memory_space<hbm>>
      %dma_wait3A_156 = tpu.memref_squeeze %dma_wait3A_155 : memref<1x10000x128xf32, #tpu.memory_space<hbm>> -> memref<10000x128xf32, #tpu.memory_space<hbm>>
      %dma_wait3A_157 = arith.constant 0 : i32
      %dma_wait3A_158 = tpu.memref_slice %dma_wait3A_156[%mul3A_73, %dma_wait3A_157] : memref<10000x128xf32, #tpu.memory_space<hbm>> -> memref<624x128xf32, #tpu.memory_space<hbm>>
      %dma_wait3A_159 = arith.constant 0 : i32
      %dma_wait3A_160 = tpu.memref_slice %arg10[%mul3A_73, %dma_wait3A_159] : memref<10000x128xf32, #tpu.memory_space<vmem_shared>> -> memref<624x128xf32, #tpu.memory_space<vmem_shared>>
      tpu.wait_dma2 semaphore(%run_scoped3A : memref<!tpu.dma_semaphore, #tpu.memory_space<semaphore_mem>>) src(%dma_wait3A_160 : memref<624x128xf32, #tpu.memory_space<vmem_shared>>) dst(%dma_wait3A_158 : memref<624x128xf32, #tpu.memory_space<hbm>>)
      tpu.yield
    }) : () -> ()
    %eq3A_140 = arith.constant 15 : i32
    %eq3A_141 = arith.cmpi eq, %arg1, %eq3A_140 : i32
    %convert_element_type3A_142 = arith.extui %eq3A_141 : i1 to i32
    %cond3A_143 = arith.constant 0 : i32
    %cond3A_144 = arith.cmpi ne, %convert_element_type3A_142, %cond3A_143 : i32
    scf.if %cond3A_144 {
      "tpu.region"() ({
        %run_scoped3A = tpu.sem_alloc : memref<!tpu.dma_semaphore, #tpu.memory_space<semaphore_mem>>
        %dma_start3A_145 = arith.constant 0 : i32
        %dma_start3A_146 = arith.constant 0 : i32
        %dma_start3A_147 = tpu.memref_slice %arg6[%arg0, %dma_start3A_145, %dma_start3A_146] : memref<2x10000x128xf32, #tpu.memory_space<hbm>> -> memref<1x10000x128xf32, #tpu.memory_space<hbm>>
        %dma_start3A_148 = tpu.memref_squeeze %dma_start3A_147 : memref<1x10000x128xf32, #tpu.memory_space<hbm>> -> memref<10000x128xf32, #tpu.memory_space<hbm>>
        %dma_start3A_149 = arith.constant 9984 : i32
        %dma_start3A_150 = arith.constant 0 : i32
        %dma_start3A_151 = tpu.memref_slice %dma_start3A_148[%dma_start3A_149, %dma_start3A_150] : memref<10000x128xf32, #tpu.memory_space<hbm>> -> memref<16x128xf32, #tpu.memory_space<hbm>>
        %dma_start3A_152 = arith.constant 9984 : i32
        %dma_start3A_153 = arith.constant 0 : i32
        %dma_start3A_154 = tpu.memref_slice %arg10[%dma_start3A_152, %dma_start3A_153] : memref<10000x128xf32, #tpu.memory_space<vmem_shared>> -> memref<16x128xf32, #tpu.memory_space<vmem_shared>>
        tpu.enqueue_dma source(%dma_start3A_154 : memref<16x128xf32, #tpu.memory_space<vmem_shared>>) target(%dma_start3A_151 : memref<16x128xf32, #tpu.memory_space<hbm>>) target_semaphore(%run_scoped3A : memref<!tpu.dma_semaphore, #tpu.memory_space<semaphore_mem>>)
        %dma_wait3A_155 = arith.constant 0 : i32
        %dma_wait3A_156 = arith.constant 0 : i32
        %dma_wait3A_157 = tpu.memref_slice %arg6[%arg0, %dma_wait3A_155, %dma_wait3A_156] : memref<2x10000x128xf32, #tpu.memory_space<hbm>> -> memref<1x10000x128xf32, #tpu.memory_space<hbm>>
        %dma_wait3A_158 = tpu.memref_squeeze %dma_wait3A_157 : memref<1x10000x128xf32, #tpu.memory_space<hbm>> -> memref<10000x128xf32, #tpu.memory_space<hbm>>
        %dma_wait3A_159 = arith.constant 9984 : i32
        %dma_wait3A_160 = arith.constant 0 : i32
        %dma_wait3A_161 = tpu.memref_slice %dma_wait3A_158[%dma_wait3A_159, %dma_wait3A_160] : memref<10000x128xf32, #tpu.memory_space<hbm>> -> memref<16x128xf32, #tpu.memory_space<hbm>>
        %dma_wait3A_162 = arith.constant 9984 : i32
        %dma_wait3A_163 = arith.constant 0 : i32
        %dma_wait3A_164 = tpu.memref_slice %arg10[%dma_wait3A_162, %dma_wait3A_163] : memref<10000x128xf32, #tpu.memory_space<vmem_shared>> -> memref<16x128xf32, #tpu.memory_space<vmem_shared>>
        tpu.wait_dma2 semaphore(%run_scoped3A : memref<!tpu.dma_semaphore, #tpu.memory_space<semaphore_mem>>) src(%dma_wait3A_164 : memref<16x128xf32, #tpu.memory_space<vmem_shared>>) dst(%dma_wait3A_161 : memref<16x128xf32, #tpu.memory_space<hbm>>)
        tpu.yield
      }) : () -> ()
    } else {
    }
    return
  }
}

module attributes {stable_mosaic.version = 14 : i64} {
  func.func @_dense_body(%arg0: memref<10000x128xf32, #tpu.memory_space<vmem>>, %arg1: memref<2x10000x128xf32, #tpu.memory_space<vmem>>, %arg2: memref<1x1xf32, #tpu.memory_space<vmem>>, %arg3: memref<128x128xf32, #tpu.memory_space<vmem>>, %arg4: memref<1x128xf32, #tpu.memory_space<vmem>>, %arg5: memref<128x128xf32, #tpu.memory_space<vmem>>, %arg6: memref<1x128xf32, #tpu.memory_space<vmem>>, %arg7: memref<1x128xf32, #tpu.memory_space<vmem>>, %arg8: memref<1x128xf32, #tpu.memory_space<vmem>>, %arg9: memref<1x128xf32, #tpu.memory_space<vmem>>, %arg10: memref<1x128xf32, #tpu.memory_space<vmem>>, %arg11: memref<10000x128xf32, #tpu.memory_space<vmem>>) attributes {dimension_semantics = [], scalar_prefetch = 0 : i64, scratch_operands = 0 : i64, tpu.core_type = #tpu.core_type<tc>} {
    %get3A = arith.constant 0 : index
    %get3A_0 = arith.constant 0 : index
    %get3A_1 = vector.load %arg0[%get3A, %get3A_0] : memref<10000x128xf32, #tpu.memory_space<vmem>>, vector<10000x128xf32>
    %get3A_2 = arith.constant 0 : index
    %get3A_3 = arith.constant 0 : index
    %get3A_4 = arith.constant 0 : index
    %get3A_5 = vector.load %arg1[%get3A_2, %get3A_3, %get3A_4] : memref<2x10000x128xf32, #tpu.memory_space<vmem>>, vector<1x10000x128xf32>
    %get3A_6 = vector.shape_cast %get3A_5 : vector<1x10000x128xf32> to vector<10000x128xf32>
    %get3A_7 = arith.constant 1 : index
    %get3A_8 = arith.constant 0 : index
    %get3A_9 = arith.constant 0 : index
    %get3A_10 = vector.load %arg1[%get3A_7, %get3A_8, %get3A_9] : memref<2x10000x128xf32, #tpu.memory_space<vmem>>, vector<1x10000x128xf32>
    %get3A_11 = vector.shape_cast %get3A_10 : vector<1x10000x128xf32> to vector<10000x128xf32>
    %add3A = arith.addf %get3A_6, %get3A_11 : vector<10000x128xf32>
    %get3A_12 = arith.constant 0 : index
    %get3A_13 = arith.constant 0 : index
    %get3A_14 = vector.load %arg2[%get3A_12, %get3A_13] : memref<1x1xf32, #tpu.memory_space<vmem>>, vector<1x1xf32>
    %get3A_15 = vector.extract %get3A_14[0, 0] : f32 from vector<1x1xf32>
    %add3A_16 = arith.constant 1.000000e+00 : f32
    %add3A_17 = arith.addf %add3A_16, %get3A_15 : f32
    %mul3A = vector.broadcast %add3A_17 : f32 to vector<10000x128xf32>
    %mul3A_18 = arith.mulf %mul3A, %get3A_1 : vector<10000x128xf32>
    %add3A_19 = arith.addf %mul3A_18, %add3A : vector<10000x128xf32>
    %get3A_20 = arith.constant 0 : index
    %get3A_21 = arith.constant 0 : index
    %get3A_22 = vector.load %arg3[%get3A_20, %get3A_21] : memref<128x128xf32, #tpu.memory_space<vmem>>, vector<128x128xf32>
    %dot_general3A = arith.constant dense<0.000000e+00> : vector<10000x128xf32>
    %dot_general3A_23 = tpu.matmul %add3A_19, %get3A_22, %dot_general3A {dimension_numbers = #tpu.dot_dimension_numbers<[1], [0], [0], [1], [0, 0, 1, 1], [], []>, transpose_lhs_hint = false} : vector<10000x128xf32>, vector<128x128xf32>, vector<10000x128xf32> -> vector<10000x128xf32>
    %get3A_24 = arith.constant 0 : index
    %get3A_25 = arith.constant 0 : index
    %get3A_26 = vector.load %arg4[%get3A_24, %get3A_25] : memref<1x128xf32, #tpu.memory_space<vmem>>, vector<1x128xf32>
    %add3A_27 = vector.broadcast %get3A_26 : vector<1x128xf32> to vector<10000x128xf32>
    %add3A_28 = arith.addf %dot_general3A_23, %add3A_27 : vector<10000x128xf32>
    %max3A = arith.constant 0.000000e+00 : f32
    %max3A_29 = vector.broadcast %max3A : f32 to vector<10000x128xf32>
    %max3A_30 = arith.maximumf %add3A_28, %max3A_29 : vector<10000x128xf32>
    %get3A_31 = arith.constant 0 : index
    %get3A_32 = arith.constant 0 : index
    %get3A_33 = vector.load %arg5[%get3A_31, %get3A_32] : memref<128x128xf32, #tpu.memory_space<vmem>>, vector<128x128xf32>
    %dot_general3A_34 = arith.constant dense<0.000000e+00> : vector<10000x128xf32>
    %dot_general3A_35 = tpu.matmul %max3A_30, %get3A_33, %dot_general3A_34 {dimension_numbers = #tpu.dot_dimension_numbers<[1], [0], [0], [1], [0, 0, 1, 1], [], []>, transpose_lhs_hint = false} : vector<10000x128xf32>, vector<128x128xf32>, vector<10000x128xf32> -> vector<10000x128xf32>
    %get3A_36 = arith.constant 0 : index
    %get3A_37 = arith.constant 0 : index
    %get3A_38 = vector.load %arg6[%get3A_36, %get3A_37] : memref<1x128xf32, #tpu.memory_space<vmem>>, vector<1x128xf32>
    %add3A_39 = vector.broadcast %get3A_38 : vector<1x128xf32> to vector<10000x128xf32>
    %add3A_40 = arith.addf %dot_general3A_35, %add3A_39 : vector<10000x128xf32>
    %max3A_41 = arith.constant 0.000000e+00 : f32
    %max3A_42 = vector.broadcast %max3A_41 : f32 to vector<10000x128xf32>
    %max3A_43 = arith.maximumf %add3A_40, %max3A_42 : vector<10000x128xf32>
    %get3A_44 = arith.constant 0 : index
    %get3A_45 = arith.constant 0 : index
    %get3A_46 = vector.load %arg7[%get3A_44, %get3A_45] : memref<1x128xf32, #tpu.memory_space<vmem>>, vector<1x128xf32>
    %get3A_47 = arith.constant 0 : index
    %get3A_48 = arith.constant 0 : index
    %get3A_49 = vector.load %arg8[%get3A_47, %get3A_48] : memref<1x128xf32, #tpu.memory_space<vmem>>, vector<1x128xf32>
    %reduce_sum3A = arith.constant dense<0.000000e+00> : vector<128xf32>
    %reduce_sum3A_50 = vector.multi_reduction <add>, %max3A_43, %reduce_sum3A [0] : vector<10000x128xf32> to vector<128xf32>
    %div3A = arith.constant 1.000000e+04 : f32
    %div3A_51 = vector.broadcast %div3A : f32 to vector<128xf32>
    %div3A_52 = arith.divf %reduce_sum3A_50, %div3A_51 : vector<128xf32>
    %jit3A = arith.constant 0 : i32
    %reduce_sum3A_53 = arith.constant dense<0.000000e+00> : vector<128xf32>
    %reduce_sum3A_54 = vector.multi_reduction <add>, %max3A_43, %reduce_sum3A_53 [0] : vector<10000x128xf32> to vector<128xf32>
    %broadcast_in_dim3A = vector.shape_cast %reduce_sum3A_54 : vector<128xf32> to vector<1x128xf32>
    %div3A_55 = arith.constant 1.000000e+04 : f32
    %div3A_56 = vector.broadcast %div3A_55 : f32 to vector<1x128xf32>
    %div3A_57 = arith.divf %broadcast_in_dim3A, %div3A_56 : vector<1x128xf32>
    %sub3A = vector.broadcast %div3A_57 : vector<1x128xf32> to vector<10000x128xf32>
    %sub3A_58 = arith.subf %max3A_43, %sub3A : vector<10000x128xf32>
    %square3A = arith.mulf %sub3A_58, %sub3A_58 : vector<10000x128xf32>
    %convert_element_type3A = arith.sitofp %jit3A : i32 to f32
    %sub3A_59 = arith.constant 1.000000e+04 : f32
    %sub3A_60 = arith.subf %sub3A_59, %convert_element_type3A : f32
    %reduce_sum3A_61 = arith.constant dense<0.000000e+00> : vector<128xf32>
    %reduce_sum3A_62 = vector.multi_reduction <add>, %square3A, %reduce_sum3A_61 [0] : vector<10000x128xf32> to vector<128xf32>
    %div3A_63 = vector.broadcast %sub3A_60 : f32 to vector<128xf32>
    %div3A_64 = arith.divf %reduce_sum3A_62, %div3A_63 : vector<128xf32>
    %gt3A = arith.constant 0.000000e+00 : f32
    %gt3A_65 = arith.cmpf ogt, %sub3A_60, %gt3A : f32
    %jit3A_66 = arith.constant 0x7FC00000 : f32
    %broadcast_in_dim3A_67 = vector.broadcast %jit3A_66 : f32 to vector<128xf32>
    %select_n3A = arith.select %gt3A_65, %div3A_64, %broadcast_in_dim3A_67 : vector<128xf32>
    %broadcast_in_dim3A_68 = vector.shape_cast %div3A_52 : vector<128xf32> to vector<1x128xf32>
    %sub3A_69 = vector.broadcast %broadcast_in_dim3A_68 : vector<1x128xf32> to vector<10000x128xf32>
    %sub3A_70 = arith.subf %max3A_43, %sub3A_69 : vector<10000x128xf32>
    %add3A_71 = arith.constant 9.99999974E-6 : f32
    %add3A_72 = vector.broadcast %add3A_71 : f32 to vector<128xf32>
    %add3A_73 = arith.addf %select_n3A, %add3A_72 : vector<128xf32>
    %sqrt3A = math.sqrt %add3A_73 : vector<128xf32>
    %broadcast_in_dim3A_74 = vector.shape_cast %sqrt3A : vector<128xf32> to vector<1x128xf32>
    %div3A_75 = vector.broadcast %broadcast_in_dim3A_74 : vector<1x128xf32> to vector<10000x128xf32>
    %div3A_76 = arith.divf %sub3A_70, %div3A_75 : vector<10000x128xf32>
    %mul3A_77 = vector.broadcast %get3A_46 : vector<1x128xf32> to vector<10000x128xf32>
    %mul3A_78 = arith.mulf %div3A_76, %mul3A_77 : vector<10000x128xf32>
    %add3A_79 = vector.broadcast %get3A_49 : vector<1x128xf32> to vector<10000x128xf32>
    %add3A_80 = arith.addf %mul3A_78, %add3A_79 : vector<10000x128xf32>
    %get3A_81 = arith.constant 0 : index
    %get3A_82 = arith.constant 0 : index
    %get3A_83 = vector.load %arg9[%get3A_81, %get3A_82] : memref<1x128xf32, #tpu.memory_space<vmem>>, vector<1x128xf32>
    %get3A_84 = arith.constant 0 : index
    %get3A_85 = arith.constant 0 : index
    %get3A_86 = vector.load %arg10[%get3A_84, %get3A_85] : memref<1x128xf32, #tpu.memory_space<vmem>>, vector<1x128xf32>
    %reduce_sum3A_87 = arith.constant dense<0.000000e+00> : vector<128xf32>
    %reduce_sum3A_88 = vector.multi_reduction <add>, %add3A_80, %reduce_sum3A_87 [0] : vector<10000x128xf32> to vector<128xf32>
    %div3A_89 = arith.constant 1.000000e+04 : f32
    %div3A_90 = vector.broadcast %div3A_89 : f32 to vector<128xf32>
    %div3A_91 = arith.divf %reduce_sum3A_88, %div3A_90 : vector<128xf32>
    %jit3A_92 = arith.constant 0 : i32
    %reduce_sum3A_93 = arith.constant dense<0.000000e+00> : vector<128xf32>
    %reduce_sum3A_94 = vector.multi_reduction <add>, %add3A_80, %reduce_sum3A_93 [0] : vector<10000x128xf32> to vector<128xf32>
    %broadcast_in_dim3A_95 = vector.shape_cast %reduce_sum3A_94 : vector<128xf32> to vector<1x128xf32>
    %div3A_96 = arith.constant 1.000000e+04 : f32
    %div3A_97 = vector.broadcast %div3A_96 : f32 to vector<1x128xf32>
    %div3A_98 = arith.divf %broadcast_in_dim3A_95, %div3A_97 : vector<1x128xf32>
    %sub3A_99 = vector.broadcast %div3A_98 : vector<1x128xf32> to vector<10000x128xf32>
    %sub3A_100 = arith.subf %add3A_80, %sub3A_99 : vector<10000x128xf32>
    %square3A_101 = arith.mulf %sub3A_100, %sub3A_100 : vector<10000x128xf32>
    %convert_element_type3A_102 = arith.sitofp %jit3A_92 : i32 to f32
    %sub3A_103 = arith.constant 1.000000e+04 : f32
    %sub3A_104 = arith.subf %sub3A_103, %convert_element_type3A_102 : f32
    %reduce_sum3A_105 = arith.constant dense<0.000000e+00> : vector<128xf32>
    %reduce_sum3A_106 = vector.multi_reduction <add>, %square3A_101, %reduce_sum3A_105 [0] : vector<10000x128xf32> to vector<128xf32>
    %div3A_107 = vector.broadcast %sub3A_104 : f32 to vector<128xf32>
    %div3A_108 = arith.divf %reduce_sum3A_106, %div3A_107 : vector<128xf32>
    %gt3A_109 = arith.constant 0.000000e+00 : f32
    %gt3A_110 = arith.cmpf ogt, %sub3A_104, %gt3A_109 : f32
    %jit3A_111 = arith.constant 0x7FC00000 : f32
    %broadcast_in_dim3A_112 = vector.broadcast %jit3A_111 : f32 to vector<128xf32>
    %select_n3A_113 = arith.select %gt3A_110, %div3A_108, %broadcast_in_dim3A_112 : vector<128xf32>
    %broadcast_in_dim3A_114 = vector.shape_cast %div3A_91 : vector<128xf32> to vector<1x128xf32>
    %sub3A_115 = vector.broadcast %broadcast_in_dim3A_114 : vector<1x128xf32> to vector<10000x128xf32>
    %sub3A_116 = arith.subf %add3A_80, %sub3A_115 : vector<10000x128xf32>
    %add3A_117 = arith.constant 9.99999974E-6 : f32
    %add3A_118 = vector.broadcast %add3A_117 : f32 to vector<128xf32>
    %add3A_119 = arith.addf %select_n3A_113, %add3A_118 : vector<128xf32>
    %sqrt3A_120 = math.sqrt %add3A_119 : vector<128xf32>
    %broadcast_in_dim3A_121 = vector.shape_cast %sqrt3A_120 : vector<128xf32> to vector<1x128xf32>
    %div3A_122 = vector.broadcast %broadcast_in_dim3A_121 : vector<1x128xf32> to vector<10000x128xf32>
    %div3A_123 = arith.divf %sub3A_116, %div3A_122 : vector<10000x128xf32>
    %mul3A_124 = vector.broadcast %get3A_83 : vector<1x128xf32> to vector<10000x128xf32>
    %mul3A_125 = arith.mulf %div3A_123, %mul3A_124 : vector<10000x128xf32>
    %add3A_126 = vector.broadcast %get3A_86 : vector<1x128xf32> to vector<10000x128xf32>
    %add3A_127 = arith.addf %mul3A_125, %add3A_126 : vector<10000x128xf32>
    %swap3A = arith.constant 0 : index
    %swap3A_128 = arith.constant 0 : index
    %swap3A_129 = vector.load %arg11[%swap3A, %swap3A_128] : memref<10000x128xf32, #tpu.memory_space<vmem>>, vector<10000x128xf32>
    tpu.vector_store %arg11[%swap3A, %swap3A_128], %add3A_127 {strides = array<i32>} : memref<10000x128xf32, #tpu.memory_space<vmem>>, vector<10000x128xf32>,
    return
  }
}

module attributes {stable_mosaic.version = 14 : i64} {
  func.func @_dense_head_body(%arg0: memref<10000x128xf32, #tpu.memory_space<vmem>>, %arg1: memref<2x10000x128xf32, #tpu.memory_space<vmem>>, %arg2: memref<1x1xf32, #tpu.memory_space<vmem>>, %arg3: memref<128x128xf32, #tpu.memory_space<vmem>>, %arg4: memref<1x128xf32, #tpu.memory_space<vmem>>, %arg5: memref<128x128xf32, #tpu.memory_space<vmem>>, %arg6: memref<1x128xf32, #tpu.memory_space<vmem>>, %arg7: memref<1x128xf32, #tpu.memory_space<vmem>>, %arg8: memref<1x128xf32, #tpu.memory_space<vmem>>, %arg9: memref<1x128xf32, #tpu.memory_space<vmem>>, %arg10: memref<1x128xf32, #tpu.memory_space<vmem>>, %arg11: memref<10000x1xi32, #tpu.memory_space<vmem>>, %arg12: memref<128x128xf32, #tpu.memory_space<vmem>>, %arg13: memref<1x128xf32, #tpu.memory_space<vmem>>, %arg14: memref<128x10xf32, #tpu.memory_space<vmem>>, %arg15: memref<1x10xf32, #tpu.memory_space<vmem>>, %arg16: memref<128x10xf32, #tpu.memory_space<vmem>>) attributes {dimension_semantics = [], scalar_prefetch = 0 : i64, scratch_operands = 0 : i64, tpu.core_type = #tpu.core_type<tc>} {
    %get3A = arith.constant 0 : index
    %get3A_0 = arith.constant 0 : index
    %get3A_1 = vector.load %arg0[%get3A, %get3A_0] : memref<10000x128xf32, #tpu.memory_space<vmem>>, vector<10000x128xf32>
    %get3A_2 = arith.constant 0 : index
    %get3A_3 = arith.constant 0 : index
    %get3A_4 = arith.constant 0 : index
    %get3A_5 = vector.load %arg1[%get3A_2, %get3A_3, %get3A_4] : memref<2x10000x128xf32, #tpu.memory_space<vmem>>, vector<1x10000x128xf32>
    %get3A_6 = vector.shape_cast %get3A_5 : vector<1x10000x128xf32> to vector<10000x128xf32>
    %get3A_7 = arith.constant 1 : index
    %get3A_8 = arith.constant 0 : index
    %get3A_9 = arith.constant 0 : index
    %get3A_10 = vector.load %arg1[%get3A_7, %get3A_8, %get3A_9] : memref<2x10000x128xf32, #tpu.memory_space<vmem>>, vector<1x10000x128xf32>
    %get3A_11 = vector.shape_cast %get3A_10 : vector<1x10000x128xf32> to vector<10000x128xf32>
    %add3A = arith.addf %get3A_6, %get3A_11 : vector<10000x128xf32>
    %get3A_12 = arith.constant 0 : index
    %get3A_13 = arith.constant 0 : index
    %get3A_14 = vector.load %arg2[%get3A_12, %get3A_13] : memref<1x1xf32, #tpu.memory_space<vmem>>, vector<1x1xf32>
    %get3A_15 = vector.extract %get3A_14[0, 0] : f32 from vector<1x1xf32>
    %add3A_16 = arith.constant 1.000000e+00 : f32
    %add3A_17 = arith.addf %add3A_16, %get3A_15 : f32
    %mul3A = vector.broadcast %add3A_17 : f32 to vector<10000x128xf32>
    %mul3A_18 = arith.mulf %mul3A, %get3A_1 : vector<10000x128xf32>
    %add3A_19 = arith.addf %mul3A_18, %add3A : vector<10000x128xf32>
    %get3A_20 = arith.constant 0 : index
    %get3A_21 = arith.constant 0 : index
    %get3A_22 = vector.load %arg3[%get3A_20, %get3A_21] : memref<128x128xf32, #tpu.memory_space<vmem>>, vector<128x128xf32>
    %dot_general3A = arith.constant dense<0.000000e+00> : vector<10000x128xf32>
    %dot_general3A_23 = tpu.matmul %add3A_19, %get3A_22, %dot_general3A {dimension_numbers = #tpu.dot_dimension_numbers<[1], [0], [0], [1], [0, 0, 1, 1], [], []>, transpose_lhs_hint = false} : vector<10000x128xf32>, vector<128x128xf32>, vector<10000x128xf32> -> vector<10000x128xf32>
    %get3A_24 = arith.constant 0 : index
    %get3A_25 = arith.constant 0 : index
    %get3A_26 = vector.load %arg4[%get3A_24, %get3A_25] : memref<1x128xf32, #tpu.memory_space<vmem>>, vector<1x128xf32>
    %add3A_27 = vector.broadcast %get3A_26 : vector<1x128xf32> to vector<10000x128xf32>
    %add3A_28 = arith.addf %dot_general3A_23, %add3A_27 : vector<10000x128xf32>
    %max3A = arith.constant 0.000000e+00 : f32
    %max3A_29 = vector.broadcast %max3A : f32 to vector<10000x128xf32>
    %max3A_30 = arith.maximumf %add3A_28, %max3A_29 : vector<10000x128xf32>
    %get3A_31 = arith.constant 0 : index
    %get3A_32 = arith.constant 0 : index
    %get3A_33 = vector.load %arg5[%get3A_31, %get3A_32] : memref<128x128xf32, #tpu.memory_space<vmem>>, vector<128x128xf32>
    %dot_general3A_34 = arith.constant dense<0.000000e+00> : vector<10000x128xf32>
    %dot_general3A_35 = tpu.matmul %max3A_30, %get3A_33, %dot_general3A_34 {dimension_numbers = #tpu.dot_dimension_numbers<[1], [0], [0], [1], [0, 0, 1, 1], [], []>, transpose_lhs_hint = false} : vector<10000x128xf32>, vector<128x128xf32>, vector<10000x128xf32> -> vector<10000x128xf32>
    %get3A_36 = arith.constant 0 : index
    %get3A_37 = arith.constant 0 : index
    %get3A_38 = vector.load %arg6[%get3A_36, %get3A_37] : memref<1x128xf32, #tpu.memory_space<vmem>>, vector<1x128xf32>
    %add3A_39 = vector.broadcast %get3A_38 : vector<1x128xf32> to vector<10000x128xf32>
    %add3A_40 = arith.addf %dot_general3A_35, %add3A_39 : vector<10000x128xf32>
    %max3A_41 = arith.constant 0.000000e+00 : f32
    %max3A_42 = vector.broadcast %max3A_41 : f32 to vector<10000x128xf32>
    %max3A_43 = arith.maximumf %add3A_40, %max3A_42 : vector<10000x128xf32>
    %get3A_44 = arith.constant 0 : index
    %get3A_45 = arith.constant 0 : index
    %get3A_46 = vector.load %arg7[%get3A_44, %get3A_45] : memref<1x128xf32, #tpu.memory_space<vmem>>, vector<1x128xf32>
    %get3A_47 = arith.constant 0 : index
    %get3A_48 = arith.constant 0 : index
    %get3A_49 = vector.load %arg8[%get3A_47, %get3A_48] : memref<1x128xf32, #tpu.memory_space<vmem>>, vector<1x128xf32>
    %reduce_sum3A = arith.constant dense<0.000000e+00> : vector<128xf32>
    %reduce_sum3A_50 = vector.multi_reduction <add>, %max3A_43, %reduce_sum3A [0] : vector<10000x128xf32> to vector<128xf32>
    %div3A = arith.constant 1.000000e+04 : f32
    %div3A_51 = vector.broadcast %div3A : f32 to vector<128xf32>
    %div3A_52 = arith.divf %reduce_sum3A_50, %div3A_51 : vector<128xf32>
    %jit3A = arith.constant 0 : i32
    %reduce_sum3A_53 = arith.constant dense<0.000000e+00> : vector<128xf32>
    %reduce_sum3A_54 = vector.multi_reduction <add>, %max3A_43, %reduce_sum3A_53 [0] : vector<10000x128xf32> to vector<128xf32>
    %broadcast_in_dim3A = vector.shape_cast %reduce_sum3A_54 : vector<128xf32> to vector<1x128xf32>
    %div3A_55 = arith.constant 1.000000e+04 : f32
    %div3A_56 = vector.broadcast %div3A_55 : f32 to vector<1x128xf32>
    %div3A_57 = arith.divf %broadcast_in_dim3A, %div3A_56 : vector<1x128xf32>
    %sub3A = vector.broadcast %div3A_57 : vector<1x128xf32> to vector<10000x128xf32>
    %sub3A_58 = arith.subf %max3A_43, %sub3A : vector<10000x128xf32>
    %square3A = arith.mulf %sub3A_58, %sub3A_58 : vector<10000x128xf32>
    %convert_element_type3A = arith.sitofp %jit3A : i32 to f32
    %sub3A_59 = arith.constant 1.000000e+04 : f32
    %sub3A_60 = arith.subf %sub3A_59, %convert_element_type3A : f32
    %reduce_sum3A_61 = arith.constant dense<0.000000e+00> : vector<128xf32>
    %reduce_sum3A_62 = vector.multi_reduction <add>, %square3A, %reduce_sum3A_61 [0] : vector<10000x128xf32> to vector<128xf32>
    %div3A_63 = vector.broadcast %sub3A_60 : f32 to vector<128xf32>
    %div3A_64 = arith.divf %reduce_sum3A_62, %div3A_63 : vector<128xf32>
    %gt3A = arith.constant 0.000000e+00 : f32
    %gt3A_65 = arith.cmpf ogt, %sub3A_60, %gt3A : f32
    %jit3A_66 = arith.constant 0x7FC00000 : f32
    %broadcast_in_dim3A_67 = vector.broadcast %jit3A_66 : f32 to vector<128xf32>
    %select_n3A = arith.select %gt3A_65, %div3A_64, %broadcast_in_dim3A_67 : vector<128xf32>
    %broadcast_in_dim3A_68 = vector.shape_cast %div3A_52 : vector<128xf32> to vector<1x128xf32>
    %sub3A_69 = vector.broadcast %broadcast_in_dim3A_68 : vector<1x128xf32> to vector<10000x128xf32>
    %sub3A_70 = arith.subf %max3A_43, %sub3A_69 : vector<10000x128xf32>
    %add3A_71 = arith.constant 9.99999974E-6 : f32
    %add3A_72 = vector.broadcast %add3A_71 : f32 to vector<128xf32>
    %add3A_73 = arith.addf %select_n3A, %add3A_72 : vector<128xf32>
    %sqrt3A = math.sqrt %add3A_73 : vector<128xf32>
    %broadcast_in_dim3A_74 = vector.shape_cast %sqrt3A : vector<128xf32> to vector<1x128xf32>
    %div3A_75 = vector.broadcast %broadcast_in_dim3A_74 : vector<1x128xf32> to vector<10000x128xf32>
    %div3A_76 = arith.divf %sub3A_70, %div3A_75 : vector<10000x128xf32>
    %mul3A_77 = vector.broadcast %get3A_46 : vector<1x128xf32> to vector<10000x128xf32>
    %mul3A_78 = arith.mulf %div3A_76, %mul3A_77 : vector<10000x128xf32>
    %add3A_79 = vector.broadcast %get3A_49 : vector<1x128xf32> to vector<10000x128xf32>
    %add3A_80 = arith.addf %mul3A_78, %add3A_79 : vector<10000x128xf32>
    %get3A_81 = arith.constant 0 : index
    %get3A_82 = arith.constant 0 : index
    %get3A_83 = vector.load %arg9[%get3A_81, %get3A_82] : memref<1x128xf32, #tpu.memory_space<vmem>>, vector<1x128xf32>
    %get3A_84 = arith.constant 0 : index
    %get3A_85 = arith.constant 0 : index
    %get3A_86 = vector.load %arg10[%get3A_84, %get3A_85] : memref<1x128xf32, #tpu.memory_space<vmem>>, vector<1x128xf32>
    %reduce_sum3A_87 = arith.constant dense<0.000000e+00> : vector<128xf32>
    %reduce_sum3A_88 = vector.multi_reduction <add>, %add3A_80, %reduce_sum3A_87 [0] : vector<10000x128xf32> to vector<128xf32>
    %div3A_89 = arith.constant 1.000000e+04 : f32
    %div3A_90 = vector.broadcast %div3A_89 : f32 to vector<128xf32>
    %div3A_91 = arith.divf %reduce_sum3A_88, %div3A_90 : vector<128xf32>
    %jit3A_92 = arith.constant 0 : i32
    %reduce_sum3A_93 = arith.constant dense<0.000000e+00> : vector<128xf32>
    %reduce_sum3A_94 = vector.multi_reduction <add>, %add3A_80, %reduce_sum3A_93 [0] : vector<10000x128xf32> to vector<128xf32>
    %broadcast_in_dim3A_95 = vector.shape_cast %reduce_sum3A_94 : vector<128xf32> to vector<1x128xf32>
    %div3A_96 = arith.constant 1.000000e+04 : f32
    %div3A_97 = vector.broadcast %div3A_96 : f32 to vector<1x128xf32>
    %div3A_98 = arith.divf %broadcast_in_dim3A_95, %div3A_97 : vector<1x128xf32>
    %sub3A_99 = vector.broadcast %div3A_98 : vector<1x128xf32> to vector<10000x128xf32>
    %sub3A_100 = arith.subf %add3A_80, %sub3A_99 : vector<10000x128xf32>
    %square3A_101 = arith.mulf %sub3A_100, %sub3A_100 : vector<10000x128xf32>
    %convert_element_type3A_102 = arith.sitofp %jit3A_92 : i32 to f32
    %sub3A_103 = arith.constant 1.000000e+04 : f32
    %sub3A_104 = arith.subf %sub3A_103, %convert_element_type3A_102 : f32
    %reduce_sum3A_105 = arith.constant dense<0.000000e+00> : vector<128xf32>
    %reduce_sum3A_106 = vector.multi_reduction <add>, %square3A_101, %reduce_sum3A_105 [0] : vector<10000x128xf32> to vector<128xf32>
    %div3A_107 = vector.broadcast %sub3A_104 : f32 to vector<128xf32>
    %div3A_108 = arith.divf %reduce_sum3A_106, %div3A_107 : vector<128xf32>
    %gt3A_109 = arith.constant 0.000000e+00 : f32
    %gt3A_110 = arith.cmpf ogt, %sub3A_104, %gt3A_109 : f32
    %jit3A_111 = arith.constant 0x7FC00000 : f32
    %broadcast_in_dim3A_112 = vector.broadcast %jit3A_111 : f32 to vector<128xf32>
    %select_n3A_113 = arith.select %gt3A_110, %div3A_108, %broadcast_in_dim3A_112 : vector<128xf32>
    %broadcast_in_dim3A_114 = vector.shape_cast %div3A_91 : vector<128xf32> to vector<1x128xf32>
    %sub3A_115 = vector.broadcast %broadcast_in_dim3A_114 : vector<1x128xf32> to vector<10000x128xf32>
    %sub3A_116 = arith.subf %add3A_80, %sub3A_115 : vector<10000x128xf32>
    %add3A_117 = arith.constant 9.99999974E-6 : f32
    %add3A_118 = vector.broadcast %add3A_117 : f32 to vector<128xf32>
    %add3A_119 = arith.addf %select_n3A_113, %add3A_118 : vector<128xf32>
    %sqrt3A_120 = math.sqrt %add3A_119 : vector<128xf32>
    %broadcast_in_dim3A_121 = vector.shape_cast %sqrt3A_120 : vector<128xf32> to vector<1x128xf32>
    %div3A_122 = vector.broadcast %broadcast_in_dim3A_121 : vector<1x128xf32> to vector<10000x128xf32>
    %div3A_123 = arith.divf %sub3A_116, %div3A_122 : vector<10000x128xf32>
    %mul3A_124 = vector.broadcast %get3A_83 : vector<1x128xf32> to vector<10000x128xf32>
    %mul3A_125 = arith.mulf %div3A_123, %mul3A_124 : vector<10000x128xf32>
    %add3A_126 = vector.broadcast %get3A_86 : vector<1x128xf32> to vector<10000x128xf32>
    %add3A_127 = arith.addf %mul3A_125, %add3A_126 : vector<10000x128xf32>
    %get3A_128 = arith.constant 0 : index
    %get3A_129 = arith.constant 0 : index
    %get3A_130 = vector.load %arg11[%get3A_128, %get3A_129] : memref<10000x1xi32, #tpu.memory_space<vmem>>, vector<10000x1xi32>
    %iota3A = tpu.iota {dimensions = array<i32: 1>} : vector<10000x128xi32>
    %eq3A = vector.broadcast %get3A_130 : vector<10000x1xi32> to vector<10000x128xi32>
    %eq3A_131 = arith.cmpi eq, %eq3A, %iota3A : vector<10000x128xi32>
    %jit3A_132 = arith.constant 1.000000e+00 : f32
    %jit3A_133 = arith.constant 0.000000e+00 : f32
    %broadcast_in_dim3A_134 = vector.broadcast %jit3A_132 : f32 to vector<10000x128xf32>
    %broadcast_in_dim3A_135 = vector.broadcast %jit3A_133 : f32 to vector<10000x128xf32>
    %select_n3A_136 = arith.select %eq3A_131, %broadcast_in_dim3A_134, %broadcast_in_dim3A_135 : vector<10000x128xi1>, vector<10000x128xf32>
    %dot_general3A_137 = arith.constant dense<0.000000e+00> : vector<128x128xf32>
    %dot_general3A_138 = tpu.matmul %select_n3A_136, %add3A_127, %dot_general3A_137 {dimension_numbers = #tpu.dot_dimension_numbers<[0], [0], [1], [1], [0, 1, 1, 1], [], []>, transpose_lhs_hint = false} : vector<10000x128xf32>, vector<10000x128xf32>, vector<128x128xf32> -> vector<128x128xf32>
    %reduce_sum3A_139 = arith.constant dense<0.000000e+00> : vector<128xf32>
    %reduce_sum3A_140 = vector.multi_reduction <add>, %select_n3A_136, %reduce_sum3A_139 [0] : vector<10000x128xf32> to vector<128xf32>
    %broadcast_in_dim3A_141 = vector.shape_cast %reduce_sum3A_140 : vector<128xf32> to vector<128x1xf32>
    %max3A_142 = arith.constant 1.000000e+00 : f32
    %max3A_143 = vector.broadcast %max3A_142 : f32 to vector<128x1xf32>
    %max3A_144 = arith.maximumf %broadcast_in_dim3A_141, %max3A_143 : vector<128x1xf32>
    %div3A_145 = vector.broadcast %max3A_144 : vector<128x1xf32> to vector<128x128xf32>
    %div3A_146 = arith.divf %dot_general3A_138, %div3A_145 : vector<128x128xf32>
    %get3A_147 = arith.constant 0 : index
    %get3A_148 = arith.constant 0 : index
    %get3A_149 = vector.load %arg12[%get3A_147, %get3A_148] : memref<128x128xf32, #tpu.memory_space<vmem>>, vector<128x128xf32>
    %dot_general3A_150 = arith.constant dense<0.000000e+00> : vector<128x128xf32>
    %dot_general3A_151 = tpu.matmul %div3A_146, %get3A_149, %dot_general3A_150 {dimension_numbers = #tpu.dot_dimension_numbers<[1], [0], [0], [1], [0, 0, 1, 1], [], []>, transpose_lhs_hint = false} : vector<128x128xf32>, vector<128x128xf32>, vector<128x128xf32> -> vector<128x128xf32>
    %get3A_152 = arith.constant 0 : index
    %get3A_153 = arith.constant 0 : index
    %get3A_154 = vector.load %arg13[%get3A_152, %get3A_153] : memref<1x128xf32, #tpu.memory_space<vmem>>, vector<1x128xf32>
    %add3A_155 = vector.broadcast %get3A_154 : vector<1x128xf32> to vector<128x128xf32>
    %add3A_156 = arith.addf %dot_general3A_151, %add3A_155 : vector<128x128xf32>
    %max3A_157 = arith.constant 0.000000e+00 : f32
    %max3A_158 = vector.broadcast %max3A_157 : f32 to vector<128x128xf32>
    %max3A_159 = arith.maximumf %add3A_156, %max3A_158 : vector<128x128xf32>
    %get3A_160 = arith.constant 0 : index
    %get3A_161 = arith.constant 0 : index
    %get3A_162 = vector.load %arg14[%get3A_160, %get3A_161] : memref<128x10xf32, #tpu.memory_space<vmem>>, vector<128x10xf32>
    %dot_general3A_163 = arith.constant dense<0.000000e+00> : vector<128x10xf32>
    %dot_general3A_164 = tpu.matmul %max3A_159, %get3A_162, %dot_general3A_163 {dimension_numbers = #tpu.dot_dimension_numbers<[1], [0], [0], [1], [0, 0, 1, 1], [], []>, transpose_lhs_hint = false} : vector<128x128xf32>, vector<128x10xf32>, vector<128x10xf32> -> vector<128x10xf32>
    %get3A_165 = arith.constant 0 : index
    %get3A_166 = arith.constant 0 : index
    %get3A_167 = vector.load %arg15[%get3A_165, %get3A_166] : memref<1x10xf32, #tpu.memory_space<vmem>>, vector<1x10xf32>
    %add3A_168 = vector.broadcast %get3A_167 : vector<1x10xf32> to vector<128x10xf32>
    %add3A_169 = arith.addf %dot_general3A_164, %add3A_168 : vector<128x10xf32>
    %reduce_max3A = arith.constant dense<0xFF800000> : vector<128xf32>
    %reduce_max3A_170 = vector.multi_reduction <maximumf>, %add3A_169, %reduce_max3A [1] : vector<128x10xf32> to vector<128xf32>
    %broadcast_in_dim3A_171 = vector.shape_cast %reduce_max3A_170 : vector<128xf32> to vector<128x1xf32>
    %sub3A_172 = vector.broadcast %broadcast_in_dim3A_171 : vector<128x1xf32> to vector<128x10xf32>
    %sub3A_173 = arith.subf %add3A_169, %sub3A_172 : vector<128x10xf32>
    %exp3A = math.exp %sub3A_173 : vector<128x10xf32>
    %reduce_sum3A_174 = arith.constant dense<0.000000e+00> : vector<128xf32>
    %reduce_sum3A_175 = vector.multi_reduction <add>, %exp3A, %reduce_sum3A_174 [1] : vector<128x10xf32> to vector<128xf32>
    %broadcast_in_dim3A_176 = vector.shape_cast %reduce_sum3A_175 : vector<128xf32> to vector<128x1xf32>
    %log3A = math.log %broadcast_in_dim3A_176 : vector<128x1xf32>
    %sub3A_177 = vector.broadcast %broadcast_in_dim3A_171 : vector<128x1xf32> to vector<128x10xf32>
    %sub3A_178 = arith.subf %add3A_169, %sub3A_177 : vector<128x10xf32>
    %sub3A_179 = vector.broadcast %log3A : vector<128x1xf32> to vector<128x10xf32>
    %sub3A_180 = arith.subf %sub3A_178, %sub3A_179 : vector<128x10xf32>
    %swap3A = arith.constant 0 : index
    %swap3A_181 = arith.constant 0 : index
    %swap3A_182 = vector.load %arg16[%swap3A, %swap3A_181] : memref<128x10xf32, #tpu.memory_space<vmem>>, vector<128x10xf32>
    tpu.vector_store %arg16[%swap3A, %swap3A_181], %sub3A_180 {strides = array<i32>} : memref<128x10xf32, #tpu.memory_space<vmem>>, vector<128x10xf32>,
    return
  }
}

</mosaic_0001>

<sc_bundles>
// kernel: kernel.11.cloned.1.call-start
scs
__scs_entry_jumppad:
0x0: {  	(pc) =	sbr.rel $0x88, $3  }
0x1: {  	(tag) =	ssettag $0x0;
	lr =	simm.s32 $0x1  }
0x2: {  	[smem:$0x3F7F] =	sst lr;
	_ =	strace $0xD0000000  }
0x3: {  	_ = 	snop  }
0x4: {  	_ = 	snop  }
0x5: {  	_ = 	snop  }
0x6: {  	_ = 	snop  }
0x7: {  	_ = 	snop  }
__scs_overlays_trampoline_lowered:
0x8: {  	[smem:$0x3F8E] =	sst s0  }
0x9: {  	[smem:$0x3F8F] =	sst s1  }
0xa: {  	[smem:$0x3F90] =	sst s2  }
0xb: {  	[smem:$0x3F91] =	sst s3  }
0xc: {  	[smem:$0x3F92] =	sst s4  }
0xd: {  	[smem:$0x3F93] =	sst s5  }
0xe: {  	[smem:$0x3F94] =	sst s6  }
0xf: {  	[smem:$0x3F95] =	sst s7  }
0x10: {  	[smem:$0x3F96] =	sst s8  }
0x11: {  	[smem:$0x3F97] =	sst s9;
	s0 =	simm.s32 @!p0 $0x0  }
0x12: {  	s1 =	sld [smem:$0x3F7D];
	s0 =	simm.s32 @p0 $0x1  }
0x13: {  	[smem:$0x3F98] =	sst s0;
	s0 =	simm.s32 @!p1 $0x0  }
0x14: {  	s2 =	sld [smem:$0x3F7C];
	s0 =	simm.s32 @p1 $0x1  }
0x15: {  	[smem:$0x3F99] =	sst s0;
	s0 =	simm.s32 @!p2 $0x0  }
0x16: {  	s3 =	sld [smem:$0x3FDB];
	s0 =	simm.s32 @p2 $0x1  }
0x17: {  	s4 =	simm.s32 $0x1BF5;
	[smem:$0x3F9B] =	sst s0  }
0x18: {  	s0 =	sld [smem:$0x3F7E];
	_ =	swait.ge [sflag:s4], $0x0  }
0x19: {  	s7 =	sld [smem:$0x3F7F]  }
0x1a: {  	s8 =	sadd.s32 $0xFFFFE003, lr  }
0x1b: {  	s9 =	sadd.s32 $0xFFFFFEF7, lr;
	s5 =	simm.s32 $0xFFFFFFFF;
	p2 =	slt.u32 s8, $0xFFFFF086  }
0x1c: {  	p1 =	slt.u32 s9, $0xF7A;
	s5 =	simm.s32 @!p2 $0x0  }
0x1d: {  	s5 =	simm.s32 @p1 $0x1;
	p0 =	seq.s32 s7, s2  }
0x1e: {  	s7 =	smul.u32 @!p0 $0xF7A, s2;
	p2 =	seq.s32 @!p0 s5, $0x0  }
0x1f: {  	s9 =	smul.u32 $0xF7A, s1;
	s8 =	simm.s32 @!p0 $0x1BF5;
	p2 =	por !p2, p0  }
0x20: {  	[sflag:s8] =	ssyncset.s32 @!p0 $0xFFFFF086;
	s6 =	sadd.s32 @!p0 s3, s7;
	s7 =	simm.s32 @!p0 $0x108  }
0x21: {  	s3 =	sadd.s32 s3, s9;
	s6 =	sadd.s32 @!p0 $0x88, s6;
	s7 =	simm.s32 @p2 $0x1082  }
0x22: {  	[simem:s7], [sflag:s8] =	dma.local @!p0 [hbm:s6], $0xF7A  }
0x23: {  	s9 =	sor.u32 $0xD0000000, s2;
	s6 =	simm.s32 $0x108;
	_ =	swait.ge @!p0 [sflag:s8], $0x0  }
0x24: {  	s3 =	sadd.s32 $0x88, s3;
	s6 =	simm.s32 @!p1 $0x1082;
	[sflag:s4] =	ssyncset.s32 $0xFFFFF086  }
0x25: {  	[simem:s6], [sflag:s4] =	dma.local [hbm:s3], $0xF7A  }
0x26: {  	[smem:$0x3F7F] =	sst s1;
	(tag) =	ssettag s2;
	_ =	strace s9  }
0x27: {  	s1 =	sld [smem:$0x3F8F]  }
0x28: {  	s2 =	sld [smem:$0x3F90]  }
0x29: {  	s4 =	sld [smem:$0x3F92]  }
0x2a: {  	p0 =	seq.s32 s5, $0x0;
	s5 =	sld [smem:$0x3F93]  }
0x2b: {  	s6 =	sld [smem:$0x3F94]  }
0x2c: {  	s7 =	sld [smem:$0x3F95]  }
0x2d: {  	s3 =	simm.s32 $0x108;
	s8 =	sld [smem:$0x3F96]  }
0x2e: {  	s3 =	simm.s32 @!p0 $0x1082;
	s9 =	sld [smem:$0x3F97]  }
0x2f: {  	lr =	sadd.s32 s0, s3;
	s0 =	sld [smem:$0x3F8E]  }
0x30: {  	s3 =	sld [smem:$0x3F91]  }
0x31: {  	[smem:$0x3F9A] =	sst s10  }
0x32: {  	s10 =	sld [smem:$0x3F98];
	_ =	sdelay $0x3  }
0x33: {  	p0 =	seq.s32 s10, $0x1;
	s10 =	sld [smem:$0x3F9A];
	_ =	sdelay $0x3  }
0x34: {  	[smem:$0x3F9A] =	sst s10  }
0x35: {  	s10 =	sld [smem:$0x3F99];
	_ =	sdelay $0x3  }
0x36: {  	p1 =	seq.s32 s10, $0x1;
	s10 =	sld [smem:$0x3F9A];
	_ =	sdelay $0x3  }
0x37: {  	[smem:$0x3F9A] =	sst s10  }
0x38: {  	s10 =	sld [smem:$0x3F9B]  }
0x39: {  	_ = 	snop;
	(pc) =	sbr.ind lr, $3  }
0x3a: {  	_ = 	snop  }
0x3b: {  	_ = 	snop  }
0x3c: {  	p2 =	seq.s32 s10, $0x1;
	s10 =	sld [smem:$0x3F9A]  }
0x3d: {  	_ =	shalt  }
0x3e: {  	_ =	shalt  }
0x3f: {  	_ =	shalt  }
0x40: {  	_ =	shalt  }
0x41: {  	_ =	shalt  }
0x42: {  	_ =	shalt  }
0x43: {  	_ =	shalt  }
0x44: {  	_ =	shalt  }
0x45: {  	_ =	shalt  }
0x46: {  	_ =	shalt  }
0x47: {  	_ =	shalt  }
0x48: {  	_ =	shalt  }
0x49: {  	_ =	shalt  }
0x4a: {  	_ =	shalt  }
0x4b: {  	_ =	shalt  }
0x4c: {  	_ =	shalt  }
0x4d: {  	_ =	shalt  }
0x4e: {  	_ =	shalt  }
0x4f: {  	_ =	shalt  }
0x50: {  	_ =	shalt  }
0x51: {  	_ =	shalt  }
0x52: {  	_ =	shalt  }
0x53: {  	_ =	shalt  }
0x54: {  	_ =	shalt  }
0x55: {  	_ =	shalt  }
0x56: {  	_ =	shalt  }
0x57: {  	_ =	shalt  }
0x58: {  	_ =	shalt  }
0x59: {  	_ =	shalt  }
0x5a: {  	_ =	shalt  }
0x5b: {  	_ =	shalt  }
0x5c: {  	_ =	shalt  }
0x5d: {  	_ =	shalt  }
0x5e: {  	_ =	shalt  }
0x5f: {  	_ =	shalt  }
0x60: {  	_ =	shalt  }
0x61: {  	_ =	shalt  }
0x62: {  	_ =	shalt  }
0x63: {  	_ =	shalt  }
0x64: {  	_ =	shalt  }
0x65: {  	_ =	shalt  }
0x66: {  	_ =	shalt  }
0x67: {  	_ =	shalt  }
0x68: {  	_ =	shalt  }
0x69: {  	_ =	shalt  }
0x6a: {  	_ =	shalt  }
0x6b: {  	_ =	shalt  }
0x6c: {  	_ =	shalt  }
0x6d: {  	_ =	shalt  }
0x6e: {  	_ =	shalt  }
0x6f: {  	_ =	shalt  }
0x70: {  	_ =	shalt  }
0x71: {  	_ =	shalt  }
0x72: {  	_ =	shalt  }
0x73: {  	_ =	shalt  }
0x74: {  	_ =	shalt  }
0x75: {  	_ =	shalt  }
0x76: {  	_ =	shalt  }
0x77: {  	_ =	shalt  }
0x78: {  	_ =	shalt  }
0x79: {  	_ =	shalt  }
0x7a: {  	_ =	shalt  }
0x7b: {  	_ =	shalt  }
0x7c: {  	_ =	shalt  }
0x7d: {  	_ =	shalt  }
0x7e: {  	_ =	shalt  }
0x7f: {  	_ =	shalt  }
0x80: {  	_ =	shalt  }
0x81: {  	_ =	shalt  }
0x82: {  	_ =	shalt  }
0x83: {  	_ =	shalt  }
0x84: {  	_ =	shalt  }
0x85: {  	_ =	shalt  }
0x86: {  	_ =	shalt  }
0x87: {  	_ =	shalt  }
.Lfunc_end0:
.L_simem_size_0:
called_computation.1_lowered:
.L_overlay_start_0:
0x88: {  	s2 =	sld [smem:$0x3FD9]  }
0x89: {  	s3 =	sld [smem:$0x3FFE];
	_ =	sdelay $0x1  }
0x8a: {  	s1 =	srdreg.scid  }
0x8b: {  	s0 =	sand.u32 $0x1, s1  }
0x8c: {  	s16 =	sshll.u32 s0, $0xA;
	s2 =	sadd.s32 s3, s2  }
0x8d: {  	s2 =	sadd.s32 s2, s16  }
0x8e: {  	[smem:$0x3FA6] =	sst s2  }
0x8f: {  	_ = 	snop  }
0x90: {  	(tm) =	ssettm $0x1  }
0x91: {  	s17 =	sld [smem:$0x3FFB];
	_ =	sdelay $0x3  }
0x92: {  	_ =	strace s17  }
0x93: {  	s2 =	sld [smem:$0x3FFC];
	_ =	sdelay $0x3  }
0x94: {  	_ =	strace s2  }
0x95: {  	s2 =	sld [smem:$0x3FFD];
	_ =	sdelay $0x3  }
0x96: {  	_ =	strace s2  }
0x97: {  	_ =	strace $0x8FFFFFFF  }
0x98: {  	s18 =	sld [smem:$0x3FDB];
	_ =	sdelay $0x1  }
0x99: {  	s19 =	simm.s32 $_scs_section_size  }
0x9a: {  	s4 =	simm.s32 $_size__tile_overlayer_lowered;
	s5 =	simm.s32 $_tile_overlayer_lowered  }
0x9b: {  	s22 =	simm.s32 $0x1BFF;
	s21 =	sshll.u32 s5, $0x1;
	s2 =	sadd.s32 s19, s18  }
0x9c: {  	s6 =	simm.s32 $0x0;
	s20 =	sshll.u32 s4, $0x1;
	s4 =	sadd.s32 s21, s2  }
0x9d: {  	[timem:s6], [sflag:s22] =	dma.local [hbm:s4], s20  }
0x9e: {  	_ =	swait.ge [sflag:s22], s20  }
0x9f: {  	s3 =	ssub.s32 $0x0, s20;
	[sflag:s22] =	ssyncset.done $0x0  }
0xa0: {  	[sflag:s22] =	ssyncadd.s32 s3;
	_ =	sdelay $0x1  }
0xa1: {  	s23 =	simm.s32 $0x1B8B  }
0xa2: {  	_ =	swait.ge [sflag:s23], $0x1  }
0xa3: {  	[sflag:s23] =	ssyncset.done $0x0  }
0xa4: {  	s25 =	simm.s32 $0x1B8E;
	s24 =	sld [smem:$0x3FFE];
	[sflag:s23] =	ssyncadd.s32 $0xFFFFFFFF  }
0xa5: {  	s26 =	simm.s32 $execute0_lowered;
	[smem:$0x3FD2] =	sst s25  }
0xa6: {  	s4 =	sshll.u32 s26, $0x1;
	_ =	strace $0x80000049;
	[dreg:$0x1] =	wrdreg $0xFFFFFFFF  }
0xa7: {  	s28 =	simm.s32 $_size_execute0_lowered;
	s2 =	sadd.s32 s2, s4;
	[dreg:$0x0] =	wrdreg $0x0  }
0xa8: {  	s4 =	sshll.u32 s28, $0x1;
	[dreg:$0x2] =	wrdreg s2  }
0xa9: {  	[dreg:$0x3] =	wrdreg s4  }
0xaa: {  	[dreg:$0x4] =	wrdreg $0xC0  }
0xab: {  	_ =	task [dreg:s6], $0x5FFFF  }
0xac: {  	[dreg:$0x1] =	wrdreg $0xFFFFFFFF  }
0xad: {  	[dreg:$0x0] =	wrdreg $0x60  }
0xae: {  	[dreg:$0x2] =	wrdreg s24  }
0xaf: {  	[dreg:$0x3] =	wrdreg $0xC4000  }
0xb0: {  	[dreg:$0x4] =	wrdreg $0x9  }
0xb1: {  	_ =	task.clear_ibuf [dreg:s6], $0x5FFFF;
	_ =	strace $0x90000049  }
0xb2: {  	s29 =	simm.s32 $0x9;
	_ =	strace $0x8000004B  }
0xb3: {  	_ =	swait.ge [sflag:s29], $0x1  }
0xb4: {  	[sflag:s29] =	ssyncadd.s32 $0xFFFFFFFF  }
0xb5: {  	_ =	strace $0x9000004B  }
0xb6: {  	_ =	sfence  }
0xb7: {  	s30 =	sld [smem:$0x0];
	_ =	sdelay $0x2  }
0xb8: {  	s31 =	sshll.u32 s1, $0xD;
	s1 =	sshrl.u32 s1, $0x2  }
0xb9: {  	s3 =	sand.u32 $0x4000, s31;
	s1 =	sadd.s32 s1, s30  }
0xba: {  	s0 =	sor.u32 s3, s0;
	s1 =	sshll.u32 s1, $0x11  }
0xbb: {  	s0 =	sor.u32 s1, s0  }
0xbc: {  	s0 =	sadd.s32 $0x8F2B, s0  }
0xbd: {  	[sflag:s0] =	ssyncadd.remote.s32 $0x1  }
0xbe: {  	_ =	sfence.sel $0xFFFF  }
0xbf: {  	[dreg:$0x0] =	wrdreg $0xFFFFFFFF;
	(pc) =	sbr.abs _section_cstart, $3  }
0xc0: {  	[dreg:$0x1] =	wrdreg $0xFFFFFFFF  }
0xc1: {  	_ =	task.clear_ibuf [dreg:s6], $0x2FFFF;
	_ =	strace $0x9FFFFFFF  }
0xc2: {  	(tm) =	ssettm $0x7FFFFFFF  }
0xc3: {  	_ =	shalt  }
tec
execute0_lowered:
.L_overlay_start_1:
0x0: {  	(tag) =	ssettag $0x1  }
0x1: {  	s0 =	rddreg [dreg:$0x0]  }
0x2: {  	s1 =	rddreg [dreg:$0x1];
	s2 =	simm.s32 $0x0  }
0x3: {  	s14 =	stileid.u32;
	s6 =	srdreg.scid;
	s28 =	simm.s32 $0x300  }
0x4: {  	s29 =	simm.s32 $0x8;
	s30 =	simm.s32 $0x4400;
	s31 =	simm.s32 $0x1  }
0x5: {  	[smem:$0x7FF] =	sst s2;
	s4 =	sadd.s32 $0x40200, s0;
	s10 =	smul.u32 $0x2700, s14  }
0x6: {  	s3 =	sadd.s32 $0xF200, s0;
	s5 =	sadd.s32 $0x5400, s0;
	s24 =	smul.u32 $0x4E000, s14  }
0x7: {  	s6 =	sand.u32 $0x1, s6;
	s7 =	sshll.u32 s14, $0x1;
	s26 =	smul.u32 $0x9C, s14  }
0x8: {  	p0 =	sne.s32 s14, $0xF;
	p1 =	sgt.u32 s14, $0x1;
	_ =	strace $0x8000004A  }
0x9: {  	s8 =	smul.u32 $0x27100, s6;
	s9 =	ssub.s32 $0x2, s6;
	s7 =	sor.u32 s6, s7  }
0xa: {  	s6 =	smul.u32 $0x4E, s6;
	[dreg:$0x9] =	wrdreg s10;
	s10 =	sadd.s32 s10, s0  }
0xb: {  	s11 =	sshrl.u32 s9, $0x1;
	s12 =	smul.u32 $0x4E0, s7;
	s7 =	sshll.u32 s7, $0x4  }
0xc: {  	s8 =	sadd.s32 s8, s0;
	s9 =	ssub.s32 s9, s11;
	s11 =	sshrl.u32 s24, $0x2  }
0xd: {  	s10 =	sadd.s32 $0x19000, s10;
	s6 =	sadd.s32 s6, s26;
	s7 =	sor.u32 $0x9C00, s7  }
0xe: {  	s0 =	sadd.s32 $0x40000, s0;
	s13 =	sadd.s32 s3, s12;
	[dreg:$0xf] =	wrdreg s10  }
0xf: {  	s25 =	sadd.s32 s5, s12;
	s12 =	sor.u32 $0x10, s12;
	[dreg:$0x13] =	wrdreg s0  }
0x10: {  	s11 =	sadd.s32 s11, s1;
	s6 =	sshll.u32 s6, $0x4;
	[dreg:$0xa] =	wrdreg s13  }
0x11: {  	s16 =	sadd.s32 s3, s7;
	s7 =	sadd.s32 s5, s7;
	[dreg:$0xb] =	wrdreg s25  }
0x12: {  	s24 =	sadd.s32 $0x67400, s8;
	s26 =	smax.u32 s9, $0x1;
	[dreg:$0xe] =	wrdreg s11  }
0x13: {  	s0 =	simm.s32 $0xA;
	s8 =	simm.s32 $0xB;
	[dreg:$0x14] =	wrdreg s16  }
0x14: {  	s9 =	simm.s32 $0x5;
	s15 =	sadd.s32 s3, s12;
	[dreg:$0x15] =	wrdreg s7  }
0x15: {  	s12 =	sadd.s32 s5, s12;
	s13 =	sadd.s32 $0x138000, s1;
	[dreg:$0x16] =	wrdreg s24  }
0x16: {  	s19 =	sadd.s32 s6, s3;
	s21 =	sadd.s32 s6, s5;
	[dreg:$0x17] =	wrdreg s26  }
0x17: {  	s24 =	simm.s32 $0x400;
	s26 =	simm.s32 $0x100;
	[dreg:$0xc] =	wrdreg s15  }
0x18: {  	s7 =	simm.s32 $0x2;
	s11 =	simm.s32 $0xC;
	[dreg:$0xd] =	wrdreg s12  }
0x19: {  	s12 =	sshll.u32 s14, $0x6;
	[dreg:$0x12] =	wrdreg s13;
	s15 =	sadd.s32 $0x40, s6  }
0x1a: {  	s20 =	sadd.s32 $0x30, s19;
	s22 =	sadd.s32 $0x30, s21;
	[dreg:$0x10] =	wrdreg s12  }
0x1b: {  	s6 =	sadd.s32 $0x20, s6;
	s21 =	simm.s32 $0x80;
	[dreg:$0x5] =	wrdreg s20  }
0x1c: {  	s10 =	sor.u32 $0x1C0D, s12;
	s17 =	sadd.s32 s15, s3;
	[dreg:$0x6] =	wrdreg s22  }
0x1d: {  	s18 =	sadd.s32 s15, s5;
	s23 =	sadd.s32 s6, s3;
	[dreg:$0x11] =	wrdreg s10  }
0x1e: {  	s25 =	sadd.s32 s6, s5;
	s20 =	simm.s32 $0x200;
	[dreg:$0x3] =	wrdreg s17  }
0x1f: {  	s22 =	simm.s32 $0x280;
	s3 =	simm.s32 $0x4;
	[dreg:$0x4] =	wrdreg s18  }
0x20: {  	s6 =	simm.s32 $0x9;
	s5 =	simm.s32 $0x8400;
	[dreg:$0x7] =	wrdreg s23  }
0x21: {  	s15 =	simm.s32 $0x0;
	[dreg:$0x8] =	wrdreg s25;
	s10 =	simm.s32 $0x3  }
.LBB2_1:
0x22: {  	s12 =	rddreg [dreg:$0xa]  }
0x23: {  	s25 =	rddreg [dreg:$0xb]  }
0x24: {  	s13 =	rddreg [dreg:$0xc]  }
0x25: {  	[tilespmem:s2], [sflag:$0x7] =	stream.linear.gather [hbm4b:s12+s2], $0x80, $0x38;
	[tilespmem:$0x1FC80] =	vst v63  }
0x26: {  	s14 =	rddreg [dreg:$0xd]  }
0x27: {  	[tilespmem:s20], [sflag:$0xA] =	stream.linear.gather [hbm4b:s25+s2], $0x80, $0x38;
	[tilespmem:$0x1FC80] =	vst v63  }
0x28: {  	s16 =	rddreg [dreg:$0xe]  }
0x29: {  	[tilespmem:s21], [sflag:$0x8] =	stream.linear.gather [hbm4b:s13+s2], $0x80, $0x38;
	[tilespmem:$0x1FC80] =	vst v63  }
0x2a: {  	s13 =	rddreg [dreg:$0xf]  }
0x2b: {  	[tilespmem:s22], [sflag:$0xB] =	stream.linear.gather [hbm4b:s14+s2], $0x80, $0x38;
	[tilespmem:$0x1FC80] =	vst v63  }
0x2c: {  	s12 =	sshrl.u32 s16, $0x3;
	s14 =	rddreg [dreg:$0x11]  }
0x2d: {  	[spmem:s12], [sflag:s14] =	dma.local [hbm:s13], $0x2700  }
0x2e: {  	s13 =	rddreg [dreg:$0x12]  }
0x2f: {  	s17 =	simm.s32 @!p0 $0x1FCE;
	s16 =	sshrl.u32 @!p0 s13, $0x3;
	s13 =	rddreg [dreg:$0x13]  }
0x30: {  	[spmem:s16], [sflag:s17] =	dma.local @!p0 [hbm:s13], $0x100  }
0x31: {  	s17 =	simm.s32 @!p0 $0xE  }
0x32: {  	_ =	swait.ge @!p0 [sflag:s17], $0x100  }
0x33: {  	[sflag:s17] =	ssyncset.done @!p0 $0x0  }
0x34: {  	[sflag:s17] =	ssyncadd.s32 @!p0 $0xFFFFFF00;
	s17 =	simm.s32 $0x7  }
0x35: {  	_ =	swait.ge [sflag:s17], $0x80  }
0x36: {  	[sflag:s17] =	ssyncset.done $0x0  }
0x37: {  	s18 =	simm.s32 $0xD;
	[sflag:s17] =	ssyncadd.s32 $0xFFFFFF80  }
0x38: {  	[tilespmem:s24], [sflag:$0x1] =	stream.indirect.gather [hbm4b:s4+s21], $0x80, s2, s21, $0xb8;
	[tilespmem:$0x1FC80] =	vst v63  }
0x39: {  	_ =	swait.ge [sflag:s18], $0x2700  }
0x3a: {  	[sflag:s18] =	ssyncset.done $0x0  }
0x3b: {  	p2 =	por $0x1, $0x1;
	[sflag:s18] =	ssyncadd.s32 $0xFFFFD900  }
0x3c: {  	s17 =	simm.s32 @!p2 $0x6;
	[bflag:$0x0] =	sbarrier.arrive $0xFFFF  }
0x3d: {  	_ =	swait.ge @!p2 [sflag:s17], $0x4000  }
0x3e: {  	s19 =	rddreg [dreg:$0x7];
	[sflag:s17] =	ssyncset.done @!p2 $0x0  }
0x3f: {  	s23 =	rddreg [dreg:$0x8];
	[sflag:s17] =	ssyncadd.s32 @!p2 $0xFFFFC000;
	s19 =	sadd.s32 $0x0, s19  }
0x40: {  	[tilespmem:s26], [sflag:$0x9] =	stream.linear.gather [hbm4b:s19+s2], $0x80, $0x38;
	[tilespmem:$0x1FC80] =	vst v63  }
0x41: {  	s25 =	sadd.s32 $0x0, s23  }
0x42: {  	[tilespmem:s28], [sflag:$0xC] =	stream.linear.gather [hbm4b:s25+s2], $0x80, $0x38;
	[tilespmem:$0x1FC80] =	vst v63  }
0x43: {  	_ =	swait.ge [sflag:s29], $0x80  }
0x44: {  	[sflag:s29] =	ssyncset.done $0x0  }
0x45: {  	[sflag:s29] =	ssyncadd.s32 $0xFFFFFF80  }
0x46: {  	[tilespmem:s30], [sflag:$0x2] =	stream.indirect.gather [hbm4b:s4+s21], $0x80, s21, s21, $0xb8;
	[tilespmem:$0x1FC80] =	vst v63  }
0x47: {  	_ =	swait.ge [sflag:s31], $0x4000  }
0x48: {  	[sflag:s31] =	ssyncset.done $0x0  }
0x49: {  	[sflag:s31] =	ssyncadd.s32 $0xFFFFC000  }
0x4a: {  	_ =	swait.ge [sflag:s0], $0x80  }
0x4b: {  	[sflag:s0] =	ssyncset.done $0x0  }
0x4c: {  	[sflag:s0] =	ssyncadd.s32 $0xFFFFFF80  }
0x4d: {  	[spmem:s1] =	stream.indirect.scatter.add.f32 [tilespmem:s24], [sflag:$0x4], $0x80, s20, s21, $0xb8;
	[tilespmem:$0x1FC80] =	vst v63  }
0x4e: {  	p2 =	por $0x0, $0x0;
	_ =	swait.ge [sflag:s3], $0x4000  }
0x4f: {  	s23 =	simm.s32 @!p2 $0x0;
	s17 =	rddreg [dreg:$0x5];
	[sflag:s3] =	ssyncset.done $0x0  }
0x50: {  	s19 =	rddreg [dreg:$0x6];
	[sflag:s3] =	ssyncadd.s32 $0xFFFFC000;
	s17 =	sadd.s32 @!p2 $0x0, s17  }
0x51: {  	[tilespmem:s23], [sflag:$0x7] =	stream.linear.gather @!p2 [hbm4b:s17+s23], $0x80, $0x38;
	[tilespmem:$0x1FC80] =	vst v63  }
0x52: {  	s17 =	sadd.s32 @!p2 $0x0, s19;
	s19 =	simm.s32 @!p2 $0x200  }
0x53: {  	[tilespmem:s19], [sflag:$0xA] =	stream.linear.gather @!p2 [hbm4b:s17+s23], $0x80, $0x38;
	[tilespmem:$0x1FC80] =	vst v63  }
0x54: {  	_ =	swait.ge [sflag:s6], $0x80  }
0x55: {  	[sflag:s6] =	ssyncset.done $0x0  }
0x56: {  	[sflag:s6] =	ssyncadd.s32 $0xFFFFFF80  }
0x57: {  	[tilespmem:s5], [sflag:$0x3] =	stream.indirect.gather [hbm4b:s4+s21], $0x80, s26, s21, $0xb8;
	[tilespmem:$0x1FC80] =	vst v63  }
0x58: {  	_ =	swait.ge [sflag:s7], $0x4000  }
0x59: {  	[sflag:s7] =	ssyncset.done $0x0  }
0x5a: {  	[sflag:s7] =	ssyncadd.s32 $0xFFFFC000  }
0x5b: {  	_ =	swait.ge [sflag:s8], $0x80  }
0x5c: {  	[sflag:s8] =	ssyncset.done $0x0  }
0x5d: {  	[sflag:s8] =	ssyncadd.s32 $0xFFFFFF80  }
0x5e: {  	[spmem:s1] =	stream.indirect.scatter.add.f32 [tilespmem:s30], [sflag:$0x5], $0x80, s22, s21, $0xb8;
	[tilespmem:$0x1FC80] =	vst v63  }
0x5f: {  	_ =	swait.ge [sflag:s9], $0x4000  }
0x60: {  	s25 =	simm.s32 @!p2 $0x80;
	s17 =	rddreg [dreg:$0x3];
	[sflag:s9] =	ssyncset.done $0x0  }
0x61: {  	s19 =	rddreg [dreg:$0x4];
	[sflag:s9] =	ssyncadd.s32 $0xFFFFC000;
	s17 =	sadd.s32 @!p2 $0x0, s17  }
0x62: {  	[tilespmem:s25], [sflag:$0x8] =	stream.linear.gather @!p2 [hbm4b:s17+s23], $0x80, $0x38;
	[tilespmem:$0x1FC80] =	vst v63  }
0x63: {  	s17 =	sadd.s32 @!p2 $0x0, s19;
	s19 =	simm.s32 @!p2 $0x280  }
0x64: {  	[tilespmem:s19], [sflag:$0xB] =	stream.linear.gather @!p2 [hbm4b:s17+s23], $0x80, $0x38;
	[tilespmem:$0x1FC80] =	vst v63  }
0x65: {  	s17 =	simm.s32 @!p2 $0x7  }
0x66: {  	_ =	swait.ge @!p2 [sflag:s17], $0x80  }
0x67: {  	[sflag:s17] =	ssyncset.done @!p2 $0x0  }
0x68: {  	[sflag:s17] =	ssyncadd.s32 @!p2 $0xFFFFFF80;
	s17 =	simm.s32 @!p2 $0x400  }
0x69: {  	[tilespmem:s17], [sflag:$0x1] =	stream.indirect.gather @!p2 [hbm4b:s4+s25], $0x80, s23, s25, $0xb8;
	[tilespmem:$0x1FC80] =	vst v63  }
0x6a: {  	_ =	swait.ge [sflag:s10], $0x4000  }
0x6b: {  	[sflag:s10] =	ssyncset.done $0x0  }
0x6c: {  	[sflag:s10] =	ssyncadd.s32 $0xFFFFC000  }
0x6d: {  	p3 =	por $0x0, $0x0;
	_ =	swait.ge [sflag:s11], $0x80  }
0x6e: {  	s19 =	simm.s32 $0x60;
	s17 =	simm.s32 $0x30;
	[sflag:s11] =	ssyncset.done $0x0  }
.LBB2_2:
0x6f: {  	s25 =	simm.s32 @!p3 $0x6;
	[sflag:s11] =	ssyncadd.s32 $0xFFFFFF80  }
0x70: {  	[spmem:s1] =	stream.indirect.scatter.add.f32 [tilespmem:s5], [sflag:$0x6], $0x80, s28, s21, $0xb8;
	[tilespmem:$0x1FC80] =	vst v63  }
0x71: {  	_ =	swait.ge @!p3 [sflag:s25], $0x4000  }
0x72: {  	[sflag:s25] =	ssyncset.done @!p3 $0x0;
	s13 =	rddreg [dreg:$0x7]  }
0x73: {  	s18 =	rddreg [dreg:$0x8];
	[sflag:s25] =	ssyncadd.s32 @!p3 $0xFFFFC000;
	s13 =	sadd.s32 s17, s13  }
0x74: {  	[tilespmem:s26], [sflag:$0x9] =	stream.linear.gather [hbm4b:s13+s2], $0x80, $0x38;
	[tilespmem:$0x1FC80] =	vst v63  }
0x75: {  	s25 =	sadd.s32 s17, s18  }
0x76: {  	[tilespmem:s28], [sflag:$0xC] =	stream.linear.gather [hbm4b:s25+s2], $0x80, $0x38;
	[tilespmem:$0x1FC80] =	vst v63  }
0x77: {  	_ =	swait.ge [sflag:s29], $0x80  }
0x78: {  	[sflag:s29] =	ssyncset.done $0x0  }
0x79: {  	[sflag:s29] =	ssyncadd.s32 $0xFFFFFF80  }
0x7a: {  	[tilespmem:s30], [sflag:$0x2] =	stream.indirect.gather [hbm4b:s4+s21], $0x80, s21, s21, $0xb8;
	[tilespmem:$0x1FC80] =	vst v63  }
0x7b: {  	_ =	swait.ge [sflag:s31], $0x4000  }
0x7c: {  	[sflag:s31] =	ssyncset.done $0x0  }
0x7d: {  	[sflag:s31] =	ssyncadd.s32 $0xFFFFC000  }
0x7e: {  	_ =	swait.ge [sflag:s0], $0x80  }
0x7f: {  	[sflag:s0] =	ssyncset.done $0x0  }
0x80: {  	[sflag:s0] =	ssyncadd.s32 $0xFFFFFF80  }
0x81: {  	[spmem:s1] =	stream.indirect.scatter.add.f32 [tilespmem:s24], [sflag:$0x4], $0x80, s20, s21, $0xb8;
	[tilespmem:$0x1FC80] =	vst v63  }
0x82: {  	p3 =	seq.s32 s17, $0x4B0;
	_ =	swait.ge [sflag:s3], $0x4000  }
0x83: {  	s14 =	simm.s32 @!p3 $0x0;
	s13 =	rddreg [dreg:$0x5];
	[sflag:s3] =	ssyncset.done $0x0  }
0x84: {  	s25 =	rddreg [dreg:$0x6];
	[sflag:s3] =	ssyncadd.s32 $0xFFFFC000;
	s13 =	sadd.s32 @!p3 s17, s13  }
0x85: {  	[tilespmem:s14], [sflag:$0x7] =	stream.linear.gather @!p3 [hbm4b:s13+s14], $0x80, $0x38;
	[tilespmem:$0x1FC80] =	vst v63  }
0x86: {  	s13 =	sadd.s32 @!p3 s17, s25;
	s25 =	simm.s32 @!p3 $0x200  }
0x87: {  	[tilespmem:s25], [sflag:$0xA] =	stream.linear.gather @!p3 [hbm4b:s13+s14], $0x80, $0x38;
	[tilespmem:$0x1FC80] =	vst v63  }
0x88: {  	_ =	swait.ge [sflag:s6], $0x80  }
0x89: {  	[sflag:s6] =	ssyncset.done $0x0  }
0x8a: {  	[sflag:s6] =	ssyncadd.s32 $0xFFFFFF80  }
0x8b: {  	[tilespmem:s5], [sflag:$0x3] =	stream.indirect.gather [hbm4b:s4+s21], $0x80, s26, s21, $0xb8;
	[tilespmem:$0x1FC80] =	vst v63  }
0x8c: {  	_ =	swait.ge [sflag:s7], $0x4000  }
0x8d: {  	[sflag:s7] =	ssyncset.done $0x0  }
0x8e: {  	[sflag:s7] =	ssyncadd.s32 $0xFFFFC000  }
0x8f: {  	_ =	swait.ge [sflag:s8], $0x80  }
0x90: {  	[sflag:s8] =	ssyncset.done $0x0  }
0x91: {  	[sflag:s8] =	ssyncadd.s32 $0xFFFFFF80  }
0x92: {  	[spmem:s1] =	stream.indirect.scatter.add.f32 [tilespmem:s30], [sflag:$0x5], $0x80, s22, s21, $0xb8;
	[tilespmem:$0x1FC80] =	vst v63  }
0x93: {  	_ =	swait.ge [sflag:s9], $0x4000  }
0x94: {  	s18 =	simm.s32 @!p3 $0x80;
	s13 =	rddreg [dreg:$0x3];
	[sflag:s9] =	ssyncset.done $0x0  }
0x95: {  	s25 =	rddreg [dreg:$0x4];
	[sflag:s9] =	ssyncadd.s32 $0xFFFFC000;
	s13 =	sadd.s32 @!p3 s17, s13  }
0x96: {  	[tilespmem:s18], [sflag:$0x8] =	stream.linear.gather @!p3 [hbm4b:s13+s14], $0x80, $0x38;
	[tilespmem:$0x1FC80] =	vst v63  }
0x97: {  	s13 =	sadd.s32 @!p3 s17, s25;
	s17 =	simm.s32 @!p3 $0x280;
	s25 =	simm.s32 @!p3 $0x7  }
0x98: {  	[tilespmem:s17], [sflag:$0xB] =	stream.linear.gather @!p3 [hbm4b:s13+s14], $0x80, $0x38;
	[tilespmem:$0x1FC80] =	vst v63  }
0x99: {  	_ =	swait.ge @!p3 [sflag:s25], $0x80  }
0x9a: {  	s23 =	smov.u32 s19;
	s19 =	sadd.s32 $0x30, s19;
	[sflag:s25] =	ssyncset.done @!p3 $0x0  }
0x9b: {  	p2 =	sne.s32 s19, $0x4E0;
	s13 =	simm.s32 @!p3 $0x400;
	[sflag:s25] =	ssyncadd.s32 @!p3 $0xFFFFFF80  }
0x9c: {  	[tilespmem:s13], [sflag:$0x1] =	stream.indirect.gather @!p3 [hbm4b:s4+s18], $0x80, s14, s18, $0xb8;
	[tilespmem:$0x1FC80] =	vst v63  }
.Ltmp0:
0x9d: {  	_ =	swait.ge [sflag:s10], $0x4000;
	(pc) =	sbr.rel @p2 .LBB2_2-.Ltmp0, $4  }
0x9e: {  	[sflag:s10] =	ssyncset.done $0x0  }
0x9f: {  	[sflag:s10] =	ssyncadd.s32 $0xFFFFC000  }
0xa0: {  	s17 =	smov.u32 s23;
	_ =	swait.ge [sflag:s11], $0x80  }
0xa1: {  	p3 =	seq.s32 s17, $0x0;
	[sflag:s11] =	ssyncset.done $0x0  }
0xa2: {  	s13 =	simm.s32 @!p3 $0x6;
	[sflag:s11] =	ssyncadd.s32 $0xFFFFFF80  }
0xa3: {  	[spmem:s1] =	stream.indirect.scatter.add.f32 [tilespmem:s5], [sflag:$0x6], $0x80, s28, s21, $0xb8;
	[tilespmem:$0x1FC80] =	vst v63  }
0xa4: {  	_ =	swait.ge @!p3 [sflag:s13], $0x4000  }
0xa5: {  	s14 =	rddreg [dreg:$0x7];
	[sflag:s13] =	ssyncset.done @!p3 $0x0  }
0xa6: {  	s18 =	rddreg [dreg:$0x8];
	[sflag:s13] =	ssyncadd.s32 @!p3 $0xFFFFC000;
	s25 =	sadd.s32 s17, s14  }
0xa7: {  	[tilespmem:s26], [sflag:$0x9] =	stream.linear.gather [hbm4b:s25+s2], $0x80, $0x38;
	[tilespmem:$0x1FC80] =	vst v63  }
0xa8: {  	s14 =	sadd.s32 s17, s18  }
0xa9: {  	[tilespmem:s28], [sflag:$0xC] =	stream.linear.gather [hbm4b:s14+s2], $0x80, $0x38;
	[tilespmem:$0x1FC80] =	vst v63  }
0xaa: {  	_ =	swait.ge [sflag:s29], $0x80  }
0xab: {  	[sflag:s29] =	ssyncset.done $0x0  }
0xac: {  	[sflag:s29] =	ssyncadd.s32 $0xFFFFFF80  }
0xad: {  	[tilespmem:s30], [sflag:$0x2] =	stream.indirect.gather [hbm4b:s4+s21], $0x80, s21, s21, $0xb8;
	[tilespmem:$0x1FC80] =	vst v63  }
0xae: {  	_ =	swait.ge [sflag:s31], $0x4000  }
0xaf: {  	[sflag:s31] =	ssyncset.done $0x0  }
0xb0: {  	[sflag:s31] =	ssyncadd.s32 $0xFFFFC000  }
0xb1: {  	_ =	swait.ge [sflag:s0], $0x80  }
0xb2: {  	[sflag:s0] =	ssyncset.done $0x0  }
0xb3: {  	[sflag:s0] =	ssyncadd.s32 $0xFFFFFF80  }
0xb4: {  	[spmem:s1] =	stream.indirect.scatter.add.f32 [tilespmem:s24], [sflag:$0x4], $0x80, s20, s21, $0xb8;
	[tilespmem:$0x1FC80] =	vst v63  }
0xb5: {  	p2 =	seq.s32 s17, $0x4B0;
	_ =	swait.ge [sflag:s3], $0x4000  }
0xb6: {  	s18 =	simm.s32 @!p2 $0x0;
	s13 =	rddreg [dreg:$0x5];
	[sflag:s3] =	ssyncset.done $0x0  }
0xb7: {  	s14 =	rddreg [dreg:$0x6];
	[sflag:s3] =	ssyncadd.s32 $0xFFFFC000;
	s13 =	sadd.s32 @!p2 s17, s13  }
0xb8: {  	[tilespmem:s18], [sflag:$0x7] =	stream.linear.gather @!p2 [hbm4b:s13+s18], $0x80, $0x38;
	[tilespmem:$0x1FC80] =	vst v63  }
0xb9: {  	s13 =	sadd.s32 @!p2 s17, s14;
	s14 =	simm.s32 @!p2 $0x200  }
0xba: {  	[tilespmem:s14], [sflag:$0xA] =	stream.linear.gather @!p2 [hbm4b:s13+s18], $0x80, $0x38;
	[tilespmem:$0x1FC80] =	vst v63  }
0xbb: {  	_ =	swait.ge [sflag:s6], $0x80  }
0xbc: {  	[sflag:s6] =	ssyncset.done $0x0  }
0xbd: {  	[sflag:s6] =	ssyncadd.s32 $0xFFFFFF80  }
0xbe: {  	[tilespmem:s5], [sflag:$0x3] =	stream.indirect.gather [hbm4b:s4+s21], $0x80, s26, s21, $0xb8;
	[tilespmem:$0x1FC80] =	vst v63  }
0xbf: {  	_ =	swait.ge [sflag:s7], $0x4000  }
0xc0: {  	[sflag:s7] =	ssyncset.done $0x0  }
0xc1: {  	[sflag:s7] =	ssyncadd.s32 $0xFFFFC000  }
0xc2: {  	_ =	swait.ge [sflag:s8], $0x80  }
0xc3: {  	[sflag:s8] =	ssyncset.done $0x0  }
0xc4: {  	[sflag:s8] =	ssyncadd.s32 $0xFFFFFF80  }
0xc5: {  	[spmem:s1] =	stream.indirect.scatter.add.f32 [tilespmem:s30], [sflag:$0x5], $0x80, s22, s21, $0xb8;
	[tilespmem:$0x1FC80] =	vst v63  }
0xc6: {  	_ =	swait.ge [sflag:s9], $0x4000  }
0xc7: {  	s19 =	simm.s32 @!p2 $0x80;
	s13 =	rddreg [dreg:$0x3];
	[sflag:s9] =	ssyncset.done $0x0  }
0xc8: {  	s14 =	rddreg [dreg:$0x4];
	[sflag:s9] =	ssyncadd.s32 $0xFFFFC000;
	s13 =	sadd.s32 @!p2 s17, s13  }
0xc9: {  	[tilespmem:s19], [sflag:$0x8] =	stream.linear.gather @!p2 [hbm4b:s13+s18], $0x80, $0x38;
	[tilespmem:$0x1FC80] =	vst v63  }
0xca: {  	s13 =	sadd.s32 @!p2 s17, s14;
	s14 =	simm.s32 @!p2 $0x280;
	s17 =	simm.s32 @!p2 $0x7  }
0xcb: {  	[tilespmem:s14], [sflag:$0xB] =	stream.linear.gather @!p2 [hbm4b:s13+s18], $0x80, $0x38;
	[tilespmem:$0x1FC80] =	vst v63  }
0xcc: {  	_ =	swait.ge @!p2 [sflag:s17], $0x80  }
0xcd: {  	[sflag:s17] =	ssyncset.done @!p2 $0x0  }
0xce: {  	s13 =	simm.s32 @!p2 $0x400;
	[sflag:s17] =	ssyncadd.s32 @!p2 $0xFFFFFF80  }
0xcf: {  	[tilespmem:s13], [sflag:$0x1] =	stream.indirect.gather @!p2 [hbm4b:s4+s19], $0x80, s18, s19, $0xb8;
	[tilespmem:$0x1FC80] =	vst v63  }
0xd0: {  	_ =	swait.ge [sflag:s10], $0x4000  }
0xd1: {  	[sflag:s10] =	ssyncset.done $0x0  }
0xd2: {  	[sflag:s10] =	ssyncadd.s32 $0xFFFFC000  }
0xd3: {  	_ =	swait.ge [sflag:s11], $0x80  }
0xd4: {  	[sflag:s11] =	ssyncset.done $0x0  }
0xd5: {  	s17 =	simm.s32 $0x6;
	[sflag:s11] =	ssyncadd.s32 $0xFFFFFF80  }
0xd6: {  	[spmem:s1] =	stream.indirect.scatter.add.f32 [tilespmem:s5], [sflag:$0x6], $0x80, s28, s21, $0xb8;
	[tilespmem:$0x1FC80] =	vst v63  }
0xd7: {  	_ =	swait.ge [sflag:s17], $0x4000  }
0xd8: {  	[sflag:s17] =	ssyncset.done $0x0  }
0xd9: {  	s13 =	simm.s32 @!p1 $0x0;
	s14 =	rddreg [dreg:$0x14];
	[sflag:s17] =	ssyncadd.s32 $0xFFFFC000  }
0xda: {  	[tilespmem:s13], [sflag:$0xE] =	stream.linear.gather @!p1 [hbm4b:s14+s13], $0x80, $0x38;
	[tilespmem:$0x1FC80] =	vst v63  }
0xdb: {  	s14 =	simm.s32 @!p1 $0xE  }
0xdc: {  	_ =	swait.ge @!p1 [sflag:s14], $0x80  }
0xdd: {  	[sflag:s14] =	ssyncset.done @!p1 $0x0  }
0xde: {  	s17 =	simm.s32 @!p1 $0x200;
	s18 =	rddreg [dreg:$0x15];
	[sflag:s14] =	ssyncadd.s32 @!p1 $0xFFFFFF80  }
0xdf: {  	[tilespmem:s17], [sflag:$0xE] =	stream.linear.gather @!p1 [hbm4b:s18+s13], $0x80, $0x38;
	[tilespmem:$0x1FC80] =	vst v63  }
0xe0: {  	_ =	swait.ge @!p1 [sflag:s14], $0x80  }
0xe1: {  	[sflag:s14] =	ssyncset.done @!p1 $0x0  }
0xe2: {  	s19 =	simm.s32 @!p1 $0x400;
	s18 =	simm.s32 @!p1 $0x80;
	[sflag:s14] =	ssyncadd.s32 @!p1 $0xFFFFFF80  }
0xe3: {  	[tilespmem:s19], [sflag:$0x1] =	stream.indirect.gather @!p1 [hbm4b:s4+s18], $0x80, s13, s18, $0xb8;
	[tilespmem:$0x1FC80] =	vst v63  }
0xe4: {  	s13 =	simm.s32 @!p1 $0x1  }
0xe5: {  	_ =	swait.ge @!p1 [sflag:s13], $0x4000  }
0xe6: {  	[sflag:s13] =	ssyncset.done @!p1 $0x0  }
0xe7: {  	[sflag:s13] =	ssyncadd.s32 @!p1 $0xFFFFC000  }
0xe8: {  	[spmem:s1] =	stream.indirect.scatter.add.f32 @!p1 [tilespmem:s19], [sflag:$0xE], $0x80, s17, s18, $0xb8;
	[tilespmem:$0x1FC80] =	vst v63  }
0xe9: {  	_ =	swait.ge @!p1 [sflag:s14], $0x4000  }
0xea: {  	[sflag:s14] =	ssyncset.done @!p1 $0x0  }
0xeb: {  	[sflag:s14] =	ssyncadd.s32 @!p1 $0xFFFFC000  }
0xec: {  	[bflag:$0x0] =	sbarrier.arrive $0xFFFF  }
0xed: {  	s18 =	rddreg [dreg:$0x9]  }
0xee: {  	s17 =	rddreg [dreg:$0x16]  }
0xef: {  	s19 =	rddreg [dreg:$0x10]  }
0xf0: {  	s23 =	simm.s32 $0xE;
	s13 =	sadd.s32 s18, s17;
	s14 =	sor.u32 $0x1C0E, s19  }
0xf1: {  	[hbm:s13], [sflag:s14] =	dma.local [spmem:s12], $0x2700  }
0xf2: {  	_ =	swait.ge [sflag:s23], $0x2700  }
0xf3: {  	[sflag:s23] =	ssyncset.done $0x0  }
0xf4: {  	s12 =	sadd.s32 @!p0 $0x27000, s17;
	[sflag:s23] =	ssyncadd.s32 $0xFFFFD900  }
0xf5: {  	[hbm:s12], [sflag:s14] =	dma.local @!p0 [spmem:s16], $0x100  }
0xf6: {  	s12 =	simm.s32 @!p0 $0xE  }
0xf7: {  	_ =	swait.ge @!p0 [sflag:s12], $0x100  }
0xf8: {  	s15 =	sadd.s32 $0x1, s15;
	s25 =	rddreg [dreg:$0x17]  }
0xf9: {  	p2 =	sne.s32 s15, s25  }
.Ltmp1:
0xfa: {  	_ = 	snop;
	(pc) =	sbr.rel @p2 .LBB2_1-.Ltmp1, $3  }
0xfb: {  	_ =	sdelay $0x1  }
0xfc: {  	[sflag:s12] =	ssyncset.done @!p0 $0x0  }
0xfd: {  	[sflag:s12] =	ssyncadd.s32 @!p0 $0xFFFFFF00  }
0xfe: {  	_ =	sfence.sel $0x180000  }
0xff: {  	[bflag:$0x0] =	sbarrier.arrive $0xFFFF  }
0x100: {  	_ =	strace $0x9000004A  }
0x101: {  	s0 =	stileid.u32;
	[bflag:$0x2] =	sbarrier.arrive $0xFFFF  }
0x102: {  	p0 =	sne.s32 s0, $0x0;
	s0 =	rddreg [dreg:$0x2]  }
0x103: {  	s0 =	sadd.s32 @!p0 $0x100000, s0  }
0x104: {  	[sflag:s0] =	ssyncadd.tile.s32 @!p0 $0x1;
	_ =	shalt  }
.Lfunc_end2:
_tile_overlayer_lowered:
.L_overlay_start_2:
0x105: {  	(tag) =	ssettag $0x2  }
0x106: {  	s0 =	rddreg [dreg:$0x0];
	s2 =	stileid.u32  }
0x107: {  	s1 =	rddreg [dreg:$0x1];
	p0 =	sne.s32 s2, $0x0  }
0x108: {  	s3 =	rddreg [dreg:$0x2];
	[bflag:$0x3] =	sbarrier.arrive $0xFFFF;
	s2 =	simm.s32 @!p0 $0x1C0E  }
0x109: {  	[timem:s3], [sflag:s2] =	dma.local @!p0 [hbm:s0], s1  }
0x10a: {  	s0 =	simm.s32 @!p0 $0xE  }
0x10b: {  	_ =	swait.ge @!p0 [sflag:s0], s1  }
0x10c: {  	s1 =	ssub.s32 @!p0 $0x0, s1;
	[sflag:s0] =	ssyncset.done @!p0 $0x0  }
0x10d: {  	[sflag:s0] =	ssyncadd.s32 @!p0 s1  }
0x10e: {  	[bflag:$0x3] =	sbarrier.arrive $0xFFFF  }
0x10f: {  	_ =	shalt  }

// kernel: kernel.14.cloned.1.call-start
scs
__scs_entry_jumppad:
0x0: {  	(pc) =	sbr.rel $0x88, $3  }
0x1: {  	(tag) =	ssettag $0x0;
	lr =	simm.s32 $0x1  }
0x2: {  	[smem:$0x3F7F] =	sst lr;
	_ =	strace $0xD0000000  }
0x3: {  	_ = 	snop  }
0x4: {  	_ = 	snop  }
0x5: {  	_ = 	snop  }
0x6: {  	_ = 	snop  }
0x7: {  	_ = 	snop  }
__scs_overlays_trampoline_lowered:
0x8: {  	[smem:$0x3F8E] =	sst s0  }
0x9: {  	[smem:$0x3F8F] =	sst s1  }
0xa: {  	[smem:$0x3F90] =	sst s2  }
0xb: {  	[smem:$0x3F91] =	sst s3  }
0xc: {  	[smem:$0x3F92] =	sst s4  }
0xd: {  	[smem:$0x3F93] =	sst s5  }
0xe: {  	[smem:$0x3F94] =	sst s6  }
0xf: {  	[smem:$0x3F95] =	sst s7  }
0x10: {  	[smem:$0x3F96] =	sst s8  }
0x11: {  	[smem:$0x3F97] =	sst s9;
	s0 =	simm.s32 @!p0 $0x0  }
0x12: {  	s1 =	sld [smem:$0x3F7D];
	s0 =	simm.s32 @p0 $0x1  }
0x13: {  	[smem:$0x3F98] =	sst s0;
	s0 =	simm.s32 @!p1 $0x0  }
0x14: {  	s2 =	sld [smem:$0x3F7C];
	s0 =	simm.s32 @p1 $0x1  }
0x15: {  	[smem:$0x3F99] =	sst s0;
	s0 =	simm.s32 @!p2 $0x0  }
0x16: {  	s3 =	sld [smem:$0x3FDB];
	s0 =	simm.s32 @p2 $0x1  }
0x17: {  	s4 =	simm.s32 $0x1BF5;
	[smem:$0x3F9B] =	sst s0  }
0x18: {  	s0 =	sld [smem:$0x3F7E];
	_ =	swait.ge [sflag:s4], $0x0  }
0x19: {  	s7 =	sld [smem:$0x3F7F]  }
0x1a: {  	s8 =	sadd.s32 $0xFFFFE003, lr  }
0x1b: {  	s9 =	sadd.s32 $0xFFFFFEF7, lr;
	s5 =	simm.s32 $0xFFFFFFFF;
	p2 =	slt.u32 s8, $0xFFFFF086  }
0x1c: {  	p1 =	slt.u32 s9, $0xF7A;
	s5 =	simm.s32 @!p2 $0x0  }
0x1d: {  	s5 =	simm.s32 @p1 $0x1;
	p0 =	seq.s32 s7, s2  }
0x1e: {  	s7 =	smul.u32 @!p0 $0xF7A, s2;
	p2 =	seq.s32 @!p0 s5, $0x0  }
0x1f: {  	s9 =	smul.u32 $0xF7A, s1;
	s8 =	simm.s32 @!p0 $0x1BF5;
	p2 =	por !p2, p0  }
0x20: {  	[sflag:s8] =	ssyncset.s32 @!p0 $0xFFFFF086;
	s6 =	sadd.s32 @!p0 s3, s7;
	s7 =	simm.s32 @!p0 $0x108  }
0x21: {  	s3 =	sadd.s32 s3, s9;
	s6 =	sadd.s32 @!p0 $0x88, s6;
	s7 =	simm.s32 @p2 $0x1082  }
0x22: {  	[simem:s7], [sflag:s8] =	dma.local @!p0 [hbm:s6], $0xF7A  }
0x23: {  	s9 =	sor.u32 $0xD0000000, s2;
	s6 =	simm.s32 $0x108;
	_ =	swait.ge @!p0 [sflag:s8], $0x0  }
0x24: {  	s3 =	sadd.s32 $0x88, s3;
	s6 =	simm.s32 @!p1 $0x1082;
	[sflag:s4] =	ssyncset.s32 $0xFFFFF086  }
0x25: {  	[simem:s6], [sflag:s4] =	dma.local [hbm:s3], $0xF7A  }
0x26: {  	[smem:$0x3F7F] =	sst s1;
	(tag) =	ssettag s2;
	_ =	strace s9  }
0x27: {  	s1 =	sld [smem:$0x3F8F]  }
0x28: {  	s2 =	sld [smem:$0x3F90]  }
0x29: {  	s4 =	sld [smem:$0x3F92]  }
0x2a: {  	p0 =	seq.s32 s5, $0x0;
	s5 =	sld [smem:$0x3F93]  }
0x2b: {  	s6 =	sld [smem:$0x3F94]  }
0x2c: {  	s7 =	sld [smem:$0x3F95]  }
0x2d: {  	s3 =	simm.s32 $0x108;
	s8 =	sld [smem:$0x3F96]  }
0x2e: {  	s3 =	simm.s32 @!p0 $0x1082;
	s9 =	sld [smem:$0x3F97]  }
0x2f: {  	lr =	sadd.s32 s0, s3;
	s0 =	sld [smem:$0x3F8E]  }
0x30: {  	s3 =	sld [smem:$0x3F91]  }
0x31: {  	[smem:$0x3F9A] =	sst s10  }
0x32: {  	s10 =	sld [smem:$0x3F98];
	_ =	sdelay $0x3  }
0x33: {  	p0 =	seq.s32 s10, $0x1;
	s10 =	sld [smem:$0x3F9A];
	_ =	sdelay $0x3  }
0x34: {  	[smem:$0x3F9A] =	sst s10  }
0x35: {  	s10 =	sld [smem:$0x3F99];
	_ =	sdelay $0x3  }
0x36: {  	p1 =	seq.s32 s10, $0x1;
	s10 =	sld [smem:$0x3F9A];
	_ =	sdelay $0x3  }
0x37: {  	[smem:$0x3F9A] =	sst s10  }
0x38: {  	s10 =	sld [smem:$0x3F9B]  }
0x39: {  	_ = 	snop;
	(pc) =	sbr.ind lr, $3  }
0x3a: {  	_ = 	snop  }
0x3b: {  	_ = 	snop  }
0x3c: {  	p2 =	seq.s32 s10, $0x1;
	s10 =	sld [smem:$0x3F9A]  }
0x3d: {  	_ =	shalt  }
0x3e: {  	_ =	shalt  }
0x3f: {  	_ =	shalt  }
0x40: {  	_ =	shalt  }
0x41: {  	_ =	shalt  }
0x42: {  	_ =	shalt  }
0x43: {  	_ =	shalt  }
0x44: {  	_ =	shalt  }
0x45: {  	_ =	shalt  }
0x46: {  	_ =	shalt  }
0x47: {  	_ =	shalt  }
0x48: {  	_ =	shalt  }
0x49: {  	_ =	shalt  }
0x4a: {  	_ =	shalt  }
0x4b: {  	_ =	shalt  }
0x4c: {  	_ =	shalt  }
0x4d: {  	_ =	shalt  }
0x4e: {  	_ =	shalt  }
0x4f: {  	_ =	shalt  }
0x50: {  	_ =	shalt  }
0x51: {  	_ =	shalt  }
0x52: {  	_ =	shalt  }
0x53: {  	_ =	shalt  }
0x54: {  	_ =	shalt  }
0x55: {  	_ =	shalt  }
0x56: {  	_ =	shalt  }
0x57: {  	_ =	shalt  }
0x58: {  	_ =	shalt  }
0x59: {  	_ =	shalt  }
0x5a: {  	_ =	shalt  }
0x5b: {  	_ =	shalt  }
0x5c: {  	_ =	shalt  }
0x5d: {  	_ =	shalt  }
0x5e: {  	_ =	shalt  }
0x5f: {  	_ =	shalt  }
0x60: {  	_ =	shalt  }
0x61: {  	_ =	shalt  }
0x62: {  	_ =	shalt  }
0x63: {  	_ =	shalt  }
0x64: {  	_ =	shalt  }
0x65: {  	_ =	shalt  }
0x66: {  	_ =	shalt  }
0x67: {  	_ =	shalt  }
0x68: {  	_ =	shalt  }
0x69: {  	_ =	shalt  }
0x6a: {  	_ =	shalt  }
0x6b: {  	_ =	shalt  }
0x6c: {  	_ =	shalt  }
0x6d: {  	_ =	shalt  }
0x6e: {  	_ =	shalt  }
0x6f: {  	_ =	shalt  }
0x70: {  	_ =	shalt  }
0x71: {  	_ =	shalt  }
0x72: {  	_ =	shalt  }
0x73: {  	_ =	shalt  }
0x74: {  	_ =	shalt  }
0x75: {  	_ =	shalt  }
0x76: {  	_ =	shalt  }
0x77: {  	_ =	shalt  }
0x78: {  	_ =	shalt  }
0x79: {  	_ =	shalt  }
0x7a: {  	_ =	shalt  }
0x7b: {  	_ =	shalt  }
0x7c: {  	_ =	shalt  }
0x7d: {  	_ =	shalt  }
0x7e: {  	_ =	shalt  }
0x7f: {  	_ =	shalt  }
0x80: {  	_ =	shalt  }
0x81: {  	_ =	shalt  }
0x82: {  	_ =	shalt  }
0x83: {  	_ =	shalt  }
0x84: {  	_ =	shalt  }
0x85: {  	_ =	shalt  }
0x86: {  	_ =	shalt  }
0x87: {  	_ =	shalt  }
.Lfunc_end0:
.L_simem_size_0:
called_computation.2_lowered:
.L_overlay_start_0:
0x88: {  	s2 =	sld [smem:$0x3FD9]  }
0x89: {  	s3 =	sld [smem:$0x3FFE];
	_ =	sdelay $0x1  }
0x8a: {  	s1 =	srdreg.scid  }
0x8b: {  	s0 =	sand.u32 $0x1, s1  }
0x8c: {  	s16 =	sshll.u32 s0, $0xA;
	s2 =	sadd.s32 s3, s2  }
0x8d: {  	s2 =	sadd.s32 s2, s16  }
0x8e: {  	[smem:$0x3FA6] =	sst s2  }
0x8f: {  	_ = 	snop  }
0x90: {  	(tm) =	ssettm $0x1  }
0x91: {  	s17 =	sld [smem:$0x3FFB];
	_ =	sdelay $0x3  }
0x92: {  	_ =	strace s17  }
0x93: {  	s2 =	sld [smem:$0x3FFC];
	_ =	sdelay $0x3  }
0x94: {  	_ =	strace s2  }
0x95: {  	s2 =	sld [smem:$0x3FFD];
	_ =	sdelay $0x3  }
0x96: {  	_ =	strace s2  }
0x97: {  	_ =	strace $0x8FFFFFFF  }
0x98: {  	s18 =	sld [smem:$0x3FDB];
	_ =	sdelay $0x1  }
0x99: {  	s19 =	simm.s32 $_scs_section_size  }
0x9a: {  	s4 =	simm.s32 $_size__tile_overlayer_lowered;
	s5 =	simm.s32 $_tile_overlayer_lowered  }
0x9b: {  	s22 =	simm.s32 $0x1BFF;
	s21 =	sshll.u32 s5, $0x1;
	s2 =	sadd.s32 s19, s18  }
0x9c: {  	s6 =	simm.s32 $0x0;
	s20 =	sshll.u32 s4, $0x1;
	s4 =	sadd.s32 s21, s2  }
0x9d: {  	[timem:s6], [sflag:s22] =	dma.local [hbm:s4], s20  }
0x9e: {  	_ =	swait.ge [sflag:s22], s20  }
0x9f: {  	s3 =	ssub.s32 $0x0, s20;
	[sflag:s22] =	ssyncset.done $0x0  }
0xa0: {  	[sflag:s22] =	ssyncadd.s32 s3;
	_ =	sdelay $0x1  }
0xa1: {  	s23 =	simm.s32 $0x1B8B  }
0xa2: {  	_ =	swait.ge [sflag:s23], $0x1  }
0xa3: {  	[sflag:s23] =	ssyncset.done $0x0  }
0xa4: {  	s25 =	simm.s32 $0x1B8E;
	s24 =	sld [smem:$0x3FFE];
	[sflag:s23] =	ssyncadd.s32 $0xFFFFFFFF  }
0xa5: {  	s26 =	simm.s32 $execute0_lowered;
	[smem:$0x3FD2] =	sst s25  }
0xa6: {  	s4 =	sshll.u32 s26, $0x1;
	_ =	strace $0x8000004C;
	[dreg:$0x1] =	wrdreg $0xFFFFFFFF  }
0xa7: {  	s28 =	simm.s32 $_size_execute0_lowered;
	s2 =	sadd.s32 s2, s4;
	[dreg:$0x0] =	wrdreg $0x0  }
0xa8: {  	s4 =	sshll.u32 s28, $0x1;
	[dreg:$0x2] =	wrdreg s2  }
0xa9: {  	[dreg:$0x3] =	wrdreg s4  }
0xaa: {  	[dreg:$0x4] =	wrdreg $0xC0  }
0xab: {  	_ =	task [dreg:s6], $0x5FFFF  }
0xac: {  	[dreg:$0x1] =	wrdreg $0xFFFFFFFF  }
0xad: {  	[dreg:$0x0] =	wrdreg $0x60  }
0xae: {  	[dreg:$0x2] =	wrdreg s24  }
0xaf: {  	[dreg:$0x3] =	wrdreg $0xC4000  }
0xb0: {  	[dreg:$0x4] =	wrdreg $0x9  }
0xb1: {  	_ =	task.clear_ibuf [dreg:s6], $0x5FFFF;
	_ =	strace $0x9000004C  }
0xb2: {  	s29 =	simm.s32 $0x9;
	_ =	strace $0x8000004E  }
0xb3: {  	_ =	swait.ge [sflag:s29], $0x1  }
0xb4: {  	[sflag:s29] =	ssyncadd.s32 $0xFFFFFFFF  }
0xb5: {  	_ =	strace $0x9000004E  }
0xb6: {  	_ =	sfence  }
0xb7: {  	s30 =	sld [smem:$0x0];
	_ =	sdelay $0x2  }
0xb8: {  	s31 =	sshll.u32 s1, $0xD;
	s1 =	sshrl.u32 s1, $0x2  }
0xb9: {  	s3 =	sand.u32 $0x4000, s31;
	s1 =	sadd.s32 s1, s30  }
0xba: {  	s0 =	sor.u32 s3, s0;
	s1 =	sshll.u32 s1, $0x11  }
0xbb: {  	s0 =	sor.u32 s1, s0  }
0xbc: {  	s0 =	sadd.s32 $0x8F2B, s0  }
0xbd: {  	[sflag:s0] =	ssyncadd.remote.s32 $0x1  }
0xbe: {  	_ =	sfence.sel $0xFFFF  }
0xbf: {  	[dreg:$0x0] =	wrdreg $0xFFFFFFFF;
	(pc) =	sbr.abs _section_cstart, $3  }
0xc0: {  	[dreg:$0x1] =	wrdreg $0xFFFFFFFF  }
0xc1: {  	_ =	task.clear_ibuf [dreg:s6], $0x2FFFF;
	_ =	strace $0x9FFFFFFF  }
0xc2: {  	(tm) =	ssettm $0x7FFFFFFF  }
0xc3: {  	_ =	shalt  }
tec
execute0_lowered:
.L_overlay_start_1:
0x0: {  	(tag) =	ssettag $0x1  }
0x1: {  	s0 =	rddreg [dreg:$0x0]  }
0x2: {  	s1 =	rddreg [dreg:$0x1];
	s2 =	simm.s32 $0x0  }
0x3: {  	s14 =	stileid.u32;
	s6 =	srdreg.scid;
	s28 =	simm.s32 $0x300  }
0x4: {  	s29 =	simm.s32 $0x8;
	s30 =	simm.s32 $0x4400;
	s31 =	simm.s32 $0x1  }
0x5: {  	[smem:$0x7FF] =	sst s2;
	s4 =	sadd.s32 $0x40200, s0;
	s10 =	smul.u32 $0x2700, s14  }
0x6: {  	s3 =	sadd.s32 $0xF200, s0;
	s5 =	sadd.s32 $0x5400, s0;
	s24 =	smul.u32 $0x4E000, s14  }
0x7: {  	s6 =	sand.u32 $0x1, s6;
	s7 =	sshll.u32 s14, $0x1;
	s26 =	smul.u32 $0x9C, s14  }
0x8: {  	p0 =	sne.s32 s14, $0xF;
	p1 =	sgt.u32 s14, $0x1;
	_ =	strace $0x8000004D  }
0x9: {  	s8 =	smul.u32 $0x27100, s6;
	s9 =	ssub.s32 $0x2, s6;
	s7 =	sor.u32 s6, s7  }
0xa: {  	s6 =	smul.u32 $0x4E, s6;
	[dreg:$0x9] =	wrdreg s10;
	s10 =	sadd.s32 s10, s0  }
0xb: {  	s11 =	sshrl.u32 s9, $0x1;
	s12 =	smul.u32 $0x4E0, s7;
	s7 =	sshll.u32 s7, $0x4  }
0xc: {  	s8 =	sadd.s32 s8, s0;
	s9 =	ssub.s32 s9, s11;
	s11 =	sshrl.u32 s24, $0x2  }
0xd: {  	s10 =	sadd.s32 $0x19000, s10;
	s6 =	sadd.s32 s6, s26;
	s7 =	sor.u32 $0x9C00, s7  }
0xe: {  	s0 =	sadd.s32 $0x40000, s0;
	s13 =	sadd.s32 s3, s12;
	[dreg:$0xf] =	wrdreg s10  }
0xf: {  	s25 =	sadd.s32 s5, s12;
	s12 =	sor.u32 $0x10, s12;
	[dreg:$0x13] =	wrdreg s0  }
0x10: {  	s11 =	sadd.s32 s11, s1;
	s6 =	sshll.u32 s6, $0x4;
	[dreg:$0xa] =	wrdreg s13  }
0x11: {  	s16 =	sadd.s32 s3, s7;
	s7 =	sadd.s32 s5, s7;
	[dreg:$0xb] =	wrdreg s25  }
0x12: {  	s24 =	sadd.s32 $0x67400, s8;
	s26 =	smax.u32 s9, $0x1;
	[dreg:$0xe] =	wrdreg s11  }
0x13: {  	s0 =	simm.s32 $0xA;
	s8 =	simm.s32 $0xB;
	[dreg:$0x14] =	wrdreg s16  }
0x14: {  	s9 =	simm.s32 $0x5;
	s15 =	sadd.s32 s3, s12;
	[dreg:$0x15] =	wrdreg s7  }
0x15: {  	s12 =	sadd.s32 s5, s12;
	s13 =	sadd.s32 $0x138000, s1;
	[dreg:$0x16] =	wrdreg s24  }
0x16: {  	s19 =	sadd.s32 s6, s3;
	s21 =	sadd.s32 s6, s5;
	[dreg:$0x17] =	wrdreg s26  }
0x17: {  	s24 =	simm.s32 $0x400;
	s26 =	simm.s32 $0x100;
	[dreg:$0xc] =	wrdreg s15  }
0x18: {  	s7 =	simm.s32 $0x2;
	s11 =	simm.s32 $0xC;
	[dreg:$0xd] =	wrdreg s12  }
0x19: {  	s12 =	sshll.u32 s14, $0x6;
	[dreg:$0x12] =	wrdreg s13;
	s15 =	sadd.s32 $0x40, s6  }
0x1a: {  	s20 =	sadd.s32 $0x30, s19;
	s22 =	sadd.s32 $0x30, s21;
	[dreg:$0x10] =	wrdreg s12  }
0x1b: {  	s6 =	sadd.s32 $0x20, s6;
	s21 =	simm.s32 $0x80;
	[dreg:$0x5] =	wrdreg s20  }
0x1c: {  	s10 =	sor.u32 $0x1C0D, s12;
	s17 =	sadd.s32 s15, s3;
	[dreg:$0x6] =	wrdreg s22  }
0x1d: {  	s18 =	sadd.s32 s15, s5;
	s23 =	sadd.s32 s6, s3;
	[dreg:$0x11] =	wrdreg s10  }
0x1e: {  	s25 =	sadd.s32 s6, s5;
	s20 =	simm.s32 $0x200;
	[dreg:$0x3] =	wrdreg s17  }
0x1f: {  	s22 =	simm.s32 $0x280;
	s3 =	simm.s32 $0x4;
	[dreg:$0x4] =	wrdreg s18  }
0x20: {  	s6 =	simm.s32 $0x9;
	s5 =	simm.s32 $0x8400;
	[dreg:$0x7] =	wrdreg s23  }
0x21: {  	s15 =	simm.s32 $0x0;
	[dreg:$0x8] =	wrdreg s25;
	s10 =	simm.s32 $0x3  }
.LBB2_1:
0x22: {  	s12 =	rddreg [dreg:$0xa]  }
0x23: {  	s25 =	rddreg [dreg:$0xb]  }
0x24: {  	s13 =	rddreg [dreg:$0xc]  }
0x25: {  	[tilespmem:s2], [sflag:$0x7] =	stream.linear.gather [hbm4b:s12+s2], $0x80, $0x38;
	[tilespmem:$0x1FC80] =	vst v63  }
0x26: {  	s14 =	rddreg [dreg:$0xd]  }
0x27: {  	[tilespmem:s20], [sflag:$0xA] =	stream.linear.gather [hbm4b:s25+s2], $0x80, $0x38;
	[tilespmem:$0x1FC80] =	vst v63  }
0x28: {  	s16 =	rddreg [dreg:$0xe]  }
0x29: {  	[tilespmem:s21], [sflag:$0x8] =	stream.linear.gather [hbm4b:s13+s2], $0x80, $0x38;
	[tilespmem:$0x1FC80] =	vst v63  }
0x2a: {  	s13 =	rddreg [dreg:$0xf]  }
0x2b: {  	[tilespmem:s22], [sflag:$0xB] =	stream.linear.gather [hbm4b:s14+s2], $0x80, $0x38;
	[tilespmem:$0x1FC80] =	vst v63  }
0x2c: {  	s12 =	sshrl.u32 s16, $0x3;
	s14 =	rddreg [dreg:$0x11]  }
0x2d: {  	[spmem:s12], [sflag:s14] =	dma.local [hbm:s13], $0x2700  }
0x2e: {  	s13 =	rddreg [dreg:$0x12]  }
0x2f: {  	s17 =	simm.s32 @!p0 $0x1FCE;
	s16 =	sshrl.u32 @!p0 s13, $0x3;
	s13 =	rddreg [dreg:$0x13]  }
0x30: {  	[spmem:s16], [sflag:s17] =	dma.local @!p0 [hbm:s13], $0x100  }
0x31: {  	s17 =	simm.s32 @!p0 $0xE  }
0x32: {  	_ =	swait.ge @!p0 [sflag:s17], $0x100  }
0x33: {  	[sflag:s17] =	ssyncset.done @!p0 $0x0  }
0x34: {  	[sflag:s17] =	ssyncadd.s32 @!p0 $0xFFFFFF00;
	s17 =	simm.s32 $0x7  }
0x35: {  	_ =	swait.ge [sflag:s17], $0x80  }
0x36: {  	[sflag:s17] =	ssyncset.done $0x0  }
0x37: {  	s18 =	simm.s32 $0xD;
	[sflag:s17] =	ssyncadd.s32 $0xFFFFFF80  }
0x38: {  	[tilespmem:s24], [sflag:$0x1] =	stream.indirect.gather [hbm4b:s4+s21], $0x80, s2, s21, $0xb8;
	[tilespmem:$0x1FC80] =	vst v63  }
0x39: {  	_ =	swait.ge [sflag:s18], $0x2700  }
0x3a: {  	[sflag:s18] =	ssyncset.done $0x0  }
0x3b: {  	p2 =	por $0x1, $0x1;
	[sflag:s18] =	ssyncadd.s32 $0xFFFFD900  }
0x3c: {  	s17 =	simm.s32 @!p2 $0x6;
	[bflag:$0x0] =	sbarrier.arrive $0xFFFF  }
0x3d: {  	_ =	swait.ge @!p2 [sflag:s17], $0x4000  }
0x3e: {  	s19 =	rddreg [dreg:$0x7];
	[sflag:s17] =	ssyncset.done @!p2 $0x0  }
0x3f: {  	s23 =	rddreg [dreg:$0x8];
	[sflag:s17] =	ssyncadd.s32 @!p2 $0xFFFFC000;
	s19 =	sadd.s32 $0x0, s19  }
0x40: {  	[tilespmem:s26], [sflag:$0x9] =	stream.linear.gather [hbm4b:s19+s2], $0x80, $0x38;
	[tilespmem:$0x1FC80] =	vst v63  }
0x41: {  	s25 =	sadd.s32 $0x0, s23  }
0x42: {  	[tilespmem:s28], [sflag:$0xC] =	stream.linear.gather [hbm4b:s25+s2], $0x80, $0x38;
	[tilespmem:$0x1FC80] =	vst v63  }
0x43: {  	_ =	swait.ge [sflag:s29], $0x80  }
0x44: {  	[sflag:s29] =	ssyncset.done $0x0  }
0x45: {  	[sflag:s29] =	ssyncadd.s32 $0xFFFFFF80  }
0x46: {  	[tilespmem:s30], [sflag:$0x2] =	stream.indirect.gather [hbm4b:s4+s21], $0x80, s21, s21, $0xb8;
	[tilespmem:$0x1FC80] =	vst v63  }
0x47: {  	_ =	swait.ge [sflag:s31], $0x4000  }
0x48: {  	[sflag:s31] =	ssyncset.done $0x0  }
0x49: {  	[sflag:s31] =	ssyncadd.s32 $0xFFFFC000  }
0x4a: {  	_ =	swait.ge [sflag:s0], $0x80  }
0x4b: {  	[sflag:s0] =	ssyncset.done $0x0  }
0x4c: {  	[sflag:s0] =	ssyncadd.s32 $0xFFFFFF80  }
0x4d: {  	[spmem:s1] =	stream.indirect.scatter.add.f32 [tilespmem:s24], [sflag:$0x4], $0x80, s20, s21, $0xb8;
	[tilespmem:$0x1FC80] =	vst v63  }
0x4e: {  	p2 =	por $0x0, $0x0;
	_ =	swait.ge [sflag:s3], $0x4000  }
0x4f: {  	s23 =	simm.s32 @!p2 $0x0;
	s17 =	rddreg [dreg:$0x5];
	[sflag:s3] =	ssyncset.done $0x0  }
0x50: {  	s19 =	rddreg [dreg:$0x6];
	[sflag:s3] =	ssyncadd.s32 $0xFFFFC000;
	s17 =	sadd.s32 @!p2 $0x0, s17  }
0x51: {  	[tilespmem:s23], [sflag:$0x7] =	stream.linear.gather @!p2 [hbm4b:s17+s23], $0x80, $0x38;
	[tilespmem:$0x1FC80] =	vst v63  }
0x52: {  	s17 =	sadd.s32 @!p2 $0x0, s19;
	s19 =	simm.s32 @!p2 $0x200  }
0x53: {  	[tilespmem:s19], [sflag:$0xA] =	stream.linear.gather @!p2 [hbm4b:s17+s23], $0x80, $0x38;
	[tilespmem:$0x1FC80] =	vst v63  }
0x54: {  	_ =	swait.ge [sflag:s6], $0x80  }
0x55: {  	[sflag:s6] =	ssyncset.done $0x0  }
0x56: {  	[sflag:s6] =	ssyncadd.s32 $0xFFFFFF80  }
0x57: {  	[tilespmem:s5], [sflag:$0x3] =	stream.indirect.gather [hbm4b:s4+s21], $0x80, s26, s21, $0xb8;
	[tilespmem:$0x1FC80] =	vst v63  }
0x58: {  	_ =	swait.ge [sflag:s7], $0x4000  }
0x59: {  	[sflag:s7] =	ssyncset.done $0x0  }
0x5a: {  	[sflag:s7] =	ssyncadd.s32 $0xFFFFC000  }
0x5b: {  	_ =	swait.ge [sflag:s8], $0x80  }
0x5c: {  	[sflag:s8] =	ssyncset.done $0x0  }
0x5d: {  	[sflag:s8] =	ssyncadd.s32 $0xFFFFFF80  }
0x5e: {  	[spmem:s1] =	stream.indirect.scatter.add.f32 [tilespmem:s30], [sflag:$0x5], $0x80, s22, s21, $0xb8;
	[tilespmem:$0x1FC80] =	vst v63  }
0x5f: {  	_ =	swait.ge [sflag:s9], $0x4000  }
0x60: {  	s25 =	simm.s32 @!p2 $0x80;
	s17 =	rddreg [dreg:$0x3];
	[sflag:s9] =	ssyncset.done $0x0  }
0x61: {  	s19 =	rddreg [dreg:$0x4];
	[sflag:s9] =	ssyncadd.s32 $0xFFFFC000;
	s17 =	sadd.s32 @!p2 $0x0, s17  }
0x62: {  	[tilespmem:s25], [sflag:$0x8] =	stream.linear.gather @!p2 [hbm4b:s17+s23], $0x80, $0x38;
	[tilespmem:$0x1FC80] =	vst v63  }
0x63: {  	s17 =	sadd.s32 @!p2 $0x0, s19;
	s19 =	simm.s32 @!p2 $0x280  }
0x64: {  	[tilespmem:s19], [sflag:$0xB] =	stream.linear.gather @!p2 [hbm4b:s17+s23], $0x80, $0x38;
	[tilespmem:$0x1FC80] =	vst v63  }
0x65: {  	s17 =	simm.s32 @!p2 $0x7  }
0x66: {  	_ =	swait.ge @!p2 [sflag:s17], $0x80  }
0x67: {  	[sflag:s17] =	ssyncset.done @!p2 $0x0  }
0x68: {  	[sflag:s17] =	ssyncadd.s32 @!p2 $0xFFFFFF80;
	s17 =	simm.s32 @!p2 $0x400  }
0x69: {  	[tilespmem:s17], [sflag:$0x1] =	stream.indirect.gather @!p2 [hbm4b:s4+s25], $0x80, s23, s25, $0xb8;
	[tilespmem:$0x1FC80] =	vst v63  }
0x6a: {  	_ =	swait.ge [sflag:s10], $0x4000  }
0x6b: {  	[sflag:s10] =	ssyncset.done $0x0  }
0x6c: {  	[sflag:s10] =	ssyncadd.s32 $0xFFFFC000  }
0x6d: {  	p3 =	por $0x0, $0x0;
	_ =	swait.ge [sflag:s11], $0x80  }
0x6e: {  	s19 =	simm.s32 $0x60;
	s17 =	simm.s32 $0x30;
	[sflag:s11] =	ssyncset.done $0x0  }
.LBB2_2:
0x6f: {  	s25 =	simm.s32 @!p3 $0x6;
	[sflag:s11] =	ssyncadd.s32 $0xFFFFFF80  }
0x70: {  	[spmem:s1] =	stream.indirect.scatter.add.f32 [tilespmem:s5], [sflag:$0x6], $0x80, s28, s21, $0xb8;
	[tilespmem:$0x1FC80] =	vst v63  }
0x71: {  	_ =	swait.ge @!p3 [sflag:s25], $0x4000  }
0x72: {  	[sflag:s25] =	ssyncset.done @!p3 $0x0;
	s13 =	rddreg [dreg:$0x7]  }
0x73: {  	s18 =	rddreg [dreg:$0x8];
	[sflag:s25] =	ssyncadd.s32 @!p3 $0xFFFFC000;
	s13 =	sadd.s32 s17, s13  }
0x74: {  	[tilespmem:s26], [sflag:$0x9] =	stream.linear.gather [hbm4b:s13+s2], $0x80, $0x38;
	[tilespmem:$0x1FC80] =	vst v63  }
0x75: {  	s25 =	sadd.s32 s17, s18  }
0x76: {  	[tilespmem:s28], [sflag:$0xC] =	stream.linear.gather [hbm4b:s25+s2], $0x80, $0x38;
	[tilespmem:$0x1FC80] =	vst v63  }
0x77: {  	_ =	swait.ge [sflag:s29], $0x80  }
0x78: {  	[sflag:s29] =	ssyncset.done $0x0  }
0x79: {  	[sflag:s29] =	ssyncadd.s32 $0xFFFFFF80  }
0x7a: {  	[tilespmem:s30], [sflag:$0x2] =	stream.indirect.gather [hbm4b:s4+s21], $0x80, s21, s21, $0xb8;
	[tilespmem:$0x1FC80] =	vst v63  }
0x7b: {  	_ =	swait.ge [sflag:s31], $0x4000  }
0x7c: {  	[sflag:s31] =	ssyncset.done $0x0  }
0x7d: {  	[sflag:s31] =	ssyncadd.s32 $0xFFFFC000  }
0x7e: {  	_ =	swait.ge [sflag:s0], $0x80  }
0x7f: {  	[sflag:s0] =	ssyncset.done $0x0  }
0x80: {  	[sflag:s0] =	ssyncadd.s32 $0xFFFFFF80  }
0x81: {  	[spmem:s1] =	stream.indirect.scatter.add.f32 [tilespmem:s24], [sflag:$0x4], $0x80, s20, s21, $0xb8;
	[tilespmem:$0x1FC80] =	vst v63  }
0x82: {  	p3 =	seq.s32 s17, $0x4B0;
	_ =	swait.ge [sflag:s3], $0x4000  }
0x83: {  	s14 =	simm.s32 @!p3 $0x0;
	s13 =	rddreg [dreg:$0x5];
	[sflag:s3] =	ssyncset.done $0x0  }
0x84: {  	s25 =	rddreg [dreg:$0x6];
	[sflag:s3] =	ssyncadd.s32 $0xFFFFC000;
	s13 =	sadd.s32 @!p3 s17, s13  }
0x85: {  	[tilespmem:s14], [sflag:$0x7] =	stream.linear.gather @!p3 [hbm4b:s13+s14], $0x80, $0x38;
	[tilespmem:$0x1FC80] =	vst v63  }
0x86: {  	s13 =	sadd.s32 @!p3 s17, s25;
	s25 =	simm.s32 @!p3 $0x200  }
0x87: {  	[tilespmem:s25], [sflag:$0xA] =	stream.linear.gather @!p3 [hbm4b:s13+s14], $0x80, $0x38;
	[tilespmem:$0x1FC80] =	vst v63  }
0x88: {  	_ =	swait.ge [sflag:s6], $0x80  }
0x89: {  	[sflag:s6] =	ssyncset.done $0x0  }
0x8a: {  	[sflag:s6] =	ssyncadd.s32 $0xFFFFFF80  }
0x8b: {  	[tilespmem:s5], [sflag:$0x3] =	stream.indirect.gather [hbm4b:s4+s21], $0x80, s26, s21, $0xb8;
	[tilespmem:$0x1FC80] =	vst v63  }
0x8c: {  	_ =	swait.ge [sflag:s7], $0x4000  }
0x8d: {  	[sflag:s7] =	ssyncset.done $0x0  }
0x8e: {  	[sflag:s7] =	ssyncadd.s32 $0xFFFFC000  }
0x8f: {  	_ =	swait.ge [sflag:s8], $0x80  }
0x90: {  	[sflag:s8] =	ssyncset.done $0x0  }
0x91: {  	[sflag:s8] =	ssyncadd.s32 $0xFFFFFF80  }
0x92: {  	[spmem:s1] =	stream.indirect.scatter.add.f32 [tilespmem:s30], [sflag:$0x5], $0x80, s22, s21, $0xb8;
	[tilespmem:$0x1FC80] =	vst v63  }
0x93: {  	_ =	swait.ge [sflag:s9], $0x4000  }
0x94: {  	s18 =	simm.s32 @!p3 $0x80;
	s13 =	rddreg [dreg:$0x3];
	[sflag:s9] =	ssyncset.done $0x0  }
0x95: {  	s25 =	rddreg [dreg:$0x4];
	[sflag:s9] =	ssyncadd.s32 $0xFFFFC000;
	s13 =	sadd.s32 @!p3 s17, s13  }
0x96: {  	[tilespmem:s18], [sflag:$0x8] =	stream.linear.gather @!p3 [hbm4b:s13+s14], $0x80, $0x38;
	[tilespmem:$0x1FC80] =	vst v63  }
0x97: {  	s13 =	sadd.s32 @!p3 s17, s25;
	s17 =	simm.s32 @!p3 $0x280;
	s25 =	simm.s32 @!p3 $0x7  }
0x98: {  	[tilespmem:s17], [sflag:$0xB] =	stream.linear.gather @!p3 [hbm4b:s13+s14], $0x80, $0x38;
	[tilespmem:$0x1FC80] =	vst v63  }
0x99: {  	_ =	swait.ge @!p3 [sflag:s25], $0x80  }
0x9a: {  	s23 =	smov.u32 s19;
	s19 =	sadd.s32 $0x30, s19;
	[sflag:s25] =	ssyncset.done @!p3 $0x0  }
0x9b: {  	p2 =	sne.s32 s19, $0x4E0;
	s13 =	simm.s32 @!p3 $0x400;
	[sflag:s25] =	ssyncadd.s32 @!p3 $0xFFFFFF80  }
0x9c: {  	[tilespmem:s13], [sflag:$0x1] =	stream.indirect.gather @!p3 [hbm4b:s4+s18], $0x80, s14, s18, $0xb8;
	[tilespmem:$0x1FC80] =	vst v63  }
.Ltmp0:
0x9d: {  	_ =	swait.ge [sflag:s10], $0x4000;
	(pc) =	sbr.rel @p2 .LBB2_2-.Ltmp0, $4  }
0x9e: {  	[sflag:s10] =	ssyncset.done $0x0  }
0x9f: {  	[sflag:s10] =	ssyncadd.s32 $0xFFFFC000  }
0xa0: {  	s17 =	smov.u32 s23;
	_ =	swait.ge [sflag:s11], $0x80  }
0xa1: {  	p3 =	seq.s32 s17, $0x0;
	[sflag:s11] =	ssyncset.done $0x0  }
0xa2: {  	s13 =	simm.s32 @!p3 $0x6;
	[sflag:s11] =	ssyncadd.s32 $0xFFFFFF80  }
0xa3: {  	[spmem:s1] =	stream.indirect.scatter.add.f32 [tilespmem:s5], [sflag:$0x6], $0x80, s28, s21, $0xb8;
	[tilespmem:$0x1FC80] =	vst v63  }
0xa4: {  	_ =	swait.ge @!p3 [sflag:s13], $0x4000  }
0xa5: {  	s14 =	rddreg [dreg:$0x7];
	[sflag:s13] =	ssyncset.done @!p3 $0x0  }
0xa6: {  	s18 =	rddreg [dreg:$0x8];
	[sflag:s13] =	ssyncadd.s32 @!p3 $0xFFFFC000;
	s25 =	sadd.s32 s17, s14  }
0xa7: {  	[tilespmem:s26], [sflag:$0x9] =	stream.linear.gather [hbm4b:s25+s2], $0x80, $0x38;
	[tilespmem:$0x1FC80] =	vst v63  }
0xa8: {  	s14 =	sadd.s32 s17, s18  }
0xa9: {  	[tilespmem:s28], [sflag:$0xC] =	stream.linear.gather [hbm4b:s14+s2], $0x80, $0x38;
	[tilespmem:$0x1FC80] =	vst v63  }
0xaa: {  	_ =	swait.ge [sflag:s29], $0x80  }
0xab: {  	[sflag:s29] =	ssyncset.done $0x0  }
0xac: {  	[sflag:s29] =	ssyncadd.s32 $0xFFFFFF80  }
0xad: {  	[tilespmem:s30], [sflag:$0x2] =	stream.indirect.gather [hbm4b:s4+s21], $0x80, s21, s21, $0xb8;
	[tilespmem:$0x1FC80] =	vst v63  }
0xae: {  	_ =	swait.ge [sflag:s31], $0x4000  }
0xaf: {  	[sflag:s31] =	ssyncset.done $0x0  }
0xb0: {  	[sflag:s31] =	ssyncadd.s32 $0xFFFFC000  }
0xb1: {  	_ =	swait.ge [sflag:s0], $0x80  }
0xb2: {  	[sflag:s0] =	ssyncset.done $0x0  }
0xb3: {  	[sflag:s0] =	ssyncadd.s32 $0xFFFFFF80  }
0xb4: {  	[spmem:s1] =	stream.indirect.scatter.add.f32 [tilespmem:s24], [sflag:$0x4], $0x80, s20, s21, $0xb8;
	[tilespmem:$0x1FC80] =	vst v63  }
0xb5: {  	p2 =	seq.s32 s17, $0x4B0;
	_ =	swait.ge [sflag:s3], $0x4000  }
0xb6: {  	s18 =	simm.s32 @!p2 $0x0;
	s13 =	rddreg [dreg:$0x5];
	[sflag:s3] =	ssyncset.done $0x0  }
0xb7: {  	s14 =	rddreg [dreg:$0x6];
	[sflag:s3] =	ssyncadd.s32 $0xFFFFC000;
	s13 =	sadd.s32 @!p2 s17, s13  }
0xb8: {  	[tilespmem:s18], [sflag:$0x7] =	stream.linear.gather @!p2 [hbm4b:s13+s18], $0x80, $0x38;
	[tilespmem:$0x1FC80] =	vst v63  }
0xb9: {  	s13 =	sadd.s32 @!p2 s17, s14;
	s14 =	simm.s32 @!p2 $0x200  }
0xba: {  	[tilespmem:s14], [sflag:$0xA] =	stream.linear.gather @!p2 [hbm4b:s13+s18], $0x80, $0x38;
	[tilespmem:$0x1FC80] =	vst v63  }
0xbb: {  	_ =	swait.ge [sflag:s6], $0x80  }
0xbc: {  	[sflag:s6] =	ssyncset.done $0x0  }
0xbd: {  	[sflag:s6] =	ssyncadd.s32 $0xFFFFFF80  }
0xbe: {  	[tilespmem:s5], [sflag:$0x3] =	stream.indirect.gather [hbm4b:s4+s21], $0x80, s26, s21, $0xb8;
	[tilespmem:$0x1FC80] =	vst v63  }
0xbf: {  	_ =	swait.ge [sflag:s7], $0x4000  }
0xc0: {  	[sflag:s7] =	ssyncset.done $0x0  }
0xc1: {  	[sflag:s7] =	ssyncadd.s32 $0xFFFFC000  }
0xc2: {  	_ =	swait.ge [sflag:s8], $0x80  }
0xc3: {  	[sflag:s8] =	ssyncset.done $0x0  }
0xc4: {  	[sflag:s8] =	ssyncadd.s32 $0xFFFFFF80  }
0xc5: {  	[spmem:s1] =	stream.indirect.scatter.add.f32 [tilespmem:s30], [sflag:$0x5], $0x80, s22, s21, $0xb8;
	[tilespmem:$0x1FC80] =	vst v63  }
0xc6: {  	_ =	swait.ge [sflag:s9], $0x4000  }
0xc7: {  	s19 =	simm.s32 @!p2 $0x80;
	s13 =	rddreg [dreg:$0x3];
	[sflag:s9] =	ssyncset.done $0x0  }
0xc8: {  	s14 =	rddreg [dreg:$0x4];
	[sflag:s9] =	ssyncadd.s32 $0xFFFFC000;
	s13 =	sadd.s32 @!p2 s17, s13  }
0xc9: {  	[tilespmem:s19], [sflag:$0x8] =	stream.linear.gather @!p2 [hbm4b:s13+s18], $0x80, $0x38;
	[tilespmem:$0x1FC80] =	vst v63  }
0xca: {  	s13 =	sadd.s32 @!p2 s17, s14;
	s14 =	simm.s32 @!p2 $0x280;
	s17 =	simm.s32 @!p2 $0x7  }
0xcb: {  	[tilespmem:s14], [sflag:$0xB] =	stream.linear.gather @!p2 [hbm4b:s13+s18], $0x80, $0x38;
	[tilespmem:$0x1FC80] =	vst v63  }
0xcc: {  	_ =	swait.ge @!p2 [sflag:s17], $0x80  }
0xcd: {  	[sflag:s17] =	ssyncset.done @!p2 $0x0  }
0xce: {  	s13 =	simm.s32 @!p2 $0x400;
	[sflag:s17] =	ssyncadd.s32 @!p2 $0xFFFFFF80  }
0xcf: {  	[tilespmem:s13], [sflag:$0x1] =	stream.indirect.gather @!p2 [hbm4b:s4+s19], $0x80, s18, s19, $0xb8;
	[tilespmem:$0x1FC80] =	vst v63  }
0xd0: {  	_ =	swait.ge [sflag:s10], $0x4000  }
0xd1: {  	[sflag:s10] =	ssyncset.done $0x0  }
0xd2: {  	[sflag:s10] =	ssyncadd.s32 $0xFFFFC000  }
0xd3: {  	_ =	swait.ge [sflag:s11], $0x80  }
0xd4: {  	[sflag:s11] =	ssyncset.done $0x0  }
0xd5: {  	s17 =	simm.s32 $0x6;
	[sflag:s11] =	ssyncadd.s32 $0xFFFFFF80  }
0xd6: {  	[spmem:s1] =	stream.indirect.scatter.add.f32 [tilespmem:s5], [sflag:$0x6], $0x80, s28, s21, $0xb8;
	[tilespmem:$0x1FC80] =	vst v63  }
0xd7: {  	_ =	swait.ge [sflag:s17], $0x4000  }
0xd8: {  	[sflag:s17] =	ssyncset.done $0x0  }
0xd9: {  	s13 =	simm.s32 @!p1 $0x0;
	s14 =	rddreg [dreg:$0x14];
	[sflag:s17] =	ssyncadd.s32 $0xFFFFC000  }
0xda: {  	[tilespmem:s13], [sflag:$0xE] =	stream.linear.gather @!p1 [hbm4b:s14+s13], $0x80, $0x38;
	[tilespmem:$0x1FC80] =	vst v63  }
0xdb: {  	s14 =	simm.s32 @!p1 $0xE  }
0xdc: {  	_ =	swait.ge @!p1 [sflag:s14], $0x80  }
0xdd: {  	[sflag:s14] =	ssyncset.done @!p1 $0x0  }
0xde: {  	s17 =	simm.s32 @!p1 $0x200;
	s18 =	rddreg [dreg:$0x15];
	[sflag:s14] =	ssyncadd.s32 @!p1 $0xFFFFFF80  }
0xdf: {  	[tilespmem:s17], [sflag:$0xE] =	stream.linear.gather @!p1 [hbm4b:s18+s13], $0x80, $0x38;
	[tilespmem:$0x1FC80] =	vst v63  }
0xe0: {  	_ =	swait.ge @!p1 [sflag:s14], $0x80  }
0xe1: {  	[sflag:s14] =	ssyncset.done @!p1 $0x0  }
0xe2: {  	s19 =	simm.s32 @!p1 $0x400;
	s18 =	simm.s32 @!p1 $0x80;
	[sflag:s14] =	ssyncadd.s32 @!p1 $0xFFFFFF80  }
0xe3: {  	[tilespmem:s19], [sflag:$0x1] =	stream.indirect.gather @!p1 [hbm4b:s4+s18], $0x80, s13, s18, $0xb8;
	[tilespmem:$0x1FC80] =	vst v63  }
0xe4: {  	s13 =	simm.s32 @!p1 $0x1  }
0xe5: {  	_ =	swait.ge @!p1 [sflag:s13], $0x4000  }
0xe6: {  	[sflag:s13] =	ssyncset.done @!p1 $0x0  }
0xe7: {  	[sflag:s13] =	ssyncadd.s32 @!p1 $0xFFFFC000  }
0xe8: {  	[spmem:s1] =	stream.indirect.scatter.add.f32 @!p1 [tilespmem:s19], [sflag:$0xE], $0x80, s17, s18, $0xb8;
	[tilespmem:$0x1FC80] =	vst v63  }
0xe9: {  	_ =	swait.ge @!p1 [sflag:s14], $0x4000  }
0xea: {  	[sflag:s14] =	ssyncset.done @!p1 $0x0  }
0xeb: {  	[sflag:s14] =	ssyncadd.s32 @!p1 $0xFFFFC000  }
0xec: {  	[bflag:$0x0] =	sbarrier.arrive $0xFFFF  }
0xed: {  	s18 =	rddreg [dreg:$0x9]  }
0xee: {  	s17 =	rddreg [dreg:$0x16]  }
0xef: {  	s19 =	rddreg [dreg:$0x10]  }
0xf0: {  	s23 =	simm.s32 $0xE;
	s13 =	sadd.s32 s18, s17;
	s14 =	sor.u32 $0x1C0E, s19  }
0xf1: {  	[hbm:s13], [sflag:s14] =	dma.local [spmem:s12], $0x2700  }
0xf2: {  	_ =	swait.ge [sflag:s23], $0x2700  }
0xf3: {  	[sflag:s23] =	ssyncset.done $0x0  }
0xf4: {  	s12 =	sadd.s32 @!p0 $0x27000, s17;
	[sflag:s23] =	ssyncadd.s32 $0xFFFFD900  }
0xf5: {  	[hbm:s12], [sflag:s14] =	dma.local @!p0 [spmem:s16], $0x100  }
0xf6: {  	s12 =	simm.s32 @!p0 $0xE  }
0xf7: {  	_ =	swait.ge @!p0 [sflag:s12], $0x100  }
0xf8: {  	s15 =	sadd.s32 $0x1, s15;
	s25 =	rddreg [dreg:$0x17]  }
0xf9: {  	p2 =	sne.s32 s15, s25  }
.Ltmp1:
0xfa: {  	_ = 	snop;
	(pc) =	sbr.rel @p2 .LBB2_1-.Ltmp1, $3  }
0xfb: {  	_ =	sdelay $0x1  }
0xfc: {  	[sflag:s12] =	ssyncset.done @!p0 $0x0  }
0xfd: {  	[sflag:s12] =	ssyncadd.s32 @!p0 $0xFFFFFF00  }
0xfe: {  	_ =	sfence.sel $0x180000  }
0xff: {  	[bflag:$0x0] =	sbarrier.arrive $0xFFFF  }
0x100: {  	_ =	strace $0x9000004D  }
0x101: {  	s0 =	stileid.u32;
	[bflag:$0x2] =	sbarrier.arrive $0xFFFF  }
0x102: {  	p0 =	sne.s32 s0, $0x0;
	s0 =	rddreg [dreg:$0x2]  }
0x103: {  	s0 =	sadd.s32 @!p0 $0x100000, s0  }
0x104: {  	[sflag:s0] =	ssyncadd.tile.s32 @!p0 $0x1;
	_ =	shalt  }
.Lfunc_end2:
_tile_overlayer_lowered:
.L_overlay_start_2:
0x105: {  	(tag) =	ssettag $0x2  }
0x106: {  	s0 =	rddreg [dreg:$0x0];
	s2 =	stileid.u32  }
0x107: {  	s1 =	rddreg [dreg:$0x1];
	p0 =	sne.s32 s2, $0x0  }
0x108: {  	s3 =	rddreg [dreg:$0x2];
	[bflag:$0x3] =	sbarrier.arrive $0xFFFF;
	s2 =	simm.s32 @!p0 $0x1C0E  }
0x109: {  	[timem:s3], [sflag:s2] =	dma.local @!p0 [hbm:s0], s1  }
0x10a: {  	s0 =	simm.s32 @!p0 $0xE  }
0x10b: {  	_ =	swait.ge @!p0 [sflag:s0], s1  }
0x10c: {  	s1 =	ssub.s32 @!p0 $0x0, s1;
	[sflag:s0] =	ssyncset.done @!p0 $0x0  }
0x10d: {  	[sflag:s0] =	ssyncadd.s32 @!p0 s1  }
0x10e: {  	[bflag:$0x3] =	sbarrier.arrive $0xFFFF  }
0x10f: {  	_ =	shalt  }

// kernel: kernel.8.cloned.1.call-start
scs
__scs_entry_jumppad:
0x0: {  	(pc) =	sbr.rel $0x88, $3  }
0x1: {  	(tag) =	ssettag $0x0;
	lr =	simm.s32 $0x1  }
0x2: {  	[smem:$0x3F7F] =	sst lr;
	_ =	strace $0xD0000000  }
0x3: {  	_ = 	snop  }
0x4: {  	_ = 	snop  }
0x5: {  	_ = 	snop  }
0x6: {  	_ = 	snop  }
0x7: {  	_ = 	snop  }
__scs_overlays_trampoline_lowered:
0x8: {  	[smem:$0x3F8E] =	sst s0  }
0x9: {  	[smem:$0x3F8F] =	sst s1  }
0xa: {  	[smem:$0x3F90] =	sst s2  }
0xb: {  	[smem:$0x3F91] =	sst s3  }
0xc: {  	[smem:$0x3F92] =	sst s4  }
0xd: {  	[smem:$0x3F93] =	sst s5  }
0xe: {  	[smem:$0x3F94] =	sst s6  }
0xf: {  	[smem:$0x3F95] =	sst s7  }
0x10: {  	[smem:$0x3F96] =	sst s8  }
0x11: {  	[smem:$0x3F97] =	sst s9;
	s0 =	simm.s32 @!p0 $0x0  }
0x12: {  	s1 =	sld [smem:$0x3F7D];
	s0 =	simm.s32 @p0 $0x1  }
0x13: {  	[smem:$0x3F98] =	sst s0;
	s0 =	simm.s32 @!p1 $0x0  }
0x14: {  	s2 =	sld [smem:$0x3F7C];
	s0 =	simm.s32 @p1 $0x1  }
0x15: {  	[smem:$0x3F99] =	sst s0;
	s0 =	simm.s32 @!p2 $0x0  }
0x16: {  	s3 =	sld [smem:$0x3FDB];
	s0 =	simm.s32 @p2 $0x1  }
0x17: {  	s4 =	simm.s32 $0x1BF5;
	[smem:$0x3F9B] =	sst s0  }
0x18: {  	s0 =	sld [smem:$0x3F7E];
	_ =	swait.ge [sflag:s4], $0x0  }
0x19: {  	s7 =	sld [smem:$0x3F7F]  }
0x1a: {  	s8 =	sadd.s32 $0xFFFFE003, lr  }
0x1b: {  	s9 =	sadd.s32 $0xFFFFFEF7, lr;
	s5 =	simm.s32 $0xFFFFFFFF;
	p2 =	slt.u32 s8, $0xFFFFF086  }
0x1c: {  	p1 =	slt.u32 s9, $0xF7A;
	s5 =	simm.s32 @!p2 $0x0  }
0x1d: {  	s5 =	simm.s32 @p1 $0x1;
	p0 =	seq.s32 s7, s2  }
0x1e: {  	s7 =	smul.u32 @!p0 $0xF7A, s2;
	p2 =	seq.s32 @!p0 s5, $0x0  }
0x1f: {  	s9 =	smul.u32 $0xF7A, s1;
	s8 =	simm.s32 @!p0 $0x1BF5;
	p2 =	por !p2, p0  }
0x20: {  	[sflag:s8] =	ssyncset.s32 @!p0 $0xFFFFF086;
	s6 =	sadd.s32 @!p0 s3, s7;
	s7 =	simm.s32 @!p0 $0x108  }
0x21: {  	s3 =	sadd.s32 s3, s9;
	s6 =	sadd.s32 @!p0 $0x88, s6;
	s7 =	simm.s32 @p2 $0x1082  }
0x22: {  	[simem:s7], [sflag:s8] =	dma.local @!p0 [hbm:s6], $0xF7A  }
0x23: {  	s9 =	sor.u32 $0xD0000000, s2;
	s6 =	simm.s32 $0x108;
	_ =	swait.ge @!p0 [sflag:s8], $0x0  }
0x24: {  	s3 =	sadd.s32 $0x88, s3;
	s6 =	simm.s32 @!p1 $0x1082;
	[sflag:s4] =	ssyncset.s32 $0xFFFFF086  }
0x25: {  	[simem:s6], [sflag:s4] =	dma.local [hbm:s3], $0xF7A  }
0x26: {  	[smem:$0x3F7F] =	sst s1;
	(tag) =	ssettag s2;
	_ =	strace s9  }
0x27: {  	s1 =	sld [smem:$0x3F8F]  }
0x28: {  	s2 =	sld [smem:$0x3F90]  }
0x29: {  	s4 =	sld [smem:$0x3F92]  }
0x2a: {  	p0 =	seq.s32 s5, $0x0;
	s5 =	sld [smem:$0x3F93]  }
0x2b: {  	s6 =	sld [smem:$0x3F94]  }
0x2c: {  	s7 =	sld [smem:$0x3F95]  }
0x2d: {  	s3 =	simm.s32 $0x108;
	s8 =	sld [smem:$0x3F96]  }
0x2e: {  	s3 =	simm.s32 @!p0 $0x1082;
	s9 =	sld [smem:$0x3F97]  }
0x2f: {  	lr =	sadd.s32 s0, s3;
	s0 =	sld [smem:$0x3F8E]  }
0x30: {  	s3 =	sld [smem:$0x3F91]  }
0x31: {  	[smem:$0x3F9A] =	sst s10  }
0x32: {  	s10 =	sld [smem:$0x3F98];
	_ =	sdelay $0x3  }
0x33: {  	p0 =	seq.s32 s10, $0x1;
	s10 =	sld [smem:$0x3F9A];
	_ =	sdelay $0x3  }
0x34: {  	[smem:$0x3F9A] =	sst s10  }
0x35: {  	s10 =	sld [smem:$0x3F99];
	_ =	sdelay $0x3  }
0x36: {  	p1 =	seq.s32 s10, $0x1;
	s10 =	sld [smem:$0x3F9A];
	_ =	sdelay $0x3  }
0x37: {  	[smem:$0x3F9A] =	sst s10  }
0x38: {  	s10 =	sld [smem:$0x3F9B]  }
0x39: {  	_ = 	snop;
	(pc) =	sbr.ind lr, $3  }
0x3a: {  	_ = 	snop  }
0x3b: {  	_ = 	snop  }
0x3c: {  	p2 =	seq.s32 s10, $0x1;
	s10 =	sld [smem:$0x3F9A]  }
0x3d: {  	_ =	shalt  }
0x3e: {  	_ =	shalt  }
0x3f: {  	_ =	shalt  }
0x40: {  	_ =	shalt  }
0x41: {  	_ =	shalt  }
0x42: {  	_ =	shalt  }
0x43: {  	_ =	shalt  }
0x44: {  	_ =	shalt  }
0x45: {  	_ =	shalt  }
0x46: {  	_ =	shalt  }
0x47: {  	_ =	shalt  }
0x48: {  	_ =	shalt  }
0x49: {  	_ =	shalt  }
0x4a: {  	_ =	shalt  }
0x4b: {  	_ =	shalt  }
0x4c: {  	_ =	shalt  }
0x4d: {  	_ =	shalt  }
0x4e: {  	_ =	shalt  }
0x4f: {  	_ =	shalt  }
0x50: {  	_ =	shalt  }
0x51: {  	_ =	shalt  }
0x52: {  	_ =	shalt  }
0x53: {  	_ =	shalt  }
0x54: {  	_ =	shalt  }
0x55: {  	_ =	shalt  }
0x56: {  	_ =	shalt  }
0x57: {  	_ =	shalt  }
0x58: {  	_ =	shalt  }
0x59: {  	_ =	shalt  }
0x5a: {  	_ =	shalt  }
0x5b: {  	_ =	shalt  }
0x5c: {  	_ =	shalt  }
0x5d: {  	_ =	shalt  }
0x5e: {  	_ =	shalt  }
0x5f: {  	_ =	shalt  }
0x60: {  	_ =	shalt  }
0x61: {  	_ =	shalt  }
0x62: {  	_ =	shalt  }
0x63: {  	_ =	shalt  }
0x64: {  	_ =	shalt  }
0x65: {  	_ =	shalt  }
0x66: {  	_ =	shalt  }
0x67: {  	_ =	shalt  }
0x68: {  	_ =	shalt  }
0x69: {  	_ =	shalt  }
0x6a: {  	_ =	shalt  }
0x6b: {  	_ =	shalt  }
0x6c: {  	_ =	shalt  }
0x6d: {  	_ =	shalt  }
0x6e: {  	_ =	shalt  }
0x6f: {  	_ =	shalt  }
0x70: {  	_ =	shalt  }
0x71: {  	_ =	shalt  }
0x72: {  	_ =	shalt  }
0x73: {  	_ =	shalt  }
0x74: {  	_ =	shalt  }
0x75: {  	_ =	shalt  }
0x76: {  	_ =	shalt  }
0x77: {  	_ =	shalt  }
0x78: {  	_ =	shalt  }
0x79: {  	_ =	shalt  }
0x7a: {  	_ =	shalt  }
0x7b: {  	_ =	shalt  }
0x7c: {  	_ =	shalt  }
0x7d: {  	_ =	shalt  }
0x7e: {  	_ =	shalt  }
0x7f: {  	_ =	shalt  }
0x80: {  	_ =	shalt  }
0x81: {  	_ =	shalt  }
0x82: {  	_ =	shalt  }
0x83: {  	_ =	shalt  }
0x84: {  	_ =	shalt  }
0x85: {  	_ =	shalt  }
0x86: {  	_ =	shalt  }
0x87: {  	_ =	shalt  }
.Lfunc_end0:
.L_simem_size_0:
called_computation_lowered:
.L_overlay_start_0:
0x88: {  	s2 =	sld [smem:$0x3FD9]  }
0x89: {  	s3 =	sld [smem:$0x3FFE];
	_ =	sdelay $0x1  }
0x8a: {  	s1 =	srdreg.scid  }
0x8b: {  	s0 =	sand.u32 $0x1, s1  }
0x8c: {  	s17 =	sshll.u32 s0, $0xA;
	s2 =	sadd.s32 s3, s2  }
0x8d: {  	s2 =	sadd.s32 s2, s17  }
0x8e: {  	[smem:$0x3FA6] =	sst s2  }
0x8f: {  	_ = 	snop  }
0x90: {  	s2 =	sld [smem:$0x3FC9];
	(tm) =	ssettm $0x1  }
0x91: {  	s18 =	sld [smem:$0x3FFB];
	_ =	sdelay $0x3  }
0x92: {  	_ =	strace s18  }
0x93: {  	s3 =	sld [smem:$0x3FFC];
	_ =	sdelay $0x3  }
0x94: {  	_ =	strace s3  }
0x95: {  	s3 =	sld [smem:$0x3FFD];
	_ =	sdelay $0x3  }
0x96: {  	_ =	strace s3  }
0x97: {  	_ =	strace $0x8FFFFFFF  }
0x98: {  	s19 =	sld [smem:$0x3FDB];
	_ =	sdelay $0x1  }
0x99: {  	s4 =	simm.s32 $_scs_section_size  }
0x9a: {  	s5 =	simm.s32 $_size__tile_overlayer_lowered;
	s6 =	simm.s32 $_tile_overlayer_lowered  }
0x9b: {  	s22 =	simm.s32 $0x1BFF;
	s21 =	sshll.u32 s6, $0x1;
	s3 =	sadd.s32 s4, s19  }
0x9c: {  	s7 =	simm.s32 $0x0;
	s20 =	sshll.u32 s5, $0x1;
	s5 =	sadd.s32 s21, s3  }
0x9d: {  	[timem:s7], [sflag:s22] =	dma.local [hbm:s5], s20  }
0x9e: {  	_ =	swait.ge [sflag:s22], s20  }
0x9f: {  	s4 =	ssub.s32 $0x0, s20;
	[sflag:s22] =	ssyncset.done $0x0  }
0xa0: {  	[sflag:s22] =	ssyncadd.s32 s4;
	_ =	sdelay $0x1  }
0xa1: {  	s23 =	simm.s32 $0x1B8B  }
0xa2: {  	_ =	swait.ge [sflag:s23], $0x1  }
0xa3: {  	[sflag:s23] =	ssyncset.done $0x0  }
0xa4: {  	s25 =	simm.s32 $0x1B8E;
	s24 =	sld [smem:$0x3FFE];
	[sflag:s23] =	ssyncadd.s32 $0xFFFFFFFF  }
0xa5: {  	s26 =	simm.s32 $execute0_lowered;
	[smem:$0x3FD2] =	sst s25  }
0xa6: {  	s5 =	sshll.u32 s26, $0x1;
	_ =	strace $0x80000046;
	[dreg:$0x1] =	wrdreg $0xFFFFFFFF  }
0xa7: {  	s28 =	simm.s32 $_size_execute0_lowered;
	s3 =	sadd.s32 s3, s5;
	[dreg:$0x0] =	wrdreg $0x0  }
0xa8: {  	s5 =	sshll.u32 s28, $0x1;
	[dreg:$0x2] =	wrdreg s3  }
0xa9: {  	[dreg:$0x3] =	wrdreg s5  }
0xaa: {  	[dreg:$0x4] =	wrdreg $0xC0  }
0xab: {  	_ =	task [dreg:s7], $0x5FFFF  }
0xac: {  	[dreg:$0x1] =	wrdreg $0xFFFFFFFF  }
0xad: {  	[dreg:$0x0] =	wrdreg $0x60  }
0xae: {  	[dreg:$0x2] =	wrdreg s2  }
0xaf: {  	[dreg:$0x3] =	wrdreg s24  }
0xb0: {  	[dreg:$0x4] =	wrdreg $0xC4000  }
0xb1: {  	[dreg:$0x5] =	wrdreg $0x9  }
0xb2: {  	_ =	task.clear_ibuf [dreg:s7], $0x6FFFF;
	_ =	strace $0x90000046  }
0xb3: {  	s29 =	simm.s32 $0x9;
	_ =	strace $0x80000048  }
0xb4: {  	_ =	swait.ge [sflag:s29], $0x1  }
0xb5: {  	[sflag:s29] =	ssyncadd.s32 $0xFFFFFFFF  }
0xb6: {  	_ =	strace $0x90000048  }
0xb7: {  	_ =	sfence  }
0xb8: {  	s30 =	sld [smem:$0x0];
	_ =	sdelay $0x2  }
0xb9: {  	s31 =	sshll.u32 s1, $0xD;
	s1 =	sshrl.u32 s1, $0x2  }
0xba: {  	s3 =	sand.u32 $0x4000, s31;
	s1 =	sadd.s32 s1, s30  }
0xbb: {  	s0 =	sor.u32 s3, s0;
	s1 =	sshll.u32 s1, $0x11  }
0xbc: {  	s0 =	sor.u32 s1, s0  }
0xbd: {  	s0 =	sadd.s32 $0x8F2B, s0  }
0xbe: {  	[sflag:s0] =	ssyncadd.remote.s32 $0x1  }
0xbf: {  	_ =	sfence.sel $0xFFFF  }
0xc0: {  	[dreg:$0x0] =	wrdreg $0xFFFFFFFF;
	(pc) =	sbr.abs _section_cstart, $3  }
0xc1: {  	[dreg:$0x1] =	wrdreg $0xFFFFFFFF  }
0xc2: {  	_ =	task.clear_ibuf [dreg:s7], $0x2FFFF;
	_ =	strace $0x9FFFFFFF  }
0xc3: {  	(tm) =	ssettm $0x7FFFFFFF  }
tec
execute0_lowered:
.L_overlay_start_1:
0x0: {  	(tag) =	ssettag $0x1  }
0x1: {  	s1 =	rddreg [dreg:$0x0]  }
0x2: {  	s0 =	rddreg [dreg:$0x1]  }
0x3: {  	s2 =	rddreg [dreg:$0x2]  }
0x4: {  	s3 =	simm.s32 $0x0;
	s14 =	stileid.u32;
	s6 =	srdreg.scid  }
0x5: {  	s28 =	simm.s32 $0x300;
	s29 =	simm.s32 $0x8;
	s30 =	simm.s32 $0x4400  }
0x6: {  	s31 =	simm.s32 $0x1;
	[smem:$0x7FF] =	sst s3;
	s10 =	smul.u32 $0x2700, s14  }
0x7: {  	s4 =	sadd.s32 $0xF200, s0;
	s5 =	sadd.s32 $0x5400, s0;
	s24 =	smul.u32 $0x4E000, s14  }
0x8: {  	s6 =	sand.u32 $0x1, s6;
	s7 =	sshll.u32 s14, $0x1;
	s26 =	smul.u32 $0x9C, s14  }
0x9: {  	p0 =	sne.s32 s14, $0xF;
	p1 =	sgt.u32 s14, $0x1;
	_ =	strace $0x80000047  }
0xa: {  	s8 =	smul.u32 $0x27100, s6;
	s9 =	ssub.s32 $0x2, s6;
	s7 =	sor.u32 s6, s7  }
0xb: {  	s6 =	smul.u32 $0x4E, s6;
	[dreg:$0xa] =	wrdreg s10;
	s10 =	sadd.s32 s10, s0  }
0xc: {  	s11 =	sshrl.u32 s9, $0x1;
	s12 =	smul.u32 $0x4E0, s7;
	s7 =	sshll.u32 s7, $0x4  }
0xd: {  	s8 =	sadd.s32 s8, s0;
	s9 =	ssub.s32 s9, s11;
	s11 =	sshrl.u32 s24, $0x2  }
0xe: {  	s10 =	sadd.s32 $0x19000, s10;
	s6 =	sadd.s32 s6, s26;
	s7 =	sor.u32 $0x9C00, s7  }
0xf: {  	s0 =	sadd.s32 $0x40000, s0;
	s13 =	sadd.s32 s4, s12;
	[dreg:$0x10] =	wrdreg s10  }
0x10: {  	s25 =	sadd.s32 s5, s12;
	s12 =	sor.u32 $0x10, s12;
	[dreg:$0x14] =	wrdreg s0  }
0x11: {  	s11 =	sadd.s32 s11, s2;
	s6 =	sshll.u32 s6, $0x4;
	[dreg:$0xb] =	wrdreg s13  }
0x12: {  	s16 =	sadd.s32 s4, s7;
	s7 =	sadd.s32 s5, s7;
	[dreg:$0xc] =	wrdreg s25  }
0x13: {  	s24 =	sadd.s32 $0x40200, s8;
	s26 =	smax.u32 s9, $0x1;
	[dreg:$0xf] =	wrdreg s11  }
0x14: {  	s0 =	simm.s32 $0xA;
	s8 =	simm.s32 $0xB;
	[dreg:$0x15] =	wrdreg s16  }
0x15: {  	s9 =	simm.s32 $0x5;
	s15 =	sadd.s32 s4, s12;
	[dreg:$0x16] =	wrdreg s7  }
0x16: {  	s12 =	sadd.s32 s5, s12;
	s13 =	sadd.s32 $0x138000, s2;
	[dreg:$0x17] =	wrdreg s24  }
0x17: {  	s19 =	sadd.s32 s6, s4;
	s21 =	sadd.s32 s6, s5;
	[dreg:$0x18] =	wrdreg s26  }
0x18: {  	s24 =	simm.s32 $0x400;
	s26 =	simm.s32 $0x100;
	[dreg:$0xd] =	wrdreg s15  }
0x19: {  	s7 =	simm.s32 $0x2;
	s11 =	simm.s32 $0xC;
	[dreg:$0xe] =	wrdreg s12  }
0x1a: {  	s12 =	sshll.u32 s14, $0x6;
	[dreg:$0x13] =	wrdreg s13;
	s15 =	sadd.s32 $0x40, s6  }
0x1b: {  	s20 =	sadd.s32 $0x30, s19;
	s22 =	sadd.s32 $0x30, s21;
	[dreg:$0x11] =	wrdreg s12  }
0x1c: {  	s6 =	sadd.s32 $0x20, s6;
	s21 =	simm.s32 $0x80;
	[dreg:$0x6] =	wrdreg s20  }
0x1d: {  	s10 =	sor.u32 $0x1C0D, s12;
	s17 =	sadd.s32 s15, s4;
	[dreg:$0x7] =	wrdreg s22  }
0x1e: {  	s18 =	sadd.s32 s15, s5;
	s23 =	sadd.s32 s6, s4;
	[dreg:$0x12] =	wrdreg s10  }
0x1f: {  	s25 =	sadd.s32 s6, s5;
	s20 =	simm.s32 $0x200;
	[dreg:$0x4] =	wrdreg s17  }
0x20: {  	s22 =	simm.s32 $0x280;
	s4 =	simm.s32 $0x4;
	[dreg:$0x5] =	wrdreg s18  }
0x21: {  	s6 =	simm.s32 $0x9;
	s5 =	simm.s32 $0x8400;
	[dreg:$0x8] =	wrdreg s23  }
0x22: {  	s15 =	simm.s32 $0x0;
	[dreg:$0x9] =	wrdreg s25;
	s10 =	simm.s32 $0x3  }
.LBB2_1:
0x23: {  	s12 =	rddreg [dreg:$0xb]  }
0x24: {  	s25 =	rddreg [dreg:$0xc]  }
0x25: {  	s13 =	rddreg [dreg:$0xd]  }
0x26: {  	[tilespmem:s3], [sflag:$0x7] =	stream.linear.gather [hbm4b:s12+s3], $0x80, $0x38;
	[tilespmem:$0x1FC80] =	vst v63  }
0x27: {  	s14 =	rddreg [dreg:$0xe]  }
0x28: {  	[tilespmem:s20], [sflag:$0xA] =	stream.linear.gather [hbm4b:s25+s3], $0x80, $0x38;
	[tilespmem:$0x1FC80] =	vst v63  }
0x29: {  	s16 =	rddreg [dreg:$0xf]  }
0x2a: {  	[tilespmem:s21], [sflag:$0x8] =	stream.linear.gather [hbm4b:s13+s3], $0x80, $0x38;
	[tilespmem:$0x1FC80] =	vst v63  }
0x2b: {  	s13 =	rddreg [dreg:$0x10]  }
0x2c: {  	[tilespmem:s22], [sflag:$0xB] =	stream.linear.gather [hbm4b:s14+s3], $0x80, $0x38;
	[tilespmem:$0x1FC80] =	vst v63  }
0x2d: {  	s12 =	sshrl.u32 s16, $0x3;
	s14 =	rddreg [dreg:$0x12]  }
0x2e: {  	[spmem:s12], [sflag:s14] =	dma.local [hbm:s13], $0x2700  }
0x2f: {  	s13 =	rddreg [dreg:$0x13]  }
0x30: {  	s17 =	simm.s32 @!p0 $0x1FCE;
	s16 =	sshrl.u32 @!p0 s13, $0x3;
	s13 =	rddreg [dreg:$0x14]  }
0x31: {  	[spmem:s16], [sflag:s17] =	dma.local @!p0 [hbm:s13], $0x100  }
0x32: {  	s17 =	simm.s32 @!p0 $0xE  }
0x33: {  	_ =	swait.ge @!p0 [sflag:s17], $0x100  }
0x34: {  	[sflag:s17] =	ssyncset.done @!p0 $0x0  }
0x35: {  	[sflag:s17] =	ssyncadd.s32 @!p0 $0xFFFFFF00;
	s17 =	simm.s32 $0x7  }
0x36: {  	_ =	swait.ge [sflag:s17], $0x80  }
0x37: {  	[sflag:s17] =	ssyncset.done $0x0  }
0x38: {  	s18 =	simm.s32 $0xD;
	[sflag:s17] =	ssyncadd.s32 $0xFFFFFF80  }
0x39: {  	[tilespmem:s24], [sflag:$0x1] =	stream.indirect.gather [hbm4b:s1+s21], $0x80, s3, s21, $0xb8;
	[tilespmem:$0x1FC80] =	vst v63  }
0x3a: {  	_ =	swait.ge [sflag:s18], $0x2700  }
0x3b: {  	[sflag:s18] =	ssyncset.done $0x0  }
0x3c: {  	p2 =	por $0x1, $0x1;
	[sflag:s18] =	ssyncadd.s32 $0xFFFFD900  }
0x3d: {  	s17 =	simm.s32 @!p2 $0x6;
	[bflag:$0x0] =	sbarrier.arrive $0xFFFF  }
0x3e: {  	_ =	swait.ge @!p2 [sflag:s17], $0x4000  }
0x3f: {  	s19 =	rddreg [dreg:$0x8];
	[sflag:s17] =	ssyncset.done @!p2 $0x0  }
0x40: {  	s23 =	rddreg [dreg:$0x9];
	[sflag:s17] =	ssyncadd.s32 @!p2 $0xFFFFC000;
	s19 =	sadd.s32 $0x0, s19  }
0x41: {  	[tilespmem:s26], [sflag:$0x9] =	stream.linear.gather [hbm4b:s19+s3], $0x80, $0x38;
	[tilespmem:$0x1FC80] =	vst v63  }
0x42: {  	s25 =	sadd.s32 $0x0, s23  }
0x43: {  	[tilespmem:s28], [sflag:$0xC] =	stream.linear.gather [hbm4b:s25+s3], $0x80, $0x38;
	[tilespmem:$0x1FC80] =	vst v63  }
0x44: {  	_ =	swait.ge [sflag:s29], $0x80  }
0x45: {  	[sflag:s29] =	ssyncset.done $0x0  }
0x46: {  	[sflag:s29] =	ssyncadd.s32 $0xFFFFFF80  }
0x47: {  	[tilespmem:s30], [sflag:$0x2] =	stream.indirect.gather [hbm4b:s1+s21], $0x80, s21, s21, $0xb8;
	[tilespmem:$0x1FC80] =	vst v63  }
0x48: {  	_ =	swait.ge [sflag:s31], $0x4000  }
0x49: {  	[sflag:s31] =	ssyncset.done $0x0  }
0x4a: {  	[sflag:s31] =	ssyncadd.s32 $0xFFFFC000  }
0x4b: {  	_ =	swait.ge [sflag:s0], $0x80  }
0x4c: {  	[sflag:s0] =	ssyncset.done $0x0  }
0x4d: {  	[sflag:s0] =	ssyncadd.s32 $0xFFFFFF80  }
0x4e: {  	[spmem:s2] =	stream.indirect.scatter.add.f32 [tilespmem:s24], [sflag:$0x4], $0x80, s20, s21, $0xb8;
	[tilespmem:$0x1FC80] =	vst v63  }
0x4f: {  	p2 =	por $0x0, $0x0;
	_ =	swait.ge [sflag:s4], $0x4000  }
0x50: {  	s23 =	simm.s32 @!p2 $0x0;
	s17 =	rddreg [dreg:$0x6];
	[sflag:s4] =	ssyncset.done $0x0  }
0x51: {  	s19 =	rddreg [dreg:$0x7];
	[sflag:s4] =	ssyncadd.s32 $0xFFFFC000;
	s17 =	sadd.s32 @!p2 $0x0, s17  }
0x52: {  	[tilespmem:s23], [sflag:$0x7] =	stream.linear.gather @!p2 [hbm4b:s17+s23], $0x80, $0x38;
	[tilespmem:$0x1FC80] =	vst v63  }
0x53: {  	s17 =	sadd.s32 @!p2 $0x0, s19;
	s19 =	simm.s32 @!p2 $0x200  }
0x54: {  	[tilespmem:s19], [sflag:$0xA] =	stream.linear.gather @!p2 [hbm4b:s17+s23], $0x80, $0x38;
	[tilespmem:$0x1FC80] =	vst v63  }
0x55: {  	_ =	swait.ge [sflag:s6], $0x80  }
0x56: {  	[sflag:s6] =	ssyncset.done $0x0  }
0x57: {  	[sflag:s6] =	ssyncadd.s32 $0xFFFFFF80  }
0x58: {  	[tilespmem:s5], [sflag:$0x3] =	stream.indirect.gather [hbm4b:s1+s21], $0x80, s26, s21, $0xb8;
	[tilespmem:$0x1FC80] =	vst v63  }
0x59: {  	_ =	swait.ge [sflag:s7], $0x4000  }
0x5a: {  	[sflag:s7] =	ssyncset.done $0x0  }
0x5b: {  	[sflag:s7] =	ssyncadd.s32 $0xFFFFC000  }
0x5c: {  	_ =	swait.ge [sflag:s8], $0x80  }
0x5d: {  	[sflag:s8] =	ssyncset.done $0x0  }
0x5e: {  	[sflag:s8] =	ssyncadd.s32 $0xFFFFFF80  }
0x5f: {  	[spmem:s2] =	stream.indirect.scatter.add.f32 [tilespmem:s30], [sflag:$0x5], $0x80, s22, s21, $0xb8;
	[tilespmem:$0x1FC80] =	vst v63  }
0x60: {  	_ =	swait.ge [sflag:s9], $0x4000  }
0x61: {  	s25 =	simm.s32 @!p2 $0x80;
	s17 =	rddreg [dreg:$0x4];
	[sflag:s9] =	ssyncset.done $0x0  }
0x62: {  	s19 =	rddreg [dreg:$0x5];
	[sflag:s9] =	ssyncadd.s32 $0xFFFFC000;
	s17 =	sadd.s32 @!p2 $0x0, s17  }
0x63: {  	[tilespmem:s25], [sflag:$0x8] =	stream.linear.gather @!p2 [hbm4b:s17+s23], $0x80, $0x38;
	[tilespmem:$0x1FC80] =	vst v63  }
0x64: {  	s17 =	sadd.s32 @!p2 $0x0, s19;
	s19 =	simm.s32 @!p2 $0x280  }
0x65: {  	[tilespmem:s19], [sflag:$0xB] =	stream.linear.gather @!p2 [hbm4b:s17+s23], $0x80, $0x38;
	[tilespmem:$0x1FC80] =	vst v63  }
0x66: {  	s17 =	simm.s32 @!p2 $0x7  }
0x67: {  	_ =	swait.ge @!p2 [sflag:s17], $0x80  }
0x68: {  	[sflag:s17] =	ssyncset.done @!p2 $0x0  }
0x69: {  	[sflag:s17] =	ssyncadd.s32 @!p2 $0xFFFFFF80;
	s17 =	simm.s32 @!p2 $0x400  }
0x6a: {  	[tilespmem:s17], [sflag:$0x1] =	stream.indirect.gather @!p2 [hbm4b:s1+s25], $0x80, s23, s25, $0xb8;
	[tilespmem:$0x1FC80] =	vst v63  }
0x6b: {  	_ =	swait.ge [sflag:s10], $0x4000  }
0x6c: {  	[sflag:s10] =	ssyncset.done $0x0  }
0x6d: {  	[sflag:s10] =	ssyncadd.s32 $0xFFFFC000  }
0x6e: {  	p3 =	por $0x0, $0x0;
	_ =	swait.ge [sflag:s11], $0x80  }
0x6f: {  	s19 =	simm.s32 $0x60;
	s17 =	simm.s32 $0x30;
	[sflag:s11] =	ssyncset.done $0x0  }
.LBB2_2:
0x70: {  	s25 =	simm.s32 @!p3 $0x6;
	[sflag:s11] =	ssyncadd.s32 $0xFFFFFF80  }
0x71: {  	[spmem:s2] =	stream.indirect.scatter.add.f32 [tilespmem:s5], [sflag:$0x6], $0x80, s28, s21, $0xb8;
	[tilespmem:$0x1FC80] =	vst v63  }
0x72: {  	_ =	swait.ge @!p3 [sflag:s25], $0x4000  }
0x73: {  	[sflag:s25] =	ssyncset.done @!p3 $0x0;
	s13 =	rddreg [dreg:$0x8]  }
0x74: {  	s18 =	rddreg [dreg:$0x9];
	[sflag:s25] =	ssyncadd.s32 @!p3 $0xFFFFC000;
	s13 =	sadd.s32 s17, s13  }
0x75: {  	[tilespmem:s26], [sflag:$0x9] =	stream.linear.gather [hbm4b:s13+s3], $0x80, $0x38;
	[tilespmem:$0x1FC80] =	vst v63  }
0x76: {  	s25 =	sadd.s32 s17, s18  }
0x77: {  	[tilespmem:s28], [sflag:$0xC] =	stream.linear.gather [hbm4b:s25+s3], $0x80, $0x38;
	[tilespmem:$0x1FC80] =	vst v63  }
0x78: {  	_ =	swait.ge [sflag:s29], $0x80  }
0x79: {  	[sflag:s29] =	ssyncset.done $0x0  }
0x7a: {  	[sflag:s29] =	ssyncadd.s32 $0xFFFFFF80  }
0x7b: {  	[tilespmem:s30], [sflag:$0x2] =	stream.indirect.gather [hbm4b:s1+s21], $0x80, s21, s21, $0xb8;
	[tilespmem:$0x1FC80] =	vst v63  }
0x7c: {  	_ =	swait.ge [sflag:s31], $0x4000  }
0x7d: {  	[sflag:s31] =	ssyncset.done $0x0  }
0x7e: {  	[sflag:s31] =	ssyncadd.s32 $0xFFFFC000  }
0x7f: {  	_ =	swait.ge [sflag:s0], $0x80  }
0x80: {  	[sflag:s0] =	ssyncset.done $0x0  }
0x81: {  	[sflag:s0] =	ssyncadd.s32 $0xFFFFFF80  }
0x82: {  	[spmem:s2] =	stream.indirect.scatter.add.f32 [tilespmem:s24], [sflag:$0x4], $0x80, s20, s21, $0xb8;
	[tilespmem:$0x1FC80] =	vst v63  }
0x83: {  	p3 =	seq.s32 s17, $0x4B0;
	_ =	swait.ge [sflag:s4], $0x4000  }
0x84: {  	s14 =	simm.s32 @!p3 $0x0;
	s13 =	rddreg [dreg:$0x6];
	[sflag:s4] =	ssyncset.done $0x0  }
0x85: {  	s25 =	rddreg [dreg:$0x7];
	[sflag:s4] =	ssyncadd.s32 $0xFFFFC000;
	s13 =	sadd.s32 @!p3 s17, s13  }
0x86: {  	[tilespmem:s14], [sflag:$0x7] =	stream.linear.gather @!p3 [hbm4b:s13+s14], $0x80, $0x38;
	[tilespmem:$0x1FC80] =	vst v63  }
0x87: {  	s13 =	sadd.s32 @!p3 s17, s25;
	s25 =	simm.s32 @!p3 $0x200  }
0x88: {  	[tilespmem:s25], [sflag:$0xA] =	stream.linear.gather @!p3 [hbm4b:s13+s14], $0x80, $0x38;
	[tilespmem:$0x1FC80] =	vst v63  }
0x89: {  	_ =	swait.ge [sflag:s6], $0x80  }
0x8a: {  	[sflag:s6] =	ssyncset.done $0x0  }
0x8b: {  	[sflag:s6] =	ssyncadd.s32 $0xFFFFFF80  }
0x8c: {  	[tilespmem:s5], [sflag:$0x3] =	stream.indirect.gather [hbm4b:s1+s21], $0x80, s26, s21, $0xb8;
	[tilespmem:$0x1FC80] =	vst v63  }
0x8d: {  	_ =	swait.ge [sflag:s7], $0x4000  }
0x8e: {  	[sflag:s7] =	ssyncset.done $0x0  }
0x8f: {  	[sflag:s7] =	ssyncadd.s32 $0xFFFFC000  }
0x90: {  	_ =	swait.ge [sflag:s8], $0x80  }
0x91: {  	[sflag:s8] =	ssyncset.done $0x0  }
0x92: {  	[sflag:s8] =	ssyncadd.s32 $0xFFFFFF80  }
0x93: {  	[spmem:s2] =	stream.indirect.scatter.add.f32 [tilespmem:s30], [sflag:$0x5], $0x80, s22, s21, $0xb8;
	[tilespmem:$0x1FC80] =	vst v63  }
0x94: {  	_ =	swait.ge [sflag:s9], $0x4000  }
0x95: {  	s18 =	simm.s32 @!p3 $0x80;
	s13 =	rddreg [dreg:$0x4];
	[sflag:s9] =	ssyncset.done $0x0  }
0x96: {  	s25 =	rddreg [dreg:$0x5];
	[sflag:s9] =	ssyncadd.s32 $0xFFFFC000;
	s13 =	sadd.s32 @!p3 s17, s13  }
0x97: {  	[tilespmem:s18], [sflag:$0x8] =	stream.linear.gather @!p3 [hbm4b:s13+s14], $0x80, $0x38;
	[tilespmem:$0x1FC80] =	vst v63  }
0x98: {  	s13 =	sadd.s32 @!p3 s17, s25;
	s17 =	simm.s32 @!p3 $0x280;
	s25 =	simm.s32 @!p3 $0x7  }
0x99: {  	[tilespmem:s17], [sflag:$0xB] =	stream.linear.gather @!p3 [hbm4b:s13+s14], $0x80, $0x38;
	[tilespmem:$0x1FC80] =	vst v63  }
0x9a: {  	_ =	swait.ge @!p3 [sflag:s25], $0x80  }
0x9b: {  	s23 =	smov.u32 s19;
	s19 =	sadd.s32 $0x30, s19;
	[sflag:s25] =	ssyncset.done @!p3 $0x0  }
0x9c: {  	p2 =	sne.s32 s19, $0x4E0;
	s13 =	simm.s32 @!p3 $0x400;
	[sflag:s25] =	ssyncadd.s32 @!p3 $0xFFFFFF80  }
0x9d: {  	[tilespmem:s13], [sflag:$0x1] =	stream.indirect.gather @!p3 [hbm4b:s1+s18], $0x80, s14, s18, $0xb8;
	[tilespmem:$0x1FC80] =	vst v63  }
.Ltmp0:
0x9e: {  	_ =	swait.ge [sflag:s10], $0x4000;
	(pc) =	sbr.rel @p2 .LBB2_2-.Ltmp0, $4  }
0x9f: {  	[sflag:s10] =	ssyncset.done $0x0  }
0xa0: {  	[sflag:s10] =	ssyncadd.s32 $0xFFFFC000  }
0xa1: {  	s17 =	smov.u32 s23;
	_ =	swait.ge [sflag:s11], $0x80  }
0xa2: {  	p3 =	seq.s32 s17, $0x0;
	[sflag:s11] =	ssyncset.done $0x0  }
0xa3: {  	s13 =	simm.s32 @!p3 $0x6;
	[sflag:s11] =	ssyncadd.s32 $0xFFFFFF80  }
0xa4: {  	[spmem:s2] =	stream.indirect.scatter.add.f32 [tilespmem:s5], [sflag:$0x6], $0x80, s28, s21, $0xb8;
	[tilespmem:$0x1FC80] =	vst v63  }
0xa5: {  	_ =	swait.ge @!p3 [sflag:s13], $0x4000  }
0xa6: {  	s14 =	rddreg [dreg:$0x8];
	[sflag:s13] =	ssyncset.done @!p3 $0x0  }
0xa7: {  	s18 =	rddreg [dreg:$0x9];
	[sflag:s13] =	ssyncadd.s32 @!p3 $0xFFFFC000;
	s25 =	sadd.s32 s17, s14  }
0xa8: {  	[tilespmem:s26], [sflag:$0x9] =	stream.linear.gather [hbm4b:s25+s3], $0x80, $0x38;
	[tilespmem:$0x1FC80] =	vst v63  }
0xa9: {  	s14 =	sadd.s32 s17, s18  }
0xaa: {  	[tilespmem:s28], [sflag:$0xC] =	stream.linear.gather [hbm4b:s14+s3], $0x80, $0x38;
	[tilespmem:$0x1FC80] =	vst v63  }
0xab: {  	_ =	swait.ge [sflag:s29], $0x80  }
0xac: {  	[sflag:s29] =	ssyncset.done $0x0  }
0xad: {  	[sflag:s29] =	ssyncadd.s32 $0xFFFFFF80  }
0xae: {  	[tilespmem:s30], [sflag:$0x2] =	stream.indirect.gather [hbm4b:s1+s21], $0x80, s21, s21, $0xb8;
	[tilespmem:$0x1FC80] =	vst v63  }
0xaf: {  	_ =	swait.ge [sflag:s31], $0x4000  }
0xb0: {  	[sflag:s31] =	ssyncset.done $0x0  }
0xb1: {  	[sflag:s31] =	ssyncadd.s32 $0xFFFFC000  }
0xb2: {  	_ =	swait.ge [sflag:s0], $0x80  }
0xb3: {  	[sflag:s0] =	ssyncset.done $0x0  }
0xb4: {  	[sflag:s0] =	ssyncadd.s32 $0xFFFFFF80  }
0xb5: {  	[spmem:s2] =	stream.indirect.scatter.add.f32 [tilespmem:s24], [sflag:$0x4], $0x80, s20, s21, $0xb8;
	[tilespmem:$0x1FC80] =	vst v63  }
0xb6: {  	p2 =	seq.s32 s17, $0x4B0;
	_ =	swait.ge [sflag:s4], $0x4000  }
0xb7: {  	s18 =	simm.s32 @!p2 $0x0;
	s13 =	rddreg [dreg:$0x6];
	[sflag:s4] =	ssyncset.done $0x0  }
0xb8: {  	s14 =	rddreg [dreg:$0x7];
	[sflag:s4] =	ssyncadd.s32 $0xFFFFC000;
	s13 =	sadd.s32 @!p2 s17, s13  }
0xb9: {  	[tilespmem:s18], [sflag:$0x7] =	stream.linear.gather @!p2 [hbm4b:s13+s18], $0x80, $0x38;
	[tilespmem:$0x1FC80] =	vst v63  }
0xba: {  	s13 =	sadd.s32 @!p2 s17, s14;
	s14 =	simm.s32 @!p2 $0x200  }
0xbb: {  	[tilespmem:s14], [sflag:$0xA] =	stream.linear.gather @!p2 [hbm4b:s13+s18], $0x80, $0x38;
	[tilespmem:$0x1FC80] =	vst v63  }
0xbc: {  	_ =	swait.ge [sflag:s6], $0x80  }
0xbd: {  	[sflag:s6] =	ssyncset.done $0x0  }
0xbe: {  	[sflag:s6] =	ssyncadd.s32 $0xFFFFFF80  }
0xbf: {  	[tilespmem:s5], [sflag:$0x3] =	stream.indirect.gather [hbm4b:s1+s21], $0x80, s26, s21, $0xb8;
	[tilespmem:$0x1FC80] =	vst v63  }
0xc0: {  	_ =	swait.ge [sflag:s7], $0x4000  }
0xc1: {  	[sflag:s7] =	ssyncset.done $0x0  }
0xc2: {  	[sflag:s7] =	ssyncadd.s32 $0xFFFFC000  }
0xc3: {  	_ =	swait.ge [sflag:s8], $0x80  }
0xc4: {  	[sflag:s8] =	ssyncset.done $0x0  }
0xc5: {  	[sflag:s8] =	ssyncadd.s32 $0xFFFFFF80  }
0xc6: {  	[spmem:s2] =	stream.indirect.scatter.add.f32 [tilespmem:s30], [sflag:$0x5], $0x80, s22, s21, $0xb8;
	[tilespmem:$0x1FC80] =	vst v63  }
0xc7: {  	_ =	swait.ge [sflag:s9], $0x4000  }
0xc8: {  	s19 =	simm.s32 @!p2 $0x80;
	s13 =	rddreg [dreg:$0x4];
	[sflag:s9] =	ssyncset.done $0x0  }
0xc9: {  	s14 =	rddreg [dreg:$0x5];
	[sflag:s9] =	ssyncadd.s32 $0xFFFFC000;
	s13 =	sadd.s32 @!p2 s17, s13  }
0xca: {  	[tilespmem:s19], [sflag:$0x8] =	stream.linear.gather @!p2 [hbm4b:s13+s18], $0x80, $0x38;
	[tilespmem:$0x1FC80] =	vst v63  }
0xcb: {  	s13 =	sadd.s32 @!p2 s17, s14;
	s14 =	simm.s32 @!p2 $0x280;
	s17 =	simm.s32 @!p2 $0x7  }
0xcc: {  	[tilespmem:s14], [sflag:$0xB] =	stream.linear.gather @!p2 [hbm4b:s13+s18], $0x80, $0x38;
	[tilespmem:$0x1FC80] =	vst v63  }
0xcd: {  	_ =	swait.ge @!p2 [sflag:s17], $0x80  }
0xce: {  	[sflag:s17] =	ssyncset.done @!p2 $0x0  }
0xcf: {  	s13 =	simm.s32 @!p2 $0x400;
	[sflag:s17] =	ssyncadd.s32 @!p2 $0xFFFFFF80  }
0xd0: {  	[tilespmem:s13], [sflag:$0x1] =	stream.indirect.gather @!p2 [hbm4b:s1+s19], $0x80, s18, s19, $0xb8;
	[tilespmem:$0x1FC80] =	vst v63  }
0xd1: {  	_ =	swait.ge [sflag:s10], $0x4000  }
0xd2: {  	[sflag:s10] =	ssyncset.done $0x0  }
0xd3: {  	[sflag:s10] =	ssyncadd.s32 $0xFFFFC000  }
0xd4: {  	_ =	swait.ge [sflag:s11], $0x80  }
0xd5: {  	[sflag:s11] =	ssyncset.done $0x0  }
0xd6: {  	s17 =	simm.s32 $0x6;
	[sflag:s11] =	ssyncadd.s32 $0xFFFFFF80  }
0xd7: {  	[spmem:s2] =	stream.indirect.scatter.add.f32 [tilespmem:s5], [sflag:$0x6], $0x80, s28, s21, $0xb8;
	[tilespmem:$0x1FC80] =	vst v63  }
0xd8: {  	_ =	swait.ge [sflag:s17], $0x4000  }
0xd9: {  	[sflag:s17] =	ssyncset.done $0x0  }
0xda: {  	s13 =	simm.s32 @!p1 $0x0;
	s14 =	rddreg [dreg:$0x15];
	[sflag:s17] =	ssyncadd.s32 $0xFFFFC000  }
0xdb: {  	[tilespmem:s13], [sflag:$0xE] =	stream.linear.gather @!p1 [hbm4b:s14+s13], $0x80, $0x38;
	[tilespmem:$0x1FC80] =	vst v63  }
0xdc: {  	s14 =	simm.s32 @!p1 $0xE  }
0xdd: {  	_ =	swait.ge @!p1 [sflag:s14], $0x80  }
0xde: {  	[sflag:s14] =	ssyncset.done @!p1 $0x0  }
0xdf: {  	s17 =	simm.s32 @!p1 $0x200;
	s18 =	rddreg [dreg:$0x16];
	[sflag:s14] =	ssyncadd.s32 @!p1 $0xFFFFFF80  }
0xe0: {  	[tilespmem:s17], [sflag:$0xE] =	stream.linear.gather @!p1 [hbm4b:s18+s13], $0x80, $0x38;
	[tilespmem:$0x1FC80] =	vst v63  }
0xe1: {  	_ =	swait.ge @!p1 [sflag:s14], $0x80  }
0xe2: {  	[sflag:s14] =	ssyncset.done @!p1 $0x0  }
0xe3: {  	s19 =	simm.s32 @!p1 $0x400;
	s18 =	simm.s32 @!p1 $0x80;
	[sflag:s14] =	ssyncadd.s32 @!p1 $0xFFFFFF80  }
0xe4: {  	[tilespmem:s19], [sflag:$0x1] =	stream.indirect.gather @!p1 [hbm4b:s1+s18], $0x80, s13, s18, $0xb8;
	[tilespmem:$0x1FC80] =	vst v63  }
0xe5: {  	s13 =	simm.s32 @!p1 $0x1  }
0xe6: {  	_ =	swait.ge @!p1 [sflag:s13], $0x4000  }
0xe7: {  	[sflag:s13] =	ssyncset.done @!p1 $0x0  }
0xe8: {  	[sflag:s13] =	ssyncadd.s32 @!p1 $0xFFFFC000  }
0xe9: {  	[spmem:s2] =	stream.indirect.scatter.add.f32 @!p1 [tilespmem:s19], [sflag:$0xE], $0x80, s17, s18, $0xb8;
	[tilespmem:$0x1FC80] =	vst v63  }
0xea: {  	_ =	swait.ge @!p1 [sflag:s14], $0x4000  }
0xeb: {  	[sflag:s14] =	ssyncset.done @!p1 $0x0  }
0xec: {  	[sflag:s14] =	ssyncadd.s32 @!p1 $0xFFFFC000  }
0xed: {  	[bflag:$0x0] =	sbarrier.arrive $0xFFFF  }
0xee: {  	s18 =	rddreg [dreg:$0xa]  }
0xef: {  	s17 =	rddreg [dreg:$0x17]  }
0xf0: {  	s19 =	rddreg [dreg:$0x11]  }
0xf1: {  	s23 =	simm.s32 $0xE;
	s13 =	sadd.s32 s18, s17;
	s14 =	sor.u32 $0x1C0E, s19  }
0xf2: {  	[hbm:s13], [sflag:s14] =	dma.local [spmem:s12], $0x2700  }
0xf3: {  	_ =	swait.ge [sflag:s23], $0x2700  }
0xf4: {  	[sflag:s23] =	ssyncset.done $0x0  }
0xf5: {  	s12 =	sadd.s32 @!p0 $0x27000, s17;
	[sflag:s23] =	ssyncadd.s32 $0xFFFFD900  }
0xf6: {  	[hbm:s12], [sflag:s14] =	dma.local @!p0 [spmem:s16], $0x100  }
0xf7: {  	s12 =	simm.s32 @!p0 $0xE  }
0xf8: {  	_ =	swait.ge @!p0 [sflag:s12], $0x100  }
0xf9: {  	s15 =	sadd.s32 $0x1, s15;
	s25 =	rddreg [dreg:$0x18]  }
0xfa: {  	p2 =	sne.s32 s15, s25  }
.Ltmp1:
0xfb: {  	_ = 	snop;
	(pc) =	sbr.rel @p2 .LBB2_1-.Ltmp1, $3  }
0xfc: {  	_ =	sdelay $0x1  }
0xfd: {  	[sflag:s12] =	ssyncset.done @!p0 $0x0  }
0xfe: {  	[sflag:s12] =	ssyncadd.s32 @!p0 $0xFFFFFF00  }
0xff: {  	_ =	sfence.sel $0x180000  }
0x100: {  	[bflag:$0x0] =	sbarrier.arrive $0xFFFF  }
0x101: {  	_ =	strace $0x90000047  }
0x102: {  	s0 =	stileid.u32;
	[bflag:$0x2] =	sbarrier.arrive $0xFFFF  }
0x103: {  	p0 =	sne.s32 s0, $0x0;
	s0 =	rddreg [dreg:$0x3]  }
0x104: {  	s0 =	sadd.s32 @!p0 $0x100000, s0  }
0x105: {  	[sflag:s0] =	ssyncadd.tile.s32 @!p0 $0x1;
	_ =	shalt  }
.Lfunc_end2:
_tile_overlayer_lowered:
.L_overlay_start_2:
0x106: {  	(tag) =	ssettag $0x2  }
0x107: {  	s0 =	rddreg [dreg:$0x0];
	s2 =	stileid.u32  }
0x108: {  	s1 =	rddreg [dreg:$0x1];
	p0 =	sne.s32 s2, $0x0  }
0x109: {  	s3 =	rddreg [dreg:$0x2];
	[bflag:$0x3] =	sbarrier.arrive $0xFFFF;
	s2 =	simm.s32 @!p0 $0x1C0E  }
0x10a: {  	[timem:s3], [sflag:s2] =	dma.local @!p0 [hbm:s0], s1  }
0x10b: {  	s0 =	simm.s32 @!p0 $0xE  }
0x10c: {  	_ =	swait.ge @!p0 [sflag:s0], s1  }
0x10d: {  	s1 =	ssub.s32 @!p0 $0x0, s1;
	[sflag:s0] =	ssyncset.done @!p0 $0x0  }
0x10e: {  	[sflag:s0] =	ssyncadd.s32 @!p0 s1  }
0x10f: {  	[bflag:$0x3] =	sbarrier.arrive $0xFFFF  }
0x110: {  	_ =	shalt  }

</sc_bundles>
